<compile_context>
chip_gen: v7x
topology: tpu7x:2x2x1
jax: 0.10.2.dev20260603
libtpu: 0.0.44.dev20260713+nightly
codegen_flags: <defaults>
</compile_context>

<pallas_src>
import functools

import jax
import jax.numpy as jnp
from jax import lax
from jax.experimental import pallas as pl
from jax.experimental.pallas import tpu as pltpu
from jax.experimental.pallas import tpu_sc as plsc

N_TABLE = 100000
NB = 10000
S = 32
D = 128

NW = 32
PW = 320
CH = 128
NSTRM = PW * S + 512
TRASH = 320
AGG_ROWS = 336
OUT_CH = 64
NBUF = 4
PSH = 17
PMASK = (1 << PSH) - 1


def _sc_gather_agg(feats, samp_flat, nodes_pad, lens_exp, zrows):
    mesh = plsc.VectorSubcoreMesh(core_axis_name="c", subcore_axis_name="s")

    @functools.partial(
        pl.kernel,
        out_type=(
            jax.ShapeDtypeStruct((NB, D), jnp.float32),
            jax.ShapeDtypeStruct((NB, D), jnp.float32),
        ),
        mesh=mesh,
        scratch_types=[
            pltpu.VMEM((NSTRM,), jnp.int32),
            pltpu.VMEM((PW * S,), jnp.int32),
            pltpu.VMEM((NBUF, CH), jnp.int32),
            pltpu.VMEM((NBUF, CH), jnp.int32),
            pltpu.VMEM((PW,), jnp.int32),
            pltpu.VMEM((NBUF, CH, D), jnp.float32),
            pltpu.VMEM_SHARED((16 * AGG_ROWS, D), jnp.float32),
            [pltpu.SemaphoreType.DMA] * NBUF,
            [pltpu.SemaphoreType.DMA] * NBUF,
            pltpu.SemaphoreType.DMA,
        ],
        compiler_params=pltpu.CompilerParams(needs_layout_passes=False),
    )
    def k(feats_h, samp_h, nodes_h, lensx_h, z_h, agg_out, self_out,
          strm_v, lensb_v, gidx_v, sseg_v, nodes_v, bufs, agg_sh,
          gsem, ssem, osem):
        cid = lax.axis_index("c")
        sid = lax.axis_index("s")
        wid = sid * 2 + cid
        bn = jnp.minimum(wid * PW, NB - PW)
        base = sid * AGG_ROWS

        zcp = pltpu.async_copy(z_h, agg_sh.at[pl.ds(base, AGG_ROWS)], osem)

        cp1 = pltpu.async_copy(samp_h.at[pl.ds(bn * S, PW * S)],
                               strm_v.at[pl.ds(0, PW * S)], gsem[0])
        cp2 = pltpu.async_copy(lensx_h.at[pl.ds(bn * S, PW * S)],
                               lensb_v, gsem[1])
        cp3 = pltpu.async_copy(nodes_h.at[pl.ds(bn, PW)], nodes_v,
                               gsem[2])
        cp1.wait()
        cp2.wait()
        cp3.wait()

        def prep(c, b):
            for kk in range(CH // 16):
                w = strm_v[pl.ds(c * CH + kk * 16, 16)]
                gidx_v[b, pl.ds(kk * 16, 16)] = jnp.bitwise_and(w, PMASK)
                sseg_v[b, pl.ds(kk * 16, 16)] = (
                    lax.shift_right_logical(w, PSH) + base)

        def start_g(b):
            pltpu.async_copy(feats_h.at[gidx_v.at[b]], bufs.at[b], gsem[b])

        def wait_g(b):
            pltpu.make_async_copy(feats_h.at[gidx_v.at[b]], bufs.at[b],
                                  gsem[b]).wait()

        def wait_s(b):
            pltpu.make_async_copy(z_h.at[pl.ds(0, CH)], bufs.at[b],
                                  ssem[b]).wait()

        def cbody(v, off):
            p0 = v * 16
            samp16 = strm_v[pl.ds(p0, 16)]
            lens16 = lensb_v[pl.ds(p0, 16)]
            p = p0 + lax.iota(jnp.int32, 16)
            i = lax.shift_right_logical(p, 5)
            j = jnp.bitwise_and(p, S - 1)
            m = j < lens16
            packed = jnp.bitwise_or(samp16, jnp.left_shift(i, PSH))
            plsc.store_compressed(strm_v.at[pl.ds(off, 16)], packed, mask=m)
            cnt = jnp.max(plsc.all_reduce_population_count(m))
            return off + cnt

        off1 = pl.loop(0, 64, init_carry=jnp.int32(0))(cbody)

        early = off1 >= 2 * CH

        @pl.when(early)
        def _():
            prep(0, 0)
            start_g(0)
            prep(1, 1)
            start_g(1)

        off = pl.loop(64, PW * S // 16, init_carry=off1)(cbody)

        padw = jnp.full((16,), TRASH << PSH, jnp.int32)
        for kk in range(512 // 16):
            strm_v[pl.ds(off + kk * 16, 16)] = padw
        nch = lax.shift_left(lax.shift_right_logical(off + 511, 9), 2)

        zcp.wait()

        @pl.when(jnp.logical_and(jnp.logical_not(early), nch > 0))
        def _():
            prep(0, 0)
            start_g(0)
            prep(1, 1)
            start_g(1)

        @pl.loop(0, lax.shift_right_logical(nch, 2))
        def _main(t):
            for b in range(NBUF):
                c = t * NBUF + b
                wait_g(b)
                pltpu.async_copy(bufs.at[b], agg_sh.at[sseg_v.at[b]],
                                 ssem[b], add=True)
                b2 = (b + 2) % NBUF

                @pl.when(c >= 2)
                def _():
                    wait_s(b2)

                @pl.when(c + 2 < nch)
                def _():
                    prep(c + 2, b2)
                    start_g(b2)

        @pl.when(nch > 0)
        def _():
            wait_s(2)
            wait_s(3)

        def self_g(t, b, n):
            pltpu.async_copy(feats_h.at[nodes_v.at[pl.ds(t * CH, n)]],
                             bufs.at[b].at[pl.ds(0, n)], gsem[b])
            pltpu.make_async_copy(feats_h.at[nodes_v.at[pl.ds(t * CH, n)]],
                                  bufs.at[b].at[pl.ds(0, n)], gsem[b]).wait()
            pltpu.async_copy(bufs.at[b].at[pl.ds(0, n)],
                             self_out.at[pl.ds(bn + t * CH, n)], osem)

        self_g(0, 0, CH)
        self_g(1, 1, CH)
        self_g(2, 2, PW - 2 * CH)

        for t in range(PW // OUT_CH):
            pltpu.async_copy(
                agg_sh.at[pl.ds(base + t * OUT_CH, OUT_CH)],
                agg_out.at[pl.ds(bn + t * OUT_CH, OUT_CH)], osem)
        for t in range(2):
            pltpu.make_async_copy(
                z_h.at[pl.ds(0, CH)],
                agg_out.at[pl.ds(bn, CH)], osem).wait()
        pltpu.make_async_copy(
            z_h.at[pl.ds(0, PW - 2 * CH)],
            agg_out.at[pl.ds(bn, PW - 2 * CH)], osem).wait()
        for t in range(PW // OUT_CH):
            pltpu.make_async_copy(
                z_h.at[pl.ds(0, OUT_CH)],
                agg_out.at[pl.ds(bn, OUT_CH)], osem).wait()

    return k(feats, samp_flat, nodes_pad, lens_exp, zrows)


def _tc_dense(self_e, agg_sum, lensf, w1a, w1b):
    BLK = 400

    def body(self_ref, agg_ref, lens_ref, wa_ref, wb_ref, out_ref):
        recip = 1.0 / jnp.maximum(lens_ref[...], 1.0)
        h_self = lax.dot_general(self_ref[...], wa_ref[...],
                                 (((1,), (1,)), ((), ())),
                                 preferred_element_type=jnp.float32)
        h_agg = lax.dot_general(agg_ref[...], wb_ref[...],
                                (((1,), (1,)), ((), ())),
                                preferred_element_type=jnp.float32)
        out_ref[...] = jnp.maximum(h_self + recip * h_agg, 0.0)

    return pl.pallas_call(
        body,
        grid=(NB // BLK,),
        in_specs=[
            pl.BlockSpec((BLK, D), lambda i: (i, 0)),
            pl.BlockSpec((BLK, D), lambda i: (i, 0)),
            pl.BlockSpec((BLK, 1), lambda i: (i, 0)),
            pl.BlockSpec((D, D), lambda i: (0, 0)),
            pl.BlockSpec((D, D), lambda i: (0, 0)),
        ],
        out_specs=pl.BlockSpec((BLK, D), lambda i: (i, 0)),
        out_shape=jax.ShapeDtypeStruct((NB, D), jnp.float32),
    )(self_e, agg_sum, lensf, w1a, w1b)


def kernel(nodes, samp_neighs, val_lens, feats_data, W0, W1):
    del W0
    nodes_i = nodes.astype(jnp.int32)
    samp_i = samp_neighs.astype(jnp.int32).reshape(-1)
    lens_i = val_lens.astype(jnp.int32)
    zrows = jnp.zeros((AGG_ROWS, D), jnp.float32)
    lens_exp = jnp.repeat(lens_i, S)
    agg_sum, self_e = _sc_gather_agg(feats_data, samp_i, nodes_i,
                                     lens_exp, zrows)
    lensf = lens_i.astype(jnp.float32).reshape(NB, 1)
    return _tc_dense(self_e, agg_sum, lensf, W1[:, :D], W1[:, D:])

# --- scband reference (transcript-rebuilt; emitter-appended) ---
"""Pipeline reference for scband-graph-sage-23321672417518 (READ-ONLY COPY).

The authoritative reference and input builder live on the scoring server;
editing this copy changes nothing except your own understanding.
"""

import jax, jax.numpy as jnp
import numpy as np

N_TABLE = 100000
N_BATCH = 10000
N_SAMP = 32
D = 128


def _xavier_uniform(key, shape):
    fan_out, fan_in = shape
    a = float(np.sqrt(6.0 / (fan_in + fan_out)))
    return jax.random.uniform(key, shape, minval=-a, maxval=a, dtype=jnp.float32)


def setup_inputs(seed: int = 0) -> dict:
    key = jax.random.key(seed)
    k1, k2, k3, k4, k5, k6 = jax.random.split(key, 6)
    feats_data = jax.random.normal(k1, (N_TABLE, D), dtype=jnp.float32)
    nodes = jax.random.randint(k2, (N_BATCH,), 0, N_TABLE, dtype=jnp.int64 if jax.config.jax_enable_x64 else jnp.int32)
    samp_neighs = jax.random.randint(k3, (N_BATCH, N_SAMP), 0, N_TABLE, dtype=jnp.int64 if jax.config.jax_enable_x64 else jnp.int32)
    val_lens = jax.random.randint(k4, (N_BATCH,), 0, N_SAMP, dtype=jnp.int64 if jax.config.jax_enable_x64 else jnp.int32)
    # SageLayer weights: weight has shape [out_size, 2*input_size] since gcn=False
    W0 = _xavier_uniform(k5, (D, 2 * D))
    W1 = _xavier_uniform(k6, (D, 2 * D))
    return {"nodes": nodes, "samp_neighs": samp_neighs, "val_lens": val_lens,
            "feats_data": feats_data, "W0": W0, "W1": W1}


def _aggregate_mean(neigh_feats, val_lens):
    # neigh_feats: [N, S, d]; masked mean over first val_lens[i] sampled neighbors
    S = neigh_feats.shape[1]
    mask = (jnp.arange(S)[None, :] < val_lens[:, None]).astype(neigh_feats.dtype)
    summed = jnp.sum(neigh_feats * mask[:, :, None], axis=1)
    denom = jnp.maximum(val_lens, 1).astype(neigh_feats.dtype)[:, None]
    return summed / denom


def reference(nodes, samp_neighs, val_lens, feats_data, W0, W1):
    # embedding lookups (torch.embedding -> jnp.take along axis 0)
    self_e = jnp.take(feats_data, nodes, axis=0)           # [N, D]
    neigh_e = jnp.take(feats_data, samp_neighs, axis=0)    # [N, S, D]
    # initial aggregation (gcn=False, agg_func='MEAN' -> self feats unused by aggregator)
    aggregate_feats = _aggregate_mean(neigh_e, val_lens)
    feat_data = self_e
    for W in (W0, W1):
        # SageLayer: combined = cat([self_feats, aggregate_feats], dim=1); relu(W @ combined.T).T
        combined = jnp.concatenate([self_e, aggregate_feats], axis=1)
        feat_data = jax.nn.relu(combined @ W.T)
        # re-aggregate (MEAN over original neighbor features, as in source code)
        aggregate_feats = _aggregate_mean(neigh_e, val_lens)
    return feat_data

if __name__ == "__main__":
    import jax
    _d = setup_inputs()
    print(jax.jit(kernel)(*tuple(_d.values())))

</pallas_src>

<mosaic_0001>
#map = affine_map<(d0, d1) -> (0, 0)>
#map1 = affine_map<(d0, d1) -> (0)>
module attributes {stable_mosaic.version = 14 : i64} {
  func.func @k(%arg0: i32, %arg1: i32, %arg2: memref<100000x128xf32, #tpu.memory_space<hbm>>, %arg3: memref<320000xi32, #tpu.memory_space<hbm>>, %arg4: memref<10000xi32, #tpu.memory_space<hbm>>, %arg5: memref<320000xi32, #tpu.memory_space<hbm>>, %arg6: memref<336x128xf32, #tpu.memory_space<hbm>>, %arg7: memref<10000x128xf32, #tpu.memory_space<hbm>>, %arg8: memref<10000x128xf32, #tpu.memory_space<hbm>>, %arg9: memref<10752xi32, #tpu.memory_space<vmem>>, %arg10: memref<10240xi32, #tpu.memory_space<vmem>>, %arg11: memref<4x128xi32, #tpu.memory_space<vmem>>, %arg12: memref<4x128xi32, #tpu.memory_space<vmem>>, %arg13: memref<320xi32, #tpu.memory_space<vmem>>, %arg14: memref<4x128x128xf32, #tpu.memory_space<vmem>>, %arg15: memref<5376x128xf32, #tpu.memory_space<vmem_shared>>, %arg16: memref<!tpu.dma_semaphore, #tpu.memory_space<semaphore_mem>>, %arg17: memref<!tpu.dma_semaphore, #tpu.memory_space<semaphore_mem>>, %arg18: memref<!tpu.dma_semaphore, #tpu.memory_space<semaphore_mem>>, %arg19: memref<!tpu.dma_semaphore, #tpu.memory_space<semaphore_mem>>, %arg20: memref<!tpu.dma_semaphore, #tpu.memory_space<semaphore_mem>>, %arg21: memref<!tpu.dma_semaphore, #tpu.memory_space<semaphore_mem>>, %arg22: memref<!tpu.dma_semaphore, #tpu.memory_space<semaphore_mem>>, %arg23: memref<!tpu.dma_semaphore, #tpu.memory_space<semaphore_mem>>, %arg24: memref<!tpu.dma_semaphore, #tpu.memory_space<semaphore_mem>>) attributes {dimension_semantics = [#tpu.dimension_semantics<core_parallel>, #tpu.dimension_semantics<subcore_parallel>], iteration_bounds = array<i64: 2, 16>, scalar_prefetch = 0 : i64, scratch_operands = 16 : i64, tpu.core_type = #tpu.core_type<sc_vector_subcore>, window_params = [{transform_indices = #map}, {transform_indices = #map1}, {transform_indices = #map1}, {transform_indices = #map1}, {transform_indices = #map}, {transform_indices = #map}, {transform_indices = #map}]} {
    %mul3A = arith.constant 2 : i32
    %mul3A_0 = arith.muli %arg1, %mul3A : i32
    %add3A = arith.addi %mul3A_0, %arg0 : i32
    %mul3A_1 = arith.constant 320 : i32
    %mul3A_2 = arith.muli %add3A, %mul3A_1 : i32
    %min3A = arith.constant 9680 : i32
    %min3A_3 = arith.minsi %mul3A_2, %min3A : i32
    %mul3A_4 = arith.constant 336 : i32
    %mul3A_5 = arith.muli %arg1, %mul3A_4 : i32
    %dma_start3A = arith.constant 0 : i32
    %dma_start3A_6 = tpu.memref_slice %arg15[%mul3A_5, %dma_start3A] : memref<5376x128xf32, #tpu.memory_space<vmem_shared>> -> memref<336x128xf32, #tpu.memory_space<vmem_shared>>
    tpu.enqueue_dma source(%arg6 : memref<336x128xf32, #tpu.memory_space<hbm>>) target(%dma_start3A_6 : memref<336x128xf32, #tpu.memory_space<vmem_shared>>) target_semaphore(%arg24 : memref<!tpu.dma_semaphore, #tpu.memory_space<semaphore_mem>>)
    %mul3A_7 = arith.constant 32 : i32
    %mul3A_8 = arith.muli %min3A_3, %mul3A_7 : i32
    %dma_start3A_9 = arith.constant 0 : i32
    %dma_start3A_10 = tpu.memref_slice %arg9[%dma_start3A_9] : memref<10752xi32, #tpu.memory_space<vmem>> -> memref<10240xi32, #tpu.memory_space<vmem>>
    %dma_start3A_11 = tpu.memref_slice %arg3[%mul3A_8] : memref<320000xi32, #tpu.memory_space<hbm>> -> memref<10240xi32, #tpu.memory_space<hbm>>
    %dma_start3A_12 = arith.constant 0 : i32
    %dma_start3A_13 = tpu.memref_slice %arg9[%dma_start3A_12] : memref<10752xi32, #tpu.memory_space<vmem>> -> memref<10240xi32, #tpu.memory_space<vmem>>
    %dma_start3A_14 = tpu.memref_slice %arg3[%mul3A_8] : memref<320000xi32, #tpu.memory_space<hbm>> -> memref<10240xi32, #tpu.memory_space<hbm>>
    tpu.enqueue_dma source(%dma_start3A_14 : memref<10240xi32, #tpu.memory_space<hbm>>) target(%dma_start3A_13 : memref<10240xi32, #tpu.memory_space<vmem>>) target_semaphore(%arg16 : memref<!tpu.dma_semaphore, #tpu.memory_space<semaphore_mem>>)
    %mul3A_15 = arith.constant 32 : i32
    %mul3A_16 = arith.muli %min3A_3, %mul3A_15 : i32
    %dma_start3A_17 = tpu.memref_slice %arg5[%mul3A_16] : memref<320000xi32, #tpu.memory_space<hbm>> -> memref<10240xi32, #tpu.memory_space<hbm>>
    %dma_start3A_18 = tpu.memref_slice %arg5[%mul3A_16] : memref<320000xi32, #tpu.memory_space<hbm>> -> memref<10240xi32, #tpu.memory_space<hbm>>
    tpu.enqueue_dma source(%dma_start3A_18 : memref<10240xi32, #tpu.memory_space<hbm>>) target(%arg10 : memref<10240xi32, #tpu.memory_space<vmem>>) target_semaphore(%arg17 : memref<!tpu.dma_semaphore, #tpu.memory_space<semaphore_mem>>)
    %dma_start3A_19 = tpu.memref_slice %arg4[%min3A_3] : memref<10000xi32, #tpu.memory_space<hbm>> -> memref<320xi32, #tpu.memory_space<hbm>>
    %dma_start3A_20 = tpu.memref_slice %arg4[%min3A_3] : memref<10000xi32, #tpu.memory_space<hbm>> -> memref<320xi32, #tpu.memory_space<hbm>>
    tpu.enqueue_dma source(%dma_start3A_20 : memref<320xi32, #tpu.memory_space<hbm>>) target(%arg13 : memref<320xi32, #tpu.memory_space<vmem>>) target_semaphore(%arg18 : memref<!tpu.dma_semaphore, #tpu.memory_space<semaphore_mem>>)
    %dma_wait3A = arith.constant 0 : i32
    %dma_wait3A_21 = tpu.memref_slice %arg9[%dma_wait3A] : memref<10752xi32, #tpu.memory_space<vmem>> -> memref<10240xi32, #tpu.memory_space<vmem>>
    %dma_wait3A_22 = tpu.memref_slice %arg3[%mul3A_8] : memref<320000xi32, #tpu.memory_space<hbm>> -> memref<10240xi32, #tpu.memory_space<hbm>>
    %dma_wait3A_23 = arith.constant 0 : i32
    %dma_wait3A_24 = tpu.memref_slice %arg9[%dma_wait3A_23] : memref<10752xi32, #tpu.memory_space<vmem>> -> memref<10240xi32, #tpu.memory_space<vmem>>
    %dma_wait3A_25 = tpu.memref_slice %arg3[%mul3A_8] : memref<320000xi32, #tpu.memory_space<hbm>> -> memref<10240xi32, #tpu.memory_space<hbm>>
    tpu.wait_dma2 semaphore(%arg16 : memref<!tpu.dma_semaphore, #tpu.memory_space<semaphore_mem>>) src(%dma_wait3A_25 : memref<10240xi32, #tpu.memory_space<hbm>>) dst(%dma_wait3A_24 : memref<10240xi32, #tpu.memory_space<vmem>>)
    %dma_wait3A_26 = tpu.memref_slice %arg5[%mul3A_16] : memref<320000xi32, #tpu.memory_space<hbm>> -> memref<10240xi32, #tpu.memory_space<hbm>>
    %dma_wait3A_27 = tpu.memref_slice %arg5[%mul3A_16] : memref<320000xi32, #tpu.memory_space<hbm>> -> memref<10240xi32, #tpu.memory_space<hbm>>
    tpu.wait_dma2 semaphore(%arg17 : memref<!tpu.dma_semaphore, #tpu.memory_space<semaphore_mem>>) src(%dma_wait3A_27 : memref<10240xi32, #tpu.memory_space<hbm>>) dst(%arg10 : memref<10240xi32, #tpu.memory_space<vmem>>)
    %dma_wait3A_28 = tpu.memref_slice %arg4[%min3A_3] : memref<10000xi32, #tpu.memory_space<hbm>> -> memref<320xi32, #tpu.memory_space<hbm>>
    %dma_wait3A_29 = tpu.memref_slice %arg4[%min3A_3] : memref<10000xi32, #tpu.memory_space<hbm>> -> memref<320xi32, #tpu.memory_space<hbm>>
    tpu.wait_dma2 semaphore(%arg18 : memref<!tpu.dma_semaphore, #tpu.memory_space<semaphore_mem>>) src(%dma_wait3A_29 : memref<320xi32, #tpu.memory_space<hbm>>) dst(%arg13 : memref<320xi32, #tpu.memory_space<vmem>>)
    %scan3A = arith.constant 0 : i32
    %scan3A_30 = arith.constant 0 : i32
    %scan3A_31 = arith.constant 64 : i32
    %scan3A_32 = arith.addi %scan3A_30, %scan3A_31 : i32
    %scan3A_33 = arith.constant 1 : i32
    %scan3A_34 = scf.for %scan3A_427 = %scan3A_30 to %scan3A_32 step %scan3A_33 iter_args(%scan3A_428 = %scan3A) -> (i32)  : i32 {
      %mul3A_429 = arith.constant 1 : i32
      %mul3A_430 = arith.muli %scan3A_427, %mul3A_429 : i32
      %add3A_431 = arith.constant 0 : i32
      %add3A_432 = arith.addi %add3A_431, %mul3A_430 : i32
      %mul3A_433 = arith.constant 16 : i32
      %mul3A_434 = arith.muli %add3A_432, %mul3A_433 : i32
      %get3A = arith.index_cast %mul3A_434 : i32 to index
      %get3A_435 = tpu.vector_load %arg9[%get3A] {strides = array<i32>} : memref<10752xi32, #tpu.memory_space<vmem>>, vector<16xi32>,
      %get3A_436 = arith.index_cast %mul3A_434 : i32 to index
      %get3A_437 = tpu.vector_load %arg10[%get3A_436] {strides = array<i32>} : memref<10240xi32, #tpu.memory_space<vmem>>, vector<16xi32>,
      %iota3A = tpu.iota {dimensions = array<i32: 0>} : vector<16xi32>
      %add3A_438 = vector.broadcast %mul3A_434 : i32 to vector<16xi32>
      %add3A_439 = arith.addi %add3A_438, %iota3A : vector<16xi32>
      %shift_right_logical3A_440 = arith.constant 5 : i32
      %shift_right_logical3A_441 = vector.broadcast %shift_right_logical3A_440 : i32 to vector<16xi32>
      %shift_right_logical3A_442 = arith.shrui %add3A_439, %shift_right_logical3A_441 : vector<16xi32>
      %and3A_443 = arith.constant 31 : i32
      %and3A_444 = vector.broadcast %and3A_443 : i32 to vector<16xi32>
      %and3A_445 = arith.andi %add3A_439, %and3A_444 : vector<16xi32>
      %lt3A = arith.cmpi slt, %and3A_445, %get3A_437 : vector<16xi32>
      %shift_left3A_446 = arith.constant 17 : i32
      %shift_left3A_447 = vector.broadcast %shift_left3A_446 : i32 to vector<16xi32>
      %shift_left3A_448 = arith.shli %shift_right_logical3A_442, %shift_left3A_447 : vector<16xi32>
      %or3A = arith.ori %get3A_435, %shift_left3A_448 : vector<16xi32>
      %swap3A_449 = arith.index_cast %scan3A_428 : i32 to index
      %swap3A_450 = tpu.vector_load %arg9[%swap3A_449] masked %lt3A {strides = array<i32>} : memref<10752xi32, #tpu.memory_space<vmem>>, vector<16xi32>, vector<16xi1>
      tpu.vector_store %arg9[%swap3A_449], %or3A masked %lt3A {strides = array<i32>} : memref<10752xi32, #tpu.memory_space<vmem>>, vector<16xi32>, vector<16xi1>
      %all_reduce_population_count3A = tpu.all_reduce %lt3A {dim = 0 : i64, kind = #tpu.reduction_kind<sum>} : vector<16xi1> -> vector<16xi32>
      %reduce_max3A = arith.constant true
      %reduce_max3A_451 = vector.broadcast %reduce_max3A : i1 to vector<16xi1>
      %reduce_max3A_452 = arith.constant -2147483648 : i32
      %reduce_max3A_453 = vector.broadcast %reduce_max3A_452 : i32 to vector<16xi32>
      %reduce_max3A_454 = arith.xori %all_reduce_population_count3A, %reduce_max3A_453 : vector<16xi32>
      %reduce_max3A_455 = tpu.scan <max>, %reduce_max3A_454 masked %reduce_max3A_451 : vector<16xi32>, vector<16xi1> -> vector<16xi32>
      %reduce_max3A_456 = arith.xori %reduce_max3A_455, %reduce_max3A_453 : vector<16xi32>
      %reduce_max3A_457 = vector.extract %reduce_max3A_456[15] : i32 from vector<16xi32>
      %add3A_458 = arith.addi %scan3A_428, %reduce_max3A_457 : i32
      scf.yield %add3A_458 : i32
    }
    %scan3A_35 = arith.constant 64 : i32
    %ge3A = arith.constant 256 : i32
    %ge3A_36 = arith.cmpi sge, %scan3A_34, %ge3A : i32
    %convert_element_type3A = arith.extui %ge3A_36 : i1 to i32
    %cond3A = arith.constant 0 : i32
    %cond3A_37 = arith.cmpi ne, %convert_element_type3A, %cond3A : i32
    scf.if %cond3A_37 {
      %get3A = arith.constant 0 : index
      %get3A_427 = tpu.vector_load %arg9[%get3A] {strides = array<i32>} : memref<10752xi32, #tpu.memory_space<vmem>>, vector<16xi32>,
      %and3A_428 = arith.constant 131071 : i32
      %and3A_429 = vector.broadcast %and3A_428 : i32 to vector<16xi32>
      %and3A_430 = arith.andi %get3A_427, %and3A_429 : vector<16xi32>
      %swap3A_431 = arith.constant 0 : i32
      %swap3A_432 = arith.index_cast %swap3A_431 : i32 to index
      %swap3A_433 = arith.constant 0 : index
      %swap3A_434 = tpu.vector_load %arg11[%swap3A_432, %swap3A_433] {strides = array<i32>} : memref<4x128xi32, #tpu.memory_space<vmem>>, vector<16xi32>,
      tpu.vector_store %arg11[%swap3A_432, %swap3A_433], %and3A_430 {strides = array<i32>} : memref<4x128xi32, #tpu.memory_space<vmem>>, vector<16xi32>,
      %shift_right_logical3A_435 = arith.constant 17 : i32
      %shift_right_logical3A_436 = vector.broadcast %shift_right_logical3A_435 : i32 to vector<16xi32>
      %shift_right_logical3A_437 = arith.shrui %get3A_427, %shift_right_logical3A_436 : vector<16xi32>
      %add3A_438 = vector.broadcast %mul3A_5 : i32 to vector<16xi32>
      %add3A_439 = arith.addi %shift_right_logical3A_437, %add3A_438 : vector<16xi32>
      %swap3A_440 = arith.constant 0 : i32
      %swap3A_441 = arith.index_cast %swap3A_440 : i32 to index
      %swap3A_442 = arith.constant 0 : index
      %swap3A_443 = tpu.vector_load %arg12[%swap3A_441, %swap3A_442] {strides = array<i32>} : memref<4x128xi32, #tpu.memory_space<vmem>>, vector<16xi32>,
      tpu.vector_store %arg12[%swap3A_441, %swap3A_442], %add3A_439 {strides = array<i32>} : memref<4x128xi32, #tpu.memory_space<vmem>>, vector<16xi32>,
      %get3A_444 = arith.constant 16 : index
      %get3A_445 = tpu.vector_load %arg9[%get3A_444] {strides = array<i32>} : memref<10752xi32, #tpu.memory_space<vmem>>, vector<16xi32>,
      %and3A_446 = arith.constant 131071 : i32
      %and3A_447 = vector.broadcast %and3A_446 : i32 to vector<16xi32>
      %and3A_448 = arith.andi %get3A_445, %and3A_447 : vector<16xi32>
      %swap3A_449 = arith.constant 0 : i32
      %swap3A_450 = arith.index_cast %swap3A_449 : i32 to index
      %swap3A_451 = arith.constant 16 : index
      %swap3A_452 = tpu.vector_load %arg11[%swap3A_450, %swap3A_451] {strides = array<i32>} : memref<4x128xi32, #tpu.memory_space<vmem>>, vector<16xi32>,
      tpu.vector_store %arg11[%swap3A_450, %swap3A_451], %and3A_448 {strides = array<i32>} : memref<4x128xi32, #tpu.memory_space<vmem>>, vector<16xi32>,
      %shift_right_logical3A_453 = arith.constant 17 : i32
      %shift_right_logical3A_454 = vector.broadcast %shift_right_logical3A_453 : i32 to vector<16xi32>
      %shift_right_logical3A_455 = arith.shrui %get3A_445, %shift_right_logical3A_454 : vector<16xi32>
      %add3A_456 = vector.broadcast %mul3A_5 : i32 to vector<16xi32>
      %add3A_457 = arith.addi %shift_right_logical3A_455, %add3A_456 : vector<16xi32>
      %swap3A_458 = arith.constant 0 : i32
      %swap3A_459 = arith.index_cast %swap3A_458 : i32 to index
      %swap3A_460 = arith.constant 16 : index
      %swap3A_461 = tpu.vector_load %arg12[%swap3A_459, %swap3A_460] {strides = array<i32>} : memref<4x128xi32, #tpu.memory_space<vmem>>, vector<16xi32>,
      tpu.vector_store %arg12[%swap3A_459, %swap3A_460], %add3A_457 {strides = array<i32>} : memref<4x128xi32, #tpu.memory_space<vmem>>, vector<16xi32>,
      %get3A_462 = arith.constant 32 : index
      %get3A_463 = tpu.vector_load %arg9[%get3A_462] {strides = array<i32>} : memref<10752xi32, #tpu.memory_space<vmem>>, vector<16xi32>,
      %and3A_464 = arith.constant 131071 : i32
      %and3A_465 = vector.broadcast %and3A_464 : i32 to vector<16xi32>
      %and3A_466 = arith.andi %get3A_463, %and3A_465 : vector<16xi32>
      %swap3A_467 = arith.constant 0 : i32
      %swap3A_468 = arith.index_cast %swap3A_467 : i32 to index
      %swap3A_469 = arith.constant 32 : index
      %swap3A_470 = tpu.vector_load %arg11[%swap3A_468, %swap3A_469] {strides = array<i32>} : memref<4x128xi32, #tpu.memory_space<vmem>>, vector<16xi32>,
      tpu.vector_store %arg11[%swap3A_468, %swap3A_469], %and3A_466 {strides = array<i32>} : memref<4x128xi32, #tpu.memory_space<vmem>>, vector<16xi32>,
      %shift_right_logical3A_471 = arith.constant 17 : i32
      %shift_right_logical3A_472 = vector.broadcast %shift_right_logical3A_471 : i32 to vector<16xi32>
      %shift_right_logical3A_473 = arith.shrui %get3A_463, %shift_right_logical3A_472 : vector<16xi32>
      %add3A_474 = vector.broadcast %mul3A_5 : i32 to vector<16xi32>
      %add3A_475 = arith.addi %shift_right_logical3A_473, %add3A_474 : vector<16xi32>
      %swap3A_476 = arith.constant 0 : i32
      %swap3A_477 = arith.index_cast %swap3A_476 : i32 to index
      %swap3A_478 = arith.constant 32 : index
      %swap3A_479 = tpu.vector_load %arg12[%swap3A_477, %swap3A_478] {strides = array<i32>} : memref<4x128xi32, #tpu.memory_space<vmem>>, vector<16xi32>,
      tpu.vector_store %arg12[%swap3A_477, %swap3A_478], %add3A_475 {strides = array<i32>} : memref<4x128xi32, #tpu.memory_space<vmem>>, vector<16xi32>,
      %get3A_480 = arith.constant 48 : index
      %get3A_481 = tpu.vector_load %arg9[%get3A_480] {strides = array<i32>} : memref<10752xi32, #tpu.memory_space<vmem>>, vector<16xi32>,
      %and3A_482 = arith.constant 131071 : i32
      %and3A_483 = vector.broadcast %and3A_482 : i32 to vector<16xi32>
      %and3A_484 = arith.andi %get3A_481, %and3A_483 : vector<16xi32>
      %swap3A_485 = arith.constant 0 : i32
      %swap3A_486 = arith.index_cast %swap3A_485 : i32 to index
      %swap3A_487 = arith.constant 48 : index
      %swap3A_488 = tpu.vector_load %arg11[%swap3A_486, %swap3A_487] {strides = array<i32>} : memref<4x128xi32, #tpu.memory_space<vmem>>, vector<16xi32>,
      tpu.vector_store %arg11[%swap3A_486, %swap3A_487], %and3A_484 {strides = array<i32>} : memref<4x128xi32, #tpu.memory_space<vmem>>, vector<16xi32>,
      %shift_right_logical3A_489 = arith.constant 17 : i32
      %shift_right_logical3A_490 = vector.broadcast %shift_right_logical3A_489 : i32 to vector<16xi32>
      %shift_right_logical3A_491 = arith.shrui %get3A_481, %shift_right_logical3A_490 : vector<16xi32>
      %add3A_492 = vector.broadcast %mul3A_5 : i32 to vector<16xi32>
      %add3A_493 = arith.addi %shift_right_logical3A_491, %add3A_492 : vector<16xi32>
      %swap3A_494 = arith.constant 0 : i32
      %swap3A_495 = arith.index_cast %swap3A_494 : i32 to index
      %swap3A_496 = arith.constant 48 : index
      %swap3A_497 = tpu.vector_load %arg12[%swap3A_495, %swap3A_496] {strides = array<i32>} : memref<4x128xi32, #tpu.memory_space<vmem>>, vector<16xi32>,
      tpu.vector_store %arg12[%swap3A_495, %swap3A_496], %add3A_493 {strides = array<i32>} : memref<4x128xi32, #tpu.memory_space<vmem>>, vector<16xi32>,
      %get3A_498 = arith.constant 64 : index
      %get3A_499 = tpu.vector_load %arg9[%get3A_498] {strides = array<i32>} : memref<10752xi32, #tpu.memory_space<vmem>>, vector<16xi32>,
      %and3A_500 = arith.constant 131071 : i32
      %and3A_501 = vector.broadcast %and3A_500 : i32 to vector<16xi32>
      %and3A_502 = arith.andi %get3A_499, %and3A_501 : vector<16xi32>
      %swap3A_503 = arith.constant 0 : i32
      %swap3A_504 = arith.index_cast %swap3A_503 : i32 to index
      %swap3A_505 = arith.constant 64 : index
      %swap3A_506 = tpu.vector_load %arg11[%swap3A_504, %swap3A_505] {strides = array<i32>} : memref<4x128xi32, #tpu.memory_space<vmem>>, vector<16xi32>,
      tpu.vector_store %arg11[%swap3A_504, %swap3A_505], %and3A_502 {strides = array<i32>} : memref<4x128xi32, #tpu.memory_space<vmem>>, vector<16xi32>,
      %shift_right_logical3A_507 = arith.constant 17 : i32
      %shift_right_logical3A_508 = vector.broadcast %shift_right_logical3A_507 : i32 to vector<16xi32>
      %shift_right_logical3A_509 = arith.shrui %get3A_499, %shift_right_logical3A_508 : vector<16xi32>
      %add3A_510 = vector.broadcast %mul3A_5 : i32 to vector<16xi32>
      %add3A_511 = arith.addi %shift_right_logical3A_509, %add3A_510 : vector<16xi32>
      %swap3A_512 = arith.constant 0 : i32
      %swap3A_513 = arith.index_cast %swap3A_512 : i32 to index
      %swap3A_514 = arith.constant 64 : index
      %swap3A_515 = tpu.vector_load %arg12[%swap3A_513, %swap3A_514] {strides = array<i32>} : memref<4x128xi32, #tpu.memory_space<vmem>>, vector<16xi32>,
      tpu.vector_store %arg12[%swap3A_513, %swap3A_514], %add3A_511 {strides = array<i32>} : memref<4x128xi32, #tpu.memory_space<vmem>>, vector<16xi32>,
      %get3A_516 = arith.constant 80 : index
      %get3A_517 = tpu.vector_load %arg9[%get3A_516] {strides = array<i32>} : memref<10752xi32, #tpu.memory_space<vmem>>, vector<16xi32>,
      %and3A_518 = arith.constant 131071 : i32
      %and3A_519 = vector.broadcast %and3A_518 : i32 to vector<16xi32>
      %and3A_520 = arith.andi %get3A_517, %and3A_519 : vector<16xi32>
      %swap3A_521 = arith.constant 0 : i32
      %swap3A_522 = arith.index_cast %swap3A_521 : i32 to index
      %swap3A_523 = arith.constant 80 : index
      %swap3A_524 = tpu.vector_load %arg11[%swap3A_522, %swap3A_523] {strides = array<i32>} : memref<4x128xi32, #tpu.memory_space<vmem>>, vector<16xi32>,
      tpu.vector_store %arg11[%swap3A_522, %swap3A_523], %and3A_520 {strides = array<i32>} : memref<4x128xi32, #tpu.memory_space<vmem>>, vector<16xi32>,
      %shift_right_logical3A_525 = arith.constant 17 : i32
      %shift_right_logical3A_526 = vector.broadcast %shift_right_logical3A_525 : i32 to vector<16xi32>
      %shift_right_logical3A_527 = arith.shrui %get3A_517, %shift_right_logical3A_526 : vector<16xi32>
      %add3A_528 = vector.broadcast %mul3A_5 : i32 to vector<16xi32>
      %add3A_529 = arith.addi %shift_right_logical3A_527, %add3A_528 : vector<16xi32>
      %swap3A_530 = arith.constant 0 : i32
      %swap3A_531 = arith.index_cast %swap3A_530 : i32 to index
      %swap3A_532 = arith.constant 80 : index
      %swap3A_533 = tpu.vector_load %arg12[%swap3A_531, %swap3A_532] {strides = array<i32>} : memref<4x128xi32, #tpu.memory_space<vmem>>, vector<16xi32>,
      tpu.vector_store %arg12[%swap3A_531, %swap3A_532], %add3A_529 {strides = array<i32>} : memref<4x128xi32, #tpu.memory_space<vmem>>, vector<16xi32>,
      %get3A_534 = arith.constant 96 : index
      %get3A_535 = tpu.vector_load %arg9[%get3A_534] {strides = array<i32>} : memref<10752xi32, #tpu.memory_space<vmem>>, vector<16xi32>,
      %and3A_536 = arith.constant 131071 : i32
      %and3A_537 = vector.broadcast %and3A_536 : i32 to vector<16xi32>
      %and3A_538 = arith.andi %get3A_535, %and3A_537 : vector<16xi32>
      %swap3A_539 = arith.constant 0 : i32
      %swap3A_540 = arith.index_cast %swap3A_539 : i32 to index
      %swap3A_541 = arith.constant 96 : index
      %swap3A_542 = tpu.vector_load %arg11[%swap3A_540, %swap3A_541] {strides = array<i32>} : memref<4x128xi32, #tpu.memory_space<vmem>>, vector<16xi32>,
      tpu.vector_store %arg11[%swap3A_540, %swap3A_541], %and3A_538 {strides = array<i32>} : memref<4x128xi32, #tpu.memory_space<vmem>>, vector<16xi32>,
      %shift_right_logical3A_543 = arith.constant 17 : i32
      %shift_right_logical3A_544 = vector.broadcast %shift_right_logical3A_543 : i32 to vector<16xi32>
      %shift_right_logical3A_545 = arith.shrui %get3A_535, %shift_right_logical3A_544 : vector<16xi32>
      %add3A_546 = vector.broadcast %mul3A_5 : i32 to vector<16xi32>
      %add3A_547 = arith.addi %shift_right_logical3A_545, %add3A_546 : vector<16xi32>
      %swap3A_548 = arith.constant 0 : i32
      %swap3A_549 = arith.index_cast %swap3A_548 : i32 to index
      %swap3A_550 = arith.constant 96 : index
      %swap3A_551 = tpu.vector_load %arg12[%swap3A_549, %swap3A_550] {strides = array<i32>} : memref<4x128xi32, #tpu.memory_space<vmem>>, vector<16xi32>,
      tpu.vector_store %arg12[%swap3A_549, %swap3A_550], %add3A_547 {strides = array<i32>} : memref<4x128xi32, #tpu.memory_space<vmem>>, vector<16xi32>,
      %get3A_552 = arith.constant 112 : index
      %get3A_553 = tpu.vector_load %arg9[%get3A_552] {strides = array<i32>} : memref<10752xi32, #tpu.memory_space<vmem>>, vector<16xi32>,
      %and3A_554 = arith.constant 131071 : i32
      %and3A_555 = vector.broadcast %and3A_554 : i32 to vector<16xi32>
      %and3A_556 = arith.andi %get3A_553, %and3A_555 : vector<16xi32>
      %swap3A_557 = arith.constant 0 : i32
      %swap3A_558 = arith.index_cast %swap3A_557 : i32 to index
      %swap3A_559 = arith.constant 112 : index
      %swap3A_560 = tpu.vector_load %arg11[%swap3A_558, %swap3A_559] {strides = array<i32>} : memref<4x128xi32, #tpu.memory_space<vmem>>, vector<16xi32>,
      tpu.vector_store %arg11[%swap3A_558, %swap3A_559], %and3A_556 {strides = array<i32>} : memref<4x128xi32, #tpu.memory_space<vmem>>, vector<16xi32>,
      %shift_right_logical3A_561 = arith.constant 17 : i32
      %shift_right_logical3A_562 = vector.broadcast %shift_right_logical3A_561 : i32 to vector<16xi32>
      %shift_right_logical3A_563 = arith.shrui %get3A_553, %shift_right_logical3A_562 : vector<16xi32>
      %add3A_564 = vector.broadcast %mul3A_5 : i32 to vector<16xi32>
      %add3A_565 = arith.addi %shift_right_logical3A_563, %add3A_564 : vector<16xi32>
      %swap3A_566 = arith.constant 0 : i32
      %swap3A_567 = arith.index_cast %swap3A_566 : i32 to index
      %swap3A_568 = arith.constant 112 : index
      %swap3A_569 = tpu.vector_load %arg12[%swap3A_567, %swap3A_568] {strides = array<i32>} : memref<4x128xi32, #tpu.memory_space<vmem>>, vector<16xi32>,
      tpu.vector_store %arg12[%swap3A_567, %swap3A_568], %add3A_565 {strides = array<i32>} : memref<4x128xi32, #tpu.memory_space<vmem>>, vector<16xi32>,
      %dma_start3A_570 = arith.constant 0 : i32
      %dma_start3A_571 = arith.constant 0 : i32
      %dma_start3A_572 = arith.constant 0 : i32
      %dma_start3A_573 = arith.constant 0 : i32
      %dma_start3A_574 = tpu.memref_slice %arg14[%dma_start3A_571, %dma_start3A_572, %dma_start3A_573] : memref<4x128x128xf32, #tpu.memory_space<vmem>> -> memref<1x128x128xf32, #tpu.memory_space<vmem>>
      %dma_start3A_575 = tpu.memref_squeeze %dma_start3A_574 : memref<1x128x128xf32, #tpu.memory_space<vmem>> -> memref<128x128xf32, #tpu.memory_space<vmem>>
      %dma_start3A_576 = arith.constant 0 : i32
      %dma_start3A_577 = tpu.memref_slice %arg11[%dma_start3A_570, %dma_start3A_576] : memref<4x128xi32, #tpu.memory_space<vmem>> -> memref<1x128xi32, #tpu.memory_space<vmem>>
      %dma_start3A_578 = tpu.memref_squeeze %dma_start3A_577 : memref<1x128xi32, #tpu.memory_space<vmem>> -> memref<128xi32, #tpu.memory_space<vmem>>
      %dma_start3A_579 = arith.constant 0 : i32
      %dma_start3A_580 = arith.constant 0 : i32
      %dma_start3A_581 = tpu.memref_slice %arg2[%dma_start3A_579, %dma_start3A_580] : memref<100000x128xf32, #tpu.memory_space<hbm>> -> memref<100000x128xf32, #tpu.memory_space<hbm>>
      tpu.enqueue_indirect_dma source(%dma_start3A_581 : memref<100000x128xf32, #tpu.memory_space<hbm>>) target(%dma_start3A_575 : memref<128x128xf32, #tpu.memory_space<vmem>>) offsets(%dma_start3A_578 : memref<128xi32, #tpu.memory_space<vmem>>) semaphore(%arg16 : memref<!tpu.dma_semaphore, #tpu.memory_space<semaphore_mem>>)
      %get3A_582 = arith.constant 128 : index
      %get3A_583 = tpu.vector_load %arg9[%get3A_582] {strides = array<i32>} : memref<10752xi32, #tpu.memory_space<vmem>>, vector<16xi32>,
      %and3A_584 = arith.constant 131071 : i32
      %and3A_585 = vector.broadcast %and3A_584 : i32 to vector<16xi32>
      %and3A_586 = arith.andi %get3A_583, %and3A_585 : vector<16xi32>
      %swap3A_587 = arith.constant 1 : i32
      %swap3A_588 = arith.index_cast %swap3A_587 : i32 to index
      %swap3A_589 = arith.constant 0 : index
      %swap3A_590 = tpu.vector_load %arg11[%swap3A_588, %swap3A_589] {strides = array<i32>} : memref<4x128xi32, #tpu.memory_space<vmem>>, vector<16xi32>,
      tpu.vector_store %arg11[%swap3A_588, %swap3A_589], %and3A_586 {strides = array<i32>} : memref<4x128xi32, #tpu.memory_space<vmem>>, vector<16xi32>,
      %shift_right_logical3A_591 = arith.constant 17 : i32
      %shift_right_logical3A_592 = vector.broadcast %shift_right_logical3A_591 : i32 to vector<16xi32>
      %shift_right_logical3A_593 = arith.shrui %get3A_583, %shift_right_logical3A_592 : vector<16xi32>
      %add3A_594 = vector.broadcast %mul3A_5 : i32 to vector<16xi32>
      %add3A_595 = arith.addi %shift_right_logical3A_593, %add3A_594 : vector<16xi32>
      %swap3A_596 = arith.constant 1 : i32
      %swap3A_597 = arith.index_cast %swap3A_596 : i32 to index
      %swap3A_598 = arith.constant 0 : index
      %swap3A_599 = tpu.vector_load %arg12[%swap3A_597, %swap3A_598] {strides = array<i32>} : memref<4x128xi32, #tpu.memory_space<vmem>>, vector<16xi32>,
      tpu.vector_store %arg12[%swap3A_597, %swap3A_598], %add3A_595 {strides = array<i32>} : memref<4x128xi32, #tpu.memory_space<vmem>>, vector<16xi32>,
      %get3A_600 = arith.constant 144 : index
      %get3A_601 = tpu.vector_load %arg9[%get3A_600] {strides = array<i32>} : memref<10752xi32, #tpu.memory_space<vmem>>, vector<16xi32>,
      %and3A_602 = arith.constant 131071 : i32
      %and3A_603 = vector.broadcast %and3A_602 : i32 to vector<16xi32>
      %and3A_604 = arith.andi %get3A_601, %and3A_603 : vector<16xi32>
      %swap3A_605 = arith.constant 1 : i32
      %swap3A_606 = arith.index_cast %swap3A_605 : i32 to index
      %swap3A_607 = arith.constant 16 : index
      %swap3A_608 = tpu.vector_load %arg11[%swap3A_606, %swap3A_607] {strides = array<i32>} : memref<4x128xi32, #tpu.memory_space<vmem>>, vector<16xi32>,
      tpu.vector_store %arg11[%swap3A_606, %swap3A_607], %and3A_604 {strides = array<i32>} : memref<4x128xi32, #tpu.memory_space<vmem>>, vector<16xi32>,
      %shift_right_logical3A_609 = arith.constant 17 : i32
      %shift_right_logical3A_610 = vector.broadcast %shift_right_logical3A_609 : i32 to vector<16xi32>
      %shift_right_logical3A_611 = arith.shrui %get3A_601, %shift_right_logical3A_610 : vector<16xi32>
      %add3A_612 = vector.broadcast %mul3A_5 : i32 to vector<16xi32>
      %add3A_613 = arith.addi %shift_right_logical3A_611, %add3A_612 : vector<16xi32>
      %swap3A_614 = arith.constant 1 : i32
      %swap3A_615 = arith.index_cast %swap3A_614 : i32 to index
      %swap3A_616 = arith.constant 16 : index
      %swap3A_617 = tpu.vector_load %arg12[%swap3A_615, %swap3A_616] {strides = array<i32>} : memref<4x128xi32, #tpu.memory_space<vmem>>, vector<16xi32>,
      tpu.vector_store %arg12[%swap3A_615, %swap3A_616], %add3A_613 {strides = array<i32>} : memref<4x128xi32, #tpu.memory_space<vmem>>, vector<16xi32>,
      %get3A_618 = arith.constant 160 : index
      %get3A_619 = tpu.vector_load %arg9[%get3A_618] {strides = array<i32>} : memref<10752xi32, #tpu.memory_space<vmem>>, vector<16xi32>,
      %and3A_620 = arith.constant 131071 : i32
      %and3A_621 = vector.broadcast %and3A_620 : i32 to vector<16xi32>
      %and3A_622 = arith.andi %get3A_619, %and3A_621 : vector<16xi32>
      %swap3A_623 = arith.constant 1 : i32
      %swap3A_624 = arith.index_cast %swap3A_623 : i32 to index
      %swap3A_625 = arith.constant 32 : index
      %swap3A_626 = tpu.vector_load %arg11[%swap3A_624, %swap3A_625] {strides = array<i32>} : memref<4x128xi32, #tpu.memory_space<vmem>>, vector<16xi32>,
      tpu.vector_store %arg11[%swap3A_624, %swap3A_625], %and3A_622 {strides = array<i32>} : memref<4x128xi32, #tpu.memory_space<vmem>>, vector<16xi32>,
      %shift_right_logical3A_627 = arith.constant 17 : i32
      %shift_right_logical3A_628 = vector.broadcast %shift_right_logical3A_627 : i32 to vector<16xi32>
      %shift_right_logical3A_629 = arith.shrui %get3A_619, %shift_right_logical3A_628 : vector<16xi32>
      %add3A_630 = vector.broadcast %mul3A_5 : i32 to vector<16xi32>
      %add3A_631 = arith.addi %shift_right_logical3A_629, %add3A_630 : vector<16xi32>
      %swap3A_632 = arith.constant 1 : i32
      %swap3A_633 = arith.index_cast %swap3A_632 : i32 to index
      %swap3A_634 = arith.constant 32 : index
      %swap3A_635 = tpu.vector_load %arg12[%swap3A_633, %swap3A_634] {strides = array<i32>} : memref<4x128xi32, #tpu.memory_space<vmem>>, vector<16xi32>,
      tpu.vector_store %arg12[%swap3A_633, %swap3A_634], %add3A_631 {strides = array<i32>} : memref<4x128xi32, #tpu.memory_space<vmem>>, vector<16xi32>,
      %get3A_636 = arith.constant 176 : index
      %get3A_637 = tpu.vector_load %arg9[%get3A_636] {strides = array<i32>} : memref<10752xi32, #tpu.memory_space<vmem>>, vector<16xi32>,
      %and3A_638 = arith.constant 131071 : i32
      %and3A_639 = vector.broadcast %and3A_638 : i32 to vector<16xi32>
      %and3A_640 = arith.andi %get3A_637, %and3A_639 : vector<16xi32>
      %swap3A_641 = arith.constant 1 : i32
      %swap3A_642 = arith.index_cast %swap3A_641 : i32 to index
      %swap3A_643 = arith.constant 48 : index
      %swap3A_644 = tpu.vector_load %arg11[%swap3A_642, %swap3A_643] {strides = array<i32>} : memref<4x128xi32, #tpu.memory_space<vmem>>, vector<16xi32>,
      tpu.vector_store %arg11[%swap3A_642, %swap3A_643], %and3A_640 {strides = array<i32>} : memref<4x128xi32, #tpu.memory_space<vmem>>, vector<16xi32>,
      %shift_right_logical3A_645 = arith.constant 17 : i32
      %shift_right_logical3A_646 = vector.broadcast %shift_right_logical3A_645 : i32 to vector<16xi32>
      %shift_right_logical3A_647 = arith.shrui %get3A_637, %shift_right_logical3A_646 : vector<16xi32>
      %add3A_648 = vector.broadcast %mul3A_5 : i32 to vector<16xi32>
      %add3A_649 = arith.addi %shift_right_logical3A_647, %add3A_648 : vector<16xi32>
      %swap3A_650 = arith.constant 1 : i32
      %swap3A_651 = arith.index_cast %swap3A_650 : i32 to index
      %swap3A_652 = arith.constant 48 : index
      %swap3A_653 = tpu.vector_load %arg12[%swap3A_651, %swap3A_652] {strides = array<i32>} : memref<4x128xi32, #tpu.memory_space<vmem>>, vector<16xi32>,
      tpu.vector_store %arg12[%swap3A_651, %swap3A_652], %add3A_649 {strides = array<i32>} : memref<4x128xi32, #tpu.memory_space<vmem>>, vector<16xi32>,
      %get3A_654 = arith.constant 192 : index
      %get3A_655 = tpu.vector_load %arg9[%get3A_654] {strides = array<i32>} : memref<10752xi32, #tpu.memory_space<vmem>>, vector<16xi32>,
      %and3A_656 = arith.constant 131071 : i32
      %and3A_657 = vector.broadcast %and3A_656 : i32 to vector<16xi32>
      %and3A_658 = arith.andi %get3A_655, %and3A_657 : vector<16xi32>
      %swap3A_659 = arith.constant 1 : i32
      %swap3A_660 = arith.index_cast %swap3A_659 : i32 to index
      %swap3A_661 = arith.constant 64 : index
      %swap3A_662 = tpu.vector_load %arg11[%swap3A_660, %swap3A_661] {strides = array<i32>} : memref<4x128xi32, #tpu.memory_space<vmem>>, vector<16xi32>,
      tpu.vector_store %arg11[%swap3A_660, %swap3A_661], %and3A_658 {strides = array<i32>} : memref<4x128xi32, #tpu.memory_space<vmem>>, vector<16xi32>,
      %shift_right_logical3A_663 = arith.constant 17 : i32
      %shift_right_logical3A_664 = vector.broadcast %shift_right_logical3A_663 : i32 to vector<16xi32>
      %shift_right_logical3A_665 = arith.shrui %get3A_655, %shift_right_logical3A_664 : vector<16xi32>
      %add3A_666 = vector.broadcast %mul3A_5 : i32 to vector<16xi32>
      %add3A_667 = arith.addi %shift_right_logical3A_665, %add3A_666 : vector<16xi32>
      %swap3A_668 = arith.constant 1 : i32
      %swap3A_669 = arith.index_cast %swap3A_668 : i32 to index
      %swap3A_670 = arith.constant 64 : index
      %swap3A_671 = tpu.vector_load %arg12[%swap3A_669, %swap3A_670] {strides = array<i32>} : memref<4x128xi32, #tpu.memory_space<vmem>>, vector<16xi32>,
      tpu.vector_store %arg12[%swap3A_669, %swap3A_670], %add3A_667 {strides = array<i32>} : memref<4x128xi32, #tpu.memory_space<vmem>>, vector<16xi32>,
      %get3A_672 = arith.constant 208 : index
      %get3A_673 = tpu.vector_load %arg9[%get3A_672] {strides = array<i32>} : memref<10752xi32, #tpu.memory_space<vmem>>, vector<16xi32>,
      %and3A_674 = arith.constant 131071 : i32
      %and3A_675 = vector.broadcast %and3A_674 : i32 to vector<16xi32>
      %and3A_676 = arith.andi %get3A_673, %and3A_675 : vector<16xi32>
      %swap3A_677 = arith.constant 1 : i32
      %swap3A_678 = arith.index_cast %swap3A_677 : i32 to index
      %swap3A_679 = arith.constant 80 : index
      %swap3A_680 = tpu.vector_load %arg11[%swap3A_678, %swap3A_679] {strides = array<i32>} : memref<4x128xi32, #tpu.memory_space<vmem>>, vector<16xi32>,
      tpu.vector_store %arg11[%swap3A_678, %swap3A_679], %and3A_676 {strides = array<i32>} : memref<4x128xi32, #tpu.memory_space<vmem>>, vector<16xi32>,
      %shift_right_logical3A_681 = arith.constant 17 : i32
      %shift_right_logical3A_682 = vector.broadcast %shift_right_logical3A_681 : i32 to vector<16xi32>
      %shift_right_logical3A_683 = arith.shrui %get3A_673, %shift_right_logical3A_682 : vector<16xi32>
      %add3A_684 = vector.broadcast %mul3A_5 : i32 to vector<16xi32>
      %add3A_685 = arith.addi %shift_right_logical3A_683, %add3A_684 : vector<16xi32>
      %swap3A_686 = arith.constant 1 : i32
      %swap3A_687 = arith.index_cast %swap3A_686 : i32 to index
      %swap3A_688 = arith.constant 80 : index
      %swap3A_689 = tpu.vector_load %arg12[%swap3A_687, %swap3A_688] {strides = array<i32>} : memref<4x128xi32, #tpu.memory_space<vmem>>, vector<16xi32>,
      tpu.vector_store %arg12[%swap3A_687, %swap3A_688], %add3A_685 {strides = array<i32>} : memref<4x128xi32, #tpu.memory_space<vmem>>, vector<16xi32>,
      %get3A_690 = arith.constant 224 : index
      %get3A_691 = tpu.vector_load %arg9[%get3A_690] {strides = array<i32>} : memref<10752xi32, #tpu.memory_space<vmem>>, vector<16xi32>,
      %and3A_692 = arith.constant 131071 : i32
      %and3A_693 = vector.broadcast %and3A_692 : i32 to vector<16xi32>
      %and3A_694 = arith.andi %get3A_691, %and3A_693 : vector<16xi32>
      %swap3A_695 = arith.constant 1 : i32
      %swap3A_696 = arith.index_cast %swap3A_695 : i32 to index
      %swap3A_697 = arith.constant 96 : index
      %swap3A_698 = tpu.vector_load %arg11[%swap3A_696, %swap3A_697] {strides = array<i32>} : memref<4x128xi32, #tpu.memory_space<vmem>>, vector<16xi32>,
      tpu.vector_store %arg11[%swap3A_696, %swap3A_697], %and3A_694 {strides = array<i32>} : memref<4x128xi32, #tpu.memory_space<vmem>>, vector<16xi32>,
      %shift_right_logical3A_699 = arith.constant 17 : i32
      %shift_right_logical3A_700 = vector.broadcast %shift_right_logical3A_699 : i32 to vector<16xi32>
      %shift_right_logical3A_701 = arith.shrui %get3A_691, %shift_right_logical3A_700 : vector<16xi32>
      %add3A_702 = vector.broadcast %mul3A_5 : i32 to vector<16xi32>
      %add3A_703 = arith.addi %shift_right_logical3A_701, %add3A_702 : vector<16xi32>
      %swap3A_704 = arith.constant 1 : i32
      %swap3A_705 = arith.index_cast %swap3A_704 : i32 to index
      %swap3A_706 = arith.constant 96 : index
      %swap3A_707 = tpu.vector_load %arg12[%swap3A_705, %swap3A_706] {strides = array<i32>} : memref<4x128xi32, #tpu.memory_space<vmem>>, vector<16xi32>,
      tpu.vector_store %arg12[%swap3A_705, %swap3A_706], %add3A_703 {strides = array<i32>} : memref<4x128xi32, #tpu.memory_space<vmem>>, vector<16xi32>,
      %get3A_708 = arith.constant 240 : index
      %get3A_709 = tpu.vector_load %arg9[%get3A_708] {strides = array<i32>} : memref<10752xi32, #tpu.memory_space<vmem>>, vector<16xi32>,
      %and3A_710 = arith.constant 131071 : i32
      %and3A_711 = vector.broadcast %and3A_710 : i32 to vector<16xi32>
      %and3A_712 = arith.andi %get3A_709, %and3A_711 : vector<16xi32>
      %swap3A_713 = arith.constant 1 : i32
      %swap3A_714 = arith.index_cast %swap3A_713 : i32 to index
      %swap3A_715 = arith.constant 112 : index
      %swap3A_716 = tpu.vector_load %arg11[%swap3A_714, %swap3A_715] {strides = array<i32>} : memref<4x128xi32, #tpu.memory_space<vmem>>, vector<16xi32>,
      tpu.vector_store %arg11[%swap3A_714, %swap3A_715], %and3A_712 {strides = array<i32>} : memref<4x128xi32, #tpu.memory_space<vmem>>, vector<16xi32>,
      %shift_right_logical3A_717 = arith.constant 17 : i32
      %shift_right_logical3A_718 = vector.broadcast %shift_right_logical3A_717 : i32 to vector<16xi32>
      %shift_right_logical3A_719 = arith.shrui %get3A_709, %shift_right_logical3A_718 : vector<16xi32>
      %add3A_720 = vector.broadcast %mul3A_5 : i32 to vector<16xi32>
      %add3A_721 = arith.addi %shift_right_logical3A_719, %add3A_720 : vector<16xi32>
      %swap3A_722 = arith.constant 1 : i32
      %swap3A_723 = arith.index_cast %swap3A_722 : i32 to index
      %swap3A_724 = arith.constant 112 : index
      %swap3A_725 = tpu.vector_load %arg12[%swap3A_723, %swap3A_724] {strides = array<i32>} : memref<4x128xi32, #tpu.memory_space<vmem>>, vector<16xi32>,
      tpu.vector_store %arg12[%swap3A_723, %swap3A_724], %add3A_721 {strides = array<i32>} : memref<4x128xi32, #tpu.memory_space<vmem>>, vector<16xi32>,
      %dma_start3A_726 = arith.constant 1 : i32
      %dma_start3A_727 = arith.constant 1 : i32
      %dma_start3A_728 = arith.constant 0 : i32
      %dma_start3A_729 = arith.constant 0 : i32
      %dma_start3A_730 = tpu.memref_slice %arg14[%dma_start3A_727, %dma_start3A_728, %dma_start3A_729] : memref<4x128x128xf32, #tpu.memory_space<vmem>> -> memref<1x128x128xf32, #tpu.memory_space<vmem>>
      %dma_start3A_731 = tpu.memref_squeeze %dma_start3A_730 : memref<1x128x128xf32, #tpu.memory_space<vmem>> -> memref<128x128xf32, #tpu.memory_space<vmem>>
      %dma_start3A_732 = arith.constant 0 : i32
      %dma_start3A_733 = tpu.memref_slice %arg11[%dma_start3A_726, %dma_start3A_732] : memref<4x128xi32, #tpu.memory_space<vmem>> -> memref<1x128xi32, #tpu.memory_space<vmem>>
      %dma_start3A_734 = tpu.memref_squeeze %dma_start3A_733 : memref<1x128xi32, #tpu.memory_space<vmem>> -> memref<128xi32, #tpu.memory_space<vmem>>
      %dma_start3A_735 = arith.constant 0 : i32
      %dma_start3A_736 = arith.constant 0 : i32
      %dma_start3A_737 = tpu.memref_slice %arg2[%dma_start3A_735, %dma_start3A_736] : memref<100000x128xf32, #tpu.memory_space<hbm>> -> memref<100000x128xf32, #tpu.memory_space<hbm>>
      tpu.enqueue_indirect_dma source(%dma_start3A_737 : memref<100000x128xf32, #tpu.memory_space<hbm>>) target(%dma_start3A_731 : memref<128x128xf32, #tpu.memory_space<vmem>>) offsets(%dma_start3A_734 : memref<128xi32, #tpu.memory_space<vmem>>) semaphore(%arg17 : memref<!tpu.dma_semaphore, #tpu.memory_space<semaphore_mem>>)
    } else {
    }
    %scan3A_38 = arith.constant 0 : i32
    %scan3A_39 = arith.constant 576 : i32
    %scan3A_40 = arith.addi %scan3A_38, %scan3A_39 : i32
    %scan3A_41 = arith.constant 1 : i32
    %scan3A_42 = scf.for %scan3A_427 = %scan3A_38 to %scan3A_40 step %scan3A_41 iter_args(%scan3A_428 = %scan3A_34) -> (i32)  : i32 {
      %mul3A_429 = arith.constant 1 : i32
      %mul3A_430 = arith.muli %scan3A_427, %mul3A_429 : i32
      %add3A_431 = arith.constant 64 : i32
      %add3A_432 = arith.addi %add3A_431, %mul3A_430 : i32
      %mul3A_433 = arith.constant 16 : i32
      %mul3A_434 = arith.muli %add3A_432, %mul3A_433 : i32
      %get3A = arith.index_cast %mul3A_434 : i32 to index
      %get3A_435 = tpu.vector_load %arg9[%get3A] {strides = array<i32>} : memref<10752xi32, #tpu.memory_space<vmem>>, vector<16xi32>,
      %get3A_436 = arith.index_cast %mul3A_434 : i32 to index
      %get3A_437 = tpu.vector_load %arg10[%get3A_436] {strides = array<i32>} : memref<10240xi32, #tpu.memory_space<vmem>>, vector<16xi32>,
      %iota3A = tpu.iota {dimensions = array<i32: 0>} : vector<16xi32>
      %add3A_438 = vector.broadcast %mul3A_434 : i32 to vector<16xi32>
      %add3A_439 = arith.addi %add3A_438, %iota3A : vector<16xi32>
      %shift_right_logical3A_440 = arith.constant 5 : i32
      %shift_right_logical3A_441 = vector.broadcast %shift_right_logical3A_440 : i32 to vector<16xi32>
      %shift_right_logical3A_442 = arith.shrui %add3A_439, %shift_right_logical3A_441 : vector<16xi32>
      %and3A_443 = arith.constant 31 : i32
      %and3A_444 = vector.broadcast %and3A_443 : i32 to vector<16xi32>
      %and3A_445 = arith.andi %add3A_439, %and3A_444 : vector<16xi32>
      %lt3A = arith.cmpi slt, %and3A_445, %get3A_437 : vector<16xi32>
      %shift_left3A_446 = arith.constant 17 : i32
      %shift_left3A_447 = vector.broadcast %shift_left3A_446 : i32 to vector<16xi32>
      %shift_left3A_448 = arith.shli %shift_right_logical3A_442, %shift_left3A_447 : vector<16xi32>
      %or3A = arith.ori %get3A_435, %shift_left3A_448 : vector<16xi32>
      %swap3A_449 = arith.index_cast %scan3A_428 : i32 to index
      %swap3A_450 = tpu.vector_load %arg9[%swap3A_449] masked %lt3A {strides = array<i32>} : memref<10752xi32, #tpu.memory_space<vmem>>, vector<16xi32>, vector<16xi1>
      tpu.vector_store %arg9[%swap3A_449], %or3A masked %lt3A {strides = array<i32>} : memref<10752xi32, #tpu.memory_space<vmem>>, vector<16xi32>, vector<16xi1>
      %all_reduce_population_count3A = tpu.all_reduce %lt3A {dim = 0 : i64, kind = #tpu.reduction_kind<sum>} : vector<16xi1> -> vector<16xi32>
      %reduce_max3A = arith.constant true
      %reduce_max3A_451 = vector.broadcast %reduce_max3A : i1 to vector<16xi1>
      %reduce_max3A_452 = arith.constant -2147483648 : i32
      %reduce_max3A_453 = vector.broadcast %reduce_max3A_452 : i32 to vector<16xi32>
      %reduce_max3A_454 = arith.xori %all_reduce_population_count3A, %reduce_max3A_453 : vector<16xi32>
      %reduce_max3A_455 = tpu.scan <max>, %reduce_max3A_454 masked %reduce_max3A_451 : vector<16xi32>, vector<16xi1> -> vector<16xi32>
      %reduce_max3A_456 = arith.xori %reduce_max3A_455, %reduce_max3A_453 : vector<16xi32>
      %reduce_max3A_457 = vector.extract %reduce_max3A_456[15] : i32 from vector<16xi32>
      %add3A_458 = arith.addi %scan3A_428, %reduce_max3A_457 : i32
      scf.yield %add3A_458 : i32
    }
    %scan3A_43 = arith.constant 576 : i32
    %broadcast_in_dim3A = arith.constant 41943040 : i32
    %broadcast_in_dim3A_44 = vector.broadcast %broadcast_in_dim3A : i32 to vector<16xi32>
    %add3A_45 = arith.constant 0 : i32
    %add3A_46 = arith.addi %scan3A_42, %add3A_45 : i32
    %swap3A = arith.index_cast %add3A_46 : i32 to index
    %swap3A_47 = tpu.vector_load %arg9[%swap3A] {strides = array<i32>} : memref<10752xi32, #tpu.memory_space<vmem>>, vector<16xi32>,
    tpu.vector_store %arg9[%swap3A], %broadcast_in_dim3A_44 {strides = array<i32>} : memref<10752xi32, #tpu.memory_space<vmem>>, vector<16xi32>,
    %add3A_48 = arith.constant 16 : i32
    %add3A_49 = arith.addi %scan3A_42, %add3A_48 : i32
    %swap3A_50 = arith.index_cast %add3A_49 : i32 to index
    %swap3A_51 = tpu.vector_load %arg9[%swap3A_50] {strides = array<i32>} : memref<10752xi32, #tpu.memory_space<vmem>>, vector<16xi32>,
    tpu.vector_store %arg9[%swap3A_50], %broadcast_in_dim3A_44 {strides = array<i32>} : memref<10752xi32, #tpu.memory_space<vmem>>, vector<16xi32>,
    %add3A_52 = arith.constant 32 : i32
    %add3A_53 = arith.addi %scan3A_42, %add3A_52 : i32
    %swap3A_54 = arith.index_cast %add3A_53 : i32 to index
    %swap3A_55 = tpu.vector_load %arg9[%swap3A_54] {strides = array<i32>} : memref<10752xi32, #tpu.memory_space<vmem>>, vector<16xi32>,
    tpu.vector_store %arg9[%swap3A_54], %broadcast_in_dim3A_44 {strides = array<i32>} : memref<10752xi32, #tpu.memory_space<vmem>>, vector<16xi32>,
    %add3A_56 = arith.constant 48 : i32
    %add3A_57 = arith.addi %scan3A_42, %add3A_56 : i32
    %swap3A_58 = arith.index_cast %add3A_57 : i32 to index
    %swap3A_59 = tpu.vector_load %arg9[%swap3A_58] {strides = array<i32>} : memref<10752xi32, #tpu.memory_space<vmem>>, vector<16xi32>,
    tpu.vector_store %arg9[%swap3A_58], %broadcast_in_dim3A_44 {strides = array<i32>} : memref<10752xi32, #tpu.memory_space<vmem>>, vector<16xi32>,
    %add3A_60 = arith.constant 64 : i32
    %add3A_61 = arith.addi %scan3A_42, %add3A_60 : i32
    %swap3A_62 = arith.index_cast %add3A_61 : i32 to index
    %swap3A_63 = tpu.vector_load %arg9[%swap3A_62] {strides = array<i32>} : memref<10752xi32, #tpu.memory_space<vmem>>, vector<16xi32>,
    tpu.vector_store %arg9[%swap3A_62], %broadcast_in_dim3A_44 {strides = array<i32>} : memref<10752xi32, #tpu.memory_space<vmem>>, vector<16xi32>,
    %add3A_64 = arith.constant 80 : i32
    %add3A_65 = arith.addi %scan3A_42, %add3A_64 : i32
    %swap3A_66 = arith.index_cast %add3A_65 : i32 to index
    %swap3A_67 = tpu.vector_load %arg9[%swap3A_66] {strides = array<i32>} : memref<10752xi32, #tpu.memory_space<vmem>>, vector<16xi32>,
    tpu.vector_store %arg9[%swap3A_66], %broadcast_in_dim3A_44 {strides = array<i32>} : memref<10752xi32, #tpu.memory_space<vmem>>, vector<16xi32>,
    %add3A_68 = arith.constant 96 : i32
    %add3A_69 = arith.addi %scan3A_42, %add3A_68 : i32
    %swap3A_70 = arith.index_cast %add3A_69 : i32 to index
    %swap3A_71 = tpu.vector_load %arg9[%swap3A_70] {strides = array<i32>} : memref<10752xi32, #tpu.memory_space<vmem>>, vector<16xi32>,
    tpu.vector_store %arg9[%swap3A_70], %broadcast_in_dim3A_44 {strides = array<i32>} : memref<10752xi32, #tpu.memory_space<vmem>>, vector<16xi32>,
    %add3A_72 = arith.constant 112 : i32
    %add3A_73 = arith.addi %scan3A_42, %add3A_72 : i32
    %swap3A_74 = arith.index_cast %add3A_73 : i32 to index
    %swap3A_75 = tpu.vector_load %arg9[%swap3A_74] {strides = array<i32>} : memref<10752xi32, #tpu.memory_space<vmem>>, vector<16xi32>,
    tpu.vector_store %arg9[%swap3A_74], %broadcast_in_dim3A_44 {strides = array<i32>} : memref<10752xi32, #tpu.memory_space<vmem>>, vector<16xi32>,
    %add3A_76 = arith.constant 128 : i32
    %add3A_77 = arith.addi %scan3A_42, %add3A_76 : i32
    %swap3A_78 = arith.index_cast %add3A_77 : i32 to index
    %swap3A_79 = tpu.vector_load %arg9[%swap3A_78] {strides = array<i32>} : memref<10752xi32, #tpu.memory_space<vmem>>, vector<16xi32>,
    tpu.vector_store %arg9[%swap3A_78], %broadcast_in_dim3A_44 {strides = array<i32>} : memref<10752xi32, #tpu.memory_space<vmem>>, vector<16xi32>,
    %add3A_80 = arith.constant 144 : i32
    %add3A_81 = arith.addi %scan3A_42, %add3A_80 : i32
    %swap3A_82 = arith.index_cast %add3A_81 : i32 to index
    %swap3A_83 = tpu.vector_load %arg9[%swap3A_82] {strides = array<i32>} : memref<10752xi32, #tpu.memory_space<vmem>>, vector<16xi32>,
    tpu.vector_store %arg9[%swap3A_82], %broadcast_in_dim3A_44 {strides = array<i32>} : memref<10752xi32, #tpu.memory_space<vmem>>, vector<16xi32>,
    %add3A_84 = arith.constant 160 : i32
    %add3A_85 = arith.addi %scan3A_42, %add3A_84 : i32
    %swap3A_86 = arith.index_cast %add3A_85 : i32 to index
    %swap3A_87 = tpu.vector_load %arg9[%swap3A_86] {strides = array<i32>} : memref<10752xi32, #tpu.memory_space<vmem>>, vector<16xi32>,
    tpu.vector_store %arg9[%swap3A_86], %broadcast_in_dim3A_44 {strides = array<i32>} : memref<10752xi32, #tpu.memory_space<vmem>>, vector<16xi32>,
    %add3A_88 = arith.constant 176 : i32
    %add3A_89 = arith.addi %scan3A_42, %add3A_88 : i32
    %swap3A_90 = arith.index_cast %add3A_89 : i32 to index
    %swap3A_91 = tpu.vector_load %arg9[%swap3A_90] {strides = array<i32>} : memref<10752xi32, #tpu.memory_space<vmem>>, vector<16xi32>,
    tpu.vector_store %arg9[%swap3A_90], %broadcast_in_dim3A_44 {strides = array<i32>} : memref<10752xi32, #tpu.memory_space<vmem>>, vector<16xi32>,
    %add3A_92 = arith.constant 192 : i32
    %add3A_93 = arith.addi %scan3A_42, %add3A_92 : i32
    %swap3A_94 = arith.index_cast %add3A_93 : i32 to index
    %swap3A_95 = tpu.vector_load %arg9[%swap3A_94] {strides = array<i32>} : memref<10752xi32, #tpu.memory_space<vmem>>, vector<16xi32>,
    tpu.vector_store %arg9[%swap3A_94], %broadcast_in_dim3A_44 {strides = array<i32>} : memref<10752xi32, #tpu.memory_space<vmem>>, vector<16xi32>,
    %add3A_96 = arith.constant 208 : i32
    %add3A_97 = arith.addi %scan3A_42, %add3A_96 : i32
    %swap3A_98 = arith.index_cast %add3A_97 : i32 to index
    %swap3A_99 = tpu.vector_load %arg9[%swap3A_98] {strides = array<i32>} : memref<10752xi32, #tpu.memory_space<vmem>>, vector<16xi32>,
    tpu.vector_store %arg9[%swap3A_98], %broadcast_in_dim3A_44 {strides = array<i32>} : memref<10752xi32, #tpu.memory_space<vmem>>, vector<16xi32>,
    %add3A_100 = arith.constant 224 : i32
    %add3A_101 = arith.addi %scan3A_42, %add3A_100 : i32
    %swap3A_102 = arith.index_cast %add3A_101 : i32 to index
    %swap3A_103 = tpu.vector_load %arg9[%swap3A_102] {strides = array<i32>} : memref<10752xi32, #tpu.memory_space<vmem>>, vector<16xi32>,
    tpu.vector_store %arg9[%swap3A_102], %broadcast_in_dim3A_44 {strides = array<i32>} : memref<10752xi32, #tpu.memory_space<vmem>>, vector<16xi32>,
    %add3A_104 = arith.constant 240 : i32
    %add3A_105 = arith.addi %scan3A_42, %add3A_104 : i32
    %swap3A_106 = arith.index_cast %add3A_105 : i32 to index
    %swap3A_107 = tpu.vector_load %arg9[%swap3A_106] {strides = array<i32>} : memref<10752xi32, #tpu.memory_space<vmem>>, vector<16xi32>,
    tpu.vector_store %arg9[%swap3A_106], %broadcast_in_dim3A_44 {strides = array<i32>} : memref<10752xi32, #tpu.memory_space<vmem>>, vector<16xi32>,
    %add3A_108 = arith.constant 256 : i32
    %add3A_109 = arith.addi %scan3A_42, %add3A_108 : i32
    %swap3A_110 = arith.index_cast %add3A_109 : i32 to index
    %swap3A_111 = tpu.vector_load %arg9[%swap3A_110] {strides = array<i32>} : memref<10752xi32, #tpu.memory_space<vmem>>, vector<16xi32>,
    tpu.vector_store %arg9[%swap3A_110], %broadcast_in_dim3A_44 {strides = array<i32>} : memref<10752xi32, #tpu.memory_space<vmem>>, vector<16xi32>,
    %add3A_112 = arith.constant 272 : i32
    %add3A_113 = arith.addi %scan3A_42, %add3A_112 : i32
    %swap3A_114 = arith.index_cast %add3A_113 : i32 to index
    %swap3A_115 = tpu.vector_load %arg9[%swap3A_114] {strides = array<i32>} : memref<10752xi32, #tpu.memory_space<vmem>>, vector<16xi32>,
    tpu.vector_store %arg9[%swap3A_114], %broadcast_in_dim3A_44 {strides = array<i32>} : memref<10752xi32, #tpu.memory_space<vmem>>, vector<16xi32>,
    %add3A_116 = arith.constant 288 : i32
    %add3A_117 = arith.addi %scan3A_42, %add3A_116 : i32
    %swap3A_118 = arith.index_cast %add3A_117 : i32 to index
    %swap3A_119 = tpu.vector_load %arg9[%swap3A_118] {strides = array<i32>} : memref<10752xi32, #tpu.memory_space<vmem>>, vector<16xi32>,
    tpu.vector_store %arg9[%swap3A_118], %broadcast_in_dim3A_44 {strides = array<i32>} : memref<10752xi32, #tpu.memory_space<vmem>>, vector<16xi32>,
    %add3A_120 = arith.constant 304 : i32
    %add3A_121 = arith.addi %scan3A_42, %add3A_120 : i32
    %swap3A_122 = arith.index_cast %add3A_121 : i32 to index
    %swap3A_123 = tpu.vector_load %arg9[%swap3A_122] {strides = array<i32>} : memref<10752xi32, #tpu.memory_space<vmem>>, vector<16xi32>,
    tpu.vector_store %arg9[%swap3A_122], %broadcast_in_dim3A_44 {strides = array<i32>} : memref<10752xi32, #tpu.memory_space<vmem>>, vector<16xi32>,
    %add3A_124 = arith.constant 320 : i32
    %add3A_125 = arith.addi %scan3A_42, %add3A_124 : i32
    %swap3A_126 = arith.index_cast %add3A_125 : i32 to index
    %swap3A_127 = tpu.vector_load %arg9[%swap3A_126] {strides = array<i32>} : memref<10752xi32, #tpu.memory_space<vmem>>, vector<16xi32>,
    tpu.vector_store %arg9[%swap3A_126], %broadcast_in_dim3A_44 {strides = array<i32>} : memref<10752xi32, #tpu.memory_space<vmem>>, vector<16xi32>,
    %add3A_128 = arith.constant 336 : i32
    %add3A_129 = arith.addi %scan3A_42, %add3A_128 : i32
    %swap3A_130 = arith.index_cast %add3A_129 : i32 to index
    %swap3A_131 = tpu.vector_load %arg9[%swap3A_130] {strides = array<i32>} : memref<10752xi32, #tpu.memory_space<vmem>>, vector<16xi32>,
    tpu.vector_store %arg9[%swap3A_130], %broadcast_in_dim3A_44 {strides = array<i32>} : memref<10752xi32, #tpu.memory_space<vmem>>, vector<16xi32>,
    %add3A_132 = arith.constant 352 : i32
    %add3A_133 = arith.addi %scan3A_42, %add3A_132 : i32
    %swap3A_134 = arith.index_cast %add3A_133 : i32 to index
    %swap3A_135 = tpu.vector_load %arg9[%swap3A_134] {strides = array<i32>} : memref<10752xi32, #tpu.memory_space<vmem>>, vector<16xi32>,
    tpu.vector_store %arg9[%swap3A_134], %broadcast_in_dim3A_44 {strides = array<i32>} : memref<10752xi32, #tpu.memory_space<vmem>>, vector<16xi32>,
    %add3A_136 = arith.constant 368 : i32
    %add3A_137 = arith.addi %scan3A_42, %add3A_136 : i32
    %swap3A_138 = arith.index_cast %add3A_137 : i32 to index
    %swap3A_139 = tpu.vector_load %arg9[%swap3A_138] {strides = array<i32>} : memref<10752xi32, #tpu.memory_space<vmem>>, vector<16xi32>,
    tpu.vector_store %arg9[%swap3A_138], %broadcast_in_dim3A_44 {strides = array<i32>} : memref<10752xi32, #tpu.memory_space<vmem>>, vector<16xi32>,
    %add3A_140 = arith.constant 384 : i32
    %add3A_141 = arith.addi %scan3A_42, %add3A_140 : i32
    %swap3A_142 = arith.index_cast %add3A_141 : i32 to index
    %swap3A_143 = tpu.vector_load %arg9[%swap3A_142] {strides = array<i32>} : memref<10752xi32, #tpu.memory_space<vmem>>, vector<16xi32>,
    tpu.vector_store %arg9[%swap3A_142], %broadcast_in_dim3A_44 {strides = array<i32>} : memref<10752xi32, #tpu.memory_space<vmem>>, vector<16xi32>,
    %add3A_144 = arith.constant 400 : i32
    %add3A_145 = arith.addi %scan3A_42, %add3A_144 : i32
    %swap3A_146 = arith.index_cast %add3A_145 : i32 to index
    %swap3A_147 = tpu.vector_load %arg9[%swap3A_146] {strides = array<i32>} : memref<10752xi32, #tpu.memory_space<vmem>>, vector<16xi32>,
    tpu.vector_store %arg9[%swap3A_146], %broadcast_in_dim3A_44 {strides = array<i32>} : memref<10752xi32, #tpu.memory_space<vmem>>, vector<16xi32>,
    %add3A_148 = arith.constant 416 : i32
    %add3A_149 = arith.addi %scan3A_42, %add3A_148 : i32
    %swap3A_150 = arith.index_cast %add3A_149 : i32 to index
    %swap3A_151 = tpu.vector_load %arg9[%swap3A_150] {strides = array<i32>} : memref<10752xi32, #tpu.memory_space<vmem>>, vector<16xi32>,
    tpu.vector_store %arg9[%swap3A_150], %broadcast_in_dim3A_44 {strides = array<i32>} : memref<10752xi32, #tpu.memory_space<vmem>>, vector<16xi32>,
    %add3A_152 = arith.constant 432 : i32
    %add3A_153 = arith.addi %scan3A_42, %add3A_152 : i32
    %swap3A_154 = arith.index_cast %add3A_153 : i32 to index
    %swap3A_155 = tpu.vector_load %arg9[%swap3A_154] {strides = array<i32>} : memref<10752xi32, #tpu.memory_space<vmem>>, vector<16xi32>,
    tpu.vector_store %arg9[%swap3A_154], %broadcast_in_dim3A_44 {strides = array<i32>} : memref<10752xi32, #tpu.memory_space<vmem>>, vector<16xi32>,
    %add3A_156 = arith.constant 448 : i32
    %add3A_157 = arith.addi %scan3A_42, %add3A_156 : i32
    %swap3A_158 = arith.index_cast %add3A_157 : i32 to index
    %swap3A_159 = tpu.vector_load %arg9[%swap3A_158] {strides = array<i32>} : memref<10752xi32, #tpu.memory_space<vmem>>, vector<16xi32>,
    tpu.vector_store %arg9[%swap3A_158], %broadcast_in_dim3A_44 {strides = array<i32>} : memref<10752xi32, #tpu.memory_space<vmem>>, vector<16xi32>,
    %add3A_160 = arith.constant 464 : i32
    %add3A_161 = arith.addi %scan3A_42, %add3A_160 : i32
    %swap3A_162 = arith.index_cast %add3A_161 : i32 to index
    %swap3A_163 = tpu.vector_load %arg9[%swap3A_162] {strides = array<i32>} : memref<10752xi32, #tpu.memory_space<vmem>>, vector<16xi32>,
    tpu.vector_store %arg9[%swap3A_162], %broadcast_in_dim3A_44 {strides = array<i32>} : memref<10752xi32, #tpu.memory_space<vmem>>, vector<16xi32>,
    %add3A_164 = arith.constant 480 : i32
    %add3A_165 = arith.addi %scan3A_42, %add3A_164 : i32
    %swap3A_166 = arith.index_cast %add3A_165 : i32 to index
    %swap3A_167 = tpu.vector_load %arg9[%swap3A_166] {strides = array<i32>} : memref<10752xi32, #tpu.memory_space<vmem>>, vector<16xi32>,
    tpu.vector_store %arg9[%swap3A_166], %broadcast_in_dim3A_44 {strides = array<i32>} : memref<10752xi32, #tpu.memory_space<vmem>>, vector<16xi32>,
    %add3A_168 = arith.constant 496 : i32
    %add3A_169 = arith.addi %scan3A_42, %add3A_168 : i32
    %swap3A_170 = arith.index_cast %add3A_169 : i32 to index
    %swap3A_171 = tpu.vector_load %arg9[%swap3A_170] {strides = array<i32>} : memref<10752xi32, #tpu.memory_space<vmem>>, vector<16xi32>,
    tpu.vector_store %arg9[%swap3A_170], %broadcast_in_dim3A_44 {strides = array<i32>} : memref<10752xi32, #tpu.memory_space<vmem>>, vector<16xi32>,
    %add3A_172 = arith.constant 511 : i32
    %add3A_173 = arith.addi %scan3A_42, %add3A_172 : i32
    %shift_right_logical3A = arith.constant 9 : i32
    %shift_right_logical3A_174 = arith.shrui %add3A_173, %shift_right_logical3A : i32
    %shift_left3A = arith.constant 2 : i32
    %shift_left3A_175 = arith.shli %shift_right_logical3A_174, %shift_left3A : i32
    %dma_wait3A_176 = arith.constant 0 : i32
    %dma_wait3A_177 = tpu.memref_slice %arg15[%mul3A_5, %dma_wait3A_176] : memref<5376x128xf32, #tpu.memory_space<vmem_shared>> -> memref<336x128xf32, #tpu.memory_space<vmem_shared>>
    tpu.wait_dma2 semaphore(%arg24 : memref<!tpu.dma_semaphore, #tpu.memory_space<semaphore_mem>>) src(%arg6 : memref<336x128xf32, #tpu.memory_space<hbm>>) dst(%dma_wait3A_177 : memref<336x128xf32, #tpu.memory_space<vmem_shared>>)
    %not3A = arith.constant true
    %not3A_178 = arith.xori %ge3A_36, %not3A : i1
    %gt3A = arith.constant 0 : i32
    %gt3A_179 = arith.cmpi sgt, %shift_left3A_175, %gt3A : i32
    %and3A = arith.andi %not3A_178, %gt3A_179 : i1
    %convert_element_type3A_180 = arith.extui %and3A : i1 to i32
    %cond3A_181 = arith.constant 0 : i32
    %cond3A_182 = arith.cmpi ne, %convert_element_type3A_180, %cond3A_181 : i32
    scf.if %cond3A_182 {
      %get3A = arith.constant 0 : index
      %get3A_427 = tpu.vector_load %arg9[%get3A] {strides = array<i32>} : memref<10752xi32, #tpu.memory_space<vmem>>, vector<16xi32>,
      %and3A_428 = arith.constant 131071 : i32
      %and3A_429 = vector.broadcast %and3A_428 : i32 to vector<16xi32>
      %and3A_430 = arith.andi %get3A_427, %and3A_429 : vector<16xi32>
      %swap3A_431 = arith.constant 0 : i32
      %swap3A_432 = arith.index_cast %swap3A_431 : i32 to index
      %swap3A_433 = arith.constant 0 : index
      %swap3A_434 = tpu.vector_load %arg11[%swap3A_432, %swap3A_433] {strides = array<i32>} : memref<4x128xi32, #tpu.memory_space<vmem>>, vector<16xi32>,
      tpu.vector_store %arg11[%swap3A_432, %swap3A_433], %and3A_430 {strides = array<i32>} : memref<4x128xi32, #tpu.memory_space<vmem>>, vector<16xi32>,
      %shift_right_logical3A_435 = arith.constant 17 : i32
      %shift_right_logical3A_436 = vector.broadcast %shift_right_logical3A_435 : i32 to vector<16xi32>
      %shift_right_logical3A_437 = arith.shrui %get3A_427, %shift_right_logical3A_436 : vector<16xi32>
      %add3A_438 = vector.broadcast %mul3A_5 : i32 to vector<16xi32>
      %add3A_439 = arith.addi %shift_right_logical3A_437, %add3A_438 : vector<16xi32>
      %swap3A_440 = arith.constant 0 : i32
      %swap3A_441 = arith.index_cast %swap3A_440 : i32 to index
      %swap3A_442 = arith.constant 0 : index
      %swap3A_443 = tpu.vector_load %arg12[%swap3A_441, %swap3A_442] {strides = array<i32>} : memref<4x128xi32, #tpu.memory_space<vmem>>, vector<16xi32>,
      tpu.vector_store %arg12[%swap3A_441, %swap3A_442], %add3A_439 {strides = array<i32>} : memref<4x128xi32, #tpu.memory_space<vmem>>, vector<16xi32>,
      %get3A_444 = arith.constant 16 : index
      %get3A_445 = tpu.vector_load %arg9[%get3A_444] {strides = array<i32>} : memref<10752xi32, #tpu.memory_space<vmem>>, vector<16xi32>,
      %and3A_446 = arith.constant 131071 : i32
      %and3A_447 = vector.broadcast %and3A_446 : i32 to vector<16xi32>
      %and3A_448 = arith.andi %get3A_445, %and3A_447 : vector<16xi32>
      %swap3A_449 = arith.constant 0 : i32
      %swap3A_450 = arith.index_cast %swap3A_449 : i32 to index
      %swap3A_451 = arith.constant 16 : index
      %swap3A_452 = tpu.vector_load %arg11[%swap3A_450, %swap3A_451] {strides = array<i32>} : memref<4x128xi32, #tpu.memory_space<vmem>>, vector<16xi32>,
      tpu.vector_store %arg11[%swap3A_450, %swap3A_451], %and3A_448 {strides = array<i32>} : memref<4x128xi32, #tpu.memory_space<vmem>>, vector<16xi32>,
      %shift_right_logical3A_453 = arith.constant 17 : i32
      %shift_right_logical3A_454 = vector.broadcast %shift_right_logical3A_453 : i32 to vector<16xi32>
      %shift_right_logical3A_455 = arith.shrui %get3A_445, %shift_right_logical3A_454 : vector<16xi32>
      %add3A_456 = vector.broadcast %mul3A_5 : i32 to vector<16xi32>
      %add3A_457 = arith.addi %shift_right_logical3A_455, %add3A_456 : vector<16xi32>
      %swap3A_458 = arith.constant 0 : i32
      %swap3A_459 = arith.index_cast %swap3A_458 : i32 to index
      %swap3A_460 = arith.constant 16 : index
      %swap3A_461 = tpu.vector_load %arg12[%swap3A_459, %swap3A_460] {strides = array<i32>} : memref<4x128xi32, #tpu.memory_space<vmem>>, vector<16xi32>,
      tpu.vector_store %arg12[%swap3A_459, %swap3A_460], %add3A_457 {strides = array<i32>} : memref<4x128xi32, #tpu.memory_space<vmem>>, vector<16xi32>,
      %get3A_462 = arith.constant 32 : index
      %get3A_463 = tpu.vector_load %arg9[%get3A_462] {strides = array<i32>} : memref<10752xi32, #tpu.memory_space<vmem>>, vector<16xi32>,
      %and3A_464 = arith.constant 131071 : i32
      %and3A_465 = vector.broadcast %and3A_464 : i32 to vector<16xi32>
      %and3A_466 = arith.andi %get3A_463, %and3A_465 : vector<16xi32>
      %swap3A_467 = arith.constant 0 : i32
      %swap3A_468 = arith.index_cast %swap3A_467 : i32 to index
      %swap3A_469 = arith.constant 32 : index
      %swap3A_470 = tpu.vector_load %arg11[%swap3A_468, %swap3A_469] {strides = array<i32>} : memref<4x128xi32, #tpu.memory_space<vmem>>, vector<16xi32>,
      tpu.vector_store %arg11[%swap3A_468, %swap3A_469], %and3A_466 {strides = array<i32>} : memref<4x128xi32, #tpu.memory_space<vmem>>, vector<16xi32>,
      %shift_right_logical3A_471 = arith.constant 17 : i32
      %shift_right_logical3A_472 = vector.broadcast %shift_right_logical3A_471 : i32 to vector<16xi32>
      %shift_right_logical3A_473 = arith.shrui %get3A_463, %shift_right_logical3A_472 : vector<16xi32>
      %add3A_474 = vector.broadcast %mul3A_5 : i32 to vector<16xi32>
      %add3A_475 = arith.addi %shift_right_logical3A_473, %add3A_474 : vector<16xi32>
      %swap3A_476 = arith.constant 0 : i32
      %swap3A_477 = arith.index_cast %swap3A_476 : i32 to index
      %swap3A_478 = arith.constant 32 : index
      %swap3A_479 = tpu.vector_load %arg12[%swap3A_477, %swap3A_478] {strides = array<i32>} : memref<4x128xi32, #tpu.memory_space<vmem>>, vector<16xi32>,
      tpu.vector_store %arg12[%swap3A_477, %swap3A_478], %add3A_475 {strides = array<i32>} : memref<4x128xi32, #tpu.memory_space<vmem>>, vector<16xi32>,
      %get3A_480 = arith.constant 48 : index
      %get3A_481 = tpu.vector_load %arg9[%get3A_480] {strides = array<i32>} : memref<10752xi32, #tpu.memory_space<vmem>>, vector<16xi32>,
      %and3A_482 = arith.constant 131071 : i32
      %and3A_483 = vector.broadcast %and3A_482 : i32 to vector<16xi32>
      %and3A_484 = arith.andi %get3A_481, %and3A_483 : vector<16xi32>
      %swap3A_485 = arith.constant 0 : i32
      %swap3A_486 = arith.index_cast %swap3A_485 : i32 to index
      %swap3A_487 = arith.constant 48 : index
      %swap3A_488 = tpu.vector_load %arg11[%swap3A_486, %swap3A_487] {strides = array<i32>} : memref<4x128xi32, #tpu.memory_space<vmem>>, vector<16xi32>,
      tpu.vector_store %arg11[%swap3A_486, %swap3A_487], %and3A_484 {strides = array<i32>} : memref<4x128xi32, #tpu.memory_space<vmem>>, vector<16xi32>,
      %shift_right_logical3A_489 = arith.constant 17 : i32
      %shift_right_logical3A_490 = vector.broadcast %shift_right_logical3A_489 : i32 to vector<16xi32>
      %shift_right_logical3A_491 = arith.shrui %get3A_481, %shift_right_logical3A_490 : vector<16xi32>
      %add3A_492 = vector.broadcast %mul3A_5 : i32 to vector<16xi32>
      %add3A_493 = arith.addi %shift_right_logical3A_491, %add3A_492 : vector<16xi32>
      %swap3A_494 = arith.constant 0 : i32
      %swap3A_495 = arith.index_cast %swap3A_494 : i32 to index
      %swap3A_496 = arith.constant 48 : index
      %swap3A_497 = tpu.vector_load %arg12[%swap3A_495, %swap3A_496] {strides = array<i32>} : memref<4x128xi32, #tpu.memory_space<vmem>>, vector<16xi32>,
      tpu.vector_store %arg12[%swap3A_495, %swap3A_496], %add3A_493 {strides = array<i32>} : memref<4x128xi32, #tpu.memory_space<vmem>>, vector<16xi32>,
      %get3A_498 = arith.constant 64 : index
      %get3A_499 = tpu.vector_load %arg9[%get3A_498] {strides = array<i32>} : memref<10752xi32, #tpu.memory_space<vmem>>, vector<16xi32>,
      %and3A_500 = arith.constant 131071 : i32
      %and3A_501 = vector.broadcast %and3A_500 : i32 to vector<16xi32>
      %and3A_502 = arith.andi %get3A_499, %and3A_501 : vector<16xi32>
      %swap3A_503 = arith.constant 0 : i32
      %swap3A_504 = arith.index_cast %swap3A_503 : i32 to index
      %swap3A_505 = arith.constant 64 : index
      %swap3A_506 = tpu.vector_load %arg11[%swap3A_504, %swap3A_505] {strides = array<i32>} : memref<4x128xi32, #tpu.memory_space<vmem>>, vector<16xi32>,
      tpu.vector_store %arg11[%swap3A_504, %swap3A_505], %and3A_502 {strides = array<i32>} : memref<4x128xi32, #tpu.memory_space<vmem>>, vector<16xi32>,
      %shift_right_logical3A_507 = arith.constant 17 : i32
      %shift_right_logical3A_508 = vector.broadcast %shift_right_logical3A_507 : i32 to vector<16xi32>
      %shift_right_logical3A_509 = arith.shrui %get3A_499, %shift_right_logical3A_508 : vector<16xi32>
      %add3A_510 = vector.broadcast %mul3A_5 : i32 to vector<16xi32>
      %add3A_511 = arith.addi %shift_right_logical3A_509, %add3A_510 : vector<16xi32>
      %swap3A_512 = arith.constant 0 : i32
      %swap3A_513 = arith.index_cast %swap3A_512 : i32 to index
      %swap3A_514 = arith.constant 64 : index
      %swap3A_515 = tpu.vector_load %arg12[%swap3A_513, %swap3A_514] {strides = array<i32>} : memref<4x128xi32, #tpu.memory_space<vmem>>, vector<16xi32>,
      tpu.vector_store %arg12[%swap3A_513, %swap3A_514], %add3A_511 {strides = array<i32>} : memref<4x128xi32, #tpu.memory_space<vmem>>, vector<16xi32>,
      %get3A_516 = arith.constant 80 : index
      %get3A_517 = tpu.vector_load %arg9[%get3A_516] {strides = array<i32>} : memref<10752xi32, #tpu.memory_space<vmem>>, vector<16xi32>,
      %and3A_518 = arith.constant 131071 : i32
      %and3A_519 = vector.broadcast %and3A_518 : i32 to vector<16xi32>
      %and3A_520 = arith.andi %get3A_517, %and3A_519 : vector<16xi32>
      %swap3A_521 = arith.constant 0 : i32
      %swap3A_522 = arith.index_cast %swap3A_521 : i32 to index
      %swap3A_523 = arith.constant 80 : index
      %swap3A_524 = tpu.vector_load %arg11[%swap3A_522, %swap3A_523] {strides = array<i32>} : memref<4x128xi32, #tpu.memory_space<vmem>>, vector<16xi32>,
      tpu.vector_store %arg11[%swap3A_522, %swap3A_523], %and3A_520 {strides = array<i32>} : memref<4x128xi32, #tpu.memory_space<vmem>>, vector<16xi32>,
      %shift_right_logical3A_525 = arith.constant 17 : i32
      %shift_right_logical3A_526 = vector.broadcast %shift_right_logical3A_525 : i32 to vector<16xi32>
      %shift_right_logical3A_527 = arith.shrui %get3A_517, %shift_right_logical3A_526 : vector<16xi32>
      %add3A_528 = vector.broadcast %mul3A_5 : i32 to vector<16xi32>
      %add3A_529 = arith.addi %shift_right_logical3A_527, %add3A_528 : vector<16xi32>
      %swap3A_530 = arith.constant 0 : i32
      %swap3A_531 = arith.index_cast %swap3A_530 : i32 to index
      %swap3A_532 = arith.constant 80 : index
      %swap3A_533 = tpu.vector_load %arg12[%swap3A_531, %swap3A_532] {strides = array<i32>} : memref<4x128xi32, #tpu.memory_space<vmem>>, vector<16xi32>,
      tpu.vector_store %arg12[%swap3A_531, %swap3A_532], %add3A_529 {strides = array<i32>} : memref<4x128xi32, #tpu.memory_space<vmem>>, vector<16xi32>,
      %get3A_534 = arith.constant 96 : index
      %get3A_535 = tpu.vector_load %arg9[%get3A_534] {strides = array<i32>} : memref<10752xi32, #tpu.memory_space<vmem>>, vector<16xi32>,
      %and3A_536 = arith.constant 131071 : i32
      %and3A_537 = vector.broadcast %and3A_536 : i32 to vector<16xi32>
      %and3A_538 = arith.andi %get3A_535, %and3A_537 : vector<16xi32>
      %swap3A_539 = arith.constant 0 : i32
      %swap3A_540 = arith.index_cast %swap3A_539 : i32 to index
      %swap3A_541 = arith.constant 96 : index
      %swap3A_542 = tpu.vector_load %arg11[%swap3A_540, %swap3A_541] {strides = array<i32>} : memref<4x128xi32, #tpu.memory_space<vmem>>, vector<16xi32>,
      tpu.vector_store %arg11[%swap3A_540, %swap3A_541], %and3A_538 {strides = array<i32>} : memref<4x128xi32, #tpu.memory_space<vmem>>, vector<16xi32>,
      %shift_right_logical3A_543 = arith.constant 17 : i32
      %shift_right_logical3A_544 = vector.broadcast %shift_right_logical3A_543 : i32 to vector<16xi32>
      %shift_right_logical3A_545 = arith.shrui %get3A_535, %shift_right_logical3A_544 : vector<16xi32>
      %add3A_546 = vector.broadcast %mul3A_5 : i32 to vector<16xi32>
      %add3A_547 = arith.addi %shift_right_logical3A_545, %add3A_546 : vector<16xi32>
      %swap3A_548 = arith.constant 0 : i32
      %swap3A_549 = arith.index_cast %swap3A_548 : i32 to index
      %swap3A_550 = arith.constant 96 : index
      %swap3A_551 = tpu.vector_load %arg12[%swap3A_549, %swap3A_550] {strides = array<i32>} : memref<4x128xi32, #tpu.memory_space<vmem>>, vector<16xi32>,
      tpu.vector_store %arg12[%swap3A_549, %swap3A_550], %add3A_547 {strides = array<i32>} : memref<4x128xi32, #tpu.memory_space<vmem>>, vector<16xi32>,
      %get3A_552 = arith.constant 112 : index
      %get3A_553 = tpu.vector_load %arg9[%get3A_552] {strides = array<i32>} : memref<10752xi32, #tpu.memory_space<vmem>>, vector<16xi32>,
      %and3A_554 = arith.constant 131071 : i32
      %and3A_555 = vector.broadcast %and3A_554 : i32 to vector<16xi32>
      %and3A_556 = arith.andi %get3A_553, %and3A_555 : vector<16xi32>
      %swap3A_557 = arith.constant 0 : i32
      %swap3A_558 = arith.index_cast %swap3A_557 : i32 to index
      %swap3A_559 = arith.constant 112 : index
      %swap3A_560 = tpu.vector_load %arg11[%swap3A_558, %swap3A_559] {strides = array<i32>} : memref<4x128xi32, #tpu.memory_space<vmem>>, vector<16xi32>,
      tpu.vector_store %arg11[%swap3A_558, %swap3A_559], %and3A_556 {strides = array<i32>} : memref<4x128xi32, #tpu.memory_space<vmem>>, vector<16xi32>,
      %shift_right_logical3A_561 = arith.constant 17 : i32
      %shift_right_logical3A_562 = vector.broadcast %shift_right_logical3A_561 : i32 to vector<16xi32>
      %shift_right_logical3A_563 = arith.shrui %get3A_553, %shift_right_logical3A_562 : vector<16xi32>
      %add3A_564 = vector.broadcast %mul3A_5 : i32 to vector<16xi32>
      %add3A_565 = arith.addi %shift_right_logical3A_563, %add3A_564 : vector<16xi32>
      %swap3A_566 = arith.constant 0 : i32
      %swap3A_567 = arith.index_cast %swap3A_566 : i32 to index
      %swap3A_568 = arith.constant 112 : index
      %swap3A_569 = tpu.vector_load %arg12[%swap3A_567, %swap3A_568] {strides = array<i32>} : memref<4x128xi32, #tpu.memory_space<vmem>>, vector<16xi32>,
      tpu.vector_store %arg12[%swap3A_567, %swap3A_568], %add3A_565 {strides = array<i32>} : memref<4x128xi32, #tpu.memory_space<vmem>>, vector<16xi32>,
      %dma_start3A_570 = arith.constant 0 : i32
      %dma_start3A_571 = arith.constant 0 : i32
      %dma_start3A_572 = arith.constant 0 : i32
      %dma_start3A_573 = arith.constant 0 : i32
      %dma_start3A_574 = tpu.memref_slice %arg14[%dma_start3A_571, %dma_start3A_572, %dma_start3A_573] : memref<4x128x128xf32, #tpu.memory_space<vmem>> -> memref<1x128x128xf32, #tpu.memory_space<vmem>>
      %dma_start3A_575 = tpu.memref_squeeze %dma_start3A_574 : memref<1x128x128xf32, #tpu.memory_space<vmem>> -> memref<128x128xf32, #tpu.memory_space<vmem>>
      %dma_start3A_576 = arith.constant 0 : i32
      %dma_start3A_577 = tpu.memref_slice %arg11[%dma_start3A_570, %dma_start3A_576] : memref<4x128xi32, #tpu.memory_space<vmem>> -> memref<1x128xi32, #tpu.memory_space<vmem>>
      %dma_start3A_578 = tpu.memref_squeeze %dma_start3A_577 : memref<1x128xi32, #tpu.memory_space<vmem>> -> memref<128xi32, #tpu.memory_space<vmem>>
      %dma_start3A_579 = arith.constant 0 : i32
      %dma_start3A_580 = arith.constant 0 : i32
      %dma_start3A_581 = tpu.memref_slice %arg2[%dma_start3A_579, %dma_start3A_580] : memref<100000x128xf32, #tpu.memory_space<hbm>> -> memref<100000x128xf32, #tpu.memory_space<hbm>>
      tpu.enqueue_indirect_dma source(%dma_start3A_581 : memref<100000x128xf32, #tpu.memory_space<hbm>>) target(%dma_start3A_575 : memref<128x128xf32, #tpu.memory_space<vmem>>) offsets(%dma_start3A_578 : memref<128xi32, #tpu.memory_space<vmem>>) semaphore(%arg16 : memref<!tpu.dma_semaphore, #tpu.memory_space<semaphore_mem>>)
      %get3A_582 = arith.constant 128 : index
      %get3A_583 = tpu.vector_load %arg9[%get3A_582] {strides = array<i32>} : memref<10752xi32, #tpu.memory_space<vmem>>, vector<16xi32>,
      %and3A_584 = arith.constant 131071 : i32
      %and3A_585 = vector.broadcast %and3A_584 : i32 to vector<16xi32>
      %and3A_586 = arith.andi %get3A_583, %and3A_585 : vector<16xi32>
      %swap3A_587 = arith.constant 1 : i32
      %swap3A_588 = arith.index_cast %swap3A_587 : i32 to index
      %swap3A_589 = arith.constant 0 : index
      %swap3A_590 = tpu.vector_load %arg11[%swap3A_588, %swap3A_589] {strides = array<i32>} : memref<4x128xi32, #tpu.memory_space<vmem>>, vector<16xi32>,
      tpu.vector_store %arg11[%swap3A_588, %swap3A_589], %and3A_586 {strides = array<i32>} : memref<4x128xi32, #tpu.memory_space<vmem>>, vector<16xi32>,
      %shift_right_logical3A_591 = arith.constant 17 : i32
      %shift_right_logical3A_592 = vector.broadcast %shift_right_logical3A_591 : i32 to vector<16xi32>
      %shift_right_logical3A_593 = arith.shrui %get3A_583, %shift_right_logical3A_592 : vector<16xi32>
      %add3A_594 = vector.broadcast %mul3A_5 : i32 to vector<16xi32>
      %add3A_595 = arith.addi %shift_right_logical3A_593, %add3A_594 : vector<16xi32>
      %swap3A_596 = arith.constant 1 : i32
      %swap3A_597 = arith.index_cast %swap3A_596 : i32 to index
      %swap3A_598 = arith.constant 0 : index
      %swap3A_599 = tpu.vector_load %arg12[%swap3A_597, %swap3A_598] {strides = array<i32>} : memref<4x128xi32, #tpu.memory_space<vmem>>, vector<16xi32>,
      tpu.vector_store %arg12[%swap3A_597, %swap3A_598], %add3A_595 {strides = array<i32>} : memref<4x128xi32, #tpu.memory_space<vmem>>, vector<16xi32>,
      %get3A_600 = arith.constant 144 : index
      %get3A_601 = tpu.vector_load %arg9[%get3A_600] {strides = array<i32>} : memref<10752xi32, #tpu.memory_space<vmem>>, vector<16xi32>,
      %and3A_602 = arith.constant 131071 : i32
      %and3A_603 = vector.broadcast %and3A_602 : i32 to vector<16xi32>
      %and3A_604 = arith.andi %get3A_601, %and3A_603 : vector<16xi32>
      %swap3A_605 = arith.constant 1 : i32
      %swap3A_606 = arith.index_cast %swap3A_605 : i32 to index
      %swap3A_607 = arith.constant 16 : index
      %swap3A_608 = tpu.vector_load %arg11[%swap3A_606, %swap3A_607] {strides = array<i32>} : memref<4x128xi32, #tpu.memory_space<vmem>>, vector<16xi32>,
      tpu.vector_store %arg11[%swap3A_606, %swap3A_607], %and3A_604 {strides = array<i32>} : memref<4x128xi32, #tpu.memory_space<vmem>>, vector<16xi32>,
      %shift_right_logical3A_609 = arith.constant 17 : i32
      %shift_right_logical3A_610 = vector.broadcast %shift_right_logical3A_609 : i32 to vector<16xi32>
      %shift_right_logical3A_611 = arith.shrui %get3A_601, %shift_right_logical3A_610 : vector<16xi32>
      %add3A_612 = vector.broadcast %mul3A_5 : i32 to vector<16xi32>
      %add3A_613 = arith.addi %shift_right_logical3A_611, %add3A_612 : vector<16xi32>
      %swap3A_614 = arith.constant 1 : i32
      %swap3A_615 = arith.index_cast %swap3A_614 : i32 to index
      %swap3A_616 = arith.constant 16 : index
      %swap3A_617 = tpu.vector_load %arg12[%swap3A_615, %swap3A_616] {strides = array<i32>} : memref<4x128xi32, #tpu.memory_space<vmem>>, vector<16xi32>,
      tpu.vector_store %arg12[%swap3A_615, %swap3A_616], %add3A_613 {strides = array<i32>} : memref<4x128xi32, #tpu.memory_space<vmem>>, vector<16xi32>,
      %get3A_618 = arith.constant 160 : index
      %get3A_619 = tpu.vector_load %arg9[%get3A_618] {strides = array<i32>} : memref<10752xi32, #tpu.memory_space<vmem>>, vector<16xi32>,
      %and3A_620 = arith.constant 131071 : i32
      %and3A_621 = vector.broadcast %and3A_620 : i32 to vector<16xi32>
      %and3A_622 = arith.andi %get3A_619, %and3A_621 : vector<16xi32>
      %swap3A_623 = arith.constant 1 : i32
      %swap3A_624 = arith.index_cast %swap3A_623 : i32 to index
      %swap3A_625 = arith.constant 32 : index
      %swap3A_626 = tpu.vector_load %arg11[%swap3A_624, %swap3A_625] {strides = array<i32>} : memref<4x128xi32, #tpu.memory_space<vmem>>, vector<16xi32>,
      tpu.vector_store %arg11[%swap3A_624, %swap3A_625], %and3A_622 {strides = array<i32>} : memref<4x128xi32, #tpu.memory_space<vmem>>, vector<16xi32>,
      %shift_right_logical3A_627 = arith.constant 17 : i32
      %shift_right_logical3A_628 = vector.broadcast %shift_right_logical3A_627 : i32 to vector<16xi32>
      %shift_right_logical3A_629 = arith.shrui %get3A_619, %shift_right_logical3A_628 : vector<16xi32>
      %add3A_630 = vector.broadcast %mul3A_5 : i32 to vector<16xi32>
      %add3A_631 = arith.addi %shift_right_logical3A_629, %add3A_630 : vector<16xi32>
      %swap3A_632 = arith.constant 1 : i32
      %swap3A_633 = arith.index_cast %swap3A_632 : i32 to index
      %swap3A_634 = arith.constant 32 : index
      %swap3A_635 = tpu.vector_load %arg12[%swap3A_633, %swap3A_634] {strides = array<i32>} : memref<4x128xi32, #tpu.memory_space<vmem>>, vector<16xi32>,
      tpu.vector_store %arg12[%swap3A_633, %swap3A_634], %add3A_631 {strides = array<i32>} : memref<4x128xi32, #tpu.memory_space<vmem>>, vector<16xi32>,
      %get3A_636 = arith.constant 176 : index
      %get3A_637 = tpu.vector_load %arg9[%get3A_636] {strides = array<i32>} : memref<10752xi32, #tpu.memory_space<vmem>>, vector<16xi32>,
      %and3A_638 = arith.constant 131071 : i32
      %and3A_639 = vector.broadcast %and3A_638 : i32 to vector<16xi32>
      %and3A_640 = arith.andi %get3A_637, %and3A_639 : vector<16xi32>
      %swap3A_641 = arith.constant 1 : i32
      %swap3A_642 = arith.index_cast %swap3A_641 : i32 to index
      %swap3A_643 = arith.constant 48 : index
      %swap3A_644 = tpu.vector_load %arg11[%swap3A_642, %swap3A_643] {strides = array<i32>} : memref<4x128xi32, #tpu.memory_space<vmem>>, vector<16xi32>,
      tpu.vector_store %arg11[%swap3A_642, %swap3A_643], %and3A_640 {strides = array<i32>} : memref<4x128xi32, #tpu.memory_space<vmem>>, vector<16xi32>,
      %shift_right_logical3A_645 = arith.constant 17 : i32
      %shift_right_logical3A_646 = vector.broadcast %shift_right_logical3A_645 : i32 to vector<16xi32>
      %shift_right_logical3A_647 = arith.shrui %get3A_637, %shift_right_logical3A_646 : vector<16xi32>
      %add3A_648 = vector.broadcast %mul3A_5 : i32 to vector<16xi32>
      %add3A_649 = arith.addi %shift_right_logical3A_647, %add3A_648 : vector<16xi32>
      %swap3A_650 = arith.constant 1 : i32
      %swap3A_651 = arith.index_cast %swap3A_650 : i32 to index
      %swap3A_652 = arith.constant 48 : index
      %swap3A_653 = tpu.vector_load %arg12[%swap3A_651, %swap3A_652] {strides = array<i32>} : memref<4x128xi32, #tpu.memory_space<vmem>>, vector<16xi32>,
      tpu.vector_store %arg12[%swap3A_651, %swap3A_652], %add3A_649 {strides = array<i32>} : memref<4x128xi32, #tpu.memory_space<vmem>>, vector<16xi32>,
      %get3A_654 = arith.constant 192 : index
      %get3A_655 = tpu.vector_load %arg9[%get3A_654] {strides = array<i32>} : memref<10752xi32, #tpu.memory_space<vmem>>, vector<16xi32>,
      %and3A_656 = arith.constant 131071 : i32
      %and3A_657 = vector.broadcast %and3A_656 : i32 to vector<16xi32>
      %and3A_658 = arith.andi %get3A_655, %and3A_657 : vector<16xi32>
      %swap3A_659 = arith.constant 1 : i32
      %swap3A_660 = arith.index_cast %swap3A_659 : i32 to index
      %swap3A_661 = arith.constant 64 : index
      %swap3A_662 = tpu.vector_load %arg11[%swap3A_660, %swap3A_661] {strides = array<i32>} : memref<4x128xi32, #tpu.memory_space<vmem>>, vector<16xi32>,
      tpu.vector_store %arg11[%swap3A_660, %swap3A_661], %and3A_658 {strides = array<i32>} : memref<4x128xi32, #tpu.memory_space<vmem>>, vector<16xi32>,
      %shift_right_logical3A_663 = arith.constant 17 : i32
      %shift_right_logical3A_664 = vector.broadcast %shift_right_logical3A_663 : i32 to vector<16xi32>
      %shift_right_logical3A_665 = arith.shrui %get3A_655, %shift_right_logical3A_664 : vector<16xi32>
      %add3A_666 = vector.broadcast %mul3A_5 : i32 to vector<16xi32>
      %add3A_667 = arith.addi %shift_right_logical3A_665, %add3A_666 : vector<16xi32>
      %swap3A_668 = arith.constant 1 : i32
      %swap3A_669 = arith.index_cast %swap3A_668 : i32 to index
      %swap3A_670 = arith.constant 64 : index
      %swap3A_671 = tpu.vector_load %arg12[%swap3A_669, %swap3A_670] {strides = array<i32>} : memref<4x128xi32, #tpu.memory_space<vmem>>, vector<16xi32>,
      tpu.vector_store %arg12[%swap3A_669, %swap3A_670], %add3A_667 {strides = array<i32>} : memref<4x128xi32, #tpu.memory_space<vmem>>, vector<16xi32>,
      %get3A_672 = arith.constant 208 : index
      %get3A_673 = tpu.vector_load %arg9[%get3A_672] {strides = array<i32>} : memref<10752xi32, #tpu.memory_space<vmem>>, vector<16xi32>,
      %and3A_674 = arith.constant 131071 : i32
      %and3A_675 = vector.broadcast %and3A_674 : i32 to vector<16xi32>
      %and3A_676 = arith.andi %get3A_673, %and3A_675 : vector<16xi32>
      %swap3A_677 = arith.constant 1 : i32
      %swap3A_678 = arith.index_cast %swap3A_677 : i32 to index
      %swap3A_679 = arith.constant 80 : index
      %swap3A_680 = tpu.vector_load %arg11[%swap3A_678, %swap3A_679] {strides = array<i32>} : memref<4x128xi32, #tpu.memory_space<vmem>>, vector<16xi32>,
      tpu.vector_store %arg11[%swap3A_678, %swap3A_679], %and3A_676 {strides = array<i32>} : memref<4x128xi32, #tpu.memory_space<vmem>>, vector<16xi32>,
      %shift_right_logical3A_681 = arith.constant 17 : i32
      %shift_right_logical3A_682 = vector.broadcast %shift_right_logical3A_681 : i32 to vector<16xi32>
      %shift_right_logical3A_683 = arith.shrui %get3A_673, %shift_right_logical3A_682 : vector<16xi32>
      %add3A_684 = vector.broadcast %mul3A_5 : i32 to vector<16xi32>
      %add3A_685 = arith.addi %shift_right_logical3A_683, %add3A_684 : vector<16xi32>
      %swap3A_686 = arith.constant 1 : i32
      %swap3A_687 = arith.index_cast %swap3A_686 : i32 to index
      %swap3A_688 = arith.constant 80 : index
      %swap3A_689 = tpu.vector_load %arg12[%swap3A_687, %swap3A_688] {strides = array<i32>} : memref<4x128xi32, #tpu.memory_space<vmem>>, vector<16xi32>,
      tpu.vector_store %arg12[%swap3A_687, %swap3A_688], %add3A_685 {strides = array<i32>} : memref<4x128xi32, #tpu.memory_space<vmem>>, vector<16xi32>,
      %get3A_690 = arith.constant 224 : index
      %get3A_691 = tpu.vector_load %arg9[%get3A_690] {strides = array<i32>} : memref<10752xi32, #tpu.memory_space<vmem>>, vector<16xi32>,
      %and3A_692 = arith.constant 131071 : i32
      %and3A_693 = vector.broadcast %and3A_692 : i32 to vector<16xi32>
      %and3A_694 = arith.andi %get3A_691, %and3A_693 : vector<16xi32>
      %swap3A_695 = arith.constant 1 : i32
      %swap3A_696 = arith.index_cast %swap3A_695 : i32 to index
      %swap3A_697 = arith.constant 96 : index
      %swap3A_698 = tpu.vector_load %arg11[%swap3A_696, %swap3A_697] {strides = array<i32>} : memref<4x128xi32, #tpu.memory_space<vmem>>, vector<16xi32>,
      tpu.vector_store %arg11[%swap3A_696, %swap3A_697], %and3A_694 {strides = array<i32>} : memref<4x128xi32, #tpu.memory_space<vmem>>, vector<16xi32>,
      %shift_right_logical3A_699 = arith.constant 17 : i32
      %shift_right_logical3A_700 = vector.broadcast %shift_right_logical3A_699 : i32 to vector<16xi32>
      %shift_right_logical3A_701 = arith.shrui %get3A_691, %shift_right_logical3A_700 : vector<16xi32>
      %add3A_702 = vector.broadcast %mul3A_5 : i32 to vector<16xi32>
      %add3A_703 = arith.addi %shift_right_logical3A_701, %add3A_702 : vector<16xi32>
      %swap3A_704 = arith.constant 1 : i32
      %swap3A_705 = arith.index_cast %swap3A_704 : i32 to index
      %swap3A_706 = arith.constant 96 : index
      %swap3A_707 = tpu.vector_load %arg12[%swap3A_705, %swap3A_706] {strides = array<i32>} : memref<4x128xi32, #tpu.memory_space<vmem>>, vector<16xi32>,
      tpu.vector_store %arg12[%swap3A_705, %swap3A_706], %add3A_703 {strides = array<i32>} : memref<4x128xi32, #tpu.memory_space<vmem>>, vector<16xi32>,
      %get3A_708 = arith.constant 240 : index
      %get3A_709 = tpu.vector_load %arg9[%get3A_708] {strides = array<i32>} : memref<10752xi32, #tpu.memory_space<vmem>>, vector<16xi32>,
      %and3A_710 = arith.constant 131071 : i32
      %and3A_711 = vector.broadcast %and3A_710 : i32 to vector<16xi32>
      %and3A_712 = arith.andi %get3A_709, %and3A_711 : vector<16xi32>
      %swap3A_713 = arith.constant 1 : i32
      %swap3A_714 = arith.index_cast %swap3A_713 : i32 to index
      %swap3A_715 = arith.constant 112 : index
      %swap3A_716 = tpu.vector_load %arg11[%swap3A_714, %swap3A_715] {strides = array<i32>} : memref<4x128xi32, #tpu.memory_space<vmem>>, vector<16xi32>,
      tpu.vector_store %arg11[%swap3A_714, %swap3A_715], %and3A_712 {strides = array<i32>} : memref<4x128xi32, #tpu.memory_space<vmem>>, vector<16xi32>,
      %shift_right_logical3A_717 = arith.constant 17 : i32
      %shift_right_logical3A_718 = vector.broadcast %shift_right_logical3A_717 : i32 to vector<16xi32>
      %shift_right_logical3A_719 = arith.shrui %get3A_709, %shift_right_logical3A_718 : vector<16xi32>
      %add3A_720 = vector.broadcast %mul3A_5 : i32 to vector<16xi32>
      %add3A_721 = arith.addi %shift_right_logical3A_719, %add3A_720 : vector<16xi32>
      %swap3A_722 = arith.constant 1 : i32
      %swap3A_723 = arith.index_cast %swap3A_722 : i32 to index
      %swap3A_724 = arith.constant 112 : index
      %swap3A_725 = tpu.vector_load %arg12[%swap3A_723, %swap3A_724] {strides = array<i32>} : memref<4x128xi32, #tpu.memory_space<vmem>>, vector<16xi32>,
      tpu.vector_store %arg12[%swap3A_723, %swap3A_724], %add3A_721 {strides = array<i32>} : memref<4x128xi32, #tpu.memory_space<vmem>>, vector<16xi32>,
      %dma_start3A_726 = arith.constant 1 : i32
      %dma_start3A_727 = arith.constant 1 : i32
      %dma_start3A_728 = arith.constant 0 : i32
      %dma_start3A_729 = arith.constant 0 : i32
      %dma_start3A_730 = tpu.memref_slice %arg14[%dma_start3A_727, %dma_start3A_728, %dma_start3A_729] : memref<4x128x128xf32, #tpu.memory_space<vmem>> -> memref<1x128x128xf32, #tpu.memory_space<vmem>>
      %dma_start3A_731 = tpu.memref_squeeze %dma_start3A_730 : memref<1x128x128xf32, #tpu.memory_space<vmem>> -> memref<128x128xf32, #tpu.memory_space<vmem>>
      %dma_start3A_732 = arith.constant 0 : i32
      %dma_start3A_733 = tpu.memref_slice %arg11[%dma_start3A_726, %dma_start3A_732] : memref<4x128xi32, #tpu.memory_space<vmem>> -> memref<1x128xi32, #tpu.memory_space<vmem>>
      %dma_start3A_734 = tpu.memref_squeeze %dma_start3A_733 : memref<1x128xi32, #tpu.memory_space<vmem>> -> memref<128xi32, #tpu.memory_space<vmem>>
      %dma_start3A_735 = arith.constant 0 : i32
      %dma_start3A_736 = arith.constant 0 : i32
      %dma_start3A_737 = tpu.memref_slice %arg2[%dma_start3A_735, %dma_start3A_736] : memref<100000x128xf32, #tpu.memory_space<hbm>> -> memref<100000x128xf32, #tpu.memory_space<hbm>>
      tpu.enqueue_indirect_dma source(%dma_start3A_737 : memref<100000x128xf32, #tpu.memory_space<hbm>>) target(%dma_start3A_731 : memref<128x128xf32, #tpu.memory_space<vmem>>) offsets(%dma_start3A_734 : memref<128xi32, #tpu.memory_space<vmem>>) semaphore(%arg17 : memref<!tpu.dma_semaphore, #tpu.memory_space<semaphore_mem>>)
    } else {
    }
    %shift_right_logical3A_183 = arith.constant 2 : i32
    %shift_right_logical3A_184 = arith.shrui %shift_left3A_175, %shift_right_logical3A_183 : i32
    %sub3A = arith.constant 0 : i32
    %sub3A_185 = arith.subi %shift_right_logical3A_184, %sub3A : i32
    %sub3A_186 = arith.constant 1 : i32
    %sub3A_187 = arith.constant 1 : i32
    %sub3A_188 = arith.subi %sub3A_186, %sub3A_187 : i32
    %add3A_189 = arith.addi %sub3A_185, %sub3A_188 : i32
    %div3A = arith.constant 1 : i32
    %div3A_190 = arith.divsi %add3A_189, %div3A : i32
    %while3A = arith.constant 1 : i32
    %while3A_191 = arith.constant 0 : i32
    %while3A_192 = arith.constant 0 : i32
    %while3A_193 = arith.subi %div3A_190, %while3A_192 : i32
    %while3A_194 = arith.addi %while3A_192, %while3A_193 : i32
    %while3A_195 = arith.constant 1 : i32
    %while3A_196 = arith.divsi %while3A_193, %while3A_195 : i32
    %while3A_197 = arith.muli %while3A_196, %while3A_195 : i32
    %while3A_198 = arith.addi %while3A_192, %while3A_197 : i32
    %while3A_199 = arith.constant 1 : i32
    scf.for %while3A_427 = %while3A_192 to %while3A_198 step %while3A_199  : i32 {
      %mul3A_428 = arith.muli %while3A_427, %while3A : i32
      %add3A_429 = arith.addi %while3A_191, %mul3A_428 : i32
      %mul3A_430 = arith.constant 4 : i32
      %mul3A_431 = arith.muli %add3A_429, %mul3A_430 : i32
      %add3A_432 = arith.constant 0 : i32
      %add3A_433 = arith.addi %mul3A_431, %add3A_432 : i32
      %dma_wait3A_434 = arith.constant 0 : i32
      %dma_wait3A_435 = arith.constant 0 : i32
      %dma_wait3A_436 = arith.constant 0 : i32
      %dma_wait3A_437 = arith.constant 0 : i32
      %dma_wait3A_438 = tpu.memref_slice %arg14[%dma_wait3A_435, %dma_wait3A_436, %dma_wait3A_437] : memref<4x128x128xf32, #tpu.memory_space<vmem>> -> memref<1x128x128xf32, #tpu.memory_space<vmem>>
      %dma_wait3A_439 = tpu.memref_squeeze %dma_wait3A_438 : memref<1x128x128xf32, #tpu.memory_space<vmem>> -> memref<128x128xf32, #tpu.memory_space<vmem>>
      %dma_wait3A_440 = arith.constant 0 : i32
      %dma_wait3A_441 = tpu.memref_slice %arg11[%dma_wait3A_434, %dma_wait3A_440] : memref<4x128xi32, #tpu.memory_space<vmem>> -> memref<1x128xi32, #tpu.memory_space<vmem>>
      %dma_wait3A_442 = tpu.memref_squeeze %dma_wait3A_441 : memref<1x128xi32, #tpu.memory_space<vmem>> -> memref<128xi32, #tpu.memory_space<vmem>>
      %dma_wait3A_443 = arith.constant 0 : i32
      %dma_wait3A_444 = arith.constant 0 : i32
      %dma_wait3A_445 = tpu.memref_slice %arg2[%dma_wait3A_443, %dma_wait3A_444] : memref<100000x128xf32, #tpu.memory_space<hbm>> -> memref<100000x128xf32, #tpu.memory_space<hbm>>
      tpu.wait_indirect_dma semaphore(%arg16 : memref<!tpu.dma_semaphore, #tpu.memory_space<semaphore_mem>>) src(%dma_wait3A_445 : memref<100000x128xf32, #tpu.memory_space<hbm>>) dst(%dma_wait3A_439 : memref<128x128xf32, #tpu.memory_space<vmem>>)
      %dma_start3A_446 = arith.constant 0 : i32
      %dma_start3A_447 = arith.constant 0 : i32
      %dma_start3A_448 = arith.constant 0 : i32
      %dma_start3A_449 = arith.constant 0 : i32
      %dma_start3A_450 = tpu.memref_slice %arg14[%dma_start3A_446, %dma_start3A_448, %dma_start3A_449] : memref<4x128x128xf32, #tpu.memory_space<vmem>> -> memref<1x128x128xf32, #tpu.memory_space<vmem>>
      %dma_start3A_451 = tpu.memref_squeeze %dma_start3A_450 : memref<1x128x128xf32, #tpu.memory_space<vmem>> -> memref<128x128xf32, #tpu.memory_space<vmem>>
      %dma_start3A_452 = arith.constant 0 : i32
      %dma_start3A_453 = tpu.memref_slice %arg12[%dma_start3A_447, %dma_start3A_452] : memref<4x128xi32, #tpu.memory_space<vmem>> -> memref<1x128xi32, #tpu.memory_space<vmem>>
      %dma_start3A_454 = tpu.memref_squeeze %dma_start3A_453 : memref<1x128xi32, #tpu.memory_space<vmem>> -> memref<128xi32, #tpu.memory_space<vmem>>
      %dma_start3A_455 = arith.constant 0 : i32
      %dma_start3A_456 = arith.constant 0 : i32
      %dma_start3A_457 = tpu.memref_slice %arg15[%dma_start3A_455, %dma_start3A_456] : memref<5376x128xf32, #tpu.memory_space<vmem_shared>> -> memref<5376x128xf32, #tpu.memory_space<vmem_shared>>
      tpu.enqueue_indirect_dma source(%dma_start3A_451 : memref<128x128xf32, #tpu.memory_space<vmem>>) target(%dma_start3A_457 : memref<5376x128xf32, #tpu.memory_space<vmem_shared>>) offsets(%dma_start3A_454 : memref<128xi32, #tpu.memory_space<vmem>>) semaphore(%arg20 : memref<!tpu.dma_semaphore, #tpu.memory_space<semaphore_mem>>) {add = true}
      %ge3A_458 = arith.constant 2 : i32
      %ge3A_459 = arith.cmpi sge, %add3A_433, %ge3A_458 : i32
      %convert_element_type3A_460 = arith.extui %ge3A_459 : i1 to i32
      %cond3A_461 = arith.constant 0 : i32
      %cond3A_462 = arith.cmpi ne, %convert_element_type3A_460, %cond3A_461 : i32
      scf.if %cond3A_462 {
        %dma_wait3A_585 = arith.constant 2 : i32
        %dma_wait3A_586 = arith.constant 0 : i32
        %dma_wait3A_587 = arith.constant 0 : i32
        %dma_wait3A_588 = tpu.memref_slice %arg14[%dma_wait3A_585, %dma_wait3A_586, %dma_wait3A_587] : memref<4x128x128xf32, #tpu.memory_space<vmem>> -> memref<1x128x128xf32, #tpu.memory_space<vmem>>
        %dma_wait3A_589 = tpu.memref_squeeze %dma_wait3A_588 : memref<1x128x128xf32, #tpu.memory_space<vmem>> -> memref<128x128xf32, #tpu.memory_space<vmem>>
        %dma_wait3A_590 = arith.constant 0 : i32
        %dma_wait3A_591 = arith.constant 0 : i32
        %dma_wait3A_592 = tpu.memref_slice %arg6[%dma_wait3A_590, %dma_wait3A_591] : memref<336x128xf32, #tpu.memory_space<hbm>> -> memref<128x128xf32, #tpu.memory_space<hbm>>
        %dma_wait3A_593 = arith.constant 0 : i32
        %dma_wait3A_594 = arith.constant 0 : i32
        %dma_wait3A_595 = tpu.memref_slice %arg14[%dma_wait3A_585, %dma_wait3A_593, %dma_wait3A_594] : memref<4x128x128xf32, #tpu.memory_space<vmem>> -> memref<1x128x128xf32, #tpu.memory_space<vmem>>
        %dma_wait3A_596 = tpu.memref_squeeze %dma_wait3A_595 : memref<1x128x128xf32, #tpu.memory_space<vmem>> -> memref<128x128xf32, #tpu.memory_space<vmem>>
        %dma_wait3A_597 = arith.constant 0 : i32
        %dma_wait3A_598 = arith.constant 0 : i32
        %dma_wait3A_599 = tpu.memref_slice %arg6[%dma_wait3A_597, %dma_wait3A_598] : memref<336x128xf32, #tpu.memory_space<hbm>> -> memref<128x128xf32, #tpu.memory_space<hbm>>
        tpu.wait_dma2 semaphore(%arg22 : memref<!tpu.dma_semaphore, #tpu.memory_space<semaphore_mem>>) src(%dma_wait3A_599 : memref<128x128xf32, #tpu.memory_space<hbm>>) dst(%dma_wait3A_596 : memref<128x128xf32, #tpu.memory_space<vmem>>)
      } else {
      }
      %add3A_463 = arith.constant 2 : i32
      %add3A_464 = arith.addi %add3A_433, %add3A_463 : i32
      %lt3A = arith.cmpi slt, %add3A_464, %shift_left3A_175 : i32
      %convert_element_type3A_465 = arith.extui %lt3A : i1 to i32
      %cond3A_466 = arith.constant 0 : i32
      %cond3A_467 = arith.cmpi ne, %convert_element_type3A_465, %cond3A_466 : i32
      scf.if %cond3A_467 {
        %add3A_585 = arith.constant 2 : i32
        %add3A_586 = arith.addi %add3A_433, %add3A_585 : i32
        %mul3A_587 = arith.constant 128 : i32
        %mul3A_588 = arith.muli %add3A_586, %mul3A_587 : i32
        %add3A_589 = arith.constant 0 : i32
        %add3A_590 = arith.addi %mul3A_588, %add3A_589 : i32
        %get3A = arith.index_cast %add3A_590 : i32 to index
        %get3A_591 = tpu.vector_load %arg9[%get3A] {strides = array<i32>} : memref<10752xi32, #tpu.memory_space<vmem>>, vector<16xi32>,
        %and3A_592 = arith.constant 131071 : i32
        %and3A_593 = vector.broadcast %and3A_592 : i32 to vector<16xi32>
        %and3A_594 = arith.andi %get3A_591, %and3A_593 : vector<16xi32>
        %swap3A_595 = arith.constant 2 : i32
        %swap3A_596 = arith.index_cast %swap3A_595 : i32 to index
        %swap3A_597 = arith.constant 0 : index
        %swap3A_598 = tpu.vector_load %arg11[%swap3A_596, %swap3A_597] {strides = array<i32>} : memref<4x128xi32, #tpu.memory_space<vmem>>, vector<16xi32>,
        tpu.vector_store %arg11[%swap3A_596, %swap3A_597], %and3A_594 {strides = array<i32>} : memref<4x128xi32, #tpu.memory_space<vmem>>, vector<16xi32>,
        %shift_right_logical3A_599 = arith.constant 17 : i32
        %shift_right_logical3A_600 = vector.broadcast %shift_right_logical3A_599 : i32 to vector<16xi32>
        %shift_right_logical3A_601 = arith.shrui %get3A_591, %shift_right_logical3A_600 : vector<16xi32>
        %add3A_602 = vector.broadcast %mul3A_5 : i32 to vector<16xi32>
        %add3A_603 = arith.addi %shift_right_logical3A_601, %add3A_602 : vector<16xi32>
        %swap3A_604 = arith.constant 2 : i32
        %swap3A_605 = arith.index_cast %swap3A_604 : i32 to index
        %swap3A_606 = arith.constant 0 : index
        %swap3A_607 = tpu.vector_load %arg12[%swap3A_605, %swap3A_606] {strides = array<i32>} : memref<4x128xi32, #tpu.memory_space<vmem>>, vector<16xi32>,
        tpu.vector_store %arg12[%swap3A_605, %swap3A_606], %add3A_603 {strides = array<i32>} : memref<4x128xi32, #tpu.memory_space<vmem>>, vector<16xi32>,
        %mul3A_608 = arith.constant 128 : i32
        %mul3A_609 = arith.muli %add3A_586, %mul3A_608 : i32
        %add3A_610 = arith.constant 16 : i32
        %add3A_611 = arith.addi %mul3A_609, %add3A_610 : i32
        %get3A_612 = arith.index_cast %add3A_611 : i32 to index
        %get3A_613 = tpu.vector_load %arg9[%get3A_612] {strides = array<i32>} : memref<10752xi32, #tpu.memory_space<vmem>>, vector<16xi32>,
        %and3A_614 = arith.constant 131071 : i32
        %and3A_615 = vector.broadcast %and3A_614 : i32 to vector<16xi32>
        %and3A_616 = arith.andi %get3A_613, %and3A_615 : vector<16xi32>
        %swap3A_617 = arith.constant 2 : i32
        %swap3A_618 = arith.index_cast %swap3A_617 : i32 to index
        %swap3A_619 = arith.constant 16 : index
        %swap3A_620 = tpu.vector_load %arg11[%swap3A_618, %swap3A_619] {strides = array<i32>} : memref<4x128xi32, #tpu.memory_space<vmem>>, vector<16xi32>,
        tpu.vector_store %arg11[%swap3A_618, %swap3A_619], %and3A_616 {strides = array<i32>} : memref<4x128xi32, #tpu.memory_space<vmem>>, vector<16xi32>,
        %shift_right_logical3A_621 = arith.constant 17 : i32
        %shift_right_logical3A_622 = vector.broadcast %shift_right_logical3A_621 : i32 to vector<16xi32>
        %shift_right_logical3A_623 = arith.shrui %get3A_613, %shift_right_logical3A_622 : vector<16xi32>
        %add3A_624 = vector.broadcast %mul3A_5 : i32 to vector<16xi32>
        %add3A_625 = arith.addi %shift_right_logical3A_623, %add3A_624 : vector<16xi32>
        %swap3A_626 = arith.constant 2 : i32
        %swap3A_627 = arith.index_cast %swap3A_626 : i32 to index
        %swap3A_628 = arith.constant 16 : index
        %swap3A_629 = tpu.vector_load %arg12[%swap3A_627, %swap3A_628] {strides = array<i32>} : memref<4x128xi32, #tpu.memory_space<vmem>>, vector<16xi32>,
        tpu.vector_store %arg12[%swap3A_627, %swap3A_628], %add3A_625 {strides = array<i32>} : memref<4x128xi32, #tpu.memory_space<vmem>>, vector<16xi32>,
        %mul3A_630 = arith.constant 128 : i32
        %mul3A_631 = arith.muli %add3A_586, %mul3A_630 : i32
        %add3A_632 = arith.constant 32 : i32
        %add3A_633 = arith.addi %mul3A_631, %add3A_632 : i32
        %get3A_634 = arith.index_cast %add3A_633 : i32 to index
        %get3A_635 = tpu.vector_load %arg9[%get3A_634] {strides = array<i32>} : memref<10752xi32, #tpu.memory_space<vmem>>, vector<16xi32>,
        %and3A_636 = arith.constant 131071 : i32
        %and3A_637 = vector.broadcast %and3A_636 : i32 to vector<16xi32>
        %and3A_638 = arith.andi %get3A_635, %and3A_637 : vector<16xi32>
        %swap3A_639 = arith.constant 2 : i32
        %swap3A_640 = arith.index_cast %swap3A_639 : i32 to index
        %swap3A_641 = arith.constant 32 : index
        %swap3A_642 = tpu.vector_load %arg11[%swap3A_640, %swap3A_641] {strides = array<i32>} : memref<4x128xi32, #tpu.memory_space<vmem>>, vector<16xi32>,
        tpu.vector_store %arg11[%swap3A_640, %swap3A_641], %and3A_638 {strides = array<i32>} : memref<4x128xi32, #tpu.memory_space<vmem>>, vector<16xi32>,
        %shift_right_logical3A_643 = arith.constant 17 : i32
        %shift_right_logical3A_644 = vector.broadcast %shift_right_logical3A_643 : i32 to vector<16xi32>
        %shift_right_logical3A_645 = arith.shrui %get3A_635, %shift_right_logical3A_644 : vector<16xi32>
        %add3A_646 = vector.broadcast %mul3A_5 : i32 to vector<16xi32>
        %add3A_647 = arith.addi %shift_right_logical3A_645, %add3A_646 : vector<16xi32>
        %swap3A_648 = arith.constant 2 : i32
        %swap3A_649 = arith.index_cast %swap3A_648 : i32 to index
        %swap3A_650 = arith.constant 32 : index
        %swap3A_651 = tpu.vector_load %arg12[%swap3A_649, %swap3A_650] {strides = array<i32>} : memref<4x128xi32, #tpu.memory_space<vmem>>, vector<16xi32>,
        tpu.vector_store %arg12[%swap3A_649, %swap3A_650], %add3A_647 {strides = array<i32>} : memref<4x128xi32, #tpu.memory_space<vmem>>, vector<16xi32>,
        %mul3A_652 = arith.constant 128 : i32
        %mul3A_653 = arith.muli %add3A_586, %mul3A_652 : i32
        %add3A_654 = arith.constant 48 : i32
        %add3A_655 = arith.addi %mul3A_653, %add3A_654 : i32
        %get3A_656 = arith.index_cast %add3A_655 : i32 to index
        %get3A_657 = tpu.vector_load %arg9[%get3A_656] {strides = array<i32>} : memref<10752xi32, #tpu.memory_space<vmem>>, vector<16xi32>,
        %and3A_658 = arith.constant 131071 : i32
        %and3A_659 = vector.broadcast %and3A_658 : i32 to vector<16xi32>
        %and3A_660 = arith.andi %get3A_657, %and3A_659 : vector<16xi32>
        %swap3A_661 = arith.constant 2 : i32
        %swap3A_662 = arith.index_cast %swap3A_661 : i32 to index
        %swap3A_663 = arith.constant 48 : index
        %swap3A_664 = tpu.vector_load %arg11[%swap3A_662, %swap3A_663] {strides = array<i32>} : memref<4x128xi32, #tpu.memory_space<vmem>>, vector<16xi32>,
        tpu.vector_store %arg11[%swap3A_662, %swap3A_663], %and3A_660 {strides = array<i32>} : memref<4x128xi32, #tpu.memory_space<vmem>>, vector<16xi32>,
        %shift_right_logical3A_665 = arith.constant 17 : i32
        %shift_right_logical3A_666 = vector.broadcast %shift_right_logical3A_665 : i32 to vector<16xi32>
        %shift_right_logical3A_667 = arith.shrui %get3A_657, %shift_right_logical3A_666 : vector<16xi32>
        %add3A_668 = vector.broadcast %mul3A_5 : i32 to vector<16xi32>
        %add3A_669 = arith.addi %shift_right_logical3A_667, %add3A_668 : vector<16xi32>
        %swap3A_670 = arith.constant 2 : i32
        %swap3A_671 = arith.index_cast %swap3A_670 : i32 to index
        %swap3A_672 = arith.constant 48 : index
        %swap3A_673 = tpu.vector_load %arg12[%swap3A_671, %swap3A_672] {strides = array<i32>} : memref<4x128xi32, #tpu.memory_space<vmem>>, vector<16xi32>,
        tpu.vector_store %arg12[%swap3A_671, %swap3A_672], %add3A_669 {strides = array<i32>} : memref<4x128xi32, #tpu.memory_space<vmem>>, vector<16xi32>,
        %mul3A_674 = arith.constant 128 : i32
        %mul3A_675 = arith.muli %add3A_586, %mul3A_674 : i32
        %add3A_676 = arith.constant 64 : i32
        %add3A_677 = arith.addi %mul3A_675, %add3A_676 : i32
        %get3A_678 = arith.index_cast %add3A_677 : i32 to index
        %get3A_679 = tpu.vector_load %arg9[%get3A_678] {strides = array<i32>} : memref<10752xi32, #tpu.memory_space<vmem>>, vector<16xi32>,
        %and3A_680 = arith.constant 131071 : i32
        %and3A_681 = vector.broadcast %and3A_680 : i32 to vector<16xi32>
        %and3A_682 = arith.andi %get3A_679, %and3A_681 : vector<16xi32>
        %swap3A_683 = arith.constant 2 : i32
        %swap3A_684 = arith.index_cast %swap3A_683 : i32 to index
        %swap3A_685 = arith.constant 64 : index
        %swap3A_686 = tpu.vector_load %arg11[%swap3A_684, %swap3A_685] {strides = array<i32>} : memref<4x128xi32, #tpu.memory_space<vmem>>, vector<16xi32>,
        tpu.vector_store %arg11[%swap3A_684, %swap3A_685], %and3A_682 {strides = array<i32>} : memref<4x128xi32, #tpu.memory_space<vmem>>, vector<16xi32>,
        %shift_right_logical3A_687 = arith.constant 17 : i32
        %shift_right_logical3A_688 = vector.broadcast %shift_right_logical3A_687 : i32 to vector<16xi32>
        %shift_right_logical3A_689 = arith.shrui %get3A_679, %shift_right_logical3A_688 : vector<16xi32>
        %add3A_690 = vector.broadcast %mul3A_5 : i32 to vector<16xi32>
        %add3A_691 = arith.addi %shift_right_logical3A_689, %add3A_690 : vector<16xi32>
        %swap3A_692 = arith.constant 2 : i32
        %swap3A_693 = arith.index_cast %swap3A_692 : i32 to index
        %swap3A_694 = arith.constant 64 : index
        %swap3A_695 = tpu.vector_load %arg12[%swap3A_693, %swap3A_694] {strides = array<i32>} : memref<4x128xi32, #tpu.memory_space<vmem>>, vector<16xi32>,
        tpu.vector_store %arg12[%swap3A_693, %swap3A_694], %add3A_691 {strides = array<i32>} : memref<4x128xi32, #tpu.memory_space<vmem>>, vector<16xi32>,
        %mul3A_696 = arith.constant 128 : i32
        %mul3A_697 = arith.muli %add3A_586, %mul3A_696 : i32
        %add3A_698 = arith.constant 80 : i32
        %add3A_699 = arith.addi %mul3A_697, %add3A_698 : i32
        %get3A_700 = arith.index_cast %add3A_699 : i32 to index
        %get3A_701 = tpu.vector_load %arg9[%get3A_700] {strides = array<i32>} : memref<10752xi32, #tpu.memory_space<vmem>>, vector<16xi32>,
        %and3A_702 = arith.constant 131071 : i32
        %and3A_703 = vector.broadcast %and3A_702 : i32 to vector<16xi32>
        %and3A_704 = arith.andi %get3A_701, %and3A_703 : vector<16xi32>
        %swap3A_705 = arith.constant 2 : i32
        %swap3A_706 = arith.index_cast %swap3A_705 : i32 to index
        %swap3A_707 = arith.constant 80 : index
        %swap3A_708 = tpu.vector_load %arg11[%swap3A_706, %swap3A_707] {strides = array<i32>} : memref<4x128xi32, #tpu.memory_space<vmem>>, vector<16xi32>,
        tpu.vector_store %arg11[%swap3A_706, %swap3A_707], %and3A_704 {strides = array<i32>} : memref<4x128xi32, #tpu.memory_space<vmem>>, vector<16xi32>,
        %shift_right_logical3A_709 = arith.constant 17 : i32
        %shift_right_logical3A_710 = vector.broadcast %shift_right_logical3A_709 : i32 to vector<16xi32>
        %shift_right_logical3A_711 = arith.shrui %get3A_701, %shift_right_logical3A_710 : vector<16xi32>
        %add3A_712 = vector.broadcast %mul3A_5 : i32 to vector<16xi32>
        %add3A_713 = arith.addi %shift_right_logical3A_711, %add3A_712 : vector<16xi32>
        %swap3A_714 = arith.constant 2 : i32
        %swap3A_715 = arith.index_cast %swap3A_714 : i32 to index
        %swap3A_716 = arith.constant 80 : index
        %swap3A_717 = tpu.vector_load %arg12[%swap3A_715, %swap3A_716] {strides = array<i32>} : memref<4x128xi32, #tpu.memory_space<vmem>>, vector<16xi32>,
        tpu.vector_store %arg12[%swap3A_715, %swap3A_716], %add3A_713 {strides = array<i32>} : memref<4x128xi32, #tpu.memory_space<vmem>>, vector<16xi32>,
        %mul3A_718 = arith.constant 128 : i32
        %mul3A_719 = arith.muli %add3A_586, %mul3A_718 : i32
        %add3A_720 = arith.constant 96 : i32
        %add3A_721 = arith.addi %mul3A_719, %add3A_720 : i32
        %get3A_722 = arith.index_cast %add3A_721 : i32 to index
        %get3A_723 = tpu.vector_load %arg9[%get3A_722] {strides = array<i32>} : memref<10752xi32, #tpu.memory_space<vmem>>, vector<16xi32>,
        %and3A_724 = arith.constant 131071 : i32
        %and3A_725 = vector.broadcast %and3A_724 : i32 to vector<16xi32>
        %and3A_726 = arith.andi %get3A_723, %and3A_725 : vector<16xi32>
        %swap3A_727 = arith.constant 2 : i32
        %swap3A_728 = arith.index_cast %swap3A_727 : i32 to index
        %swap3A_729 = arith.constant 96 : index
        %swap3A_730 = tpu.vector_load %arg11[%swap3A_728, %swap3A_729] {strides = array<i32>} : memref<4x128xi32, #tpu.memory_space<vmem>>, vector<16xi32>,
        tpu.vector_store %arg11[%swap3A_728, %swap3A_729], %and3A_726 {strides = array<i32>} : memref<4x128xi32, #tpu.memory_space<vmem>>, vector<16xi32>,
        %shift_right_logical3A_731 = arith.constant 17 : i32
        %shift_right_logical3A_732 = vector.broadcast %shift_right_logical3A_731 : i32 to vector<16xi32>
        %shift_right_logical3A_733 = arith.shrui %get3A_723, %shift_right_logical3A_732 : vector<16xi32>
        %add3A_734 = vector.broadcast %mul3A_5 : i32 to vector<16xi32>
        %add3A_735 = arith.addi %shift_right_logical3A_733, %add3A_734 : vector<16xi32>
        %swap3A_736 = arith.constant 2 : i32
        %swap3A_737 = arith.index_cast %swap3A_736 : i32 to index
        %swap3A_738 = arith.constant 96 : index
        %swap3A_739 = tpu.vector_load %arg12[%swap3A_737, %swap3A_738] {strides = array<i32>} : memref<4x128xi32, #tpu.memory_space<vmem>>, vector<16xi32>,
        tpu.vector_store %arg12[%swap3A_737, %swap3A_738], %add3A_735 {strides = array<i32>} : memref<4x128xi32, #tpu.memory_space<vmem>>, vector<16xi32>,
        %mul3A_740 = arith.constant 128 : i32
        %mul3A_741 = arith.muli %add3A_586, %mul3A_740 : i32
        %add3A_742 = arith.constant 112 : i32
        %add3A_743 = arith.addi %mul3A_741, %add3A_742 : i32
        %get3A_744 = arith.index_cast %add3A_743 : i32 to index
        %get3A_745 = tpu.vector_load %arg9[%get3A_744] {strides = array<i32>} : memref<10752xi32, #tpu.memory_space<vmem>>, vector<16xi32>,
        %and3A_746 = arith.constant 131071 : i32
        %and3A_747 = vector.broadcast %and3A_746 : i32 to vector<16xi32>
        %and3A_748 = arith.andi %get3A_745, %and3A_747 : vector<16xi32>
        %swap3A_749 = arith.constant 2 : i32
        %swap3A_750 = arith.index_cast %swap3A_749 : i32 to index
        %swap3A_751 = arith.constant 112 : index
        %swap3A_752 = tpu.vector_load %arg11[%swap3A_750, %swap3A_751] {strides = array<i32>} : memref<4x128xi32, #tpu.memory_space<vmem>>, vector<16xi32>,
        tpu.vector_store %arg11[%swap3A_750, %swap3A_751], %and3A_748 {strides = array<i32>} : memref<4x128xi32, #tpu.memory_space<vmem>>, vector<16xi32>,
        %shift_right_logical3A_753 = arith.constant 17 : i32
        %shift_right_logical3A_754 = vector.broadcast %shift_right_logical3A_753 : i32 to vector<16xi32>
        %shift_right_logical3A_755 = arith.shrui %get3A_745, %shift_right_logical3A_754 : vector<16xi32>
        %add3A_756 = vector.broadcast %mul3A_5 : i32 to vector<16xi32>
        %add3A_757 = arith.addi %shift_right_logical3A_755, %add3A_756 : vector<16xi32>
        %swap3A_758 = arith.constant 2 : i32
        %swap3A_759 = arith.index_cast %swap3A_758 : i32 to index
        %swap3A_760 = arith.constant 112 : index
        %swap3A_761 = tpu.vector_load %arg12[%swap3A_759, %swap3A_760] {strides = array<i32>} : memref<4x128xi32, #tpu.memory_space<vmem>>, vector<16xi32>,
        tpu.vector_store %arg12[%swap3A_759, %swap3A_760], %add3A_757 {strides = array<i32>} : memref<4x128xi32, #tpu.memory_space<vmem>>, vector<16xi32>,
        %dma_start3A_762 = arith.constant 2 : i32
        %dma_start3A_763 = arith.constant 2 : i32
        %dma_start3A_764 = arith.constant 0 : i32
        %dma_start3A_765 = arith.constant 0 : i32
        %dma_start3A_766 = tpu.memref_slice %arg14[%dma_start3A_763, %dma_start3A_764, %dma_start3A_765] : memref<4x128x128xf32, #tpu.memory_space<vmem>> -> memref<1x128x128xf32, #tpu.memory_space<vmem>>
        %dma_start3A_767 = tpu.memref_squeeze %dma_start3A_766 : memref<1x128x128xf32, #tpu.memory_space<vmem>> -> memref<128x128xf32, #tpu.memory_space<vmem>>
        %dma_start3A_768 = arith.constant 0 : i32
        %dma_start3A_769 = tpu.memref_slice %arg11[%dma_start3A_762, %dma_start3A_768] : memref<4x128xi32, #tpu.memory_space<vmem>> -> memref<1x128xi32, #tpu.memory_space<vmem>>
        %dma_start3A_770 = tpu.memref_squeeze %dma_start3A_769 : memref<1x128xi32, #tpu.memory_space<vmem>> -> memref<128xi32, #tpu.memory_space<vmem>>
        %dma_start3A_771 = arith.constant 0 : i32
        %dma_start3A_772 = arith.constant 0 : i32
        %dma_start3A_773 = tpu.memref_slice %arg2[%dma_start3A_771, %dma_start3A_772] : memref<100000x128xf32, #tpu.memory_space<hbm>> -> memref<100000x128xf32, #tpu.memory_space<hbm>>
        tpu.enqueue_indirect_dma source(%dma_start3A_773 : memref<100000x128xf32, #tpu.memory_space<hbm>>) target(%dma_start3A_767 : memref<128x128xf32, #tpu.memory_space<vmem>>) offsets(%dma_start3A_770 : memref<128xi32, #tpu.memory_space<vmem>>) semaphore(%arg18 : memref<!tpu.dma_semaphore, #tpu.memory_space<semaphore_mem>>)
      } else {
      }
      %mul3A_468 = arith.constant 4 : i32
      %mul3A_469 = arith.muli %add3A_429, %mul3A_468 : i32
      %add3A_470 = arith.constant 1 : i32
      %add3A_471 = arith.addi %mul3A_469, %add3A_470 : i32
      %dma_wait3A_472 = arith.constant 1 : i32
      %dma_wait3A_473 = arith.constant 1 : i32
      %dma_wait3A_474 = arith.constant 0 : i32
      %dma_wait3A_475 = arith.constant 0 : i32
      %dma_wait3A_476 = tpu.memref_slice %arg14[%dma_wait3A_473, %dma_wait3A_474, %dma_wait3A_475] : memref<4x128x128xf32, #tpu.memory_space<vmem>> -> memref<1x128x128xf32, #tpu.memory_space<vmem>>
      %dma_wait3A_477 = tpu.memref_squeeze %dma_wait3A_476 : memref<1x128x128xf32, #tpu.memory_space<vmem>> -> memref<128x128xf32, #tpu.memory_space<vmem>>
      %dma_wait3A_478 = arith.constant 0 : i32
      %dma_wait3A_479 = tpu.memref_slice %arg11[%dma_wait3A_472, %dma_wait3A_478] : memref<4x128xi32, #tpu.memory_space<vmem>> -> memref<1x128xi32, #tpu.memory_space<vmem>>
      %dma_wait3A_480 = tpu.memref_squeeze %dma_wait3A_479 : memref<1x128xi32, #tpu.memory_space<vmem>> -> memref<128xi32, #tpu.memory_space<vmem>>
      %dma_wait3A_481 = arith.constant 0 : i32
      %dma_wait3A_482 = arith.constant 0 : i32
      %dma_wait3A_483 = tpu.memref_slice %arg2[%dma_wait3A_481, %dma_wait3A_482] : memref<100000x128xf32, #tpu.memory_space<hbm>> -> memref<100000x128xf32, #tpu.memory_space<hbm>>
      tpu.wait_indirect_dma semaphore(%arg17 : memref<!tpu.dma_semaphore, #tpu.memory_space<semaphore_mem>>) src(%dma_wait3A_483 : memref<100000x128xf32, #tpu.memory_space<hbm>>) dst(%dma_wait3A_477 : memref<128x128xf32, #tpu.memory_space<vmem>>)
      %dma_start3A_484 = arith.constant 1 : i32
      %dma_start3A_485 = arith.constant 1 : i32
      %dma_start3A_486 = arith.constant 0 : i32
      %dma_start3A_487 = arith.constant 0 : i32
      %dma_start3A_488 = tpu.memref_slice %arg14[%dma_start3A_484, %dma_start3A_486, %dma_start3A_487] : memref<4x128x128xf32, #tpu.memory_space<vmem>> -> memref<1x128x128xf32, #tpu.memory_space<vmem>>
      %dma_start3A_489 = tpu.memref_squeeze %dma_start3A_488 : memref<1x128x128xf32, #tpu.memory_space<vmem>> -> memref<128x128xf32, #tpu.memory_space<vmem>>
      %dma_start3A_490 = arith.constant 0 : i32
      %dma_start3A_491 = tpu.memref_slice %arg12[%dma_start3A_485, %dma_start3A_490] : memref<4x128xi32, #tpu.memory_space<vmem>> -> memref<1x128xi32, #tpu.memory_space<vmem>>
      %dma_start3A_492 = tpu.memref_squeeze %dma_start3A_491 : memref<1x128xi32, #tpu.memory_space<vmem>> -> memref<128xi32, #tpu.memory_space<vmem>>
      %dma_start3A_493 = arith.constant 0 : i32
      %dma_start3A_494 = arith.constant 0 : i32
      %dma_start3A_495 = tpu.memref_slice %arg15[%dma_start3A_493, %dma_start3A_494] : memref<5376x128xf32, #tpu.memory_space<vmem_shared>> -> memref<5376x128xf32, #tpu.memory_space<vmem_shared>>
      tpu.enqueue_indirect_dma source(%dma_start3A_489 : memref<128x128xf32, #tpu.memory_space<vmem>>) target(%dma_start3A_495 : memref<5376x128xf32, #tpu.memory_space<vmem_shared>>) offsets(%dma_start3A_492 : memref<128xi32, #tpu.memory_space<vmem>>) semaphore(%arg21 : memref<!tpu.dma_semaphore, #tpu.memory_space<semaphore_mem>>) {add = true}
      %ge3A_496 = arith.constant 2 : i32
      %ge3A_497 = arith.cmpi sge, %add3A_471, %ge3A_496 : i32
      %convert_element_type3A_498 = arith.extui %ge3A_497 : i1 to i32
      %cond3A_499 = arith.constant 0 : i32
      %cond3A_500 = arith.cmpi ne, %convert_element_type3A_498, %cond3A_499 : i32
      scf.if %cond3A_500 {
        %dma_wait3A_585 = arith.constant 3 : i32
        %dma_wait3A_586 = arith.constant 0 : i32
        %dma_wait3A_587 = arith.constant 0 : i32
        %dma_wait3A_588 = tpu.memref_slice %arg14[%dma_wait3A_585, %dma_wait3A_586, %dma_wait3A_587] : memref<4x128x128xf32, #tpu.memory_space<vmem>> -> memref<1x128x128xf32, #tpu.memory_space<vmem>>
        %dma_wait3A_589 = tpu.memref_squeeze %dma_wait3A_588 : memref<1x128x128xf32, #tpu.memory_space<vmem>> -> memref<128x128xf32, #tpu.memory_space<vmem>>
        %dma_wait3A_590 = arith.constant 0 : i32
        %dma_wait3A_591 = arith.constant 0 : i32
        %dma_wait3A_592 = tpu.memref_slice %arg6[%dma_wait3A_590, %dma_wait3A_591] : memref<336x128xf32, #tpu.memory_space<hbm>> -> memref<128x128xf32, #tpu.memory_space<hbm>>
        %dma_wait3A_593 = arith.constant 0 : i32
        %dma_wait3A_594 = arith.constant 0 : i32
        %dma_wait3A_595 = tpu.memref_slice %arg14[%dma_wait3A_585, %dma_wait3A_593, %dma_wait3A_594] : memref<4x128x128xf32, #tpu.memory_space<vmem>> -> memref<1x128x128xf32, #tpu.memory_space<vmem>>
        %dma_wait3A_596 = tpu.memref_squeeze %dma_wait3A_595 : memref<1x128x128xf32, #tpu.memory_space<vmem>> -> memref<128x128xf32, #tpu.memory_space<vmem>>
        %dma_wait3A_597 = arith.constant 0 : i32
        %dma_wait3A_598 = arith.constant 0 : i32
        %dma_wait3A_599 = tpu.memref_slice %arg6[%dma_wait3A_597, %dma_wait3A_598] : memref<336x128xf32, #tpu.memory_space<hbm>> -> memref<128x128xf32, #tpu.memory_space<hbm>>
        tpu.wait_dma2 semaphore(%arg23 : memref<!tpu.dma_semaphore, #tpu.memory_space<semaphore_mem>>) src(%dma_wait3A_599 : memref<128x128xf32, #tpu.memory_space<hbm>>) dst(%dma_wait3A_596 : memref<128x128xf32, #tpu.memory_space<vmem>>)
      } else {
      }
      %add3A_501 = arith.constant 2 : i32
      %add3A_502 = arith.addi %add3A_471, %add3A_501 : i32
      %lt3A_503 = arith.cmpi slt, %add3A_502, %shift_left3A_175 : i32
      %convert_element_type3A_504 = arith.extui %lt3A_503 : i1 to i32
      %cond3A_505 = arith.constant 0 : i32
      %cond3A_506 = arith.cmpi ne, %convert_element_type3A_504, %cond3A_505 : i32
      scf.if %cond3A_506 {
        %add3A_585 = arith.constant 2 : i32
        %add3A_586 = arith.addi %add3A_471, %add3A_585 : i32
        %mul3A_587 = arith.constant 128 : i32
        %mul3A_588 = arith.muli %add3A_586, %mul3A_587 : i32
        %add3A_589 = arith.constant 0 : i32
        %add3A_590 = arith.addi %mul3A_588, %add3A_589 : i32
        %get3A = arith.index_cast %add3A_590 : i32 to index
        %get3A_591 = tpu.vector_load %arg9[%get3A] {strides = array<i32>} : memref<10752xi32, #tpu.memory_space<vmem>>, vector<16xi32>,
        %and3A_592 = arith.constant 131071 : i32
        %and3A_593 = vector.broadcast %and3A_592 : i32 to vector<16xi32>
        %and3A_594 = arith.andi %get3A_591, %and3A_593 : vector<16xi32>
        %swap3A_595 = arith.constant 3 : i32
        %swap3A_596 = arith.index_cast %swap3A_595 : i32 to index
        %swap3A_597 = arith.constant 0 : index
        %swap3A_598 = tpu.vector_load %arg11[%swap3A_596, %swap3A_597] {strides = array<i32>} : memref<4x128xi32, #tpu.memory_space<vmem>>, vector<16xi32>,
        tpu.vector_store %arg11[%swap3A_596, %swap3A_597], %and3A_594 {strides = array<i32>} : memref<4x128xi32, #tpu.memory_space<vmem>>, vector<16xi32>,
        %shift_right_logical3A_599 = arith.constant 17 : i32
        %shift_right_logical3A_600 = vector.broadcast %shift_right_logical3A_599 : i32 to vector<16xi32>
        %shift_right_logical3A_601 = arith.shrui %get3A_591, %shift_right_logical3A_600 : vector<16xi32>
        %add3A_602 = vector.broadcast %mul3A_5 : i32 to vector<16xi32>
        %add3A_603 = arith.addi %shift_right_logical3A_601, %add3A_602 : vector<16xi32>
        %swap3A_604 = arith.constant 3 : i32
        %swap3A_605 = arith.index_cast %swap3A_604 : i32 to index
        %swap3A_606 = arith.constant 0 : index
        %swap3A_607 = tpu.vector_load %arg12[%swap3A_605, %swap3A_606] {strides = array<i32>} : memref<4x128xi32, #tpu.memory_space<vmem>>, vector<16xi32>,
        tpu.vector_store %arg12[%swap3A_605, %swap3A_606], %add3A_603 {strides = array<i32>} : memref<4x128xi32, #tpu.memory_space<vmem>>, vector<16xi32>,
        %mul3A_608 = arith.constant 128 : i32
        %mul3A_609 = arith.muli %add3A_586, %mul3A_608 : i32
        %add3A_610 = arith.constant 16 : i32
        %add3A_611 = arith.addi %mul3A_609, %add3A_610 : i32
        %get3A_612 = arith.index_cast %add3A_611 : i32 to index
        %get3A_613 = tpu.vector_load %arg9[%get3A_612] {strides = array<i32>} : memref<10752xi32, #tpu.memory_space<vmem>>, vector<16xi32>,
        %and3A_614 = arith.constant 131071 : i32
        %and3A_615 = vector.broadcast %and3A_614 : i32 to vector<16xi32>
        %and3A_616 = arith.andi %get3A_613, %and3A_615 : vector<16xi32>
        %swap3A_617 = arith.constant 3 : i32
        %swap3A_618 = arith.index_cast %swap3A_617 : i32 to index
        %swap3A_619 = arith.constant 16 : index
        %swap3A_620 = tpu.vector_load %arg11[%swap3A_618, %swap3A_619] {strides = array<i32>} : memref<4x128xi32, #tpu.memory_space<vmem>>, vector<16xi32>,
        tpu.vector_store %arg11[%swap3A_618, %swap3A_619], %and3A_616 {strides = array<i32>} : memref<4x128xi32, #tpu.memory_space<vmem>>, vector<16xi32>,
        %shift_right_logical3A_621 = arith.constant 17 : i32
        %shift_right_logical3A_622 = vector.broadcast %shift_right_logical3A_621 : i32 to vector<16xi32>
        %shift_right_logical3A_623 = arith.shrui %get3A_613, %shift_right_logical3A_622 : vector<16xi32>
        %add3A_624 = vector.broadcast %mul3A_5 : i32 to vector<16xi32>
        %add3A_625 = arith.addi %shift_right_logical3A_623, %add3A_624 : vector<16xi32>
        %swap3A_626 = arith.constant 3 : i32
        %swap3A_627 = arith.index_cast %swap3A_626 : i32 to index
        %swap3A_628 = arith.constant 16 : index
        %swap3A_629 = tpu.vector_load %arg12[%swap3A_627, %swap3A_628] {strides = array<i32>} : memref<4x128xi32, #tpu.memory_space<vmem>>, vector<16xi32>,
        tpu.vector_store %arg12[%swap3A_627, %swap3A_628], %add3A_625 {strides = array<i32>} : memref<4x128xi32, #tpu.memory_space<vmem>>, vector<16xi32>,
        %mul3A_630 = arith.constant 128 : i32
        %mul3A_631 = arith.muli %add3A_586, %mul3A_630 : i32
        %add3A_632 = arith.constant 32 : i32
        %add3A_633 = arith.addi %mul3A_631, %add3A_632 : i32
        %get3A_634 = arith.index_cast %add3A_633 : i32 to index
        %get3A_635 = tpu.vector_load %arg9[%get3A_634] {strides = array<i32>} : memref<10752xi32, #tpu.memory_space<vmem>>, vector<16xi32>,
        %and3A_636 = arith.constant 131071 : i32
        %and3A_637 = vector.broadcast %and3A_636 : i32 to vector<16xi32>
        %and3A_638 = arith.andi %get3A_635, %and3A_637 : vector<16xi32>
        %swap3A_639 = arith.constant 3 : i32
        %swap3A_640 = arith.index_cast %swap3A_639 : i32 to index
        %swap3A_641 = arith.constant 32 : index
        %swap3A_642 = tpu.vector_load %arg11[%swap3A_640, %swap3A_641] {strides = array<i32>} : memref<4x128xi32, #tpu.memory_space<vmem>>, vector<16xi32>,
        tpu.vector_store %arg11[%swap3A_640, %swap3A_641], %and3A_638 {strides = array<i32>} : memref<4x128xi32, #tpu.memory_space<vmem>>, vector<16xi32>,
        %shift_right_logical3A_643 = arith.constant 17 : i32
        %shift_right_logical3A_644 = vector.broadcast %shift_right_logical3A_643 : i32 to vector<16xi32>
        %shift_right_logical3A_645 = arith.shrui %get3A_635, %shift_right_logical3A_644 : vector<16xi32>
        %add3A_646 = vector.broadcast %mul3A_5 : i32 to vector<16xi32>
        %add3A_647 = arith.addi %shift_right_logical3A_645, %add3A_646 : vector<16xi32>
        %swap3A_648 = arith.constant 3 : i32
        %swap3A_649 = arith.index_cast %swap3A_648 : i32 to index
        %swap3A_650 = arith.constant 32 : index
        %swap3A_651 = tpu.vector_load %arg12[%swap3A_649, %swap3A_650] {strides = array<i32>} : memref<4x128xi32, #tpu.memory_space<vmem>>, vector<16xi32>,
        tpu.vector_store %arg12[%swap3A_649, %swap3A_650], %add3A_647 {strides = array<i32>} : memref<4x128xi32, #tpu.memory_space<vmem>>, vector<16xi32>,
        %mul3A_652 = arith.constant 128 : i32
        %mul3A_653 = arith.muli %add3A_586, %mul3A_652 : i32
        %add3A_654 = arith.constant 48 : i32
        %add3A_655 = arith.addi %mul3A_653, %add3A_654 : i32
        %get3A_656 = arith.index_cast %add3A_655 : i32 to index
        %get3A_657 = tpu.vector_load %arg9[%get3A_656] {strides = array<i32>} : memref<10752xi32, #tpu.memory_space<vmem>>, vector<16xi32>,
        %and3A_658 = arith.constant 131071 : i32
        %and3A_659 = vector.broadcast %and3A_658 : i32 to vector<16xi32>
        %and3A_660 = arith.andi %get3A_657, %and3A_659 : vector<16xi32>
        %swap3A_661 = arith.constant 3 : i32
        %swap3A_662 = arith.index_cast %swap3A_661 : i32 to index
        %swap3A_663 = arith.constant 48 : index
        %swap3A_664 = tpu.vector_load %arg11[%swap3A_662, %swap3A_663] {strides = array<i32>} : memref<4x128xi32, #tpu.memory_space<vmem>>, vector<16xi32>,
        tpu.vector_store %arg11[%swap3A_662, %swap3A_663], %and3A_660 {strides = array<i32>} : memref<4x128xi32, #tpu.memory_space<vmem>>, vector<16xi32>,
        %shift_right_logical3A_665 = arith.constant 17 : i32
        %shift_right_logical3A_666 = vector.broadcast %shift_right_logical3A_665 : i32 to vector<16xi32>
        %shift_right_logical3A_667 = arith.shrui %get3A_657, %shift_right_logical3A_666 : vector<16xi32>
        %add3A_668 = vector.broadcast %mul3A_5 : i32 to vector<16xi32>
        %add3A_669 = arith.addi %shift_right_logical3A_667, %add3A_668 : vector<16xi32>
        %swap3A_670 = arith.constant 3 : i32
        %swap3A_671 = arith.index_cast %swap3A_670 : i32 to index
        %swap3A_672 = arith.constant 48 : index
        %swap3A_673 = tpu.vector_load %arg12[%swap3A_671, %swap3A_672] {strides = array<i32>} : memref<4x128xi32, #tpu.memory_space<vmem>>, vector<16xi32>,
        tpu.vector_store %arg12[%swap3A_671, %swap3A_672], %add3A_669 {strides = array<i32>} : memref<4x128xi32, #tpu.memory_space<vmem>>, vector<16xi32>,
        %mul3A_674 = arith.constant 128 : i32
        %mul3A_675 = arith.muli %add3A_586, %mul3A_674 : i32
        %add3A_676 = arith.constant 64 : i32
        %add3A_677 = arith.addi %mul3A_675, %add3A_676 : i32
        %get3A_678 = arith.index_cast %add3A_677 : i32 to index
        %get3A_679 = tpu.vector_load %arg9[%get3A_678] {strides = array<i32>} : memref<10752xi32, #tpu.memory_space<vmem>>, vector<16xi32>,
        %and3A_680 = arith.constant 131071 : i32
        %and3A_681 = vector.broadcast %and3A_680 : i32 to vector<16xi32>
        %and3A_682 = arith.andi %get3A_679, %and3A_681 : vector<16xi32>
        %swap3A_683 = arith.constant 3 : i32
        %swap3A_684 = arith.index_cast %swap3A_683 : i32 to index
        %swap3A_685 = arith.constant 64 : index
        %swap3A_686 = tpu.vector_load %arg11[%swap3A_684, %swap3A_685] {strides = array<i32>} : memref<4x128xi32, #tpu.memory_space<vmem>>, vector<16xi32>,
        tpu.vector_store %arg11[%swap3A_684, %swap3A_685], %and3A_682 {strides = array<i32>} : memref<4x128xi32, #tpu.memory_space<vmem>>, vector<16xi32>,
        %shift_right_logical3A_687 = arith.constant 17 : i32
        %shift_right_logical3A_688 = vector.broadcast %shift_right_logical3A_687 : i32 to vector<16xi32>
        %shift_right_logical3A_689 = arith.shrui %get3A_679, %shift_right_logical3A_688 : vector<16xi32>
        %add3A_690 = vector.broadcast %mul3A_5 : i32 to vector<16xi32>
        %add3A_691 = arith.addi %shift_right_logical3A_689, %add3A_690 : vector<16xi32>
        %swap3A_692 = arith.constant 3 : i32
        %swap3A_693 = arith.index_cast %swap3A_692 : i32 to index
        %swap3A_694 = arith.constant 64 : index
        %swap3A_695 = tpu.vector_load %arg12[%swap3A_693, %swap3A_694] {strides = array<i32>} : memref<4x128xi32, #tpu.memory_space<vmem>>, vector<16xi32>,
        tpu.vector_store %arg12[%swap3A_693, %swap3A_694], %add3A_691 {strides = array<i32>} : memref<4x128xi32, #tpu.memory_space<vmem>>, vector<16xi32>,
        %mul3A_696 = arith.constant 128 : i32
        %mul3A_697 = arith.muli %add3A_586, %mul3A_696 : i32
        %add3A_698 = arith.constant 80 : i32
        %add3A_699 = arith.addi %mul3A_697, %add3A_698 : i32
        %get3A_700 = arith.index_cast %add3A_699 : i32 to index
        %get3A_701 = tpu.vector_load %arg9[%get3A_700] {strides = array<i32>} : memref<10752xi32, #tpu.memory_space<vmem>>, vector<16xi32>,
        %and3A_702 = arith.constant 131071 : i32
        %and3A_703 = vector.broadcast %and3A_702 : i32 to vector<16xi32>
        %and3A_704 = arith.andi %get3A_701, %and3A_703 : vector<16xi32>
        %swap3A_705 = arith.constant 3 : i32
        %swap3A_706 = arith.index_cast %swap3A_705 : i32 to index
        %swap3A_707 = arith.constant 80 : index
        %swap3A_708 = tpu.vector_load %arg11[%swap3A_706, %swap3A_707] {strides = array<i32>} : memref<4x128xi32, #tpu.memory_space<vmem>>, vector<16xi32>,
        tpu.vector_store %arg11[%swap3A_706, %swap3A_707], %and3A_704 {strides = array<i32>} : memref<4x128xi32, #tpu.memory_space<vmem>>, vector<16xi32>,
        %shift_right_logical3A_709 = arith.constant 17 : i32
        %shift_right_logical3A_710 = vector.broadcast %shift_right_logical3A_709 : i32 to vector<16xi32>
        %shift_right_logical3A_711 = arith.shrui %get3A_701, %shift_right_logical3A_710 : vector<16xi32>
        %add3A_712 = vector.broadcast %mul3A_5 : i32 to vector<16xi32>
        %add3A_713 = arith.addi %shift_right_logical3A_711, %add3A_712 : vector<16xi32>
        %swap3A_714 = arith.constant 3 : i32
        %swap3A_715 = arith.index_cast %swap3A_714 : i32 to index
        %swap3A_716 = arith.constant 80 : index
        %swap3A_717 = tpu.vector_load %arg12[%swap3A_715, %swap3A_716] {strides = array<i32>} : memref<4x128xi32, #tpu.memory_space<vmem>>, vector<16xi32>,
        tpu.vector_store %arg12[%swap3A_715, %swap3A_716], %add3A_713 {strides = array<i32>} : memref<4x128xi32, #tpu.memory_space<vmem>>, vector<16xi32>,
        %mul3A_718 = arith.constant 128 : i32
        %mul3A_719 = arith.muli %add3A_586, %mul3A_718 : i32
        %add3A_720 = arith.constant 96 : i32
        %add3A_721 = arith.addi %mul3A_719, %add3A_720 : i32
        %get3A_722 = arith.index_cast %add3A_721 : i32 to index
        %get3A_723 = tpu.vector_load %arg9[%get3A_722] {strides = array<i32>} : memref<10752xi32, #tpu.memory_space<vmem>>, vector<16xi32>,
        %and3A_724 = arith.constant 131071 : i32
        %and3A_725 = vector.broadcast %and3A_724 : i32 to vector<16xi32>
        %and3A_726 = arith.andi %get3A_723, %and3A_725 : vector<16xi32>
        %swap3A_727 = arith.constant 3 : i32
        %swap3A_728 = arith.index_cast %swap3A_727 : i32 to index
        %swap3A_729 = arith.constant 96 : index
        %swap3A_730 = tpu.vector_load %arg11[%swap3A_728, %swap3A_729] {strides = array<i32>} : memref<4x128xi32, #tpu.memory_space<vmem>>, vector<16xi32>,
        tpu.vector_store %arg11[%swap3A_728, %swap3A_729], %and3A_726 {strides = array<i32>} : memref<4x128xi32, #tpu.memory_space<vmem>>, vector<16xi32>,
        %shift_right_logical3A_731 = arith.constant 17 : i32
        %shift_right_logical3A_732 = vector.broadcast %shift_right_logical3A_731 : i32 to vector<16xi32>
        %shift_right_logical3A_733 = arith.shrui %get3A_723, %shift_right_logical3A_732 : vector<16xi32>
        %add3A_734 = vector.broadcast %mul3A_5 : i32 to vector<16xi32>
        %add3A_735 = arith.addi %shift_right_logical3A_733, %add3A_734 : vector<16xi32>
        %swap3A_736 = arith.constant 3 : i32
        %swap3A_737 = arith.index_cast %swap3A_736 : i32 to index
        %swap3A_738 = arith.constant 96 : index
        %swap3A_739 = tpu.vector_load %arg12[%swap3A_737, %swap3A_738] {strides = array<i32>} : memref<4x128xi32, #tpu.memory_space<vmem>>, vector<16xi32>,
        tpu.vector_store %arg12[%swap3A_737, %swap3A_738], %add3A_735 {strides = array<i32>} : memref<4x128xi32, #tpu.memory_space<vmem>>, vector<16xi32>,
        %mul3A_740 = arith.constant 128 : i32
        %mul3A_741 = arith.muli %add3A_586, %mul3A_740 : i32
        %add3A_742 = arith.constant 112 : i32
        %add3A_743 = arith.addi %mul3A_741, %add3A_742 : i32
        %get3A_744 = arith.index_cast %add3A_743 : i32 to index
        %get3A_745 = tpu.vector_load %arg9[%get3A_744] {strides = array<i32>} : memref<10752xi32, #tpu.memory_space<vmem>>, vector<16xi32>,
        %and3A_746 = arith.constant 131071 : i32
        %and3A_747 = vector.broadcast %and3A_746 : i32 to vector<16xi32>
        %and3A_748 = arith.andi %get3A_745, %and3A_747 : vector<16xi32>
        %swap3A_749 = arith.constant 3 : i32
        %swap3A_750 = arith.index_cast %swap3A_749 : i32 to index
        %swap3A_751 = arith.constant 112 : index
        %swap3A_752 = tpu.vector_load %arg11[%swap3A_750, %swap3A_751] {strides = array<i32>} : memref<4x128xi32, #tpu.memory_space<vmem>>, vector<16xi32>,
        tpu.vector_store %arg11[%swap3A_750, %swap3A_751], %and3A_748 {strides = array<i32>} : memref<4x128xi32, #tpu.memory_space<vmem>>, vector<16xi32>,
        %shift_right_logical3A_753 = arith.constant 17 : i32
        %shift_right_logical3A_754 = vector.broadcast %shift_right_logical3A_753 : i32 to vector<16xi32>
        %shift_right_logical3A_755 = arith.shrui %get3A_745, %shift_right_logical3A_754 : vector<16xi32>
        %add3A_756 = vector.broadcast %mul3A_5 : i32 to vector<16xi32>
        %add3A_757 = arith.addi %shift_right_logical3A_755, %add3A_756 : vector<16xi32>
        %swap3A_758 = arith.constant 3 : i32
        %swap3A_759 = arith.index_cast %swap3A_758 : i32 to index
        %swap3A_760 = arith.constant 112 : index
        %swap3A_761 = tpu.vector_load %arg12[%swap3A_759, %swap3A_760] {strides = array<i32>} : memref<4x128xi32, #tpu.memory_space<vmem>>, vector<16xi32>,
        tpu.vector_store %arg12[%swap3A_759, %swap3A_760], %add3A_757 {strides = array<i32>} : memref<4x128xi32, #tpu.memory_space<vmem>>, vector<16xi32>,
        %dma_start3A_762 = arith.constant 3 : i32
        %dma_start3A_763 = arith.constant 3 : i32
        %dma_start3A_764 = arith.constant 0 : i32
        %dma_start3A_765 = arith.constant 0 : i32
        %dma_start3A_766 = tpu.memref_slice %arg14[%dma_start3A_763, %dma_start3A_764, %dma_start3A_765] : memref<4x128x128xf32, #tpu.memory_space<vmem>> -> memref<1x128x128xf32, #tpu.memory_space<vmem>>
        %dma_start3A_767 = tpu.memref_squeeze %dma_start3A_766 : memref<1x128x128xf32, #tpu.memory_space<vmem>> -> memref<128x128xf32, #tpu.memory_space<vmem>>
        %dma_start3A_768 = arith.constant 0 : i32
        %dma_start3A_769 = tpu.memref_slice %arg11[%dma_start3A_762, %dma_start3A_768] : memref<4x128xi32, #tpu.memory_space<vmem>> -> memref<1x128xi32, #tpu.memory_space<vmem>>
        %dma_start3A_770 = tpu.memref_squeeze %dma_start3A_769 : memref<1x128xi32, #tpu.memory_space<vmem>> -> memref<128xi32, #tpu.memory_space<vmem>>
        %dma_start3A_771 = arith.constant 0 : i32
        %dma_start3A_772 = arith.constant 0 : i32
        %dma_start3A_773 = tpu.memref_slice %arg2[%dma_start3A_771, %dma_start3A_772] : memref<100000x128xf32, #tpu.memory_space<hbm>> -> memref<100000x128xf32, #tpu.memory_space<hbm>>
        tpu.enqueue_indirect_dma source(%dma_start3A_773 : memref<100000x128xf32, #tpu.memory_space<hbm>>) target(%dma_start3A_767 : memref<128x128xf32, #tpu.memory_space<vmem>>) offsets(%dma_start3A_770 : memref<128xi32, #tpu.memory_space<vmem>>) semaphore(%arg19 : memref<!tpu.dma_semaphore, #tpu.memory_space<semaphore_mem>>)
      } else {
      }
      %mul3A_507 = arith.constant 4 : i32
      %mul3A_508 = arith.muli %add3A_429, %mul3A_507 : i32
      %add3A_509 = arith.constant 2 : i32
      %add3A_510 = arith.addi %mul3A_508, %add3A_509 : i32
      %dma_wait3A_511 = arith.constant 2 : i32
      %dma_wait3A_512 = arith.constant 2 : i32
      %dma_wait3A_513 = arith.constant 0 : i32
      %dma_wait3A_514 = arith.constant 0 : i32
      %dma_wait3A_515 = tpu.memref_slice %arg14[%dma_wait3A_512, %dma_wait3A_513, %dma_wait3A_514] : memref<4x128x128xf32, #tpu.memory_space<vmem>> -> memref<1x128x128xf32, #tpu.memory_space<vmem>>
      %dma_wait3A_516 = tpu.memref_squeeze %dma_wait3A_515 : memref<1x128x128xf32, #tpu.memory_space<vmem>> -> memref<128x128xf32, #tpu.memory_space<vmem>>
      %dma_wait3A_517 = arith.constant 0 : i32
      %dma_wait3A_518 = tpu.memref_slice %arg11[%dma_wait3A_511, %dma_wait3A_517] : memref<4x128xi32, #tpu.memory_space<vmem>> -> memref<1x128xi32, #tpu.memory_space<vmem>>
      %dma_wait3A_519 = tpu.memref_squeeze %dma_wait3A_518 : memref<1x128xi32, #tpu.memory_space<vmem>> -> memref<128xi32, #tpu.memory_space<vmem>>
      %dma_wait3A_520 = arith.constant 0 : i32
      %dma_wait3A_521 = arith.constant 0 : i32
      %dma_wait3A_522 = tpu.memref_slice %arg2[%dma_wait3A_520, %dma_wait3A_521] : memref<100000x128xf32, #tpu.memory_space<hbm>> -> memref<100000x128xf32, #tpu.memory_space<hbm>>
      tpu.wait_indirect_dma semaphore(%arg18 : memref<!tpu.dma_semaphore, #tpu.memory_space<semaphore_mem>>) src(%dma_wait3A_522 : memref<100000x128xf32, #tpu.memory_space<hbm>>) dst(%dma_wait3A_516 : memref<128x128xf32, #tpu.memory_space<vmem>>)
      %dma_start3A_523 = arith.constant 2 : i32
      %dma_start3A_524 = arith.constant 2 : i32
      %dma_start3A_525 = arith.constant 0 : i32
      %dma_start3A_526 = arith.constant 0 : i32
      %dma_start3A_527 = tpu.memref_slice %arg14[%dma_start3A_523, %dma_start3A_525, %dma_start3A_526] : memref<4x128x128xf32, #tpu.memory_space<vmem>> -> memref<1x128x128xf32, #tpu.memory_space<vmem>>
      %dma_start3A_528 = tpu.memref_squeeze %dma_start3A_527 : memref<1x128x128xf32, #tpu.memory_space<vmem>> -> memref<128x128xf32, #tpu.memory_space<vmem>>
      %dma_start3A_529 = arith.constant 0 : i32
      %dma_start3A_530 = tpu.memref_slice %arg12[%dma_start3A_524, %dma_start3A_529] : memref<4x128xi32, #tpu.memory_space<vmem>> -> memref<1x128xi32, #tpu.memory_space<vmem>>
      %dma_start3A_531 = tpu.memref_squeeze %dma_start3A_530 : memref<1x128xi32, #tpu.memory_space<vmem>> -> memref<128xi32, #tpu.memory_space<vmem>>
      %dma_start3A_532 = arith.constant 0 : i32
      %dma_start3A_533 = arith.constant 0 : i32
      %dma_start3A_534 = tpu.memref_slice %arg15[%dma_start3A_532, %dma_start3A_533] : memref<5376x128xf32, #tpu.memory_space<vmem_shared>> -> memref<5376x128xf32, #tpu.memory_space<vmem_shared>>
      tpu.enqueue_indirect_dma source(%dma_start3A_528 : memref<128x128xf32, #tpu.memory_space<vmem>>) target(%dma_start3A_534 : memref<5376x128xf32, #tpu.memory_space<vmem_shared>>) offsets(%dma_start3A_531 : memref<128xi32, #tpu.memory_space<vmem>>) semaphore(%arg22 : memref<!tpu.dma_semaphore, #tpu.memory_space<semaphore_mem>>) {add = true}
      %ge3A_535 = arith.constant 2 : i32
      %ge3A_536 = arith.cmpi sge, %add3A_510, %ge3A_535 : i32
      %convert_element_type3A_537 = arith.extui %ge3A_536 : i1 to i32
      %cond3A_538 = arith.constant 0 : i32
      %cond3A_539 = arith.cmpi ne, %convert_element_type3A_537, %cond3A_538 : i32
      scf.if %cond3A_539 {
        %dma_wait3A_585 = arith.constant 0 : i32
        %dma_wait3A_586 = arith.constant 0 : i32
        %dma_wait3A_587 = arith.constant 0 : i32
        %dma_wait3A_588 = tpu.memref_slice %arg14[%dma_wait3A_585, %dma_wait3A_586, %dma_wait3A_587] : memref<4x128x128xf32, #tpu.memory_space<vmem>> -> memref<1x128x128xf32, #tpu.memory_space<vmem>>
        %dma_wait3A_589 = tpu.memref_squeeze %dma_wait3A_588 : memref<1x128x128xf32, #tpu.memory_space<vmem>> -> memref<128x128xf32, #tpu.memory_space<vmem>>
        %dma_wait3A_590 = arith.constant 0 : i32
        %dma_wait3A_591 = arith.constant 0 : i32
        %dma_wait3A_592 = tpu.memref_slice %arg6[%dma_wait3A_590, %dma_wait3A_591] : memref<336x128xf32, #tpu.memory_space<hbm>> -> memref<128x128xf32, #tpu.memory_space<hbm>>
        %dma_wait3A_593 = arith.constant 0 : i32
        %dma_wait3A_594 = arith.constant 0 : i32
        %dma_wait3A_595 = tpu.memref_slice %arg14[%dma_wait3A_585, %dma_wait3A_593, %dma_wait3A_594] : memref<4x128x128xf32, #tpu.memory_space<vmem>> -> memref<1x128x128xf32, #tpu.memory_space<vmem>>
        %dma_wait3A_596 = tpu.memref_squeeze %dma_wait3A_595 : memref<1x128x128xf32, #tpu.memory_space<vmem>> -> memref<128x128xf32, #tpu.memory_space<vmem>>
        %dma_wait3A_597 = arith.constant 0 : i32
        %dma_wait3A_598 = arith.constant 0 : i32
        %dma_wait3A_599 = tpu.memref_slice %arg6[%dma_wait3A_597, %dma_wait3A_598] : memref<336x128xf32, #tpu.memory_space<hbm>> -> memref<128x128xf32, #tpu.memory_space<hbm>>
        tpu.wait_dma2 semaphore(%arg20 : memref<!tpu.dma_semaphore, #tpu.memory_space<semaphore_mem>>) src(%dma_wait3A_599 : memref<128x128xf32, #tpu.memory_space<hbm>>) dst(%dma_wait3A_596 : memref<128x128xf32, #tpu.memory_space<vmem>>)
      } else {
      }
      %add3A_540 = arith.constant 2 : i32
      %add3A_541 = arith.addi %add3A_510, %add3A_540 : i32
      %lt3A_542 = arith.cmpi slt, %add3A_541, %shift_left3A_175 : i32
      %convert_element_type3A_543 = arith.extui %lt3A_542 : i1 to i32
      %cond3A_544 = arith.constant 0 : i32
      %cond3A_545 = arith.cmpi ne, %convert_element_type3A_543, %cond3A_544 : i32
      scf.if %cond3A_545 {
        %add3A_585 = arith.constant 2 : i32
        %add3A_586 = arith.addi %add3A_510, %add3A_585 : i32
        %mul3A_587 = arith.constant 128 : i32
        %mul3A_588 = arith.muli %add3A_586, %mul3A_587 : i32
        %add3A_589 = arith.constant 0 : i32
        %add3A_590 = arith.addi %mul3A_588, %add3A_589 : i32
        %get3A = arith.index_cast %add3A_590 : i32 to index
        %get3A_591 = tpu.vector_load %arg9[%get3A] {strides = array<i32>} : memref<10752xi32, #tpu.memory_space<vmem>>, vector<16xi32>,
        %and3A_592 = arith.constant 131071 : i32
        %and3A_593 = vector.broadcast %and3A_592 : i32 to vector<16xi32>
        %and3A_594 = arith.andi %get3A_591, %and3A_593 : vector<16xi32>
        %swap3A_595 = arith.constant 0 : i32
        %swap3A_596 = arith.index_cast %swap3A_595 : i32 to index
        %swap3A_597 = arith.constant 0 : index
        %swap3A_598 = tpu.vector_load %arg11[%swap3A_596, %swap3A_597] {strides = array<i32>} : memref<4x128xi32, #tpu.memory_space<vmem>>, vector<16xi32>,
        tpu.vector_store %arg11[%swap3A_596, %swap3A_597], %and3A_594 {strides = array<i32>} : memref<4x128xi32, #tpu.memory_space<vmem>>, vector<16xi32>,
        %shift_right_logical3A_599 = arith.constant 17 : i32
        %shift_right_logical3A_600 = vector.broadcast %shift_right_logical3A_599 : i32 to vector<16xi32>
        %shift_right_logical3A_601 = arith.shrui %get3A_591, %shift_right_logical3A_600 : vector<16xi32>
        %add3A_602 = vector.broadcast %mul3A_5 : i32 to vector<16xi32>
        %add3A_603 = arith.addi %shift_right_logical3A_601, %add3A_602 : vector<16xi32>
        %swap3A_604 = arith.constant 0 : i32
        %swap3A_605 = arith.index_cast %swap3A_604 : i32 to index
        %swap3A_606 = arith.constant 0 : index
        %swap3A_607 = tpu.vector_load %arg12[%swap3A_605, %swap3A_606] {strides = array<i32>} : memref<4x128xi32, #tpu.memory_space<vmem>>, vector<16xi32>,
        tpu.vector_store %arg12[%swap3A_605, %swap3A_606], %add3A_603 {strides = array<i32>} : memref<4x128xi32, #tpu.memory_space<vmem>>, vector<16xi32>,
        %mul3A_608 = arith.constant 128 : i32
        %mul3A_609 = arith.muli %add3A_586, %mul3A_608 : i32
        %add3A_610 = arith.constant 16 : i32
        %add3A_611 = arith.addi %mul3A_609, %add3A_610 : i32
        %get3A_612 = arith.index_cast %add3A_611 : i32 to index
        %get3A_613 = tpu.vector_load %arg9[%get3A_612] {strides = array<i32>} : memref<10752xi32, #tpu.memory_space<vmem>>, vector<16xi32>,
        %and3A_614 = arith.constant 131071 : i32
        %and3A_615 = vector.broadcast %and3A_614 : i32 to vector<16xi32>
        %and3A_616 = arith.andi %get3A_613, %and3A_615 : vector<16xi32>
        %swap3A_617 = arith.constant 0 : i32
        %swap3A_618 = arith.index_cast %swap3A_617 : i32 to index
        %swap3A_619 = arith.constant 16 : index
        %swap3A_620 = tpu.vector_load %arg11[%swap3A_618, %swap3A_619] {strides = array<i32>} : memref<4x128xi32, #tpu.memory_space<vmem>>, vector<16xi32>,
        tpu.vector_store %arg11[%swap3A_618, %swap3A_619], %and3A_616 {strides = array<i32>} : memref<4x128xi32, #tpu.memory_space<vmem>>, vector<16xi32>,
        %shift_right_logical3A_621 = arith.constant 17 : i32
        %shift_right_logical3A_622 = vector.broadcast %shift_right_logical3A_621 : i32 to vector<16xi32>
        %shift_right_logical3A_623 = arith.shrui %get3A_613, %shift_right_logical3A_622 : vector<16xi32>
        %add3A_624 = vector.broadcast %mul3A_5 : i32 to vector<16xi32>
        %add3A_625 = arith.addi %shift_right_logical3A_623, %add3A_624 : vector<16xi32>
        %swap3A_626 = arith.constant 0 : i32
        %swap3A_627 = arith.index_cast %swap3A_626 : i32 to index
        %swap3A_628 = arith.constant 16 : index
        %swap3A_629 = tpu.vector_load %arg12[%swap3A_627, %swap3A_628] {strides = array<i32>} : memref<4x128xi32, #tpu.memory_space<vmem>>, vector<16xi32>,
        tpu.vector_store %arg12[%swap3A_627, %swap3A_628], %add3A_625 {strides = array<i32>} : memref<4x128xi32, #tpu.memory_space<vmem>>, vector<16xi32>,
        %mul3A_630 = arith.constant 128 : i32
        %mul3A_631 = arith.muli %add3A_586, %mul3A_630 : i32
        %add3A_632 = arith.constant 32 : i32
        %add3A_633 = arith.addi %mul3A_631, %add3A_632 : i32
        %get3A_634 = arith.index_cast %add3A_633 : i32 to index
        %get3A_635 = tpu.vector_load %arg9[%get3A_634] {strides = array<i32>} : memref<10752xi32, #tpu.memory_space<vmem>>, vector<16xi32>,
        %and3A_636 = arith.constant 131071 : i32
        %and3A_637 = vector.broadcast %and3A_636 : i32 to vector<16xi32>
        %and3A_638 = arith.andi %get3A_635, %and3A_637 : vector<16xi32>
        %swap3A_639 = arith.constant 0 : i32
        %swap3A_640 = arith.index_cast %swap3A_639 : i32 to index
        %swap3A_641 = arith.constant 32 : index
        %swap3A_642 = tpu.vector_load %arg11[%swap3A_640, %swap3A_641] {strides = array<i32>} : memref<4x128xi32, #tpu.memory_space<vmem>>, vector<16xi32>,
        tpu.vector_store %arg11[%swap3A_640, %swap3A_641], %and3A_638 {strides = array<i32>} : memref<4x128xi32, #tpu.memory_space<vmem>>, vector<16xi32>,
        %shift_right_logical3A_643 = arith.constant 17 : i32
        %shift_right_logical3A_644 = vector.broadcast %shift_right_logical3A_643 : i32 to vector<16xi32>
        %shift_right_logical3A_645 = arith.shrui %get3A_635, %shift_right_logical3A_644 : vector<16xi32>
        %add3A_646 = vector.broadcast %mul3A_5 : i32 to vector<16xi32>
        %add3A_647 = arith.addi %shift_right_logical3A_645, %add3A_646 : vector<16xi32>
        %swap3A_648 = arith.constant 0 : i32
        %swap3A_649 = arith.index_cast %swap3A_648 : i32 to index
        %swap3A_650 = arith.constant 32 : index
        %swap3A_651 = tpu.vector_load %arg12[%swap3A_649, %swap3A_650] {strides = array<i32>} : memref<4x128xi32, #tpu.memory_space<vmem>>, vector<16xi32>,
        tpu.vector_store %arg12[%swap3A_649, %swap3A_650], %add3A_647 {strides = array<i32>} : memref<4x128xi32, #tpu.memory_space<vmem>>, vector<16xi32>,
        %mul3A_652 = arith.constant 128 : i32
        %mul3A_653 = arith.muli %add3A_586, %mul3A_652 : i32
        %add3A_654 = arith.constant 48 : i32
        %add3A_655 = arith.addi %mul3A_653, %add3A_654 : i32
        %get3A_656 = arith.index_cast %add3A_655 : i32 to index
        %get3A_657 = tpu.vector_load %arg9[%get3A_656] {strides = array<i32>} : memref<10752xi32, #tpu.memory_space<vmem>>, vector<16xi32>,
        %and3A_658 = arith.constant 131071 : i32
        %and3A_659 = vector.broadcast %and3A_658 : i32 to vector<16xi32>
        %and3A_660 = arith.andi %get3A_657, %and3A_659 : vector<16xi32>
        %swap3A_661 = arith.constant 0 : i32
        %swap3A_662 = arith.index_cast %swap3A_661 : i32 to index
        %swap3A_663 = arith.constant 48 : index
        %swap3A_664 = tpu.vector_load %arg11[%swap3A_662, %swap3A_663] {strides = array<i32>} : memref<4x128xi32, #tpu.memory_space<vmem>>, vector<16xi32>,
        tpu.vector_store %arg11[%swap3A_662, %swap3A_663], %and3A_660 {strides = array<i32>} : memref<4x128xi32, #tpu.memory_space<vmem>>, vector<16xi32>,
        %shift_right_logical3A_665 = arith.constant 17 : i32
        %shift_right_logical3A_666 = vector.broadcast %shift_right_logical3A_665 : i32 to vector<16xi32>
        %shift_right_logical3A_667 = arith.shrui %get3A_657, %shift_right_logical3A_666 : vector<16xi32>
        %add3A_668 = vector.broadcast %mul3A_5 : i32 to vector<16xi32>
        %add3A_669 = arith.addi %shift_right_logical3A_667, %add3A_668 : vector<16xi32>
        %swap3A_670 = arith.constant 0 : i32
        %swap3A_671 = arith.index_cast %swap3A_670 : i32 to index
        %swap3A_672 = arith.constant 48 : index
        %swap3A_673 = tpu.vector_load %arg12[%swap3A_671, %swap3A_672] {strides = array<i32>} : memref<4x128xi32, #tpu.memory_space<vmem>>, vector<16xi32>,
        tpu.vector_store %arg12[%swap3A_671, %swap3A_672], %add3A_669 {strides = array<i32>} : memref<4x128xi32, #tpu.memory_space<vmem>>, vector<16xi32>,
        %mul3A_674 = arith.constant 128 : i32
        %mul3A_675 = arith.muli %add3A_586, %mul3A_674 : i32
        %add3A_676 = arith.constant 64 : i32
        %add3A_677 = arith.addi %mul3A_675, %add3A_676 : i32
        %get3A_678 = arith.index_cast %add3A_677 : i32 to index
        %get3A_679 = tpu.vector_load %arg9[%get3A_678] {strides = array<i32>} : memref<10752xi32, #tpu.memory_space<vmem>>, vector<16xi32>,
        %and3A_680 = arith.constant 131071 : i32
        %and3A_681 = vector.broadcast %and3A_680 : i32 to vector<16xi32>
        %and3A_682 = arith.andi %get3A_679, %and3A_681 : vector<16xi32>
        %swap3A_683 = arith.constant 0 : i32
        %swap3A_684 = arith.index_cast %swap3A_683 : i32 to index
        %swap3A_685 = arith.constant 64 : index
        %swap3A_686 = tpu.vector_load %arg11[%swap3A_684, %swap3A_685] {strides = array<i32>} : memref<4x128xi32, #tpu.memory_space<vmem>>, vector<16xi32>,
        tpu.vector_store %arg11[%swap3A_684, %swap3A_685], %and3A_682 {strides = array<i32>} : memref<4x128xi32, #tpu.memory_space<vmem>>, vector<16xi32>,
        %shift_right_logical3A_687 = arith.constant 17 : i32
        %shift_right_logical3A_688 = vector.broadcast %shift_right_logical3A_687 : i32 to vector<16xi32>
        %shift_right_logical3A_689 = arith.shrui %get3A_679, %shift_right_logical3A_688 : vector<16xi32>
        %add3A_690 = vector.broadcast %mul3A_5 : i32 to vector<16xi32>
        %add3A_691 = arith.addi %shift_right_logical3A_689, %add3A_690 : vector<16xi32>
        %swap3A_692 = arith.constant 0 : i32
        %swap3A_693 = arith.index_cast %swap3A_692 : i32 to index
        %swap3A_694 = arith.constant 64 : index
        %swap3A_695 = tpu.vector_load %arg12[%swap3A_693, %swap3A_694] {strides = array<i32>} : memref<4x128xi32, #tpu.memory_space<vmem>>, vector<16xi32>,
        tpu.vector_store %arg12[%swap3A_693, %swap3A_694], %add3A_691 {strides = array<i32>} : memref<4x128xi32, #tpu.memory_space<vmem>>, vector<16xi32>,
        %mul3A_696 = arith.constant 128 : i32
        %mul3A_697 = arith.muli %add3A_586, %mul3A_696 : i32
        %add3A_698 = arith.constant 80 : i32
        %add3A_699 = arith.addi %mul3A_697, %add3A_698 : i32
        %get3A_700 = arith.index_cast %add3A_699 : i32 to index
        %get3A_701 = tpu.vector_load %arg9[%get3A_700] {strides = array<i32>} : memref<10752xi32, #tpu.memory_space<vmem>>, vector<16xi32>,
        %and3A_702 = arith.constant 131071 : i32
        %and3A_703 = vector.broadcast %and3A_702 : i32 to vector<16xi32>
        %and3A_704 = arith.andi %get3A_701, %and3A_703 : vector<16xi32>
        %swap3A_705 = arith.constant 0 : i32
        %swap3A_706 = arith.index_cast %swap3A_705 : i32 to index
        %swap3A_707 = arith.constant 80 : index
        %swap3A_708 = tpu.vector_load %arg11[%swap3A_706, %swap3A_707] {strides = array<i32>} : memref<4x128xi32, #tpu.memory_space<vmem>>, vector<16xi32>,
        tpu.vector_store %arg11[%swap3A_706, %swap3A_707], %and3A_704 {strides = array<i32>} : memref<4x128xi32, #tpu.memory_space<vmem>>, vector<16xi32>,
        %shift_right_logical3A_709 = arith.constant 17 : i32
        %shift_right_logical3A_710 = vector.broadcast %shift_right_logical3A_709 : i32 to vector<16xi32>
        %shift_right_logical3A_711 = arith.shrui %get3A_701, %shift_right_logical3A_710 : vector<16xi32>
        %add3A_712 = vector.broadcast %mul3A_5 : i32 to vector<16xi32>
        %add3A_713 = arith.addi %shift_right_logical3A_711, %add3A_712 : vector<16xi32>
        %swap3A_714 = arith.constant 0 : i32
        %swap3A_715 = arith.index_cast %swap3A_714 : i32 to index
        %swap3A_716 = arith.constant 80 : index
        %swap3A_717 = tpu.vector_load %arg12[%swap3A_715, %swap3A_716] {strides = array<i32>} : memref<4x128xi32, #tpu.memory_space<vmem>>, vector<16xi32>,
        tpu.vector_store %arg12[%swap3A_715, %swap3A_716], %add3A_713 {strides = array<i32>} : memref<4x128xi32, #tpu.memory_space<vmem>>, vector<16xi32>,
        %mul3A_718 = arith.constant 128 : i32
        %mul3A_719 = arith.muli %add3A_586, %mul3A_718 : i32
        %add3A_720 = arith.constant 96 : i32
        %add3A_721 = arith.addi %mul3A_719, %add3A_720 : i32
        %get3A_722 = arith.index_cast %add3A_721 : i32 to index
        %get3A_723 = tpu.vector_load %arg9[%get3A_722] {strides = array<i32>} : memref<10752xi32, #tpu.memory_space<vmem>>, vector<16xi32>,
        %and3A_724 = arith.constant 131071 : i32
        %and3A_725 = vector.broadcast %and3A_724 : i32 to vector<16xi32>
        %and3A_726 = arith.andi %get3A_723, %and3A_725 : vector<16xi32>
        %swap3A_727 = arith.constant 0 : i32
        %swap3A_728 = arith.index_cast %swap3A_727 : i32 to index
        %swap3A_729 = arith.constant 96 : index
        %swap3A_730 = tpu.vector_load %arg11[%swap3A_728, %swap3A_729] {strides = array<i32>} : memref<4x128xi32, #tpu.memory_space<vmem>>, vector<16xi32>,
        tpu.vector_store %arg11[%swap3A_728, %swap3A_729], %and3A_726 {strides = array<i32>} : memref<4x128xi32, #tpu.memory_space<vmem>>, vector<16xi32>,
        %shift_right_logical3A_731 = arith.constant 17 : i32
        %shift_right_logical3A_732 = vector.broadcast %shift_right_logical3A_731 : i32 to vector<16xi32>
        %shift_right_logical3A_733 = arith.shrui %get3A_723, %shift_right_logical3A_732 : vector<16xi32>
        %add3A_734 = vector.broadcast %mul3A_5 : i32 to vector<16xi32>
        %add3A_735 = arith.addi %shift_right_logical3A_733, %add3A_734 : vector<16xi32>
        %swap3A_736 = arith.constant 0 : i32
        %swap3A_737 = arith.index_cast %swap3A_736 : i32 to index
        %swap3A_738 = arith.constant 96 : index
        %swap3A_739 = tpu.vector_load %arg12[%swap3A_737, %swap3A_738] {strides = array<i32>} : memref<4x128xi32, #tpu.memory_space<vmem>>, vector<16xi32>,
        tpu.vector_store %arg12[%swap3A_737, %swap3A_738], %add3A_735 {strides = array<i32>} : memref<4x128xi32, #tpu.memory_space<vmem>>, vector<16xi32>,
        %mul3A_740 = arith.constant 128 : i32
        %mul3A_741 = arith.muli %add3A_586, %mul3A_740 : i32
        %add3A_742 = arith.constant 112 : i32
        %add3A_743 = arith.addi %mul3A_741, %add3A_742 : i32
        %get3A_744 = arith.index_cast %add3A_743 : i32 to index
        %get3A_745 = tpu.vector_load %arg9[%get3A_744] {strides = array<i32>} : memref<10752xi32, #tpu.memory_space<vmem>>, vector<16xi32>,
        %and3A_746 = arith.constant 131071 : i32
        %and3A_747 = vector.broadcast %and3A_746 : i32 to vector<16xi32>
        %and3A_748 = arith.andi %get3A_745, %and3A_747 : vector<16xi32>
        %swap3A_749 = arith.constant 0 : i32
        %swap3A_750 = arith.index_cast %swap3A_749 : i32 to index
        %swap3A_751 = arith.constant 112 : index
        %swap3A_752 = tpu.vector_load %arg11[%swap3A_750, %swap3A_751] {strides = array<i32>} : memref<4x128xi32, #tpu.memory_space<vmem>>, vector<16xi32>,
        tpu.vector_store %arg11[%swap3A_750, %swap3A_751], %and3A_748 {strides = array<i32>} : memref<4x128xi32, #tpu.memory_space<vmem>>, vector<16xi32>,
        %shift_right_logical3A_753 = arith.constant 17 : i32
        %shift_right_logical3A_754 = vector.broadcast %shift_right_logical3A_753 : i32 to vector<16xi32>
        %shift_right_logical3A_755 = arith.shrui %get3A_745, %shift_right_logical3A_754 : vector<16xi32>
        %add3A_756 = vector.broadcast %mul3A_5 : i32 to vector<16xi32>
        %add3A_757 = arith.addi %shift_right_logical3A_755, %add3A_756 : vector<16xi32>
        %swap3A_758 = arith.constant 0 : i32
        %swap3A_759 = arith.index_cast %swap3A_758 : i32 to index
        %swap3A_760 = arith.constant 112 : index
        %swap3A_761 = tpu.vector_load %arg12[%swap3A_759, %swap3A_760] {strides = array<i32>} : memref<4x128xi32, #tpu.memory_space<vmem>>, vector<16xi32>,
        tpu.vector_store %arg12[%swap3A_759, %swap3A_760], %add3A_757 {strides = array<i32>} : memref<4x128xi32, #tpu.memory_space<vmem>>, vector<16xi32>,
        %dma_start3A_762 = arith.constant 0 : i32
        %dma_start3A_763 = arith.constant 0 : i32
        %dma_start3A_764 = arith.constant 0 : i32
        %dma_start3A_765 = arith.constant 0 : i32
        %dma_start3A_766 = tpu.memref_slice %arg14[%dma_start3A_763, %dma_start3A_764, %dma_start3A_765] : memref<4x128x128xf32, #tpu.memory_space<vmem>> -> memref<1x128x128xf32, #tpu.memory_space<vmem>>
        %dma_start3A_767 = tpu.memref_squeeze %dma_start3A_766 : memref<1x128x128xf32, #tpu.memory_space<vmem>> -> memref<128x128xf32, #tpu.memory_space<vmem>>
        %dma_start3A_768 = arith.constant 0 : i32
        %dma_start3A_769 = tpu.memref_slice %arg11[%dma_start3A_762, %dma_start3A_768] : memref<4x128xi32, #tpu.memory_space<vmem>> -> memref<1x128xi32, #tpu.memory_space<vmem>>
        %dma_start3A_770 = tpu.memref_squeeze %dma_start3A_769 : memref<1x128xi32, #tpu.memory_space<vmem>> -> memref<128xi32, #tpu.memory_space<vmem>>
        %dma_start3A_771 = arith.constant 0 : i32
        %dma_start3A_772 = arith.constant 0 : i32
        %dma_start3A_773 = tpu.memref_slice %arg2[%dma_start3A_771, %dma_start3A_772] : memref<100000x128xf32, #tpu.memory_space<hbm>> -> memref<100000x128xf32, #tpu.memory_space<hbm>>
        tpu.enqueue_indirect_dma source(%dma_start3A_773 : memref<100000x128xf32, #tpu.memory_space<hbm>>) target(%dma_start3A_767 : memref<128x128xf32, #tpu.memory_space<vmem>>) offsets(%dma_start3A_770 : memref<128xi32, #tpu.memory_space<vmem>>) semaphore(%arg16 : memref<!tpu.dma_semaphore, #tpu.memory_space<semaphore_mem>>)
      } else {
      }
      %mul3A_546 = arith.constant 4 : i32
      %mul3A_547 = arith.muli %add3A_429, %mul3A_546 : i32
      %add3A_548 = arith.constant 3 : i32
      %add3A_549 = arith.addi %mul3A_547, %add3A_548 : i32
      %dma_wait3A_550 = arith.constant 3 : i32
      %dma_wait3A_551 = arith.constant 3 : i32
      %dma_wait3A_552 = arith.constant 0 : i32
      %dma_wait3A_553 = arith.constant 0 : i32
      %dma_wait3A_554 = tpu.memref_slice %arg14[%dma_wait3A_551, %dma_wait3A_552, %dma_wait3A_553] : memref<4x128x128xf32, #tpu.memory_space<vmem>> -> memref<1x128x128xf32, #tpu.memory_space<vmem>>
      %dma_wait3A_555 = tpu.memref_squeeze %dma_wait3A_554 : memref<1x128x128xf32, #tpu.memory_space<vmem>> -> memref<128x128xf32, #tpu.memory_space<vmem>>
      %dma_wait3A_556 = arith.constant 0 : i32
      %dma_wait3A_557 = tpu.memref_slice %arg11[%dma_wait3A_550, %dma_wait3A_556] : memref<4x128xi32, #tpu.memory_space<vmem>> -> memref<1x128xi32, #tpu.memory_space<vmem>>
      %dma_wait3A_558 = tpu.memref_squeeze %dma_wait3A_557 : memref<1x128xi32, #tpu.memory_space<vmem>> -> memref<128xi32, #tpu.memory_space<vmem>>
      %dma_wait3A_559 = arith.constant 0 : i32
      %dma_wait3A_560 = arith.constant 0 : i32
      %dma_wait3A_561 = tpu.memref_slice %arg2[%dma_wait3A_559, %dma_wait3A_560] : memref<100000x128xf32, #tpu.memory_space<hbm>> -> memref<100000x128xf32, #tpu.memory_space<hbm>>
      tpu.wait_indirect_dma semaphore(%arg19 : memref<!tpu.dma_semaphore, #tpu.memory_space<semaphore_mem>>) src(%dma_wait3A_561 : memref<100000x128xf32, #tpu.memory_space<hbm>>) dst(%dma_wait3A_555 : memref<128x128xf32, #tpu.memory_space<vmem>>)
      %dma_start3A_562 = arith.constant 3 : i32
      %dma_start3A_563 = arith.constant 3 : i32
      %dma_start3A_564 = arith.constant 0 : i32
      %dma_start3A_565 = arith.constant 0 : i32
      %dma_start3A_566 = tpu.memref_slice %arg14[%dma_start3A_562, %dma_start3A_564, %dma_start3A_565] : memref<4x128x128xf32, #tpu.memory_space<vmem>> -> memref<1x128x128xf32, #tpu.memory_space<vmem>>
      %dma_start3A_567 = tpu.memref_squeeze %dma_start3A_566 : memref<1x128x128xf32, #tpu.memory_space<vmem>> -> memref<128x128xf32, #tpu.memory_space<vmem>>
      %dma_start3A_568 = arith.constant 0 : i32
      %dma_start3A_569 = tpu.memref_slice %arg12[%dma_start3A_563, %dma_start3A_568] : memref<4x128xi32, #tpu.memory_space<vmem>> -> memref<1x128xi32, #tpu.memory_space<vmem>>
      %dma_start3A_570 = tpu.memref_squeeze %dma_start3A_569 : memref<1x128xi32, #tpu.memory_space<vmem>> -> memref<128xi32, #tpu.memory_space<vmem>>
      %dma_start3A_571 = arith.constant 0 : i32
      %dma_start3A_572 = arith.constant 0 : i32
      %dma_start3A_573 = tpu.memref_slice %arg15[%dma_start3A_571, %dma_start3A_572] : memref<5376x128xf32, #tpu.memory_space<vmem_shared>> -> memref<5376x128xf32, #tpu.memory_space<vmem_shared>>
      tpu.enqueue_indirect_dma source(%dma_start3A_567 : memref<128x128xf32, #tpu.memory_space<vmem>>) target(%dma_start3A_573 : memref<5376x128xf32, #tpu.memory_space<vmem_shared>>) offsets(%dma_start3A_570 : memref<128xi32, #tpu.memory_space<vmem>>) semaphore(%arg23 : memref<!tpu.dma_semaphore, #tpu.memory_space<semaphore_mem>>) {add = true}
      %ge3A_574 = arith.constant 2 : i32
      %ge3A_575 = arith.cmpi sge, %add3A_549, %ge3A_574 : i32
      %convert_element_type3A_576 = arith.extui %ge3A_575 : i1 to i32
      %cond3A_577 = arith.constant 0 : i32
      %cond3A_578 = arith.cmpi ne, %convert_element_type3A_576, %cond3A_577 : i32
      scf.if %cond3A_578 {
        %dma_wait3A_585 = arith.constant 1 : i32
        %dma_wait3A_586 = arith.constant 0 : i32
        %dma_wait3A_587 = arith.constant 0 : i32
        %dma_wait3A_588 = tpu.memref_slice %arg14[%dma_wait3A_585, %dma_wait3A_586, %dma_wait3A_587] : memref<4x128x128xf32, #tpu.memory_space<vmem>> -> memref<1x128x128xf32, #tpu.memory_space<vmem>>
        %dma_wait3A_589 = tpu.memref_squeeze %dma_wait3A_588 : memref<1x128x128xf32, #tpu.memory_space<vmem>> -> memref<128x128xf32, #tpu.memory_space<vmem>>
        %dma_wait3A_590 = arith.constant 0 : i32
        %dma_wait3A_591 = arith.constant 0 : i32
        %dma_wait3A_592 = tpu.memref_slice %arg6[%dma_wait3A_590, %dma_wait3A_591] : memref<336x128xf32, #tpu.memory_space<hbm>> -> memref<128x128xf32, #tpu.memory_space<hbm>>
        %dma_wait3A_593 = arith.constant 0 : i32
        %dma_wait3A_594 = arith.constant 0 : i32
        %dma_wait3A_595 = tpu.memref_slice %arg14[%dma_wait3A_585, %dma_wait3A_593, %dma_wait3A_594] : memref<4x128x128xf32, #tpu.memory_space<vmem>> -> memref<1x128x128xf32, #tpu.memory_space<vmem>>
        %dma_wait3A_596 = tpu.memref_squeeze %dma_wait3A_595 : memref<1x128x128xf32, #tpu.memory_space<vmem>> -> memref<128x128xf32, #tpu.memory_space<vmem>>
        %dma_wait3A_597 = arith.constant 0 : i32
        %dma_wait3A_598 = arith.constant 0 : i32
        %dma_wait3A_599 = tpu.memref_slice %arg6[%dma_wait3A_597, %dma_wait3A_598] : memref<336x128xf32, #tpu.memory_space<hbm>> -> memref<128x128xf32, #tpu.memory_space<hbm>>
        tpu.wait_dma2 semaphore(%arg21 : memref<!tpu.dma_semaphore, #tpu.memory_space<semaphore_mem>>) src(%dma_wait3A_599 : memref<128x128xf32, #tpu.memory_space<hbm>>) dst(%dma_wait3A_596 : memref<128x128xf32, #tpu.memory_space<vmem>>)
      } else {
      }
      %add3A_579 = arith.constant 2 : i32
      %add3A_580 = arith.addi %add3A_549, %add3A_579 : i32
      %lt3A_581 = arith.cmpi slt, %add3A_580, %shift_left3A_175 : i32
      %convert_element_type3A_582 = arith.extui %lt3A_581 : i1 to i32
      %cond3A_583 = arith.constant 0 : i32
      %cond3A_584 = arith.cmpi ne, %convert_element_type3A_582, %cond3A_583 : i32
      scf.if %cond3A_584 {
        %add3A_585 = arith.constant 2 : i32
        %add3A_586 = arith.addi %add3A_549, %add3A_585 : i32
        %mul3A_587 = arith.constant 128 : i32
        %mul3A_588 = arith.muli %add3A_586, %mul3A_587 : i32
        %add3A_589 = arith.constant 0 : i32
        %add3A_590 = arith.addi %mul3A_588, %add3A_589 : i32
        %get3A = arith.index_cast %add3A_590 : i32 to index
        %get3A_591 = tpu.vector_load %arg9[%get3A] {strides = array<i32>} : memref<10752xi32, #tpu.memory_space<vmem>>, vector<16xi32>,
        %and3A_592 = arith.constant 131071 : i32
        %and3A_593 = vector.broadcast %and3A_592 : i32 to vector<16xi32>
        %and3A_594 = arith.andi %get3A_591, %and3A_593 : vector<16xi32>
        %swap3A_595 = arith.constant 1 : i32
        %swap3A_596 = arith.index_cast %swap3A_595 : i32 to index
        %swap3A_597 = arith.constant 0 : index
        %swap3A_598 = tpu.vector_load %arg11[%swap3A_596, %swap3A_597] {strides = array<i32>} : memref<4x128xi32, #tpu.memory_space<vmem>>, vector<16xi32>,
        tpu.vector_store %arg11[%swap3A_596, %swap3A_597], %and3A_594 {strides = array<i32>} : memref<4x128xi32, #tpu.memory_space<vmem>>, vector<16xi32>,
        %shift_right_logical3A_599 = arith.constant 17 : i32
        %shift_right_logical3A_600 = vector.broadcast %shift_right_logical3A_599 : i32 to vector<16xi32>
        %shift_right_logical3A_601 = arith.shrui %get3A_591, %shift_right_logical3A_600 : vector<16xi32>
        %add3A_602 = vector.broadcast %mul3A_5 : i32 to vector<16xi32>
        %add3A_603 = arith.addi %shift_right_logical3A_601, %add3A_602 : vector<16xi32>
        %swap3A_604 = arith.constant 1 : i32
        %swap3A_605 = arith.index_cast %swap3A_604 : i32 to index
        %swap3A_606 = arith.constant 0 : index
        %swap3A_607 = tpu.vector_load %arg12[%swap3A_605, %swap3A_606] {strides = array<i32>} : memref<4x128xi32, #tpu.memory_space<vmem>>, vector<16xi32>,
        tpu.vector_store %arg12[%swap3A_605, %swap3A_606], %add3A_603 {strides = array<i32>} : memref<4x128xi32, #tpu.memory_space<vmem>>, vector<16xi32>,
        %mul3A_608 = arith.constant 128 : i32
        %mul3A_609 = arith.muli %add3A_586, %mul3A_608 : i32
        %add3A_610 = arith.constant 16 : i32
        %add3A_611 = arith.addi %mul3A_609, %add3A_610 : i32
        %get3A_612 = arith.index_cast %add3A_611 : i32 to index
        %get3A_613 = tpu.vector_load %arg9[%get3A_612] {strides = array<i32>} : memref<10752xi32, #tpu.memory_space<vmem>>, vector<16xi32>,
        %and3A_614 = arith.constant 131071 : i32
        %and3A_615 = vector.broadcast %and3A_614 : i32 to vector<16xi32>
        %and3A_616 = arith.andi %get3A_613, %and3A_615 : vector<16xi32>
        %swap3A_617 = arith.constant 1 : i32
        %swap3A_618 = arith.index_cast %swap3A_617 : i32 to index
        %swap3A_619 = arith.constant 16 : index
        %swap3A_620 = tpu.vector_load %arg11[%swap3A_618, %swap3A_619] {strides = array<i32>} : memref<4x128xi32, #tpu.memory_space<vmem>>, vector<16xi32>,
        tpu.vector_store %arg11[%swap3A_618, %swap3A_619], %and3A_616 {strides = array<i32>} : memref<4x128xi32, #tpu.memory_space<vmem>>, vector<16xi32>,
        %shift_right_logical3A_621 = arith.constant 17 : i32
        %shift_right_logical3A_622 = vector.broadcast %shift_right_logical3A_621 : i32 to vector<16xi32>
        %shift_right_logical3A_623 = arith.shrui %get3A_613, %shift_right_logical3A_622 : vector<16xi32>
        %add3A_624 = vector.broadcast %mul3A_5 : i32 to vector<16xi32>
        %add3A_625 = arith.addi %shift_right_logical3A_623, %add3A_624 : vector<16xi32>
        %swap3A_626 = arith.constant 1 : i32
        %swap3A_627 = arith.index_cast %swap3A_626 : i32 to index
        %swap3A_628 = arith.constant 16 : index
        %swap3A_629 = tpu.vector_load %arg12[%swap3A_627, %swap3A_628] {strides = array<i32>} : memref<4x128xi32, #tpu.memory_space<vmem>>, vector<16xi32>,
        tpu.vector_store %arg12[%swap3A_627, %swap3A_628], %add3A_625 {strides = array<i32>} : memref<4x128xi32, #tpu.memory_space<vmem>>, vector<16xi32>,
        %mul3A_630 = arith.constant 128 : i32
        %mul3A_631 = arith.muli %add3A_586, %mul3A_630 : i32
        %add3A_632 = arith.constant 32 : i32
        %add3A_633 = arith.addi %mul3A_631, %add3A_632 : i32
        %get3A_634 = arith.index_cast %add3A_633 : i32 to index
        %get3A_635 = tpu.vector_load %arg9[%get3A_634] {strides = array<i32>} : memref<10752xi32, #tpu.memory_space<vmem>>, vector<16xi32>,
        %and3A_636 = arith.constant 131071 : i32
        %and3A_637 = vector.broadcast %and3A_636 : i32 to vector<16xi32>
        %and3A_638 = arith.andi %get3A_635, %and3A_637 : vector<16xi32>
        %swap3A_639 = arith.constant 1 : i32
        %swap3A_640 = arith.index_cast %swap3A_639 : i32 to index
        %swap3A_641 = arith.constant 32 : index
        %swap3A_642 = tpu.vector_load %arg11[%swap3A_640, %swap3A_641] {strides = array<i32>} : memref<4x128xi32, #tpu.memory_space<vmem>>, vector<16xi32>,
        tpu.vector_store %arg11[%swap3A_640, %swap3A_641], %and3A_638 {strides = array<i32>} : memref<4x128xi32, #tpu.memory_space<vmem>>, vector<16xi32>,
        %shift_right_logical3A_643 = arith.constant 17 : i32
        %shift_right_logical3A_644 = vector.broadcast %shift_right_logical3A_643 : i32 to vector<16xi32>
        %shift_right_logical3A_645 = arith.shrui %get3A_635, %shift_right_logical3A_644 : vector<16xi32>
        %add3A_646 = vector.broadcast %mul3A_5 : i32 to vector<16xi32>
        %add3A_647 = arith.addi %shift_right_logical3A_645, %add3A_646 : vector<16xi32>
        %swap3A_648 = arith.constant 1 : i32
        %swap3A_649 = arith.index_cast %swap3A_648 : i32 to index
        %swap3A_650 = arith.constant 32 : index
        %swap3A_651 = tpu.vector_load %arg12[%swap3A_649, %swap3A_650] {strides = array<i32>} : memref<4x128xi32, #tpu.memory_space<vmem>>, vector<16xi32>,
        tpu.vector_store %arg12[%swap3A_649, %swap3A_650], %add3A_647 {strides = array<i32>} : memref<4x128xi32, #tpu.memory_space<vmem>>, vector<16xi32>,
        %mul3A_652 = arith.constant 128 : i32
        %mul3A_653 = arith.muli %add3A_586, %mul3A_652 : i32
        %add3A_654 = arith.constant 48 : i32
        %add3A_655 = arith.addi %mul3A_653, %add3A_654 : i32
        %get3A_656 = arith.index_cast %add3A_655 : i32 to index
        %get3A_657 = tpu.vector_load %arg9[%get3A_656] {strides = array<i32>} : memref<10752xi32, #tpu.memory_space<vmem>>, vector<16xi32>,
        %and3A_658 = arith.constant 131071 : i32
        %and3A_659 = vector.broadcast %and3A_658 : i32 to vector<16xi32>
        %and3A_660 = arith.andi %get3A_657, %and3A_659 : vector<16xi32>
        %swap3A_661 = arith.constant 1 : i32
        %swap3A_662 = arith.index_cast %swap3A_661 : i32 to index
        %swap3A_663 = arith.constant 48 : index
        %swap3A_664 = tpu.vector_load %arg11[%swap3A_662, %swap3A_663] {strides = array<i32>} : memref<4x128xi32, #tpu.memory_space<vmem>>, vector<16xi32>,
        tpu.vector_store %arg11[%swap3A_662, %swap3A_663], %and3A_660 {strides = array<i32>} : memref<4x128xi32, #tpu.memory_space<vmem>>, vector<16xi32>,
        %shift_right_logical3A_665 = arith.constant 17 : i32
        %shift_right_logical3A_666 = vector.broadcast %shift_right_logical3A_665 : i32 to vector<16xi32>
        %shift_right_logical3A_667 = arith.shrui %get3A_657, %shift_right_logical3A_666 : vector<16xi32>
        %add3A_668 = vector.broadcast %mul3A_5 : i32 to vector<16xi32>
        %add3A_669 = arith.addi %shift_right_logical3A_667, %add3A_668 : vector<16xi32>
        %swap3A_670 = arith.constant 1 : i32
        %swap3A_671 = arith.index_cast %swap3A_670 : i32 to index
        %swap3A_672 = arith.constant 48 : index
        %swap3A_673 = tpu.vector_load %arg12[%swap3A_671, %swap3A_672] {strides = array<i32>} : memref<4x128xi32, #tpu.memory_space<vmem>>, vector<16xi32>,
        tpu.vector_store %arg12[%swap3A_671, %swap3A_672], %add3A_669 {strides = array<i32>} : memref<4x128xi32, #tpu.memory_space<vmem>>, vector<16xi32>,
        %mul3A_674 = arith.constant 128 : i32
        %mul3A_675 = arith.muli %add3A_586, %mul3A_674 : i32
        %add3A_676 = arith.constant 64 : i32
        %add3A_677 = arith.addi %mul3A_675, %add3A_676 : i32
        %get3A_678 = arith.index_cast %add3A_677 : i32 to index
        %get3A_679 = tpu.vector_load %arg9[%get3A_678] {strides = array<i32>} : memref<10752xi32, #tpu.memory_space<vmem>>, vector<16xi32>,
        %and3A_680 = arith.constant 131071 : i32
        %and3A_681 = vector.broadcast %and3A_680 : i32 to vector<16xi32>
        %and3A_682 = arith.andi %get3A_679, %and3A_681 : vector<16xi32>
        %swap3A_683 = arith.constant 1 : i32
        %swap3A_684 = arith.index_cast %swap3A_683 : i32 to index
        %swap3A_685 = arith.constant 64 : index
        %swap3A_686 = tpu.vector_load %arg11[%swap3A_684, %swap3A_685] {strides = array<i32>} : memref<4x128xi32, #tpu.memory_space<vmem>>, vector<16xi32>,
        tpu.vector_store %arg11[%swap3A_684, %swap3A_685], %and3A_682 {strides = array<i32>} : memref<4x128xi32, #tpu.memory_space<vmem>>, vector<16xi32>,
        %shift_right_logical3A_687 = arith.constant 17 : i32
        %shift_right_logical3A_688 = vector.broadcast %shift_right_logical3A_687 : i32 to vector<16xi32>
        %shift_right_logical3A_689 = arith.shrui %get3A_679, %shift_right_logical3A_688 : vector<16xi32>
        %add3A_690 = vector.broadcast %mul3A_5 : i32 to vector<16xi32>
        %add3A_691 = arith.addi %shift_right_logical3A_689, %add3A_690 : vector<16xi32>
        %swap3A_692 = arith.constant 1 : i32
        %swap3A_693 = arith.index_cast %swap3A_692 : i32 to index
        %swap3A_694 = arith.constant 64 : index
        %swap3A_695 = tpu.vector_load %arg12[%swap3A_693, %swap3A_694] {strides = array<i32>} : memref<4x128xi32, #tpu.memory_space<vmem>>, vector<16xi32>,
        tpu.vector_store %arg12[%swap3A_693, %swap3A_694], %add3A_691 {strides = array<i32>} : memref<4x128xi32, #tpu.memory_space<vmem>>, vector<16xi32>,
        %mul3A_696 = arith.constant 128 : i32
        %mul3A_697 = arith.muli %add3A_586, %mul3A_696 : i32
        %add3A_698 = arith.constant 80 : i32
        %add3A_699 = arith.addi %mul3A_697, %add3A_698 : i32
        %get3A_700 = arith.index_cast %add3A_699 : i32 to index
        %get3A_701 = tpu.vector_load %arg9[%get3A_700] {strides = array<i32>} : memref<10752xi32, #tpu.memory_space<vmem>>, vector<16xi32>,
        %and3A_702 = arith.constant 131071 : i32
        %and3A_703 = vector.broadcast %and3A_702 : i32 to vector<16xi32>
        %and3A_704 = arith.andi %get3A_701, %and3A_703 : vector<16xi32>
        %swap3A_705 = arith.constant 1 : i32
        %swap3A_706 = arith.index_cast %swap3A_705 : i32 to index
        %swap3A_707 = arith.constant 80 : index
        %swap3A_708 = tpu.vector_load %arg11[%swap3A_706, %swap3A_707] {strides = array<i32>} : memref<4x128xi32, #tpu.memory_space<vmem>>, vector<16xi32>,
        tpu.vector_store %arg11[%swap3A_706, %swap3A_707], %and3A_704 {strides = array<i32>} : memref<4x128xi32, #tpu.memory_space<vmem>>, vector<16xi32>,
        %shift_right_logical3A_709 = arith.constant 17 : i32
        %shift_right_logical3A_710 = vector.broadcast %shift_right_logical3A_709 : i32 to vector<16xi32>
        %shift_right_logical3A_711 = arith.shrui %get3A_701, %shift_right_logical3A_710 : vector<16xi32>
        %add3A_712 = vector.broadcast %mul3A_5 : i32 to vector<16xi32>
        %add3A_713 = arith.addi %shift_right_logical3A_711, %add3A_712 : vector<16xi32>
        %swap3A_714 = arith.constant 1 : i32
        %swap3A_715 = arith.index_cast %swap3A_714 : i32 to index
        %swap3A_716 = arith.constant 80 : index
        %swap3A_717 = tpu.vector_load %arg12[%swap3A_715, %swap3A_716] {strides = array<i32>} : memref<4x128xi32, #tpu.memory_space<vmem>>, vector<16xi32>,
        tpu.vector_store %arg12[%swap3A_715, %swap3A_716], %add3A_713 {strides = array<i32>} : memref<4x128xi32, #tpu.memory_space<vmem>>, vector<16xi32>,
        %mul3A_718 = arith.constant 128 : i32
        %mul3A_719 = arith.muli %add3A_586, %mul3A_718 : i32
        %add3A_720 = arith.constant 96 : i32
        %add3A_721 = arith.addi %mul3A_719, %add3A_720 : i32
        %get3A_722 = arith.index_cast %add3A_721 : i32 to index
        %get3A_723 = tpu.vector_load %arg9[%get3A_722] {strides = array<i32>} : memref<10752xi32, #tpu.memory_space<vmem>>, vector<16xi32>,
        %and3A_724 = arith.constant 131071 : i32
        %and3A_725 = vector.broadcast %and3A_724 : i32 to vector<16xi32>
        %and3A_726 = arith.andi %get3A_723, %and3A_725 : vector<16xi32>
        %swap3A_727 = arith.constant 1 : i32
        %swap3A_728 = arith.index_cast %swap3A_727 : i32 to index
        %swap3A_729 = arith.constant 96 : index
        %swap3A_730 = tpu.vector_load %arg11[%swap3A_728, %swap3A_729] {strides = array<i32>} : memref<4x128xi32, #tpu.memory_space<vmem>>, vector<16xi32>,
        tpu.vector_store %arg11[%swap3A_728, %swap3A_729], %and3A_726 {strides = array<i32>} : memref<4x128xi32, #tpu.memory_space<vmem>>, vector<16xi32>,
        %shift_right_logical3A_731 = arith.constant 17 : i32
        %shift_right_logical3A_732 = vector.broadcast %shift_right_logical3A_731 : i32 to vector<16xi32>
        %shift_right_logical3A_733 = arith.shrui %get3A_723, %shift_right_logical3A_732 : vector<16xi32>
        %add3A_734 = vector.broadcast %mul3A_5 : i32 to vector<16xi32>
        %add3A_735 = arith.addi %shift_right_logical3A_733, %add3A_734 : vector<16xi32>
        %swap3A_736 = arith.constant 1 : i32
        %swap3A_737 = arith.index_cast %swap3A_736 : i32 to index
        %swap3A_738 = arith.constant 96 : index
        %swap3A_739 = tpu.vector_load %arg12[%swap3A_737, %swap3A_738] {strides = array<i32>} : memref<4x128xi32, #tpu.memory_space<vmem>>, vector<16xi32>,
        tpu.vector_store %arg12[%swap3A_737, %swap3A_738], %add3A_735 {strides = array<i32>} : memref<4x128xi32, #tpu.memory_space<vmem>>, vector<16xi32>,
        %mul3A_740 = arith.constant 128 : i32
        %mul3A_741 = arith.muli %add3A_586, %mul3A_740 : i32
        %add3A_742 = arith.constant 112 : i32
        %add3A_743 = arith.addi %mul3A_741, %add3A_742 : i32
        %get3A_744 = arith.index_cast %add3A_743 : i32 to index
        %get3A_745 = tpu.vector_load %arg9[%get3A_744] {strides = array<i32>} : memref<10752xi32, #tpu.memory_space<vmem>>, vector<16xi32>,
        %and3A_746 = arith.constant 131071 : i32
        %and3A_747 = vector.broadcast %and3A_746 : i32 to vector<16xi32>
        %and3A_748 = arith.andi %get3A_745, %and3A_747 : vector<16xi32>
        %swap3A_749 = arith.constant 1 : i32
        %swap3A_750 = arith.index_cast %swap3A_749 : i32 to index
        %swap3A_751 = arith.constant 112 : index
        %swap3A_752 = tpu.vector_load %arg11[%swap3A_750, %swap3A_751] {strides = array<i32>} : memref<4x128xi32, #tpu.memory_space<vmem>>, vector<16xi32>,
        tpu.vector_store %arg11[%swap3A_750, %swap3A_751], %and3A_748 {strides = array<i32>} : memref<4x128xi32, #tpu.memory_space<vmem>>, vector<16xi32>,
        %shift_right_logical3A_753 = arith.constant 17 : i32
        %shift_right_logical3A_754 = vector.broadcast %shift_right_logical3A_753 : i32 to vector<16xi32>
        %shift_right_logical3A_755 = arith.shrui %get3A_745, %shift_right_logical3A_754 : vector<16xi32>
        %add3A_756 = vector.broadcast %mul3A_5 : i32 to vector<16xi32>
        %add3A_757 = arith.addi %shift_right_logical3A_755, %add3A_756 : vector<16xi32>
        %swap3A_758 = arith.constant 1 : i32
        %swap3A_759 = arith.index_cast %swap3A_758 : i32 to index
        %swap3A_760 = arith.constant 112 : index
        %swap3A_761 = tpu.vector_load %arg12[%swap3A_759, %swap3A_760] {strides = array<i32>} : memref<4x128xi32, #tpu.memory_space<vmem>>, vector<16xi32>,
        tpu.vector_store %arg12[%swap3A_759, %swap3A_760], %add3A_757 {strides = array<i32>} : memref<4x128xi32, #tpu.memory_space<vmem>>, vector<16xi32>,
        %dma_start3A_762 = arith.constant 1 : i32
        %dma_start3A_763 = arith.constant 1 : i32
        %dma_start3A_764 = arith.constant 0 : i32
        %dma_start3A_765 = arith.constant 0 : i32
        %dma_start3A_766 = tpu.memref_slice %arg14[%dma_start3A_763, %dma_start3A_764, %dma_start3A_765] : memref<4x128x128xf32, #tpu.memory_space<vmem>> -> memref<1x128x128xf32, #tpu.memory_space<vmem>>
        %dma_start3A_767 = tpu.memref_squeeze %dma_start3A_766 : memref<1x128x128xf32, #tpu.memory_space<vmem>> -> memref<128x128xf32, #tpu.memory_space<vmem>>
        %dma_start3A_768 = arith.constant 0 : i32
        %dma_start3A_769 = tpu.memref_slice %arg11[%dma_start3A_762, %dma_start3A_768] : memref<4x128xi32, #tpu.memory_space<vmem>> -> memref<1x128xi32, #tpu.memory_space<vmem>>
        %dma_start3A_770 = tpu.memref_squeeze %dma_start3A_769 : memref<1x128xi32, #tpu.memory_space<vmem>> -> memref<128xi32, #tpu.memory_space<vmem>>
        %dma_start3A_771 = arith.constant 0 : i32
        %dma_start3A_772 = arith.constant 0 : i32
        %dma_start3A_773 = tpu.memref_slice %arg2[%dma_start3A_771, %dma_start3A_772] : memref<100000x128xf32, #tpu.memory_space<hbm>> -> memref<100000x128xf32, #tpu.memory_space<hbm>>
        tpu.enqueue_indirect_dma source(%dma_start3A_773 : memref<100000x128xf32, #tpu.memory_space<hbm>>) target(%dma_start3A_767 : memref<128x128xf32, #tpu.memory_space<vmem>>) offsets(%dma_start3A_770 : memref<128xi32, #tpu.memory_space<vmem>>) semaphore(%arg17 : memref<!tpu.dma_semaphore, #tpu.memory_space<semaphore_mem>>)
      } else {
      }
    }
    %while3A_200 = arith.constant 1 : i32
    scf.for %while3A_427 = %while3A_198 to %while3A_194 step %while3A_200  : i32 {
      %mul3A_428 = arith.muli %while3A_427, %while3A : i32
      %add3A_429 = arith.addi %while3A_191, %mul3A_428 : i32
      %mul3A_430 = arith.constant 4 : i32
      %mul3A_431 = arith.muli %add3A_429, %mul3A_430 : i32
      %add3A_432 = arith.constant 0 : i32
      %add3A_433 = arith.addi %mul3A_431, %add3A_432 : i32
      %dma_wait3A_434 = arith.constant 0 : i32
      %dma_wait3A_435 = arith.constant 0 : i32
      %dma_wait3A_436 = arith.constant 0 : i32
      %dma_wait3A_437 = arith.constant 0 : i32
      %dma_wait3A_438 = tpu.memref_slice %arg14[%dma_wait3A_435, %dma_wait3A_436, %dma_wait3A_437] : memref<4x128x128xf32, #tpu.memory_space<vmem>> -> memref<1x128x128xf32, #tpu.memory_space<vmem>>
      %dma_wait3A_439 = tpu.memref_squeeze %dma_wait3A_438 : memref<1x128x128xf32, #tpu.memory_space<vmem>> -> memref<128x128xf32, #tpu.memory_space<vmem>>
      %dma_wait3A_440 = arith.constant 0 : i32
      %dma_wait3A_441 = tpu.memref_slice %arg11[%dma_wait3A_434, %dma_wait3A_440] : memref<4x128xi32, #tpu.memory_space<vmem>> -> memref<1x128xi32, #tpu.memory_space<vmem>>
      %dma_wait3A_442 = tpu.memref_squeeze %dma_wait3A_441 : memref<1x128xi32, #tpu.memory_space<vmem>> -> memref<128xi32, #tpu.memory_space<vmem>>
      %dma_wait3A_443 = arith.constant 0 : i32
      %dma_wait3A_444 = arith.constant 0 : i32
      %dma_wait3A_445 = tpu.memref_slice %arg2[%dma_wait3A_443, %dma_wait3A_444] : memref<100000x128xf32, #tpu.memory_space<hbm>> -> memref<100000x128xf32, #tpu.memory_space<hbm>>
      tpu.wait_indirect_dma semaphore(%arg16 : memref<!tpu.dma_semaphore, #tpu.memory_space<semaphore_mem>>) src(%dma_wait3A_445 : memref<100000x128xf32, #tpu.memory_space<hbm>>) dst(%dma_wait3A_439 : memref<128x128xf32, #tpu.memory_space<vmem>>)
      %dma_start3A_446 = arith.constant 0 : i32
      %dma_start3A_447 = arith.constant 0 : i32
      %dma_start3A_448 = arith.constant 0 : i32
      %dma_start3A_449 = arith.constant 0 : i32
      %dma_start3A_450 = tpu.memref_slice %arg14[%dma_start3A_446, %dma_start3A_448, %dma_start3A_449] : memref<4x128x128xf32, #tpu.memory_space<vmem>> -> memref<1x128x128xf32, #tpu.memory_space<vmem>>
      %dma_start3A_451 = tpu.memref_squeeze %dma_start3A_450 : memref<1x128x128xf32, #tpu.memory_space<vmem>> -> memref<128x128xf32, #tpu.memory_space<vmem>>
      %dma_start3A_452 = arith.constant 0 : i32
      %dma_start3A_453 = tpu.memref_slice %arg12[%dma_start3A_447, %dma_start3A_452] : memref<4x128xi32, #tpu.memory_space<vmem>> -> memref<1x128xi32, #tpu.memory_space<vmem>>
      %dma_start3A_454 = tpu.memref_squeeze %dma_start3A_453 : memref<1x128xi32, #tpu.memory_space<vmem>> -> memref<128xi32, #tpu.memory_space<vmem>>
      %dma_start3A_455 = arith.constant 0 : i32
      %dma_start3A_456 = arith.constant 0 : i32
      %dma_start3A_457 = tpu.memref_slice %arg15[%dma_start3A_455, %dma_start3A_456] : memref<5376x128xf32, #tpu.memory_space<vmem_shared>> -> memref<5376x128xf32, #tpu.memory_space<vmem_shared>>
      tpu.enqueue_indirect_dma source(%dma_start3A_451 : memref<128x128xf32, #tpu.memory_space<vmem>>) target(%dma_start3A_457 : memref<5376x128xf32, #tpu.memory_space<vmem_shared>>) offsets(%dma_start3A_454 : memref<128xi32, #tpu.memory_space<vmem>>) semaphore(%arg20 : memref<!tpu.dma_semaphore, #tpu.memory_space<semaphore_mem>>) {add = true}
      %ge3A_458 = arith.constant 2 : i32
      %ge3A_459 = arith.cmpi sge, %add3A_433, %ge3A_458 : i32
      %convert_element_type3A_460 = arith.extui %ge3A_459 : i1 to i32
      %cond3A_461 = arith.constant 0 : i32
      %cond3A_462 = arith.cmpi ne, %convert_element_type3A_460, %cond3A_461 : i32
      scf.if %cond3A_462 {
        %dma_wait3A_585 = arith.constant 2 : i32
        %dma_wait3A_586 = arith.constant 0 : i32
        %dma_wait3A_587 = arith.constant 0 : i32
        %dma_wait3A_588 = tpu.memref_slice %arg14[%dma_wait3A_585, %dma_wait3A_586, %dma_wait3A_587] : memref<4x128x128xf32, #tpu.memory_space<vmem>> -> memref<1x128x128xf32, #tpu.memory_space<vmem>>
        %dma_wait3A_589 = tpu.memref_squeeze %dma_wait3A_588 : memref<1x128x128xf32, #tpu.memory_space<vmem>> -> memref<128x128xf32, #tpu.memory_space<vmem>>
        %dma_wait3A_590 = arith.constant 0 : i32
        %dma_wait3A_591 = arith.constant 0 : i32
        %dma_wait3A_592 = tpu.memref_slice %arg6[%dma_wait3A_590, %dma_wait3A_591] : memref<336x128xf32, #tpu.memory_space<hbm>> -> memref<128x128xf32, #tpu.memory_space<hbm>>
        %dma_wait3A_593 = arith.constant 0 : i32
        %dma_wait3A_594 = arith.constant 0 : i32
        %dma_wait3A_595 = tpu.memref_slice %arg14[%dma_wait3A_585, %dma_wait3A_593, %dma_wait3A_594] : memref<4x128x128xf32, #tpu.memory_space<vmem>> -> memref<1x128x128xf32, #tpu.memory_space<vmem>>
        %dma_wait3A_596 = tpu.memref_squeeze %dma_wait3A_595 : memref<1x128x128xf32, #tpu.memory_space<vmem>> -> memref<128x128xf32, #tpu.memory_space<vmem>>
        %dma_wait3A_597 = arith.constant 0 : i32
        %dma_wait3A_598 = arith.constant 0 : i32
        %dma_wait3A_599 = tpu.memref_slice %arg6[%dma_wait3A_597, %dma_wait3A_598] : memref<336x128xf32, #tpu.memory_space<hbm>> -> memref<128x128xf32, #tpu.memory_space<hbm>>
        tpu.wait_dma2 semaphore(%arg22 : memref<!tpu.dma_semaphore, #tpu.memory_space<semaphore_mem>>) src(%dma_wait3A_599 : memref<128x128xf32, #tpu.memory_space<hbm>>) dst(%dma_wait3A_596 : memref<128x128xf32, #tpu.memory_space<vmem>>)
      } else {
      }
      %add3A_463 = arith.constant 2 : i32
      %add3A_464 = arith.addi %add3A_433, %add3A_463 : i32
      %lt3A = arith.cmpi slt, %add3A_464, %shift_left3A_175 : i32
      %convert_element_type3A_465 = arith.extui %lt3A : i1 to i32
      %cond3A_466 = arith.constant 0 : i32
      %cond3A_467 = arith.cmpi ne, %convert_element_type3A_465, %cond3A_466 : i32
      scf.if %cond3A_467 {
        %add3A_585 = arith.constant 2 : i32
        %add3A_586 = arith.addi %add3A_433, %add3A_585 : i32
        %mul3A_587 = arith.constant 128 : i32
        %mul3A_588 = arith.muli %add3A_586, %mul3A_587 : i32
        %add3A_589 = arith.constant 0 : i32
        %add3A_590 = arith.addi %mul3A_588, %add3A_589 : i32
        %get3A = arith.index_cast %add3A_590 : i32 to index
        %get3A_591 = tpu.vector_load %arg9[%get3A] {strides = array<i32>} : memref<10752xi32, #tpu.memory_space<vmem>>, vector<16xi32>,
        %and3A_592 = arith.constant 131071 : i32
        %and3A_593 = vector.broadcast %and3A_592 : i32 to vector<16xi32>
        %and3A_594 = arith.andi %get3A_591, %and3A_593 : vector<16xi32>
        %swap3A_595 = arith.constant 2 : i32
        %swap3A_596 = arith.index_cast %swap3A_595 : i32 to index
        %swap3A_597 = arith.constant 0 : index
        %swap3A_598 = tpu.vector_load %arg11[%swap3A_596, %swap3A_597] {strides = array<i32>} : memref<4x128xi32, #tpu.memory_space<vmem>>, vector<16xi32>,
        tpu.vector_store %arg11[%swap3A_596, %swap3A_597], %and3A_594 {strides = array<i32>} : memref<4x128xi32, #tpu.memory_space<vmem>>, vector<16xi32>,
        %shift_right_logical3A_599 = arith.constant 17 : i32
        %shift_right_logical3A_600 = vector.broadcast %shift_right_logical3A_599 : i32 to vector<16xi32>
        %shift_right_logical3A_601 = arith.shrui %get3A_591, %shift_right_logical3A_600 : vector<16xi32>
        %add3A_602 = vector.broadcast %mul3A_5 : i32 to vector<16xi32>
        %add3A_603 = arith.addi %shift_right_logical3A_601, %add3A_602 : vector<16xi32>
        %swap3A_604 = arith.constant 2 : i32
        %swap3A_605 = arith.index_cast %swap3A_604 : i32 to index
        %swap3A_606 = arith.constant 0 : index
        %swap3A_607 = tpu.vector_load %arg12[%swap3A_605, %swap3A_606] {strides = array<i32>} : memref<4x128xi32, #tpu.memory_space<vmem>>, vector<16xi32>,
        tpu.vector_store %arg12[%swap3A_605, %swap3A_606], %add3A_603 {strides = array<i32>} : memref<4x128xi32, #tpu.memory_space<vmem>>, vector<16xi32>,
        %mul3A_608 = arith.constant 128 : i32
        %mul3A_609 = arith.muli %add3A_586, %mul3A_608 : i32
        %add3A_610 = arith.constant 16 : i32
        %add3A_611 = arith.addi %mul3A_609, %add3A_610 : i32
        %get3A_612 = arith.index_cast %add3A_611 : i32 to index
        %get3A_613 = tpu.vector_load %arg9[%get3A_612] {strides = array<i32>} : memref<10752xi32, #tpu.memory_space<vmem>>, vector<16xi32>,
        %and3A_614 = arith.constant 131071 : i32
        %and3A_615 = vector.broadcast %and3A_614 : i32 to vector<16xi32>
        %and3A_616 = arith.andi %get3A_613, %and3A_615 : vector<16xi32>
        %swap3A_617 = arith.constant 2 : i32
        %swap3A_618 = arith.index_cast %swap3A_617 : i32 to index
        %swap3A_619 = arith.constant 16 : index
        %swap3A_620 = tpu.vector_load %arg11[%swap3A_618, %swap3A_619] {strides = array<i32>} : memref<4x128xi32, #tpu.memory_space<vmem>>, vector<16xi32>,
        tpu.vector_store %arg11[%swap3A_618, %swap3A_619], %and3A_616 {strides = array<i32>} : memref<4x128xi32, #tpu.memory_space<vmem>>, vector<16xi32>,
        %shift_right_logical3A_621 = arith.constant 17 : i32
        %shift_right_logical3A_622 = vector.broadcast %shift_right_logical3A_621 : i32 to vector<16xi32>
        %shift_right_logical3A_623 = arith.shrui %get3A_613, %shift_right_logical3A_622 : vector<16xi32>
        %add3A_624 = vector.broadcast %mul3A_5 : i32 to vector<16xi32>
        %add3A_625 = arith.addi %shift_right_logical3A_623, %add3A_624 : vector<16xi32>
        %swap3A_626 = arith.constant 2 : i32
        %swap3A_627 = arith.index_cast %swap3A_626 : i32 to index
        %swap3A_628 = arith.constant 16 : index
        %swap3A_629 = tpu.vector_load %arg12[%swap3A_627, %swap3A_628] {strides = array<i32>} : memref<4x128xi32, #tpu.memory_space<vmem>>, vector<16xi32>,
        tpu.vector_store %arg12[%swap3A_627, %swap3A_628], %add3A_625 {strides = array<i32>} : memref<4x128xi32, #tpu.memory_space<vmem>>, vector<16xi32>,
        %mul3A_630 = arith.constant 128 : i32
        %mul3A_631 = arith.muli %add3A_586, %mul3A_630 : i32
        %add3A_632 = arith.constant 32 : i32
        %add3A_633 = arith.addi %mul3A_631, %add3A_632 : i32
        %get3A_634 = arith.index_cast %add3A_633 : i32 to index
        %get3A_635 = tpu.vector_load %arg9[%get3A_634] {strides = array<i32>} : memref<10752xi32, #tpu.memory_space<vmem>>, vector<16xi32>,
        %and3A_636 = arith.constant 131071 : i32
        %and3A_637 = vector.broadcast %and3A_636 : i32 to vector<16xi32>
        %and3A_638 = arith.andi %get3A_635, %and3A_637 : vector<16xi32>
        %swap3A_639 = arith.constant 2 : i32
        %swap3A_640 = arith.index_cast %swap3A_639 : i32 to index
        %swap3A_641 = arith.constant 32 : index
        %swap3A_642 = tpu.vector_load %arg11[%swap3A_640, %swap3A_641] {strides = array<i32>} : memref<4x128xi32, #tpu.memory_space<vmem>>, vector<16xi32>,
        tpu.vector_store %arg11[%swap3A_640, %swap3A_641], %and3A_638 {strides = array<i32>} : memref<4x128xi32, #tpu.memory_space<vmem>>, vector<16xi32>,
        %shift_right_logical3A_643 = arith.constant 17 : i32
        %shift_right_logical3A_644 = vector.broadcast %shift_right_logical3A_643 : i32 to vector<16xi32>
        %shift_right_logical3A_645 = arith.shrui %get3A_635, %shift_right_logical3A_644 : vector<16xi32>
        %add3A_646 = vector.broadcast %mul3A_5 : i32 to vector<16xi32>
        %add3A_647 = arith.addi %shift_right_logical3A_645, %add3A_646 : vector<16xi32>
        %swap3A_648 = arith.constant 2 : i32
        %swap3A_649 = arith.index_cast %swap3A_648 : i32 to index
        %swap3A_650 = arith.constant 32 : index
        %swap3A_651 = tpu.vector_load %arg12[%swap3A_649, %swap3A_650] {strides = array<i32>} : memref<4x128xi32, #tpu.memory_space<vmem>>, vector<16xi32>,
        tpu.vector_store %arg12[%swap3A_649, %swap3A_650], %add3A_647 {strides = array<i32>} : memref<4x128xi32, #tpu.memory_space<vmem>>, vector<16xi32>,
        %mul3A_652 = arith.constant 128 : i32
        %mul3A_653 = arith.muli %add3A_586, %mul3A_652 : i32
        %add3A_654 = arith.constant 48 : i32
        %add3A_655 = arith.addi %mul3A_653, %add3A_654 : i32
        %get3A_656 = arith.index_cast %add3A_655 : i32 to index
        %get3A_657 = tpu.vector_load %arg9[%get3A_656] {strides = array<i32>} : memref<10752xi32, #tpu.memory_space<vmem>>, vector<16xi32>,
        %and3A_658 = arith.constant 131071 : i32
        %and3A_659 = vector.broadcast %and3A_658 : i32 to vector<16xi32>
        %and3A_660 = arith.andi %get3A_657, %and3A_659 : vector<16xi32>
        %swap3A_661 = arith.constant 2 : i32
        %swap3A_662 = arith.index_cast %swap3A_661 : i32 to index
        %swap3A_663 = arith.constant 48 : index
        %swap3A_664 = tpu.vector_load %arg11[%swap3A_662, %swap3A_663] {strides = array<i32>} : memref<4x128xi32, #tpu.memory_space<vmem>>, vector<16xi32>,
        tpu.vector_store %arg11[%swap3A_662, %swap3A_663], %and3A_660 {strides = array<i32>} : memref<4x128xi32, #tpu.memory_space<vmem>>, vector<16xi32>,
        %shift_right_logical3A_665 = arith.constant 17 : i32
        %shift_right_logical3A_666 = vector.broadcast %shift_right_logical3A_665 : i32 to vector<16xi32>
        %shift_right_logical3A_667 = arith.shrui %get3A_657, %shift_right_logical3A_666 : vector<16xi32>
        %add3A_668 = vector.broadcast %mul3A_5 : i32 to vector<16xi32>
        %add3A_669 = arith.addi %shift_right_logical3A_667, %add3A_668 : vector<16xi32>
        %swap3A_670 = arith.constant 2 : i32
        %swap3A_671 = arith.index_cast %swap3A_670 : i32 to index
        %swap3A_672 = arith.constant 48 : index
        %swap3A_673 = tpu.vector_load %arg12[%swap3A_671, %swap3A_672] {strides = array<i32>} : memref<4x128xi32, #tpu.memory_space<vmem>>, vector<16xi32>,
        tpu.vector_store %arg12[%swap3A_671, %swap3A_672], %add3A_669 {strides = array<i32>} : memref<4x128xi32, #tpu.memory_space<vmem>>, vector<16xi32>,
        %mul3A_674 = arith.constant 128 : i32
        %mul3A_675 = arith.muli %add3A_586, %mul3A_674 : i32
        %add3A_676 = arith.constant 64 : i32
        %add3A_677 = arith.addi %mul3A_675, %add3A_676 : i32
        %get3A_678 = arith.index_cast %add3A_677 : i32 to index
        %get3A_679 = tpu.vector_load %arg9[%get3A_678] {strides = array<i32>} : memref<10752xi32, #tpu.memory_space<vmem>>, vector<16xi32>,
        %and3A_680 = arith.constant 131071 : i32
        %and3A_681 = vector.broadcast %and3A_680 : i32 to vector<16xi32>
        %and3A_682 = arith.andi %get3A_679, %and3A_681 : vector<16xi32>
        %swap3A_683 = arith.constant 2 : i32
        %swap3A_684 = arith.index_cast %swap3A_683 : i32 to index
        %swap3A_685 = arith.constant 64 : index
        %swap3A_686 = tpu.vector_load %arg11[%swap3A_684, %swap3A_685] {strides = array<i32>} : memref<4x128xi32, #tpu.memory_space<vmem>>, vector<16xi32>,
        tpu.vector_store %arg11[%swap3A_684, %swap3A_685], %and3A_682 {strides = array<i32>} : memref<4x128xi32, #tpu.memory_space<vmem>>, vector<16xi32>,
        %shift_right_logical3A_687 = arith.constant 17 : i32
        %shift_right_logical3A_688 = vector.broadcast %shift_right_logical3A_687 : i32 to vector<16xi32>
        %shift_right_logical3A_689 = arith.shrui %get3A_679, %shift_right_logical3A_688 : vector<16xi32>
        %add3A_690 = vector.broadcast %mul3A_5 : i32 to vector<16xi32>
        %add3A_691 = arith.addi %shift_right_logical3A_689, %add3A_690 : vector<16xi32>
        %swap3A_692 = arith.constant 2 : i32
        %swap3A_693 = arith.index_cast %swap3A_692 : i32 to index
        %swap3A_694 = arith.constant 64 : index
        %swap3A_695 = tpu.vector_load %arg12[%swap3A_693, %swap3A_694] {strides = array<i32>} : memref<4x128xi32, #tpu.memory_space<vmem>>, vector<16xi32>,
        tpu.vector_store %arg12[%swap3A_693, %swap3A_694], %add3A_691 {strides = array<i32>} : memref<4x128xi32, #tpu.memory_space<vmem>>, vector<16xi32>,
        %mul3A_696 = arith.constant 128 : i32
        %mul3A_697 = arith.muli %add3A_586, %mul3A_696 : i32
        %add3A_698 = arith.constant 80 : i32
        %add3A_699 = arith.addi %mul3A_697, %add3A_698 : i32
        %get3A_700 = arith.index_cast %add3A_699 : i32 to index
        %get3A_701 = tpu.vector_load %arg9[%get3A_700] {strides = array<i32>} : memref<10752xi32, #tpu.memory_space<vmem>>, vector<16xi32>,
        %and3A_702 = arith.constant 131071 : i32
        %and3A_703 = vector.broadcast %and3A_702 : i32 to vector<16xi32>
        %and3A_704 = arith.andi %get3A_701, %and3A_703 : vector<16xi32>
        %swap3A_705 = arith.constant 2 : i32
        %swap3A_706 = arith.index_cast %swap3A_705 : i32 to index
        %swap3A_707 = arith.constant 80 : index
        %swap3A_708 = tpu.vector_load %arg11[%swap3A_706, %swap3A_707] {strides = array<i32>} : memref<4x128xi32, #tpu.memory_space<vmem>>, vector<16xi32>,
        tpu.vector_store %arg11[%swap3A_706, %swap3A_707], %and3A_704 {strides = array<i32>} : memref<4x128xi32, #tpu.memory_space<vmem>>, vector<16xi32>,
        %shift_right_logical3A_709 = arith.constant 17 : i32
        %shift_right_logical3A_710 = vector.broadcast %shift_right_logical3A_709 : i32 to vector<16xi32>
        %shift_right_logical3A_711 = arith.shrui %get3A_701, %shift_right_logical3A_710 : vector<16xi32>
        %add3A_712 = vector.broadcast %mul3A_5 : i32 to vector<16xi32>
        %add3A_713 = arith.addi %shift_right_logical3A_711, %add3A_712 : vector<16xi32>
        %swap3A_714 = arith.constant 2 : i32
        %swap3A_715 = arith.index_cast %swap3A_714 : i32 to index
        %swap3A_716 = arith.constant 80 : index
        %swap3A_717 = tpu.vector_load %arg12[%swap3A_715, %swap3A_716] {strides = array<i32>} : memref<4x128xi32, #tpu.memory_space<vmem>>, vector<16xi32>,
        tpu.vector_store %arg12[%swap3A_715, %swap3A_716], %add3A_713 {strides = array<i32>} : memref<4x128xi32, #tpu.memory_space<vmem>>, vector<16xi32>,
        %mul3A_718 = arith.constant 128 : i32
        %mul3A_719 = arith.muli %add3A_586, %mul3A_718 : i32
        %add3A_720 = arith.constant 96 : i32
        %add3A_721 = arith.addi %mul3A_719, %add3A_720 : i32
        %get3A_722 = arith.index_cast %add3A_721 : i32 to index
        %get3A_723 = tpu.vector_load %arg9[%get3A_722] {strides = array<i32>} : memref<10752xi32, #tpu.memory_space<vmem>>, vector<16xi32>,
        %and3A_724 = arith.constant 131071 : i32
        %and3A_725 = vector.broadcast %and3A_724 : i32 to vector<16xi32>
        %and3A_726 = arith.andi %get3A_723, %and3A_725 : vector<16xi32>
        %swap3A_727 = arith.constant 2 : i32
        %swap3A_728 = arith.index_cast %swap3A_727 : i32 to index
        %swap3A_729 = arith.constant 96 : index
        %swap3A_730 = tpu.vector_load %arg11[%swap3A_728, %swap3A_729] {strides = array<i32>} : memref<4x128xi32, #tpu.memory_space<vmem>>, vector<16xi32>,
        tpu.vector_store %arg11[%swap3A_728, %swap3A_729], %and3A_726 {strides = array<i32>} : memref<4x128xi32, #tpu.memory_space<vmem>>, vector<16xi32>,
        %shift_right_logical3A_731 = arith.constant 17 : i32
        %shift_right_logical3A_732 = vector.broadcast %shift_right_logical3A_731 : i32 to vector<16xi32>
        %shift_right_logical3A_733 = arith.shrui %get3A_723, %shift_right_logical3A_732 : vector<16xi32>
        %add3A_734 = vector.broadcast %mul3A_5 : i32 to vector<16xi32>
        %add3A_735 = arith.addi %shift_right_logical3A_733, %add3A_734 : vector<16xi32>
        %swap3A_736 = arith.constant 2 : i32
        %swap3A_737 = arith.index_cast %swap3A_736 : i32 to index
        %swap3A_738 = arith.constant 96 : index
        %swap3A_739 = tpu.vector_load %arg12[%swap3A_737, %swap3A_738] {strides = array<i32>} : memref<4x128xi32, #tpu.memory_space<vmem>>, vector<16xi32>,
        tpu.vector_store %arg12[%swap3A_737, %swap3A_738], %add3A_735 {strides = array<i32>} : memref<4x128xi32, #tpu.memory_space<vmem>>, vector<16xi32>,
        %mul3A_740 = arith.constant 128 : i32
        %mul3A_741 = arith.muli %add3A_586, %mul3A_740 : i32
        %add3A_742 = arith.constant 112 : i32
        %add3A_743 = arith.addi %mul3A_741, %add3A_742 : i32
        %get3A_744 = arith.index_cast %add3A_743 : i32 to index
        %get3A_745 = tpu.vector_load %arg9[%get3A_744] {strides = array<i32>} : memref<10752xi32, #tpu.memory_space<vmem>>, vector<16xi32>,
        %and3A_746 = arith.constant 131071 : i32
        %and3A_747 = vector.broadcast %and3A_746 : i32 to vector<16xi32>
        %and3A_748 = arith.andi %get3A_745, %and3A_747 : vector<16xi32>
        %swap3A_749 = arith.constant 2 : i32
        %swap3A_750 = arith.index_cast %swap3A_749 : i32 to index
        %swap3A_751 = arith.constant 112 : index
        %swap3A_752 = tpu.vector_load %arg11[%swap3A_750, %swap3A_751] {strides = array<i32>} : memref<4x128xi32, #tpu.memory_space<vmem>>, vector<16xi32>,
        tpu.vector_store %arg11[%swap3A_750, %swap3A_751], %and3A_748 {strides = array<i32>} : memref<4x128xi32, #tpu.memory_space<vmem>>, vector<16xi32>,
        %shift_right_logical3A_753 = arith.constant 17 : i32
        %shift_right_logical3A_754 = vector.broadcast %shift_right_logical3A_753 : i32 to vector<16xi32>
        %shift_right_logical3A_755 = arith.shrui %get3A_745, %shift_right_logical3A_754 : vector<16xi32>
        %add3A_756 = vector.broadcast %mul3A_5 : i32 to vector<16xi32>
        %add3A_757 = arith.addi %shift_right_logical3A_755, %add3A_756 : vector<16xi32>
        %swap3A_758 = arith.constant 2 : i32
        %swap3A_759 = arith.index_cast %swap3A_758 : i32 to index
        %swap3A_760 = arith.constant 112 : index
        %swap3A_761 = tpu.vector_load %arg12[%swap3A_759, %swap3A_760] {strides = array<i32>} : memref<4x128xi32, #tpu.memory_space<vmem>>, vector<16xi32>,
        tpu.vector_store %arg12[%swap3A_759, %swap3A_760], %add3A_757 {strides = array<i32>} : memref<4x128xi32, #tpu.memory_space<vmem>>, vector<16xi32>,
        %dma_start3A_762 = arith.constant 2 : i32
        %dma_start3A_763 = arith.constant 2 : i32
        %dma_start3A_764 = arith.constant 0 : i32
        %dma_start3A_765 = arith.constant 0 : i32
        %dma_start3A_766 = tpu.memref_slice %arg14[%dma_start3A_763, %dma_start3A_764, %dma_start3A_765] : memref<4x128x128xf32, #tpu.memory_space<vmem>> -> memref<1x128x128xf32, #tpu.memory_space<vmem>>
        %dma_start3A_767 = tpu.memref_squeeze %dma_start3A_766 : memref<1x128x128xf32, #tpu.memory_space<vmem>> -> memref<128x128xf32, #tpu.memory_space<vmem>>
        %dma_start3A_768 = arith.constant 0 : i32
        %dma_start3A_769 = tpu.memref_slice %arg11[%dma_start3A_762, %dma_start3A_768] : memref<4x128xi32, #tpu.memory_space<vmem>> -> memref<1x128xi32, #tpu.memory_space<vmem>>
        %dma_start3A_770 = tpu.memref_squeeze %dma_start3A_769 : memref<1x128xi32, #tpu.memory_space<vmem>> -> memref<128xi32, #tpu.memory_space<vmem>>
        %dma_start3A_771 = arith.constant 0 : i32
        %dma_start3A_772 = arith.constant 0 : i32
        %dma_start3A_773 = tpu.memref_slice %arg2[%dma_start3A_771, %dma_start3A_772] : memref<100000x128xf32, #tpu.memory_space<hbm>> -> memref<100000x128xf32, #tpu.memory_space<hbm>>
        tpu.enqueue_indirect_dma source(%dma_start3A_773 : memref<100000x128xf32, #tpu.memory_space<hbm>>) target(%dma_start3A_767 : memref<128x128xf32, #tpu.memory_space<vmem>>) offsets(%dma_start3A_770 : memref<128xi32, #tpu.memory_space<vmem>>) semaphore(%arg18 : memref<!tpu.dma_semaphore, #tpu.memory_space<semaphore_mem>>)
      } else {
      }
      %mul3A_468 = arith.constant 4 : i32
      %mul3A_469 = arith.muli %add3A_429, %mul3A_468 : i32
      %add3A_470 = arith.constant 1 : i32
      %add3A_471 = arith.addi %mul3A_469, %add3A_470 : i32
      %dma_wait3A_472 = arith.constant 1 : i32
      %dma_wait3A_473 = arith.constant 1 : i32
      %dma_wait3A_474 = arith.constant 0 : i32
      %dma_wait3A_475 = arith.constant 0 : i32
      %dma_wait3A_476 = tpu.memref_slice %arg14[%dma_wait3A_473, %dma_wait3A_474, %dma_wait3A_475] : memref<4x128x128xf32, #tpu.memory_space<vmem>> -> memref<1x128x128xf32, #tpu.memory_space<vmem>>
      %dma_wait3A_477 = tpu.memref_squeeze %dma_wait3A_476 : memref<1x128x128xf32, #tpu.memory_space<vmem>> -> memref<128x128xf32, #tpu.memory_space<vmem>>
      %dma_wait3A_478 = arith.constant 0 : i32
      %dma_wait3A_479 = tpu.memref_slice %arg11[%dma_wait3A_472, %dma_wait3A_478] : memref<4x128xi32, #tpu.memory_space<vmem>> -> memref<1x128xi32, #tpu.memory_space<vmem>>
      %dma_wait3A_480 = tpu.memref_squeeze %dma_wait3A_479 : memref<1x128xi32, #tpu.memory_space<vmem>> -> memref<128xi32, #tpu.memory_space<vmem>>
      %dma_wait3A_481 = arith.constant 0 : i32
      %dma_wait3A_482 = arith.constant 0 : i32
      %dma_wait3A_483 = tpu.memref_slice %arg2[%dma_wait3A_481, %dma_wait3A_482] : memref<100000x128xf32, #tpu.memory_space<hbm>> -> memref<100000x128xf32, #tpu.memory_space<hbm>>
      tpu.wait_indirect_dma semaphore(%arg17 : memref<!tpu.dma_semaphore, #tpu.memory_space<semaphore_mem>>) src(%dma_wait3A_483 : memref<100000x128xf32, #tpu.memory_space<hbm>>) dst(%dma_wait3A_477 : memref<128x128xf32, #tpu.memory_space<vmem>>)
      %dma_start3A_484 = arith.constant 1 : i32
      %dma_start3A_485 = arith.constant 1 : i32
      %dma_start3A_486 = arith.constant 0 : i32
      %dma_start3A_487 = arith.constant 0 : i32
      %dma_start3A_488 = tpu.memref_slice %arg14[%dma_start3A_484, %dma_start3A_486, %dma_start3A_487] : memref<4x128x128xf32, #tpu.memory_space<vmem>> -> memref<1x128x128xf32, #tpu.memory_space<vmem>>
      %dma_start3A_489 = tpu.memref_squeeze %dma_start3A_488 : memref<1x128x128xf32, #tpu.memory_space<vmem>> -> memref<128x128xf32, #tpu.memory_space<vmem>>
      %dma_start3A_490 = arith.constant 0 : i32
      %dma_start3A_491 = tpu.memref_slice %arg12[%dma_start3A_485, %dma_start3A_490] : memref<4x128xi32, #tpu.memory_space<vmem>> -> memref<1x128xi32, #tpu.memory_space<vmem>>
      %dma_start3A_492 = tpu.memref_squeeze %dma_start3A_491 : memref<1x128xi32, #tpu.memory_space<vmem>> -> memref<128xi32, #tpu.memory_space<vmem>>
      %dma_start3A_493 = arith.constant 0 : i32
      %dma_start3A_494 = arith.constant 0 : i32
      %dma_start3A_495 = tpu.memref_slice %arg15[%dma_start3A_493, %dma_start3A_494] : memref<5376x128xf32, #tpu.memory_space<vmem_shared>> -> memref<5376x128xf32, #tpu.memory_space<vmem_shared>>
      tpu.enqueue_indirect_dma source(%dma_start3A_489 : memref<128x128xf32, #tpu.memory_space<vmem>>) target(%dma_start3A_495 : memref<5376x128xf32, #tpu.memory_space<vmem_shared>>) offsets(%dma_start3A_492 : memref<128xi32, #tpu.memory_space<vmem>>) semaphore(%arg21 : memref<!tpu.dma_semaphore, #tpu.memory_space<semaphore_mem>>) {add = true}
      %ge3A_496 = arith.constant 2 : i32
      %ge3A_497 = arith.cmpi sge, %add3A_471, %ge3A_496 : i32
      %convert_element_type3A_498 = arith.extui %ge3A_497 : i1 to i32
      %cond3A_499 = arith.constant 0 : i32
      %cond3A_500 = arith.cmpi ne, %convert_element_type3A_498, %cond3A_499 : i32
      scf.if %cond3A_500 {
        %dma_wait3A_585 = arith.constant 3 : i32
        %dma_wait3A_586 = arith.constant 0 : i32
        %dma_wait3A_587 = arith.constant 0 : i32
        %dma_wait3A_588 = tpu.memref_slice %arg14[%dma_wait3A_585, %dma_wait3A_586, %dma_wait3A_587] : memref<4x128x128xf32, #tpu.memory_space<vmem>> -> memref<1x128x128xf32, #tpu.memory_space<vmem>>
        %dma_wait3A_589 = tpu.memref_squeeze %dma_wait3A_588 : memref<1x128x128xf32, #tpu.memory_space<vmem>> -> memref<128x128xf32, #tpu.memory_space<vmem>>
        %dma_wait3A_590 = arith.constant 0 : i32
        %dma_wait3A_591 = arith.constant 0 : i32
        %dma_wait3A_592 = tpu.memref_slice %arg6[%dma_wait3A_590, %dma_wait3A_591] : memref<336x128xf32, #tpu.memory_space<hbm>> -> memref<128x128xf32, #tpu.memory_space<hbm>>
        %dma_wait3A_593 = arith.constant 0 : i32
        %dma_wait3A_594 = arith.constant 0 : i32
        %dma_wait3A_595 = tpu.memref_slice %arg14[%dma_wait3A_585, %dma_wait3A_593, %dma_wait3A_594] : memref<4x128x128xf32, #tpu.memory_space<vmem>> -> memref<1x128x128xf32, #tpu.memory_space<vmem>>
        %dma_wait3A_596 = tpu.memref_squeeze %dma_wait3A_595 : memref<1x128x128xf32, #tpu.memory_space<vmem>> -> memref<128x128xf32, #tpu.memory_space<vmem>>
        %dma_wait3A_597 = arith.constant 0 : i32
        %dma_wait3A_598 = arith.constant 0 : i32
        %dma_wait3A_599 = tpu.memref_slice %arg6[%dma_wait3A_597, %dma_wait3A_598] : memref<336x128xf32, #tpu.memory_space<hbm>> -> memref<128x128xf32, #tpu.memory_space<hbm>>
        tpu.wait_dma2 semaphore(%arg23 : memref<!tpu.dma_semaphore, #tpu.memory_space<semaphore_mem>>) src(%dma_wait3A_599 : memref<128x128xf32, #tpu.memory_space<hbm>>) dst(%dma_wait3A_596 : memref<128x128xf32, #tpu.memory_space<vmem>>)
      } else {
      }
      %add3A_501 = arith.constant 2 : i32
      %add3A_502 = arith.addi %add3A_471, %add3A_501 : i32
      %lt3A_503 = arith.cmpi slt, %add3A_502, %shift_left3A_175 : i32
      %convert_element_type3A_504 = arith.extui %lt3A_503 : i1 to i32
      %cond3A_505 = arith.constant 0 : i32
      %cond3A_506 = arith.cmpi ne, %convert_element_type3A_504, %cond3A_505 : i32
      scf.if %cond3A_506 {
        %add3A_585 = arith.constant 2 : i32
        %add3A_586 = arith.addi %add3A_471, %add3A_585 : i32
        %mul3A_587 = arith.constant 128 : i32
        %mul3A_588 = arith.muli %add3A_586, %mul3A_587 : i32
        %add3A_589 = arith.constant 0 : i32
        %add3A_590 = arith.addi %mul3A_588, %add3A_589 : i32
        %get3A = arith.index_cast %add3A_590 : i32 to index
        %get3A_591 = tpu.vector_load %arg9[%get3A] {strides = array<i32>} : memref<10752xi32, #tpu.memory_space<vmem>>, vector<16xi32>,
        %and3A_592 = arith.constant 131071 : i32
        %and3A_593 = vector.broadcast %and3A_592 : i32 to vector<16xi32>
        %and3A_594 = arith.andi %get3A_591, %and3A_593 : vector<16xi32>
        %swap3A_595 = arith.constant 3 : i32
        %swap3A_596 = arith.index_cast %swap3A_595 : i32 to index
        %swap3A_597 = arith.constant 0 : index
        %swap3A_598 = tpu.vector_load %arg11[%swap3A_596, %swap3A_597] {strides = array<i32>} : memref<4x128xi32, #tpu.memory_space<vmem>>, vector<16xi32>,
        tpu.vector_store %arg11[%swap3A_596, %swap3A_597], %and3A_594 {strides = array<i32>} : memref<4x128xi32, #tpu.memory_space<vmem>>, vector<16xi32>,
        %shift_right_logical3A_599 = arith.constant 17 : i32
        %shift_right_logical3A_600 = vector.broadcast %shift_right_logical3A_599 : i32 to vector<16xi32>
        %shift_right_logical3A_601 = arith.shrui %get3A_591, %shift_right_logical3A_600 : vector<16xi32>
        %add3A_602 = vector.broadcast %mul3A_5 : i32 to vector<16xi32>
        %add3A_603 = arith.addi %shift_right_logical3A_601, %add3A_602 : vector<16xi32>
        %swap3A_604 = arith.constant 3 : i32
        %swap3A_605 = arith.index_cast %swap3A_604 : i32 to index
        %swap3A_606 = arith.constant 0 : index
        %swap3A_607 = tpu.vector_load %arg12[%swap3A_605, %swap3A_606] {strides = array<i32>} : memref<4x128xi32, #tpu.memory_space<vmem>>, vector<16xi32>,
        tpu.vector_store %arg12[%swap3A_605, %swap3A_606], %add3A_603 {strides = array<i32>} : memref<4x128xi32, #tpu.memory_space<vmem>>, vector<16xi32>,
        %mul3A_608 = arith.constant 128 : i32
        %mul3A_609 = arith.muli %add3A_586, %mul3A_608 : i32
        %add3A_610 = arith.constant 16 : i32
        %add3A_611 = arith.addi %mul3A_609, %add3A_610 : i32
        %get3A_612 = arith.index_cast %add3A_611 : i32 to index
        %get3A_613 = tpu.vector_load %arg9[%get3A_612] {strides = array<i32>} : memref<10752xi32, #tpu.memory_space<vmem>>, vector<16xi32>,
        %and3A_614 = arith.constant 131071 : i32
        %and3A_615 = vector.broadcast %and3A_614 : i32 to vector<16xi32>
        %and3A_616 = arith.andi %get3A_613, %and3A_615 : vector<16xi32>
        %swap3A_617 = arith.constant 3 : i32
        %swap3A_618 = arith.index_cast %swap3A_617 : i32 to index
        %swap3A_619 = arith.constant 16 : index
        %swap3A_620 = tpu.vector_load %arg11[%swap3A_618, %swap3A_619] {strides = array<i32>} : memref<4x128xi32, #tpu.memory_space<vmem>>, vector<16xi32>,
        tpu.vector_store %arg11[%swap3A_618, %swap3A_619], %and3A_616 {strides = array<i32>} : memref<4x128xi32, #tpu.memory_space<vmem>>, vector<16xi32>,
        %shift_right_logical3A_621 = arith.constant 17 : i32
        %shift_right_logical3A_622 = vector.broadcast %shift_right_logical3A_621 : i32 to vector<16xi32>
        %shift_right_logical3A_623 = arith.shrui %get3A_613, %shift_right_logical3A_622 : vector<16xi32>
        %add3A_624 = vector.broadcast %mul3A_5 : i32 to vector<16xi32>
        %add3A_625 = arith.addi %shift_right_logical3A_623, %add3A_624 : vector<16xi32>
        %swap3A_626 = arith.constant 3 : i32
        %swap3A_627 = arith.index_cast %swap3A_626 : i32 to index
        %swap3A_628 = arith.constant 16 : index
        %swap3A_629 = tpu.vector_load %arg12[%swap3A_627, %swap3A_628] {strides = array<i32>} : memref<4x128xi32, #tpu.memory_space<vmem>>, vector<16xi32>,
        tpu.vector_store %arg12[%swap3A_627, %swap3A_628], %add3A_625 {strides = array<i32>} : memref<4x128xi32, #tpu.memory_space<vmem>>, vector<16xi32>,
        %mul3A_630 = arith.constant 128 : i32
        %mul3A_631 = arith.muli %add3A_586, %mul3A_630 : i32
        %add3A_632 = arith.constant 32 : i32
        %add3A_633 = arith.addi %mul3A_631, %add3A_632 : i32
        %get3A_634 = arith.index_cast %add3A_633 : i32 to index
        %get3A_635 = tpu.vector_load %arg9[%get3A_634] {strides = array<i32>} : memref<10752xi32, #tpu.memory_space<vmem>>, vector<16xi32>,
        %and3A_636 = arith.constant 131071 : i32
        %and3A_637 = vector.broadcast %and3A_636 : i32 to vector<16xi32>
        %and3A_638 = arith.andi %get3A_635, %and3A_637 : vector<16xi32>
        %swap3A_639 = arith.constant 3 : i32
        %swap3A_640 = arith.index_cast %swap3A_639 : i32 to index
        %swap3A_641 = arith.constant 32 : index
        %swap3A_642 = tpu.vector_load %arg11[%swap3A_640, %swap3A_641] {strides = array<i32>} : memref<4x128xi32, #tpu.memory_space<vmem>>, vector<16xi32>,
        tpu.vector_store %arg11[%swap3A_640, %swap3A_641], %and3A_638 {strides = array<i32>} : memref<4x128xi32, #tpu.memory_space<vmem>>, vector<16xi32>,
        %shift_right_logical3A_643 = arith.constant 17 : i32
        %shift_right_logical3A_644 = vector.broadcast %shift_right_logical3A_643 : i32 to vector<16xi32>
        %shift_right_logical3A_645 = arith.shrui %get3A_635, %shift_right_logical3A_644 : vector<16xi32>
        %add3A_646 = vector.broadcast %mul3A_5 : i32 to vector<16xi32>
        %add3A_647 = arith.addi %shift_right_logical3A_645, %add3A_646 : vector<16xi32>
        %swap3A_648 = arith.constant 3 : i32
        %swap3A_649 = arith.index_cast %swap3A_648 : i32 to index
        %swap3A_650 = arith.constant 32 : index
        %swap3A_651 = tpu.vector_load %arg12[%swap3A_649, %swap3A_650] {strides = array<i32>} : memref<4x128xi32, #tpu.memory_space<vmem>>, vector<16xi32>,
        tpu.vector_store %arg12[%swap3A_649, %swap3A_650], %add3A_647 {strides = array<i32>} : memref<4x128xi32, #tpu.memory_space<vmem>>, vector<16xi32>,
        %mul3A_652 = arith.constant 128 : i32
        %mul3A_653 = arith.muli %add3A_586, %mul3A_652 : i32
        %add3A_654 = arith.constant 48 : i32
        %add3A_655 = arith.addi %mul3A_653, %add3A_654 : i32
        %get3A_656 = arith.index_cast %add3A_655 : i32 to index
        %get3A_657 = tpu.vector_load %arg9[%get3A_656] {strides = array<i32>} : memref<10752xi32, #tpu.memory_space<vmem>>, vector<16xi32>,
        %and3A_658 = arith.constant 131071 : i32
        %and3A_659 = vector.broadcast %and3A_658 : i32 to vector<16xi32>
        %and3A_660 = arith.andi %get3A_657, %and3A_659 : vector<16xi32>
        %swap3A_661 = arith.constant 3 : i32
        %swap3A_662 = arith.index_cast %swap3A_661 : i32 to index
        %swap3A_663 = arith.constant 48 : index
        %swap3A_664 = tpu.vector_load %arg11[%swap3A_662, %swap3A_663] {strides = array<i32>} : memref<4x128xi32, #tpu.memory_space<vmem>>, vector<16xi32>,
        tpu.vector_store %arg11[%swap3A_662, %swap3A_663], %and3A_660 {strides = array<i32>} : memref<4x128xi32, #tpu.memory_space<vmem>>, vector<16xi32>,
        %shift_right_logical3A_665 = arith.constant 17 : i32
        %shift_right_logical3A_666 = vector.broadcast %shift_right_logical3A_665 : i32 to vector<16xi32>
        %shift_right_logical3A_667 = arith.shrui %get3A_657, %shift_right_logical3A_666 : vector<16xi32>
        %add3A_668 = vector.broadcast %mul3A_5 : i32 to vector<16xi32>
        %add3A_669 = arith.addi %shift_right_logical3A_667, %add3A_668 : vector<16xi32>
        %swap3A_670 = arith.constant 3 : i32
        %swap3A_671 = arith.index_cast %swap3A_670 : i32 to index
        %swap3A_672 = arith.constant 48 : index
        %swap3A_673 = tpu.vector_load %arg12[%swap3A_671, %swap3A_672] {strides = array<i32>} : memref<4x128xi32, #tpu.memory_space<vmem>>, vector<16xi32>,
        tpu.vector_store %arg12[%swap3A_671, %swap3A_672], %add3A_669 {strides = array<i32>} : memref<4x128xi32, #tpu.memory_space<vmem>>, vector<16xi32>,
        %mul3A_674 = arith.constant 128 : i32
        %mul3A_675 = arith.muli %add3A_586, %mul3A_674 : i32
        %add3A_676 = arith.constant 64 : i32
        %add3A_677 = arith.addi %mul3A_675, %add3A_676 : i32
        %get3A_678 = arith.index_cast %add3A_677 : i32 to index
        %get3A_679 = tpu.vector_load %arg9[%get3A_678] {strides = array<i32>} : memref<10752xi32, #tpu.memory_space<vmem>>, vector<16xi32>,
        %and3A_680 = arith.constant 131071 : i32
        %and3A_681 = vector.broadcast %and3A_680 : i32 to vector<16xi32>
        %and3A_682 = arith.andi %get3A_679, %and3A_681 : vector<16xi32>
        %swap3A_683 = arith.constant 3 : i32
        %swap3A_684 = arith.index_cast %swap3A_683 : i32 to index
        %swap3A_685 = arith.constant 64 : index
        %swap3A_686 = tpu.vector_load %arg11[%swap3A_684, %swap3A_685] {strides = array<i32>} : memref<4x128xi32, #tpu.memory_space<vmem>>, vector<16xi32>,
        tpu.vector_store %arg11[%swap3A_684, %swap3A_685], %and3A_682 {strides = array<i32>} : memref<4x128xi32, #tpu.memory_space<vmem>>, vector<16xi32>,
        %shift_right_logical3A_687 = arith.constant 17 : i32
        %shift_right_logical3A_688 = vector.broadcast %shift_right_logical3A_687 : i32 to vector<16xi32>
        %shift_right_logical3A_689 = arith.shrui %get3A_679, %shift_right_logical3A_688 : vector<16xi32>
        %add3A_690 = vector.broadcast %mul3A_5 : i32 to vector<16xi32>
        %add3A_691 = arith.addi %shift_right_logical3A_689, %add3A_690 : vector<16xi32>
        %swap3A_692 = arith.constant 3 : i32
        %swap3A_693 = arith.index_cast %swap3A_692 : i32 to index
        %swap3A_694 = arith.constant 64 : index
        %swap3A_695 = tpu.vector_load %arg12[%swap3A_693, %swap3A_694] {strides = array<i32>} : memref<4x128xi32, #tpu.memory_space<vmem>>, vector<16xi32>,
        tpu.vector_store %arg12[%swap3A_693, %swap3A_694], %add3A_691 {strides = array<i32>} : memref<4x128xi32, #tpu.memory_space<vmem>>, vector<16xi32>,
        %mul3A_696 = arith.constant 128 : i32
        %mul3A_697 = arith.muli %add3A_586, %mul3A_696 : i32
        %add3A_698 = arith.constant 80 : i32
        %add3A_699 = arith.addi %mul3A_697, %add3A_698 : i32
        %get3A_700 = arith.index_cast %add3A_699 : i32 to index
        %get3A_701 = tpu.vector_load %arg9[%get3A_700] {strides = array<i32>} : memref<10752xi32, #tpu.memory_space<vmem>>, vector<16xi32>,
        %and3A_702 = arith.constant 131071 : i32
        %and3A_703 = vector.broadcast %and3A_702 : i32 to vector<16xi32>
        %and3A_704 = arith.andi %get3A_701, %and3A_703 : vector<16xi32>
        %swap3A_705 = arith.constant 3 : i32
        %swap3A_706 = arith.index_cast %swap3A_705 : i32 to index
        %swap3A_707 = arith.constant 80 : index
        %swap3A_708 = tpu.vector_load %arg11[%swap3A_706, %swap3A_707] {strides = array<i32>} : memref<4x128xi32, #tpu.memory_space<vmem>>, vector<16xi32>,
        tpu.vector_store %arg11[%swap3A_706, %swap3A_707], %and3A_704 {strides = array<i32>} : memref<4x128xi32, #tpu.memory_space<vmem>>, vector<16xi32>,
        %shift_right_logical3A_709 = arith.constant 17 : i32
        %shift_right_logical3A_710 = vector.broadcast %shift_right_logical3A_709 : i32 to vector<16xi32>
        %shift_right_logical3A_711 = arith.shrui %get3A_701, %shift_right_logical3A_710 : vector<16xi32>
        %add3A_712 = vector.broadcast %mul3A_5 : i32 to vector<16xi32>
        %add3A_713 = arith.addi %shift_right_logical3A_711, %add3A_712 : vector<16xi32>
        %swap3A_714 = arith.constant 3 : i32
        %swap3A_715 = arith.index_cast %swap3A_714 : i32 to index
        %swap3A_716 = arith.constant 80 : index
        %swap3A_717 = tpu.vector_load %arg12[%swap3A_715, %swap3A_716] {strides = array<i32>} : memref<4x128xi32, #tpu.memory_space<vmem>>, vector<16xi32>,
        tpu.vector_store %arg12[%swap3A_715, %swap3A_716], %add3A_713 {strides = array<i32>} : memref<4x128xi32, #tpu.memory_space<vmem>>, vector<16xi32>,
        %mul3A_718 = arith.constant 128 : i32
        %mul3A_719 = arith.muli %add3A_586, %mul3A_718 : i32
        %add3A_720 = arith.constant 96 : i32
        %add3A_721 = arith.addi %mul3A_719, %add3A_720 : i32
        %get3A_722 = arith.index_cast %add3A_721 : i32 to index
        %get3A_723 = tpu.vector_load %arg9[%get3A_722] {strides = array<i32>} : memref<10752xi32, #tpu.memory_space<vmem>>, vector<16xi32>,
        %and3A_724 = arith.constant 131071 : i32
        %and3A_725 = vector.broadcast %and3A_724 : i32 to vector<16xi32>
        %and3A_726 = arith.andi %get3A_723, %and3A_725 : vector<16xi32>
        %swap3A_727 = arith.constant 3 : i32
        %swap3A_728 = arith.index_cast %swap3A_727 : i32 to index
        %swap3A_729 = arith.constant 96 : index
        %swap3A_730 = tpu.vector_load %arg11[%swap3A_728, %swap3A_729] {strides = array<i32>} : memref<4x128xi32, #tpu.memory_space<vmem>>, vector<16xi32>,
        tpu.vector_store %arg11[%swap3A_728, %swap3A_729], %and3A_726 {strides = array<i32>} : memref<4x128xi32, #tpu.memory_space<vmem>>, vector<16xi32>,
        %shift_right_logical3A_731 = arith.constant 17 : i32
        %shift_right_logical3A_732 = vector.broadcast %shift_right_logical3A_731 : i32 to vector<16xi32>
        %shift_right_logical3A_733 = arith.shrui %get3A_723, %shift_right_logical3A_732 : vector<16xi32>
        %add3A_734 = vector.broadcast %mul3A_5 : i32 to vector<16xi32>
        %add3A_735 = arith.addi %shift_right_logical3A_733, %add3A_734 : vector<16xi32>
        %swap3A_736 = arith.constant 3 : i32
        %swap3A_737 = arith.index_cast %swap3A_736 : i32 to index
        %swap3A_738 = arith.constant 96 : index
        %swap3A_739 = tpu.vector_load %arg12[%swap3A_737, %swap3A_738] {strides = array<i32>} : memref<4x128xi32, #tpu.memory_space<vmem>>, vector<16xi32>,
        tpu.vector_store %arg12[%swap3A_737, %swap3A_738], %add3A_735 {strides = array<i32>} : memref<4x128xi32, #tpu.memory_space<vmem>>, vector<16xi32>,
        %mul3A_740 = arith.constant 128 : i32
        %mul3A_741 = arith.muli %add3A_586, %mul3A_740 : i32
        %add3A_742 = arith.constant 112 : i32
        %add3A_743 = arith.addi %mul3A_741, %add3A_742 : i32
        %get3A_744 = arith.index_cast %add3A_743 : i32 to index
        %get3A_745 = tpu.vector_load %arg9[%get3A_744] {strides = array<i32>} : memref<10752xi32, #tpu.memory_space<vmem>>, vector<16xi32>,
        %and3A_746 = arith.constant 131071 : i32
        %and3A_747 = vector.broadcast %and3A_746 : i32 to vector<16xi32>
        %and3A_748 = arith.andi %get3A_745, %and3A_747 : vector<16xi32>
        %swap3A_749 = arith.constant 3 : i32
        %swap3A_750 = arith.index_cast %swap3A_749 : i32 to index
        %swap3A_751 = arith.constant 112 : index
        %swap3A_752 = tpu.vector_load %arg11[%swap3A_750, %swap3A_751] {strides = array<i32>} : memref<4x128xi32, #tpu.memory_space<vmem>>, vector<16xi32>,
        tpu.vector_store %arg11[%swap3A_750, %swap3A_751], %and3A_748 {strides = array<i32>} : memref<4x128xi32, #tpu.memory_space<vmem>>, vector<16xi32>,
        %shift_right_logical3A_753 = arith.constant 17 : i32
        %shift_right_logical3A_754 = vector.broadcast %shift_right_logical3A_753 : i32 to vector<16xi32>
        %shift_right_logical3A_755 = arith.shrui %get3A_745, %shift_right_logical3A_754 : vector<16xi32>
        %add3A_756 = vector.broadcast %mul3A_5 : i32 to vector<16xi32>
        %add3A_757 = arith.addi %shift_right_logical3A_755, %add3A_756 : vector<16xi32>
        %swap3A_758 = arith.constant 3 : i32
        %swap3A_759 = arith.index_cast %swap3A_758 : i32 to index
        %swap3A_760 = arith.constant 112 : index
        %swap3A_761 = tpu.vector_load %arg12[%swap3A_759, %swap3A_760] {strides = array<i32>} : memref<4x128xi32, #tpu.memory_space<vmem>>, vector<16xi32>,
        tpu.vector_store %arg12[%swap3A_759, %swap3A_760], %add3A_757 {strides = array<i32>} : memref<4x128xi32, #tpu.memory_space<vmem>>, vector<16xi32>,
        %dma_start3A_762 = arith.constant 3 : i32
        %dma_start3A_763 = arith.constant 3 : i32
        %dma_start3A_764 = arith.constant 0 : i32
        %dma_start3A_765 = arith.constant 0 : i32
        %dma_start3A_766 = tpu.memref_slice %arg14[%dma_start3A_763, %dma_start3A_764, %dma_start3A_765] : memref<4x128x128xf32, #tpu.memory_space<vmem>> -> memref<1x128x128xf32, #tpu.memory_space<vmem>>
        %dma_start3A_767 = tpu.memref_squeeze %dma_start3A_766 : memref<1x128x128xf32, #tpu.memory_space<vmem>> -> memref<128x128xf32, #tpu.memory_space<vmem>>
        %dma_start3A_768 = arith.constant 0 : i32
        %dma_start3A_769 = tpu.memref_slice %arg11[%dma_start3A_762, %dma_start3A_768] : memref<4x128xi32, #tpu.memory_space<vmem>> -> memref<1x128xi32, #tpu.memory_space<vmem>>
        %dma_start3A_770 = tpu.memref_squeeze %dma_start3A_769 : memref<1x128xi32, #tpu.memory_space<vmem>> -> memref<128xi32, #tpu.memory_space<vmem>>
        %dma_start3A_771 = arith.constant 0 : i32
        %dma_start3A_772 = arith.constant 0 : i32
        %dma_start3A_773 = tpu.memref_slice %arg2[%dma_start3A_771, %dma_start3A_772] : memref<100000x128xf32, #tpu.memory_space<hbm>> -> memref<100000x128xf32, #tpu.memory_space<hbm>>
        tpu.enqueue_indirect_dma source(%dma_start3A_773 : memref<100000x128xf32, #tpu.memory_space<hbm>>) target(%dma_start3A_767 : memref<128x128xf32, #tpu.memory_space<vmem>>) offsets(%dma_start3A_770 : memref<128xi32, #tpu.memory_space<vmem>>) semaphore(%arg19 : memref<!tpu.dma_semaphore, #tpu.memory_space<semaphore_mem>>)
      } else {
      }
      %mul3A_507 = arith.constant 4 : i32
      %mul3A_508 = arith.muli %add3A_429, %mul3A_507 : i32
      %add3A_509 = arith.constant 2 : i32
      %add3A_510 = arith.addi %mul3A_508, %add3A_509 : i32
      %dma_wait3A_511 = arith.constant 2 : i32
      %dma_wait3A_512 = arith.constant 2 : i32
      %dma_wait3A_513 = arith.constant 0 : i32
      %dma_wait3A_514 = arith.constant 0 : i32
      %dma_wait3A_515 = tpu.memref_slice %arg14[%dma_wait3A_512, %dma_wait3A_513, %dma_wait3A_514] : memref<4x128x128xf32, #tpu.memory_space<vmem>> -> memref<1x128x128xf32, #tpu.memory_space<vmem>>
      %dma_wait3A_516 = tpu.memref_squeeze %dma_wait3A_515 : memref<1x128x128xf32, #tpu.memory_space<vmem>> -> memref<128x128xf32, #tpu.memory_space<vmem>>
      %dma_wait3A_517 = arith.constant 0 : i32
      %dma_wait3A_518 = tpu.memref_slice %arg11[%dma_wait3A_511, %dma_wait3A_517] : memref<4x128xi32, #tpu.memory_space<vmem>> -> memref<1x128xi32, #tpu.memory_space<vmem>>
      %dma_wait3A_519 = tpu.memref_squeeze %dma_wait3A_518 : memref<1x128xi32, #tpu.memory_space<vmem>> -> memref<128xi32, #tpu.memory_space<vmem>>
      %dma_wait3A_520 = arith.constant 0 : i32
      %dma_wait3A_521 = arith.constant 0 : i32
      %dma_wait3A_522 = tpu.memref_slice %arg2[%dma_wait3A_520, %dma_wait3A_521] : memref<100000x128xf32, #tpu.memory_space<hbm>> -> memref<100000x128xf32, #tpu.memory_space<hbm>>
      tpu.wait_indirect_dma semaphore(%arg18 : memref<!tpu.dma_semaphore, #tpu.memory_space<semaphore_mem>>) src(%dma_wait3A_522 : memref<100000x128xf32, #tpu.memory_space<hbm>>) dst(%dma_wait3A_516 : memref<128x128xf32, #tpu.memory_space<vmem>>)
      %dma_start3A_523 = arith.constant 2 : i32
      %dma_start3A_524 = arith.constant 2 : i32
      %dma_start3A_525 = arith.constant 0 : i32
      %dma_start3A_526 = arith.constant 0 : i32
      %dma_start3A_527 = tpu.memref_slice %arg14[%dma_start3A_523, %dma_start3A_525, %dma_start3A_526] : memref<4x128x128xf32, #tpu.memory_space<vmem>> -> memref<1x128x128xf32, #tpu.memory_space<vmem>>
      %dma_start3A_528 = tpu.memref_squeeze %dma_start3A_527 : memref<1x128x128xf32, #tpu.memory_space<vmem>> -> memref<128x128xf32, #tpu.memory_space<vmem>>
      %dma_start3A_529 = arith.constant 0 : i32
      %dma_start3A_530 = tpu.memref_slice %arg12[%dma_start3A_524, %dma_start3A_529] : memref<4x128xi32, #tpu.memory_space<vmem>> -> memref<1x128xi32, #tpu.memory_space<vmem>>
      %dma_start3A_531 = tpu.memref_squeeze %dma_start3A_530 : memref<1x128xi32, #tpu.memory_space<vmem>> -> memref<128xi32, #tpu.memory_space<vmem>>
      %dma_start3A_532 = arith.constant 0 : i32
      %dma_start3A_533 = arith.constant 0 : i32
      %dma_start3A_534 = tpu.memref_slice %arg15[%dma_start3A_532, %dma_start3A_533] : memref<5376x128xf32, #tpu.memory_space<vmem_shared>> -> memref<5376x128xf32, #tpu.memory_space<vmem_shared>>
      tpu.enqueue_indirect_dma source(%dma_start3A_528 : memref<128x128xf32, #tpu.memory_space<vmem>>) target(%dma_start3A_534 : memref<5376x128xf32, #tpu.memory_space<vmem_shared>>) offsets(%dma_start3A_531 : memref<128xi32, #tpu.memory_space<vmem>>) semaphore(%arg22 : memref<!tpu.dma_semaphore, #tpu.memory_space<semaphore_mem>>) {add = true}
      %ge3A_535 = arith.constant 2 : i32
      %ge3A_536 = arith.cmpi sge, %add3A_510, %ge3A_535 : i32
      %convert_element_type3A_537 = arith.extui %ge3A_536 : i1 to i32
      %cond3A_538 = arith.constant 0 : i32
      %cond3A_539 = arith.cmpi ne, %convert_element_type3A_537, %cond3A_538 : i32
      scf.if %cond3A_539 {
        %dma_wait3A_585 = arith.constant 0 : i32
        %dma_wait3A_586 = arith.constant 0 : i32
        %dma_wait3A_587 = arith.constant 0 : i32
        %dma_wait3A_588 = tpu.memref_slice %arg14[%dma_wait3A_585, %dma_wait3A_586, %dma_wait3A_587] : memref<4x128x128xf32, #tpu.memory_space<vmem>> -> memref<1x128x128xf32, #tpu.memory_space<vmem>>
        %dma_wait3A_589 = tpu.memref_squeeze %dma_wait3A_588 : memref<1x128x128xf32, #tpu.memory_space<vmem>> -> memref<128x128xf32, #tpu.memory_space<vmem>>
        %dma_wait3A_590 = arith.constant 0 : i32
        %dma_wait3A_591 = arith.constant 0 : i32
        %dma_wait3A_592 = tpu.memref_slice %arg6[%dma_wait3A_590, %dma_wait3A_591] : memref<336x128xf32, #tpu.memory_space<hbm>> -> memref<128x128xf32, #tpu.memory_space<hbm>>
        %dma_wait3A_593 = arith.constant 0 : i32
        %dma_wait3A_594 = arith.constant 0 : i32
        %dma_wait3A_595 = tpu.memref_slice %arg14[%dma_wait3A_585, %dma_wait3A_593, %dma_wait3A_594] : memref<4x128x128xf32, #tpu.memory_space<vmem>> -> memref<1x128x128xf32, #tpu.memory_space<vmem>>
        %dma_wait3A_596 = tpu.memref_squeeze %dma_wait3A_595 : memref<1x128x128xf32, #tpu.memory_space<vmem>> -> memref<128x128xf32, #tpu.memory_space<vmem>>
        %dma_wait3A_597 = arith.constant 0 : i32
        %dma_wait3A_598 = arith.constant 0 : i32
        %dma_wait3A_599 = tpu.memref_slice %arg6[%dma_wait3A_597, %dma_wait3A_598] : memref<336x128xf32, #tpu.memory_space<hbm>> -> memref<128x128xf32, #tpu.memory_space<hbm>>
        tpu.wait_dma2 semaphore(%arg20 : memref<!tpu.dma_semaphore, #tpu.memory_space<semaphore_mem>>) src(%dma_wait3A_599 : memref<128x128xf32, #tpu.memory_space<hbm>>) dst(%dma_wait3A_596 : memref<128x128xf32, #tpu.memory_space<vmem>>)
      } else {
      }
      %add3A_540 = arith.constant 2 : i32
      %add3A_541 = arith.addi %add3A_510, %add3A_540 : i32
      %lt3A_542 = arith.cmpi slt, %add3A_541, %shift_left3A_175 : i32
      %convert_element_type3A_543 = arith.extui %lt3A_542 : i1 to i32
      %cond3A_544 = arith.constant 0 : i32
      %cond3A_545 = arith.cmpi ne, %convert_element_type3A_543, %cond3A_544 : i32
      scf.if %cond3A_545 {
        %add3A_585 = arith.constant 2 : i32
        %add3A_586 = arith.addi %add3A_510, %add3A_585 : i32
        %mul3A_587 = arith.constant 128 : i32
        %mul3A_588 = arith.muli %add3A_586, %mul3A_587 : i32
        %add3A_589 = arith.constant 0 : i32
        %add3A_590 = arith.addi %mul3A_588, %add3A_589 : i32
        %get3A = arith.index_cast %add3A_590 : i32 to index
        %get3A_591 = tpu.vector_load %arg9[%get3A] {strides = array<i32>} : memref<10752xi32, #tpu.memory_space<vmem>>, vector<16xi32>,
        %and3A_592 = arith.constant 131071 : i32
        %and3A_593 = vector.broadcast %and3A_592 : i32 to vector<16xi32>
        %and3A_594 = arith.andi %get3A_591, %and3A_593 : vector<16xi32>
        %swap3A_595 = arith.constant 0 : i32
        %swap3A_596 = arith.index_cast %swap3A_595 : i32 to index
        %swap3A_597 = arith.constant 0 : index
        %swap3A_598 = tpu.vector_load %arg11[%swap3A_596, %swap3A_597] {strides = array<i32>} : memref<4x128xi32, #tpu.memory_space<vmem>>, vector<16xi32>,
        tpu.vector_store %arg11[%swap3A_596, %swap3A_597], %and3A_594 {strides = array<i32>} : memref<4x128xi32, #tpu.memory_space<vmem>>, vector<16xi32>,
        %shift_right_logical3A_599 = arith.constant 17 : i32
        %shift_right_logical3A_600 = vector.broadcast %shift_right_logical3A_599 : i32 to vector<16xi32>
        %shift_right_logical3A_601 = arith.shrui %get3A_591, %shift_right_logical3A_600 : vector<16xi32>
        %add3A_602 = vector.broadcast %mul3A_5 : i32 to vector<16xi32>
        %add3A_603 = arith.addi %shift_right_logical3A_601, %add3A_602 : vector<16xi32>
        %swap3A_604 = arith.constant 0 : i32
        %swap3A_605 = arith.index_cast %swap3A_604 : i32 to index
        %swap3A_606 = arith.constant 0 : index
        %swap3A_607 = tpu.vector_load %arg12[%swap3A_605, %swap3A_606] {strides = array<i32>} : memref<4x128xi32, #tpu.memory_space<vmem>>, vector<16xi32>,
        tpu.vector_store %arg12[%swap3A_605, %swap3A_606], %add3A_603 {strides = array<i32>} : memref<4x128xi32, #tpu.memory_space<vmem>>, vector<16xi32>,
        %mul3A_608 = arith.constant 128 : i32
        %mul3A_609 = arith.muli %add3A_586, %mul3A_608 : i32
        %add3A_610 = arith.constant 16 : i32
        %add3A_611 = arith.addi %mul3A_609, %add3A_610 : i32
        %get3A_612 = arith.index_cast %add3A_611 : i32 to index
        %get3A_613 = tpu.vector_load %arg9[%get3A_612] {strides = array<i32>} : memref<10752xi32, #tpu.memory_space<vmem>>, vector<16xi32>,
        %and3A_614 = arith.constant 131071 : i32
        %and3A_615 = vector.broadcast %and3A_614 : i32 to vector<16xi32>
        %and3A_616 = arith.andi %get3A_613, %and3A_615 : vector<16xi32>
        %swap3A_617 = arith.constant 0 : i32
        %swap3A_618 = arith.index_cast %swap3A_617 : i32 to index
        %swap3A_619 = arith.constant 16 : index
        %swap3A_620 = tpu.vector_load %arg11[%swap3A_618, %swap3A_619] {strides = array<i32>} : memref<4x128xi32, #tpu.memory_space<vmem>>, vector<16xi32>,
        tpu.vector_store %arg11[%swap3A_618, %swap3A_619], %and3A_616 {strides = array<i32>} : memref<4x128xi32, #tpu.memory_space<vmem>>, vector<16xi32>,
        %shift_right_logical3A_621 = arith.constant 17 : i32
        %shift_right_logical3A_622 = vector.broadcast %shift_right_logical3A_621 : i32 to vector<16xi32>
        %shift_right_logical3A_623 = arith.shrui %get3A_613, %shift_right_logical3A_622 : vector<16xi32>
        %add3A_624 = vector.broadcast %mul3A_5 : i32 to vector<16xi32>
        %add3A_625 = arith.addi %shift_right_logical3A_623, %add3A_624 : vector<16xi32>
        %swap3A_626 = arith.constant 0 : i32
        %swap3A_627 = arith.index_cast %swap3A_626 : i32 to index
        %swap3A_628 = arith.constant 16 : index
        %swap3A_629 = tpu.vector_load %arg12[%swap3A_627, %swap3A_628] {strides = array<i32>} : memref<4x128xi32, #tpu.memory_space<vmem>>, vector<16xi32>,
        tpu.vector_store %arg12[%swap3A_627, %swap3A_628], %add3A_625 {strides = array<i32>} : memref<4x128xi32, #tpu.memory_space<vmem>>, vector<16xi32>,
        %mul3A_630 = arith.constant 128 : i32
        %mul3A_631 = arith.muli %add3A_586, %mul3A_630 : i32
        %add3A_632 = arith.constant 32 : i32
        %add3A_633 = arith.addi %mul3A_631, %add3A_632 : i32
        %get3A_634 = arith.index_cast %add3A_633 : i32 to index
        %get3A_635 = tpu.vector_load %arg9[%get3A_634] {strides = array<i32>} : memref<10752xi32, #tpu.memory_space<vmem>>, vector<16xi32>,
        %and3A_636 = arith.constant 131071 : i32
        %and3A_637 = vector.broadcast %and3A_636 : i32 to vector<16xi32>
        %and3A_638 = arith.andi %get3A_635, %and3A_637 : vector<16xi32>
        %swap3A_639 = arith.constant 0 : i32
        %swap3A_640 = arith.index_cast %swap3A_639 : i32 to index
        %swap3A_641 = arith.constant 32 : index
        %swap3A_642 = tpu.vector_load %arg11[%swap3A_640, %swap3A_641] {strides = array<i32>} : memref<4x128xi32, #tpu.memory_space<vmem>>, vector<16xi32>,
        tpu.vector_store %arg11[%swap3A_640, %swap3A_641], %and3A_638 {strides = array<i32>} : memref<4x128xi32, #tpu.memory_space<vmem>>, vector<16xi32>,
        %shift_right_logical3A_643 = arith.constant 17 : i32
        %shift_right_logical3A_644 = vector.broadcast %shift_right_logical3A_643 : i32 to vector<16xi32>
        %shift_right_logical3A_645 = arith.shrui %get3A_635, %shift_right_logical3A_644 : vector<16xi32>
        %add3A_646 = vector.broadcast %mul3A_5 : i32 to vector<16xi32>
        %add3A_647 = arith.addi %shift_right_logical3A_645, %add3A_646 : vector<16xi32>
        %swap3A_648 = arith.constant 0 : i32
        %swap3A_649 = arith.index_cast %swap3A_648 : i32 to index
        %swap3A_650 = arith.constant 32 : index
        %swap3A_651 = tpu.vector_load %arg12[%swap3A_649, %swap3A_650] {strides = array<i32>} : memref<4x128xi32, #tpu.memory_space<vmem>>, vector<16xi32>,
        tpu.vector_store %arg12[%swap3A_649, %swap3A_650], %add3A_647 {strides = array<i32>} : memref<4x128xi32, #tpu.memory_space<vmem>>, vector<16xi32>,
        %mul3A_652 = arith.constant 128 : i32
        %mul3A_653 = arith.muli %add3A_586, %mul3A_652 : i32
        %add3A_654 = arith.constant 48 : i32
        %add3A_655 = arith.addi %mul3A_653, %add3A_654 : i32
        %get3A_656 = arith.index_cast %add3A_655 : i32 to index
        %get3A_657 = tpu.vector_load %arg9[%get3A_656] {strides = array<i32>} : memref<10752xi32, #tpu.memory_space<vmem>>, vector<16xi32>,
        %and3A_658 = arith.constant 131071 : i32
        %and3A_659 = vector.broadcast %and3A_658 : i32 to vector<16xi32>
        %and3A_660 = arith.andi %get3A_657, %and3A_659 : vector<16xi32>
        %swap3A_661 = arith.constant 0 : i32
        %swap3A_662 = arith.index_cast %swap3A_661 : i32 to index
        %swap3A_663 = arith.constant 48 : index
        %swap3A_664 = tpu.vector_load %arg11[%swap3A_662, %swap3A_663] {strides = array<i32>} : memref<4x128xi32, #tpu.memory_space<vmem>>, vector<16xi32>,
        tpu.vector_store %arg11[%swap3A_662, %swap3A_663], %and3A_660 {strides = array<i32>} : memref<4x128xi32, #tpu.memory_space<vmem>>, vector<16xi32>,
        %shift_right_logical3A_665 = arith.constant 17 : i32
        %shift_right_logical3A_666 = vector.broadcast %shift_right_logical3A_665 : i32 to vector<16xi32>
        %shift_right_logical3A_667 = arith.shrui %get3A_657, %shift_right_logical3A_666 : vector<16xi32>
        %add3A_668 = vector.broadcast %mul3A_5 : i32 to vector<16xi32>
        %add3A_669 = arith.addi %shift_right_logical3A_667, %add3A_668 : vector<16xi32>
        %swap3A_670 = arith.constant 0 : i32
        %swap3A_671 = arith.index_cast %swap3A_670 : i32 to index
        %swap3A_672 = arith.constant 48 : index
        %swap3A_673 = tpu.vector_load %arg12[%swap3A_671, %swap3A_672] {strides = array<i32>} : memref<4x128xi32, #tpu.memory_space<vmem>>, vector<16xi32>,
        tpu.vector_store %arg12[%swap3A_671, %swap3A_672], %add3A_669 {strides = array<i32>} : memref<4x128xi32, #tpu.memory_space<vmem>>, vector<16xi32>,
        %mul3A_674 = arith.constant 128 : i32
        %mul3A_675 = arith.muli %add3A_586, %mul3A_674 : i32
        %add3A_676 = arith.constant 64 : i32
        %add3A_677 = arith.addi %mul3A_675, %add3A_676 : i32
        %get3A_678 = arith.index_cast %add3A_677 : i32 to index
        %get3A_679 = tpu.vector_load %arg9[%get3A_678] {strides = array<i32>} : memref<10752xi32, #tpu.memory_space<vmem>>, vector<16xi32>,
        %and3A_680 = arith.constant 131071 : i32
        %and3A_681 = vector.broadcast %and3A_680 : i32 to vector<16xi32>
        %and3A_682 = arith.andi %get3A_679, %and3A_681 : vector<16xi32>
        %swap3A_683 = arith.constant 0 : i32
        %swap3A_684 = arith.index_cast %swap3A_683 : i32 to index
        %swap3A_685 = arith.constant 64 : index
        %swap3A_686 = tpu.vector_load %arg11[%swap3A_684, %swap3A_685] {strides = array<i32>} : memref<4x128xi32, #tpu.memory_space<vmem>>, vector<16xi32>,
        tpu.vector_store %arg11[%swap3A_684, %swap3A_685], %and3A_682 {strides = array<i32>} : memref<4x128xi32, #tpu.memory_space<vmem>>, vector<16xi32>,
        %shift_right_logical3A_687 = arith.constant 17 : i32
        %shift_right_logical3A_688 = vector.broadcast %shift_right_logical3A_687 : i32 to vector<16xi32>
        %shift_right_logical3A_689 = arith.shrui %get3A_679, %shift_right_logical3A_688 : vector<16xi32>
        %add3A_690 = vector.broadcast %mul3A_5 : i32 to vector<16xi32>
        %add3A_691 = arith.addi %shift_right_logical3A_689, %add3A_690 : vector<16xi32>
        %swap3A_692 = arith.constant 0 : i32
        %swap3A_693 = arith.index_cast %swap3A_692 : i32 to index
        %swap3A_694 = arith.constant 64 : index
        %swap3A_695 = tpu.vector_load %arg12[%swap3A_693, %swap3A_694] {strides = array<i32>} : memref<4x128xi32, #tpu.memory_space<vmem>>, vector<16xi32>,
        tpu.vector_store %arg12[%swap3A_693, %swap3A_694], %add3A_691 {strides = array<i32>} : memref<4x128xi32, #tpu.memory_space<vmem>>, vector<16xi32>,
        %mul3A_696 = arith.constant 128 : i32
        %mul3A_697 = arith.muli %add3A_586, %mul3A_696 : i32
        %add3A_698 = arith.constant 80 : i32
        %add3A_699 = arith.addi %mul3A_697, %add3A_698 : i32
        %get3A_700 = arith.index_cast %add3A_699 : i32 to index
        %get3A_701 = tpu.vector_load %arg9[%get3A_700] {strides = array<i32>} : memref<10752xi32, #tpu.memory_space<vmem>>, vector<16xi32>,
        %and3A_702 = arith.constant 131071 : i32
        %and3A_703 = vector.broadcast %and3A_702 : i32 to vector<16xi32>
        %and3A_704 = arith.andi %get3A_701, %and3A_703 : vector<16xi32>
        %swap3A_705 = arith.constant 0 : i32
        %swap3A_706 = arith.index_cast %swap3A_705 : i32 to index
        %swap3A_707 = arith.constant 80 : index
        %swap3A_708 = tpu.vector_load %arg11[%swap3A_706, %swap3A_707] {strides = array<i32>} : memref<4x128xi32, #tpu.memory_space<vmem>>, vector<16xi32>,
        tpu.vector_store %arg11[%swap3A_706, %swap3A_707], %and3A_704 {strides = array<i32>} : memref<4x128xi32, #tpu.memory_space<vmem>>, vector<16xi32>,
        %shift_right_logical3A_709 = arith.constant 17 : i32
        %shift_right_logical3A_710 = vector.broadcast %shift_right_logical3A_709 : i32 to vector<16xi32>
        %shift_right_logical3A_711 = arith.shrui %get3A_701, %shift_right_logical3A_710 : vector<16xi32>
        %add3A_712 = vector.broadcast %mul3A_5 : i32 to vector<16xi32>
        %add3A_713 = arith.addi %shift_right_logical3A_711, %add3A_712 : vector<16xi32>
        %swap3A_714 = arith.constant 0 : i32
        %swap3A_715 = arith.index_cast %swap3A_714 : i32 to index
        %swap3A_716 = arith.constant 80 : index
        %swap3A_717 = tpu.vector_load %arg12[%swap3A_715, %swap3A_716] {strides = array<i32>} : memref<4x128xi32, #tpu.memory_space<vmem>>, vector<16xi32>,
        tpu.vector_store %arg12[%swap3A_715, %swap3A_716], %add3A_713 {strides = array<i32>} : memref<4x128xi32, #tpu.memory_space<vmem>>, vector<16xi32>,
        %mul3A_718 = arith.constant 128 : i32
        %mul3A_719 = arith.muli %add3A_586, %mul3A_718 : i32
        %add3A_720 = arith.constant 96 : i32
        %add3A_721 = arith.addi %mul3A_719, %add3A_720 : i32
        %get3A_722 = arith.index_cast %add3A_721 : i32 to index
        %get3A_723 = tpu.vector_load %arg9[%get3A_722] {strides = array<i32>} : memref<10752xi32, #tpu.memory_space<vmem>>, vector<16xi32>,
        %and3A_724 = arith.constant 131071 : i32
        %and3A_725 = vector.broadcast %and3A_724 : i32 to vector<16xi32>
        %and3A_726 = arith.andi %get3A_723, %and3A_725 : vector<16xi32>
        %swap3A_727 = arith.constant 0 : i32
        %swap3A_728 = arith.index_cast %swap3A_727 : i32 to index
        %swap3A_729 = arith.constant 96 : index
        %swap3A_730 = tpu.vector_load %arg11[%swap3A_728, %swap3A_729] {strides = array<i32>} : memref<4x128xi32, #tpu.memory_space<vmem>>, vector<16xi32>,
        tpu.vector_store %arg11[%swap3A_728, %swap3A_729], %and3A_726 {strides = array<i32>} : memref<4x128xi32, #tpu.memory_space<vmem>>, vector<16xi32>,
        %shift_right_logical3A_731 = arith.constant 17 : i32
        %shift_right_logical3A_732 = vector.broadcast %shift_right_logical3A_731 : i32 to vector<16xi32>
        %shift_right_logical3A_733 = arith.shrui %get3A_723, %shift_right_logical3A_732 : vector<16xi32>
        %add3A_734 = vector.broadcast %mul3A_5 : i32 to vector<16xi32>
        %add3A_735 = arith.addi %shift_right_logical3A_733, %add3A_734 : vector<16xi32>
        %swap3A_736 = arith.constant 0 : i32
        %swap3A_737 = arith.index_cast %swap3A_736 : i32 to index
        %swap3A_738 = arith.constant 96 : index
        %swap3A_739 = tpu.vector_load %arg12[%swap3A_737, %swap3A_738] {strides = array<i32>} : memref<4x128xi32, #tpu.memory_space<vmem>>, vector<16xi32>,
        tpu.vector_store %arg12[%swap3A_737, %swap3A_738], %add3A_735 {strides = array<i32>} : memref<4x128xi32, #tpu.memory_space<vmem>>, vector<16xi32>,
        %mul3A_740 = arith.constant 128 : i32
        %mul3A_741 = arith.muli %add3A_586, %mul3A_740 : i32
        %add3A_742 = arith.constant 112 : i32
        %add3A_743 = arith.addi %mul3A_741, %add3A_742 : i32
        %get3A_744 = arith.index_cast %add3A_743 : i32 to index
        %get3A_745 = tpu.vector_load %arg9[%get3A_744] {strides = array<i32>} : memref<10752xi32, #tpu.memory_space<vmem>>, vector<16xi32>,
        %and3A_746 = arith.constant 131071 : i32
        %and3A_747 = vector.broadcast %and3A_746 : i32 to vector<16xi32>
        %and3A_748 = arith.andi %get3A_745, %and3A_747 : vector<16xi32>
        %swap3A_749 = arith.constant 0 : i32
        %swap3A_750 = arith.index_cast %swap3A_749 : i32 to index
        %swap3A_751 = arith.constant 112 : index
        %swap3A_752 = tpu.vector_load %arg11[%swap3A_750, %swap3A_751] {strides = array<i32>} : memref<4x128xi32, #tpu.memory_space<vmem>>, vector<16xi32>,
        tpu.vector_store %arg11[%swap3A_750, %swap3A_751], %and3A_748 {strides = array<i32>} : memref<4x128xi32, #tpu.memory_space<vmem>>, vector<16xi32>,
        %shift_right_logical3A_753 = arith.constant 17 : i32
        %shift_right_logical3A_754 = vector.broadcast %shift_right_logical3A_753 : i32 to vector<16xi32>
        %shift_right_logical3A_755 = arith.shrui %get3A_745, %shift_right_logical3A_754 : vector<16xi32>
        %add3A_756 = vector.broadcast %mul3A_5 : i32 to vector<16xi32>
        %add3A_757 = arith.addi %shift_right_logical3A_755, %add3A_756 : vector<16xi32>
        %swap3A_758 = arith.constant 0 : i32
        %swap3A_759 = arith.index_cast %swap3A_758 : i32 to index
        %swap3A_760 = arith.constant 112 : index
        %swap3A_761 = tpu.vector_load %arg12[%swap3A_759, %swap3A_760] {strides = array<i32>} : memref<4x128xi32, #tpu.memory_space<vmem>>, vector<16xi32>,
        tpu.vector_store %arg12[%swap3A_759, %swap3A_760], %add3A_757 {strides = array<i32>} : memref<4x128xi32, #tpu.memory_space<vmem>>, vector<16xi32>,
        %dma_start3A_762 = arith.constant 0 : i32
        %dma_start3A_763 = arith.constant 0 : i32
        %dma_start3A_764 = arith.constant 0 : i32
        %dma_start3A_765 = arith.constant 0 : i32
        %dma_start3A_766 = tpu.memref_slice %arg14[%dma_start3A_763, %dma_start3A_764, %dma_start3A_765] : memref<4x128x128xf32, #tpu.memory_space<vmem>> -> memref<1x128x128xf32, #tpu.memory_space<vmem>>
        %dma_start3A_767 = tpu.memref_squeeze %dma_start3A_766 : memref<1x128x128xf32, #tpu.memory_space<vmem>> -> memref<128x128xf32, #tpu.memory_space<vmem>>
        %dma_start3A_768 = arith.constant 0 : i32
        %dma_start3A_769 = tpu.memref_slice %arg11[%dma_start3A_762, %dma_start3A_768] : memref<4x128xi32, #tpu.memory_space<vmem>> -> memref<1x128xi32, #tpu.memory_space<vmem>>
        %dma_start3A_770 = tpu.memref_squeeze %dma_start3A_769 : memref<1x128xi32, #tpu.memory_space<vmem>> -> memref<128xi32, #tpu.memory_space<vmem>>
        %dma_start3A_771 = arith.constant 0 : i32
        %dma_start3A_772 = arith.constant 0 : i32
        %dma_start3A_773 = tpu.memref_slice %arg2[%dma_start3A_771, %dma_start3A_772] : memref<100000x128xf32, #tpu.memory_space<hbm>> -> memref<100000x128xf32, #tpu.memory_space<hbm>>
        tpu.enqueue_indirect_dma source(%dma_start3A_773 : memref<100000x128xf32, #tpu.memory_space<hbm>>) target(%dma_start3A_767 : memref<128x128xf32, #tpu.memory_space<vmem>>) offsets(%dma_start3A_770 : memref<128xi32, #tpu.memory_space<vmem>>) semaphore(%arg16 : memref<!tpu.dma_semaphore, #tpu.memory_space<semaphore_mem>>)
      } else {
      }
      %mul3A_546 = arith.constant 4 : i32
      %mul3A_547 = arith.muli %add3A_429, %mul3A_546 : i32
      %add3A_548 = arith.constant 3 : i32
      %add3A_549 = arith.addi %mul3A_547, %add3A_548 : i32
      %dma_wait3A_550 = arith.constant 3 : i32
      %dma_wait3A_551 = arith.constant 3 : i32
      %dma_wait3A_552 = arith.constant 0 : i32
      %dma_wait3A_553 = arith.constant 0 : i32
      %dma_wait3A_554 = tpu.memref_slice %arg14[%dma_wait3A_551, %dma_wait3A_552, %dma_wait3A_553] : memref<4x128x128xf32, #tpu.memory_space<vmem>> -> memref<1x128x128xf32, #tpu.memory_space<vmem>>
      %dma_wait3A_555 = tpu.memref_squeeze %dma_wait3A_554 : memref<1x128x128xf32, #tpu.memory_space<vmem>> -> memref<128x128xf32, #tpu.memory_space<vmem>>
      %dma_wait3A_556 = arith.constant 0 : i32
      %dma_wait3A_557 = tpu.memref_slice %arg11[%dma_wait3A_550, %dma_wait3A_556] : memref<4x128xi32, #tpu.memory_space<vmem>> -> memref<1x128xi32, #tpu.memory_space<vmem>>
      %dma_wait3A_558 = tpu.memref_squeeze %dma_wait3A_557 : memref<1x128xi32, #tpu.memory_space<vmem>> -> memref<128xi32, #tpu.memory_space<vmem>>
      %dma_wait3A_559 = arith.constant 0 : i32
      %dma_wait3A_560 = arith.constant 0 : i32
      %dma_wait3A_561 = tpu.memref_slice %arg2[%dma_wait3A_559, %dma_wait3A_560] : memref<100000x128xf32, #tpu.memory_space<hbm>> -> memref<100000x128xf32, #tpu.memory_space<hbm>>
      tpu.wait_indirect_dma semaphore(%arg19 : memref<!tpu.dma_semaphore, #tpu.memory_space<semaphore_mem>>) src(%dma_wait3A_561 : memref<100000x128xf32, #tpu.memory_space<hbm>>) dst(%dma_wait3A_555 : memref<128x128xf32, #tpu.memory_space<vmem>>)
      %dma_start3A_562 = arith.constant 3 : i32
      %dma_start3A_563 = arith.constant 3 : i32
      %dma_start3A_564 = arith.constant 0 : i32
      %dma_start3A_565 = arith.constant 0 : i32
      %dma_start3A_566 = tpu.memref_slice %arg14[%dma_start3A_562, %dma_start3A_564, %dma_start3A_565] : memref<4x128x128xf32, #tpu.memory_space<vmem>> -> memref<1x128x128xf32, #tpu.memory_space<vmem>>
      %dma_start3A_567 = tpu.memref_squeeze %dma_start3A_566 : memref<1x128x128xf32, #tpu.memory_space<vmem>> -> memref<128x128xf32, #tpu.memory_space<vmem>>
      %dma_start3A_568 = arith.constant 0 : i32
      %dma_start3A_569 = tpu.memref_slice %arg12[%dma_start3A_563, %dma_start3A_568] : memref<4x128xi32, #tpu.memory_space<vmem>> -> memref<1x128xi32, #tpu.memory_space<vmem>>
      %dma_start3A_570 = tpu.memref_squeeze %dma_start3A_569 : memref<1x128xi32, #tpu.memory_space<vmem>> -> memref<128xi32, #tpu.memory_space<vmem>>
      %dma_start3A_571 = arith.constant 0 : i32
      %dma_start3A_572 = arith.constant 0 : i32
      %dma_start3A_573 = tpu.memref_slice %arg15[%dma_start3A_571, %dma_start3A_572] : memref<5376x128xf32, #tpu.memory_space<vmem_shared>> -> memref<5376x128xf32, #tpu.memory_space<vmem_shared>>
      tpu.enqueue_indirect_dma source(%dma_start3A_567 : memref<128x128xf32, #tpu.memory_space<vmem>>) target(%dma_start3A_573 : memref<5376x128xf32, #tpu.memory_space<vmem_shared>>) offsets(%dma_start3A_570 : memref<128xi32, #tpu.memory_space<vmem>>) semaphore(%arg23 : memref<!tpu.dma_semaphore, #tpu.memory_space<semaphore_mem>>) {add = true}
      %ge3A_574 = arith.constant 2 : i32
      %ge3A_575 = arith.cmpi sge, %add3A_549, %ge3A_574 : i32
      %convert_element_type3A_576 = arith.extui %ge3A_575 : i1 to i32
      %cond3A_577 = arith.constant 0 : i32
      %cond3A_578 = arith.cmpi ne, %convert_element_type3A_576, %cond3A_577 : i32
      scf.if %cond3A_578 {
        %dma_wait3A_585 = arith.constant 1 : i32
        %dma_wait3A_586 = arith.constant 0 : i32
        %dma_wait3A_587 = arith.constant 0 : i32
        %dma_wait3A_588 = tpu.memref_slice %arg14[%dma_wait3A_585, %dma_wait3A_586, %dma_wait3A_587] : memref<4x128x128xf32, #tpu.memory_space<vmem>> -> memref<1x128x128xf32, #tpu.memory_space<vmem>>
        %dma_wait3A_589 = tpu.memref_squeeze %dma_wait3A_588 : memref<1x128x128xf32, #tpu.memory_space<vmem>> -> memref<128x128xf32, #tpu.memory_space<vmem>>
        %dma_wait3A_590 = arith.constant 0 : i32
        %dma_wait3A_591 = arith.constant 0 : i32
        %dma_wait3A_592 = tpu.memref_slice %arg6[%dma_wait3A_590, %dma_wait3A_591] : memref<336x128xf32, #tpu.memory_space<hbm>> -> memref<128x128xf32, #tpu.memory_space<hbm>>
        %dma_wait3A_593 = arith.constant 0 : i32
        %dma_wait3A_594 = arith.constant 0 : i32
        %dma_wait3A_595 = tpu.memref_slice %arg14[%dma_wait3A_585, %dma_wait3A_593, %dma_wait3A_594] : memref<4x128x128xf32, #tpu.memory_space<vmem>> -> memref<1x128x128xf32, #tpu.memory_space<vmem>>
        %dma_wait3A_596 = tpu.memref_squeeze %dma_wait3A_595 : memref<1x128x128xf32, #tpu.memory_space<vmem>> -> memref<128x128xf32, #tpu.memory_space<vmem>>
        %dma_wait3A_597 = arith.constant 0 : i32
        %dma_wait3A_598 = arith.constant 0 : i32
        %dma_wait3A_599 = tpu.memref_slice %arg6[%dma_wait3A_597, %dma_wait3A_598] : memref<336x128xf32, #tpu.memory_space<hbm>> -> memref<128x128xf32, #tpu.memory_space<hbm>>
        tpu.wait_dma2 semaphore(%arg21 : memref<!tpu.dma_semaphore, #tpu.memory_space<semaphore_mem>>) src(%dma_wait3A_599 : memref<128x128xf32, #tpu.memory_space<hbm>>) dst(%dma_wait3A_596 : memref<128x128xf32, #tpu.memory_space<vmem>>)
      } else {
      }
      %add3A_579 = arith.constant 2 : i32
      %add3A_580 = arith.addi %add3A_549, %add3A_579 : i32
      %lt3A_581 = arith.cmpi slt, %add3A_580, %shift_left3A_175 : i32
      %convert_element_type3A_582 = arith.extui %lt3A_581 : i1 to i32
      %cond3A_583 = arith.constant 0 : i32
      %cond3A_584 = arith.cmpi ne, %convert_element_type3A_582, %cond3A_583 : i32
      scf.if %cond3A_584 {
        %add3A_585 = arith.constant 2 : i32
        %add3A_586 = arith.addi %add3A_549, %add3A_585 : i32
        %mul3A_587 = arith.constant 128 : i32
        %mul3A_588 = arith.muli %add3A_586, %mul3A_587 : i32
        %add3A_589 = arith.constant 0 : i32
        %add3A_590 = arith.addi %mul3A_588, %add3A_589 : i32
        %get3A = arith.index_cast %add3A_590 : i32 to index
        %get3A_591 = tpu.vector_load %arg9[%get3A] {strides = array<i32>} : memref<10752xi32, #tpu.memory_space<vmem>>, vector<16xi32>,
        %and3A_592 = arith.constant 131071 : i32
        %and3A_593 = vector.broadcast %and3A_592 : i32 to vector<16xi32>
        %and3A_594 = arith.andi %get3A_591, %and3A_593 : vector<16xi32>
        %swap3A_595 = arith.constant 1 : i32
        %swap3A_596 = arith.index_cast %swap3A_595 : i32 to index
        %swap3A_597 = arith.constant 0 : index
        %swap3A_598 = tpu.vector_load %arg11[%swap3A_596, %swap3A_597] {strides = array<i32>} : memref<4x128xi32, #tpu.memory_space<vmem>>, vector<16xi32>,
        tpu.vector_store %arg11[%swap3A_596, %swap3A_597], %and3A_594 {strides = array<i32>} : memref<4x128xi32, #tpu.memory_space<vmem>>, vector<16xi32>,
        %shift_right_logical3A_599 = arith.constant 17 : i32
        %shift_right_logical3A_600 = vector.broadcast %shift_right_logical3A_599 : i32 to vector<16xi32>
        %shift_right_logical3A_601 = arith.shrui %get3A_591, %shift_right_logical3A_600 : vector<16xi32>
        %add3A_602 = vector.broadcast %mul3A_5 : i32 to vector<16xi32>
        %add3A_603 = arith.addi %shift_right_logical3A_601, %add3A_602 : vector<16xi32>
        %swap3A_604 = arith.constant 1 : i32
        %swap3A_605 = arith.index_cast %swap3A_604 : i32 to index
        %swap3A_606 = arith.constant 0 : index
        %swap3A_607 = tpu.vector_load %arg12[%swap3A_605, %swap3A_606] {strides = array<i32>} : memref<4x128xi32, #tpu.memory_space<vmem>>, vector<16xi32>,
        tpu.vector_store %arg12[%swap3A_605, %swap3A_606], %add3A_603 {strides = array<i32>} : memref<4x128xi32, #tpu.memory_space<vmem>>, vector<16xi32>,
        %mul3A_608 = arith.constant 128 : i32
        %mul3A_609 = arith.muli %add3A_586, %mul3A_608 : i32
        %add3A_610 = arith.constant 16 : i32
        %add3A_611 = arith.addi %mul3A_609, %add3A_610 : i32
        %get3A_612 = arith.index_cast %add3A_611 : i32 to index
        %get3A_613 = tpu.vector_load %arg9[%get3A_612] {strides = array<i32>} : memref<10752xi32, #tpu.memory_space<vmem>>, vector<16xi32>,
        %and3A_614 = arith.constant 131071 : i32
        %and3A_615 = vector.broadcast %and3A_614 : i32 to vector<16xi32>
        %and3A_616 = arith.andi %get3A_613, %and3A_615 : vector<16xi32>
        %swap3A_617 = arith.constant 1 : i32
        %swap3A_618 = arith.index_cast %swap3A_617 : i32 to index
        %swap3A_619 = arith.constant 16 : index
        %swap3A_620 = tpu.vector_load %arg11[%swap3A_618, %swap3A_619] {strides = array<i32>} : memref<4x128xi32, #tpu.memory_space<vmem>>, vector<16xi32>,
        tpu.vector_store %arg11[%swap3A_618, %swap3A_619], %and3A_616 {strides = array<i32>} : memref<4x128xi32, #tpu.memory_space<vmem>>, vector<16xi32>,
        %shift_right_logical3A_621 = arith.constant 17 : i32
        %shift_right_logical3A_622 = vector.broadcast %shift_right_logical3A_621 : i32 to vector<16xi32>
        %shift_right_logical3A_623 = arith.shrui %get3A_613, %shift_right_logical3A_622 : vector<16xi32>
        %add3A_624 = vector.broadcast %mul3A_5 : i32 to vector<16xi32>
        %add3A_625 = arith.addi %shift_right_logical3A_623, %add3A_624 : vector<16xi32>
        %swap3A_626 = arith.constant 1 : i32
        %swap3A_627 = arith.index_cast %swap3A_626 : i32 to index
        %swap3A_628 = arith.constant 16 : index
        %swap3A_629 = tpu.vector_load %arg12[%swap3A_627, %swap3A_628] {strides = array<i32>} : memref<4x128xi32, #tpu.memory_space<vmem>>, vector<16xi32>,
        tpu.vector_store %arg12[%swap3A_627, %swap3A_628], %add3A_625 {strides = array<i32>} : memref<4x128xi32, #tpu.memory_space<vmem>>, vector<16xi32>,
        %mul3A_630 = arith.constant 128 : i32
        %mul3A_631 = arith.muli %add3A_586, %mul3A_630 : i32
        %add3A_632 = arith.constant 32 : i32
        %add3A_633 = arith.addi %mul3A_631, %add3A_632 : i32
        %get3A_634 = arith.index_cast %add3A_633 : i32 to index
        %get3A_635 = tpu.vector_load %arg9[%get3A_634] {strides = array<i32>} : memref<10752xi32, #tpu.memory_space<vmem>>, vector<16xi32>,
        %and3A_636 = arith.constant 131071 : i32
        %and3A_637 = vector.broadcast %and3A_636 : i32 to vector<16xi32>
        %and3A_638 = arith.andi %get3A_635, %and3A_637 : vector<16xi32>
        %swap3A_639 = arith.constant 1 : i32
        %swap3A_640 = arith.index_cast %swap3A_639 : i32 to index
        %swap3A_641 = arith.constant 32 : index
        %swap3A_642 = tpu.vector_load %arg11[%swap3A_640, %swap3A_641] {strides = array<i32>} : memref<4x128xi32, #tpu.memory_space<vmem>>, vector<16xi32>,
        tpu.vector_store %arg11[%swap3A_640, %swap3A_641], %and3A_638 {strides = array<i32>} : memref<4x128xi32, #tpu.memory_space<vmem>>, vector<16xi32>,
        %shift_right_logical3A_643 = arith.constant 17 : i32
        %shift_right_logical3A_644 = vector.broadcast %shift_right_logical3A_643 : i32 to vector<16xi32>
        %shift_right_logical3A_645 = arith.shrui %get3A_635, %shift_right_logical3A_644 : vector<16xi32>
        %add3A_646 = vector.broadcast %mul3A_5 : i32 to vector<16xi32>
        %add3A_647 = arith.addi %shift_right_logical3A_645, %add3A_646 : vector<16xi32>
        %swap3A_648 = arith.constant 1 : i32
        %swap3A_649 = arith.index_cast %swap3A_648 : i32 to index
        %swap3A_650 = arith.constant 32 : index
        %swap3A_651 = tpu.vector_load %arg12[%swap3A_649, %swap3A_650] {strides = array<i32>} : memref<4x128xi32, #tpu.memory_space<vmem>>, vector<16xi32>,
        tpu.vector_store %arg12[%swap3A_649, %swap3A_650], %add3A_647 {strides = array<i32>} : memref<4x128xi32, #tpu.memory_space<vmem>>, vector<16xi32>,
        %mul3A_652 = arith.constant 128 : i32
        %mul3A_653 = arith.muli %add3A_586, %mul3A_652 : i32
        %add3A_654 = arith.constant 48 : i32
        %add3A_655 = arith.addi %mul3A_653, %add3A_654 : i32
        %get3A_656 = arith.index_cast %add3A_655 : i32 to index
        %get3A_657 = tpu.vector_load %arg9[%get3A_656] {strides = array<i32>} : memref<10752xi32, #tpu.memory_space<vmem>>, vector<16xi32>,
        %and3A_658 = arith.constant 131071 : i32
        %and3A_659 = vector.broadcast %and3A_658 : i32 to vector<16xi32>
        %and3A_660 = arith.andi %get3A_657, %and3A_659 : vector<16xi32>
        %swap3A_661 = arith.constant 1 : i32
        %swap3A_662 = arith.index_cast %swap3A_661 : i32 to index
        %swap3A_663 = arith.constant 48 : index
        %swap3A_664 = tpu.vector_load %arg11[%swap3A_662, %swap3A_663] {strides = array<i32>} : memref<4x128xi32, #tpu.memory_space<vmem>>, vector<16xi32>,
        tpu.vector_store %arg11[%swap3A_662, %swap3A_663], %and3A_660 {strides = array<i32>} : memref<4x128xi32, #tpu.memory_space<vmem>>, vector<16xi32>,
        %shift_right_logical3A_665 = arith.constant 17 : i32
        %shift_right_logical3A_666 = vector.broadcast %shift_right_logical3A_665 : i32 to vector<16xi32>
        %shift_right_logical3A_667 = arith.shrui %get3A_657, %shift_right_logical3A_666 : vector<16xi32>
        %add3A_668 = vector.broadcast %mul3A_5 : i32 to vector<16xi32>
        %add3A_669 = arith.addi %shift_right_logical3A_667, %add3A_668 : vector<16xi32>
        %swap3A_670 = arith.constant 1 : i32
        %swap3A_671 = arith.index_cast %swap3A_670 : i32 to index
        %swap3A_672 = arith.constant 48 : index
        %swap3A_673 = tpu.vector_load %arg12[%swap3A_671, %swap3A_672] {strides = array<i32>} : memref<4x128xi32, #tpu.memory_space<vmem>>, vector<16xi32>,
        tpu.vector_store %arg12[%swap3A_671, %swap3A_672], %add3A_669 {strides = array<i32>} : memref<4x128xi32, #tpu.memory_space<vmem>>, vector<16xi32>,
        %mul3A_674 = arith.constant 128 : i32
        %mul3A_675 = arith.muli %add3A_586, %mul3A_674 : i32
        %add3A_676 = arith.constant 64 : i32
        %add3A_677 = arith.addi %mul3A_675, %add3A_676 : i32
        %get3A_678 = arith.index_cast %add3A_677 : i32 to index
        %get3A_679 = tpu.vector_load %arg9[%get3A_678] {strides = array<i32>} : memref<10752xi32, #tpu.memory_space<vmem>>, vector<16xi32>,
        %and3A_680 = arith.constant 131071 : i32
        %and3A_681 = vector.broadcast %and3A_680 : i32 to vector<16xi32>
        %and3A_682 = arith.andi %get3A_679, %and3A_681 : vector<16xi32>
        %swap3A_683 = arith.constant 1 : i32
        %swap3A_684 = arith.index_cast %swap3A_683 : i32 to index
        %swap3A_685 = arith.constant 64 : index
        %swap3A_686 = tpu.vector_load %arg11[%swap3A_684, %swap3A_685] {strides = array<i32>} : memref<4x128xi32, #tpu.memory_space<vmem>>, vector<16xi32>,
        tpu.vector_store %arg11[%swap3A_684, %swap3A_685], %and3A_682 {strides = array<i32>} : memref<4x128xi32, #tpu.memory_space<vmem>>, vector<16xi32>,
        %shift_right_logical3A_687 = arith.constant 17 : i32
        %shift_right_logical3A_688 = vector.broadcast %shift_right_logical3A_687 : i32 to vector<16xi32>
        %shift_right_logical3A_689 = arith.shrui %get3A_679, %shift_right_logical3A_688 : vector<16xi32>
        %add3A_690 = vector.broadcast %mul3A_5 : i32 to vector<16xi32>
        %add3A_691 = arith.addi %shift_right_logical3A_689, %add3A_690 : vector<16xi32>
        %swap3A_692 = arith.constant 1 : i32
        %swap3A_693 = arith.index_cast %swap3A_692 : i32 to index
        %swap3A_694 = arith.constant 64 : index
        %swap3A_695 = tpu.vector_load %arg12[%swap3A_693, %swap3A_694] {strides = array<i32>} : memref<4x128xi32, #tpu.memory_space<vmem>>, vector<16xi32>,
        tpu.vector_store %arg12[%swap3A_693, %swap3A_694], %add3A_691 {strides = array<i32>} : memref<4x128xi32, #tpu.memory_space<vmem>>, vector<16xi32>,
        %mul3A_696 = arith.constant 128 : i32
        %mul3A_697 = arith.muli %add3A_586, %mul3A_696 : i32
        %add3A_698 = arith.constant 80 : i32
        %add3A_699 = arith.addi %mul3A_697, %add3A_698 : i32
        %get3A_700 = arith.index_cast %add3A_699 : i32 to index
        %get3A_701 = tpu.vector_load %arg9[%get3A_700] {strides = array<i32>} : memref<10752xi32, #tpu.memory_space<vmem>>, vector<16xi32>,
        %and3A_702 = arith.constant 131071 : i32
        %and3A_703 = vector.broadcast %and3A_702 : i32 to vector<16xi32>
        %and3A_704 = arith.andi %get3A_701, %and3A_703 : vector<16xi32>
        %swap3A_705 = arith.constant 1 : i32
        %swap3A_706 = arith.index_cast %swap3A_705 : i32 to index
        %swap3A_707 = arith.constant 80 : index
        %swap3A_708 = tpu.vector_load %arg11[%swap3A_706, %swap3A_707] {strides = array<i32>} : memref<4x128xi32, #tpu.memory_space<vmem>>, vector<16xi32>,
        tpu.vector_store %arg11[%swap3A_706, %swap3A_707], %and3A_704 {strides = array<i32>} : memref<4x128xi32, #tpu.memory_space<vmem>>, vector<16xi32>,
        %shift_right_logical3A_709 = arith.constant 17 : i32
        %shift_right_logical3A_710 = vector.broadcast %shift_right_logical3A_709 : i32 to vector<16xi32>
        %shift_right_logical3A_711 = arith.shrui %get3A_701, %shift_right_logical3A_710 : vector<16xi32>
        %add3A_712 = vector.broadcast %mul3A_5 : i32 to vector<16xi32>
        %add3A_713 = arith.addi %shift_right_logical3A_711, %add3A_712 : vector<16xi32>
        %swap3A_714 = arith.constant 1 : i32
        %swap3A_715 = arith.index_cast %swap3A_714 : i32 to index
        %swap3A_716 = arith.constant 80 : index
        %swap3A_717 = tpu.vector_load %arg12[%swap3A_715, %swap3A_716] {strides = array<i32>} : memref<4x128xi32, #tpu.memory_space<vmem>>, vector<16xi32>,
        tpu.vector_store %arg12[%swap3A_715, %swap3A_716], %add3A_713 {strides = array<i32>} : memref<4x128xi32, #tpu.memory_space<vmem>>, vector<16xi32>,
        %mul3A_718 = arith.constant 128 : i32
        %mul3A_719 = arith.muli %add3A_586, %mul3A_718 : i32
        %add3A_720 = arith.constant 96 : i32
        %add3A_721 = arith.addi %mul3A_719, %add3A_720 : i32
        %get3A_722 = arith.index_cast %add3A_721 : i32 to index
        %get3A_723 = tpu.vector_load %arg9[%get3A_722] {strides = array<i32>} : memref<10752xi32, #tpu.memory_space<vmem>>, vector<16xi32>,
        %and3A_724 = arith.constant 131071 : i32
        %and3A_725 = vector.broadcast %and3A_724 : i32 to vector<16xi32>
        %and3A_726 = arith.andi %get3A_723, %and3A_725 : vector<16xi32>
        %swap3A_727 = arith.constant 1 : i32
        %swap3A_728 = arith.index_cast %swap3A_727 : i32 to index
        %swap3A_729 = arith.constant 96 : index
        %swap3A_730 = tpu.vector_load %arg11[%swap3A_728, %swap3A_729] {strides = array<i32>} : memref<4x128xi32, #tpu.memory_space<vmem>>, vector<16xi32>,
        tpu.vector_store %arg11[%swap3A_728, %swap3A_729], %and3A_726 {strides = array<i32>} : memref<4x128xi32, #tpu.memory_space<vmem>>, vector<16xi32>,
        %shift_right_logical3A_731 = arith.constant 17 : i32
        %shift_right_logical3A_732 = vector.broadcast %shift_right_logical3A_731 : i32 to vector<16xi32>
        %shift_right_logical3A_733 = arith.shrui %get3A_723, %shift_right_logical3A_732 : vector<16xi32>
        %add3A_734 = vector.broadcast %mul3A_5 : i32 to vector<16xi32>
        %add3A_735 = arith.addi %shift_right_logical3A_733, %add3A_734 : vector<16xi32>
        %swap3A_736 = arith.constant 1 : i32
        %swap3A_737 = arith.index_cast %swap3A_736 : i32 to index
        %swap3A_738 = arith.constant 96 : index
        %swap3A_739 = tpu.vector_load %arg12[%swap3A_737, %swap3A_738] {strides = array<i32>} : memref<4x128xi32, #tpu.memory_space<vmem>>, vector<16xi32>,
        tpu.vector_store %arg12[%swap3A_737, %swap3A_738], %add3A_735 {strides = array<i32>} : memref<4x128xi32, #tpu.memory_space<vmem>>, vector<16xi32>,
        %mul3A_740 = arith.constant 128 : i32
        %mul3A_741 = arith.muli %add3A_586, %mul3A_740 : i32
        %add3A_742 = arith.constant 112 : i32
        %add3A_743 = arith.addi %mul3A_741, %add3A_742 : i32
        %get3A_744 = arith.index_cast %add3A_743 : i32 to index
        %get3A_745 = tpu.vector_load %arg9[%get3A_744] {strides = array<i32>} : memref<10752xi32, #tpu.memory_space<vmem>>, vector<16xi32>,
        %and3A_746 = arith.constant 131071 : i32
        %and3A_747 = vector.broadcast %and3A_746 : i32 to vector<16xi32>
        %and3A_748 = arith.andi %get3A_745, %and3A_747 : vector<16xi32>
        %swap3A_749 = arith.constant 1 : i32
        %swap3A_750 = arith.index_cast %swap3A_749 : i32 to index
        %swap3A_751 = arith.constant 112 : index
        %swap3A_752 = tpu.vector_load %arg11[%swap3A_750, %swap3A_751] {strides = array<i32>} : memref<4x128xi32, #tpu.memory_space<vmem>>, vector<16xi32>,
        tpu.vector_store %arg11[%swap3A_750, %swap3A_751], %and3A_748 {strides = array<i32>} : memref<4x128xi32, #tpu.memory_space<vmem>>, vector<16xi32>,
        %shift_right_logical3A_753 = arith.constant 17 : i32
        %shift_right_logical3A_754 = vector.broadcast %shift_right_logical3A_753 : i32 to vector<16xi32>
        %shift_right_logical3A_755 = arith.shrui %get3A_745, %shift_right_logical3A_754 : vector<16xi32>
        %add3A_756 = vector.broadcast %mul3A_5 : i32 to vector<16xi32>
        %add3A_757 = arith.addi %shift_right_logical3A_755, %add3A_756 : vector<16xi32>
        %swap3A_758 = arith.constant 1 : i32
        %swap3A_759 = arith.index_cast %swap3A_758 : i32 to index
        %swap3A_760 = arith.constant 112 : index
        %swap3A_761 = tpu.vector_load %arg12[%swap3A_759, %swap3A_760] {strides = array<i32>} : memref<4x128xi32, #tpu.memory_space<vmem>>, vector<16xi32>,
        tpu.vector_store %arg12[%swap3A_759, %swap3A_760], %add3A_757 {strides = array<i32>} : memref<4x128xi32, #tpu.memory_space<vmem>>, vector<16xi32>,
        %dma_start3A_762 = arith.constant 1 : i32
        %dma_start3A_763 = arith.constant 1 : i32
        %dma_start3A_764 = arith.constant 0 : i32
        %dma_start3A_765 = arith.constant 0 : i32
        %dma_start3A_766 = tpu.memref_slice %arg14[%dma_start3A_763, %dma_start3A_764, %dma_start3A_765] : memref<4x128x128xf32, #tpu.memory_space<vmem>> -> memref<1x128x128xf32, #tpu.memory_space<vmem>>
        %dma_start3A_767 = tpu.memref_squeeze %dma_start3A_766 : memref<1x128x128xf32, #tpu.memory_space<vmem>> -> memref<128x128xf32, #tpu.memory_space<vmem>>
        %dma_start3A_768 = arith.constant 0 : i32
        %dma_start3A_769 = tpu.memref_slice %arg11[%dma_start3A_762, %dma_start3A_768] : memref<4x128xi32, #tpu.memory_space<vmem>> -> memref<1x128xi32, #tpu.memory_space<vmem>>
        %dma_start3A_770 = tpu.memref_squeeze %dma_start3A_769 : memref<1x128xi32, #tpu.memory_space<vmem>> -> memref<128xi32, #tpu.memory_space<vmem>>
        %dma_start3A_771 = arith.constant 0 : i32
        %dma_start3A_772 = arith.constant 0 : i32
        %dma_start3A_773 = tpu.memref_slice %arg2[%dma_start3A_771, %dma_start3A_772] : memref<100000x128xf32, #tpu.memory_space<hbm>> -> memref<100000x128xf32, #tpu.memory_space<hbm>>
        tpu.enqueue_indirect_dma source(%dma_start3A_773 : memref<100000x128xf32, #tpu.memory_space<hbm>>) target(%dma_start3A_767 : memref<128x128xf32, #tpu.memory_space<vmem>>) offsets(%dma_start3A_770 : memref<128xi32, #tpu.memory_space<vmem>>) semaphore(%arg17 : memref<!tpu.dma_semaphore, #tpu.memory_space<semaphore_mem>>)
      } else {
      }
    }
    %gt3A_201 = arith.constant 0 : i32
    %gt3A_202 = arith.cmpi sgt, %shift_left3A_175, %gt3A_201 : i32
    %convert_element_type3A_203 = arith.extui %gt3A_202 : i1 to i32
    %cond3A_204 = arith.constant 0 : i32
    %cond3A_205 = arith.cmpi ne, %convert_element_type3A_203, %cond3A_204 : i32
    scf.if %cond3A_205 {
      %dma_wait3A_427 = arith.constant 2 : i32
      %dma_wait3A_428 = arith.constant 0 : i32
      %dma_wait3A_429 = arith.constant 0 : i32
      %dma_wait3A_430 = tpu.memref_slice %arg14[%dma_wait3A_427, %dma_wait3A_428, %dma_wait3A_429] : memref<4x128x128xf32, #tpu.memory_space<vmem>> -> memref<1x128x128xf32, #tpu.memory_space<vmem>>
      %dma_wait3A_431 = tpu.memref_squeeze %dma_wait3A_430 : memref<1x128x128xf32, #tpu.memory_space<vmem>> -> memref<128x128xf32, #tpu.memory_space<vmem>>
      %dma_wait3A_432 = arith.constant 0 : i32
      %dma_wait3A_433 = arith.constant 0 : i32
      %dma_wait3A_434 = tpu.memref_slice %arg6[%dma_wait3A_432, %dma_wait3A_433] : memref<336x128xf32, #tpu.memory_space<hbm>> -> memref<128x128xf32, #tpu.memory_space<hbm>>
      %dma_wait3A_435 = arith.constant 0 : i32
      %dma_wait3A_436 = arith.constant 0 : i32
      %dma_wait3A_437 = tpu.memref_slice %arg14[%dma_wait3A_427, %dma_wait3A_435, %dma_wait3A_436] : memref<4x128x128xf32, #tpu.memory_space<vmem>> -> memref<1x128x128xf32, #tpu.memory_space<vmem>>
      %dma_wait3A_438 = tpu.memref_squeeze %dma_wait3A_437 : memref<1x128x128xf32, #tpu.memory_space<vmem>> -> memref<128x128xf32, #tpu.memory_space<vmem>>
      %dma_wait3A_439 = arith.constant 0 : i32
      %dma_wait3A_440 = arith.constant 0 : i32
      %dma_wait3A_441 = tpu.memref_slice %arg6[%dma_wait3A_439, %dma_wait3A_440] : memref<336x128xf32, #tpu.memory_space<hbm>> -> memref<128x128xf32, #tpu.memory_space<hbm>>
      tpu.wait_dma2 semaphore(%arg22 : memref<!tpu.dma_semaphore, #tpu.memory_space<semaphore_mem>>) src(%dma_wait3A_441 : memref<128x128xf32, #tpu.memory_space<hbm>>) dst(%dma_wait3A_438 : memref<128x128xf32, #tpu.memory_space<vmem>>)
      %dma_wait3A_442 = arith.constant 3 : i32
      %dma_wait3A_443 = arith.constant 0 : i32
      %dma_wait3A_444 = arith.constant 0 : i32
      %dma_wait3A_445 = tpu.memref_slice %arg14[%dma_wait3A_442, %dma_wait3A_443, %dma_wait3A_444] : memref<4x128x128xf32, #tpu.memory_space<vmem>> -> memref<1x128x128xf32, #tpu.memory_space<vmem>>
      %dma_wait3A_446 = tpu.memref_squeeze %dma_wait3A_445 : memref<1x128x128xf32, #tpu.memory_space<vmem>> -> memref<128x128xf32, #tpu.memory_space<vmem>>
      %dma_wait3A_447 = arith.constant 0 : i32
      %dma_wait3A_448 = arith.constant 0 : i32
      %dma_wait3A_449 = tpu.memref_slice %arg6[%dma_wait3A_447, %dma_wait3A_448] : memref<336x128xf32, #tpu.memory_space<hbm>> -> memref<128x128xf32, #tpu.memory_space<hbm>>
      %dma_wait3A_450 = arith.constant 0 : i32
      %dma_wait3A_451 = arith.constant 0 : i32
      %dma_wait3A_452 = tpu.memref_slice %arg14[%dma_wait3A_442, %dma_wait3A_450, %dma_wait3A_451] : memref<4x128x128xf32, #tpu.memory_space<vmem>> -> memref<1x128x128xf32, #tpu.memory_space<vmem>>
      %dma_wait3A_453 = tpu.memref_squeeze %dma_wait3A_452 : memref<1x128x128xf32, #tpu.memory_space<vmem>> -> memref<128x128xf32, #tpu.memory_space<vmem>>
      %dma_wait3A_454 = arith.constant 0 : i32
      %dma_wait3A_455 = arith.constant 0 : i32
      %dma_wait3A_456 = tpu.memref_slice %arg6[%dma_wait3A_454, %dma_wait3A_455] : memref<336x128xf32, #tpu.memory_space<hbm>> -> memref<128x128xf32, #tpu.memory_space<hbm>>
      tpu.wait_dma2 semaphore(%arg23 : memref<!tpu.dma_semaphore, #tpu.memory_space<semaphore_mem>>) src(%dma_wait3A_456 : memref<128x128xf32, #tpu.memory_space<hbm>>) dst(%dma_wait3A_453 : memref<128x128xf32, #tpu.memory_space<vmem>>)
    } else {
    }
    %dma_start3A_206 = arith.constant 0 : i32
    %dma_start3A_207 = arith.constant 0 : i32
    %dma_start3A_208 = arith.constant 0 : i32
    %dma_start3A_209 = tpu.memref_slice %arg14[%dma_start3A_206, %dma_start3A_207, %dma_start3A_208] : memref<4x128x128xf32, #tpu.memory_space<vmem>> -> memref<1x128x128xf32, #tpu.memory_space<vmem>>
    %dma_start3A_210 = tpu.memref_squeeze %dma_start3A_209 : memref<1x128x128xf32, #tpu.memory_space<vmem>> -> memref<128x128xf32, #tpu.memory_space<vmem>>
    %dma_start3A_211 = arith.constant 0 : i32
    %dma_start3A_212 = arith.constant 0 : i32
    %dma_start3A_213 = tpu.memref_slice %dma_start3A_210[%dma_start3A_211, %dma_start3A_212] : memref<128x128xf32, #tpu.memory_space<vmem>> -> memref<128x128xf32, #tpu.memory_space<vmem>>
    %dma_start3A_214 = arith.constant 0 : i32
    %dma_start3A_215 = tpu.memref_slice %arg13[%dma_start3A_214] : memref<320xi32, #tpu.memory_space<vmem>> -> memref<128xi32, #tpu.memory_space<vmem>>
    %dma_start3A_216 = arith.constant 0 : i32
    %dma_start3A_217 = arith.constant 0 : i32
    %dma_start3A_218 = tpu.memref_slice %arg2[%dma_start3A_216, %dma_start3A_217] : memref<100000x128xf32, #tpu.memory_space<hbm>> -> memref<100000x128xf32, #tpu.memory_space<hbm>>
    tpu.enqueue_indirect_dma source(%dma_start3A_218 : memref<100000x128xf32, #tpu.memory_space<hbm>>) target(%dma_start3A_213 : memref<128x128xf32, #tpu.memory_space<vmem>>) offsets(%dma_start3A_215 : memref<128xi32, #tpu.memory_space<vmem>>) semaphore(%arg16 : memref<!tpu.dma_semaphore, #tpu.memory_space<semaphore_mem>>)
    %dma_wait3A_219 = arith.constant 0 : i32
    %dma_wait3A_220 = arith.constant 0 : i32
    %dma_wait3A_221 = arith.constant 0 : i32
    %dma_wait3A_222 = tpu.memref_slice %arg14[%dma_wait3A_219, %dma_wait3A_220, %dma_wait3A_221] : memref<4x128x128xf32, #tpu.memory_space<vmem>> -> memref<1x128x128xf32, #tpu.memory_space<vmem>>
    %dma_wait3A_223 = tpu.memref_squeeze %dma_wait3A_222 : memref<1x128x128xf32, #tpu.memory_space<vmem>> -> memref<128x128xf32, #tpu.memory_space<vmem>>
    %dma_wait3A_224 = arith.constant 0 : i32
    %dma_wait3A_225 = arith.constant 0 : i32
    %dma_wait3A_226 = tpu.memref_slice %dma_wait3A_223[%dma_wait3A_224, %dma_wait3A_225] : memref<128x128xf32, #tpu.memory_space<vmem>> -> memref<128x128xf32, #tpu.memory_space<vmem>>
    %dma_wait3A_227 = arith.constant 0 : i32
    %dma_wait3A_228 = tpu.memref_slice %arg13[%dma_wait3A_227] : memref<320xi32, #tpu.memory_space<vmem>> -> memref<128xi32, #tpu.memory_space<vmem>>
    %dma_wait3A_229 = arith.constant 0 : i32
    %dma_wait3A_230 = arith.constant 0 : i32
    %dma_wait3A_231 = tpu.memref_slice %arg2[%dma_wait3A_229, %dma_wait3A_230] : memref<100000x128xf32, #tpu.memory_space<hbm>> -> memref<100000x128xf32, #tpu.memory_space<hbm>>
    tpu.wait_indirect_dma semaphore(%arg16 : memref<!tpu.dma_semaphore, #tpu.memory_space<semaphore_mem>>) src(%dma_wait3A_231 : memref<100000x128xf32, #tpu.memory_space<hbm>>) dst(%dma_wait3A_226 : memref<128x128xf32, #tpu.memory_space<vmem>>)
    %add3A_232 = arith.constant 0 : i32
    %add3A_233 = arith.addi %min3A_3, %add3A_232 : i32
    %dma_start3A_234 = arith.constant 0 : i32
    %dma_start3A_235 = arith.constant 0 : i32
    %dma_start3A_236 = arith.constant 0 : i32
    %dma_start3A_237 = tpu.memref_slice %arg14[%dma_start3A_234, %dma_start3A_235, %dma_start3A_236] : memref<4x128x128xf32, #tpu.memory_space<vmem>> -> memref<1x128x128xf32, #tpu.memory_space<vmem>>
    %dma_start3A_238 = tpu.memref_squeeze %dma_start3A_237 : memref<1x128x128xf32, #tpu.memory_space<vmem>> -> memref<128x128xf32, #tpu.memory_space<vmem>>
    %dma_start3A_239 = arith.constant 0 : i32
    %dma_start3A_240 = arith.constant 0 : i32
    %dma_start3A_241 = tpu.memref_slice %dma_start3A_238[%dma_start3A_239, %dma_start3A_240] : memref<128x128xf32, #tpu.memory_space<vmem>> -> memref<128x128xf32, #tpu.memory_space<vmem>>
    %dma_start3A_242 = arith.constant 0 : i32
    %dma_start3A_243 = tpu.memref_slice %arg8[%add3A_233, %dma_start3A_242] : memref<10000x128xf32, #tpu.memory_space<hbm>> -> memref<128x128xf32, #tpu.memory_space<hbm>>
    %dma_start3A_244 = arith.constant 0 : i32
    %dma_start3A_245 = tpu.memref_slice %arg8[%add3A_233, %dma_start3A_244] : memref<10000x128xf32, #tpu.memory_space<hbm>> -> memref<128x128xf32, #tpu.memory_space<hbm>>
    %dma_start3A_246 = arith.constant 0 : i32
    %dma_start3A_247 = arith.constant 0 : i32
    %dma_start3A_248 = tpu.memref_slice %arg14[%dma_start3A_234, %dma_start3A_246, %dma_start3A_247] : memref<4x128x128xf32, #tpu.memory_space<vmem>> -> memref<1x128x128xf32, #tpu.memory_space<vmem>>
    %dma_start3A_249 = tpu.memref_squeeze %dma_start3A_248 : memref<1x128x128xf32, #tpu.memory_space<vmem>> -> memref<128x128xf32, #tpu.memory_space<vmem>>
    %dma_start3A_250 = arith.constant 0 : i32
    %dma_start3A_251 = arith.constant 0 : i32
    %dma_start3A_252 = tpu.memref_slice %dma_start3A_249[%dma_start3A_250, %dma_start3A_251] : memref<128x128xf32, #tpu.memory_space<vmem>> -> memref<128x128xf32, #tpu.memory_space<vmem>>
    tpu.enqueue_dma source(%dma_start3A_252 : memref<128x128xf32, #tpu.memory_space<vmem>>) target(%dma_start3A_245 : memref<128x128xf32, #tpu.memory_space<hbm>>) target_semaphore(%arg24 : memref<!tpu.dma_semaphore, #tpu.memory_space<semaphore_mem>>)
    %dma_start3A_253 = arith.constant 1 : i32
    %dma_start3A_254 = arith.constant 0 : i32
    %dma_start3A_255 = arith.constant 0 : i32
    %dma_start3A_256 = tpu.memref_slice %arg14[%dma_start3A_253, %dma_start3A_254, %dma_start3A_255] : memref<4x128x128xf32, #tpu.memory_space<vmem>> -> memref<1x128x128xf32, #tpu.memory_space<vmem>>
    %dma_start3A_257 = tpu.memref_squeeze %dma_start3A_256 : memref<1x128x128xf32, #tpu.memory_space<vmem>> -> memref<128x128xf32, #tpu.memory_space<vmem>>
    %dma_start3A_258 = arith.constant 0 : i32
    %dma_start3A_259 = arith.constant 0 : i32
    %dma_start3A_260 = tpu.memref_slice %dma_start3A_257[%dma_start3A_258, %dma_start3A_259] : memref<128x128xf32, #tpu.memory_space<vmem>> -> memref<128x128xf32, #tpu.memory_space<vmem>>
    %dma_start3A_261 = arith.constant 128 : i32
    %dma_start3A_262 = tpu.memref_slice %arg13[%dma_start3A_261] : memref<320xi32, #tpu.memory_space<vmem>> -> memref<128xi32, #tpu.memory_space<vmem>>
    %dma_start3A_263 = arith.constant 0 : i32
    %dma_start3A_264 = arith.constant 0 : i32
    %dma_start3A_265 = tpu.memref_slice %arg2[%dma_start3A_263, %dma_start3A_264] : memref<100000x128xf32, #tpu.memory_space<hbm>> -> memref<100000x128xf32, #tpu.memory_space<hbm>>
    tpu.enqueue_indirect_dma source(%dma_start3A_265 : memref<100000x128xf32, #tpu.memory_space<hbm>>) target(%dma_start3A_260 : memref<128x128xf32, #tpu.memory_space<vmem>>) offsets(%dma_start3A_262 : memref<128xi32, #tpu.memory_space<vmem>>) semaphore(%arg17 : memref<!tpu.dma_semaphore, #tpu.memory_space<semaphore_mem>>)
    %dma_wait3A_266 = arith.constant 1 : i32
    %dma_wait3A_267 = arith.constant 0 : i32
    %dma_wait3A_268 = arith.constant 0 : i32
    %dma_wait3A_269 = tpu.memref_slice %arg14[%dma_wait3A_266, %dma_wait3A_267, %dma_wait3A_268] : memref<4x128x128xf32, #tpu.memory_space<vmem>> -> memref<1x128x128xf32, #tpu.memory_space<vmem>>
    %dma_wait3A_270 = tpu.memref_squeeze %dma_wait3A_269 : memref<1x128x128xf32, #tpu.memory_space<vmem>> -> memref<128x128xf32, #tpu.memory_space<vmem>>
    %dma_wait3A_271 = arith.constant 0 : i32
    %dma_wait3A_272 = arith.constant 0 : i32
    %dma_wait3A_273 = tpu.memref_slice %dma_wait3A_270[%dma_wait3A_271, %dma_wait3A_272] : memref<128x128xf32, #tpu.memory_space<vmem>> -> memref<128x128xf32, #tpu.memory_space<vmem>>
    %dma_wait3A_274 = arith.constant 128 : i32
    %dma_wait3A_275 = tpu.memref_slice %arg13[%dma_wait3A_274] : memref<320xi32, #tpu.memory_space<vmem>> -> memref<128xi32, #tpu.memory_space<vmem>>
    %dma_wait3A_276 = arith.constant 0 : i32
    %dma_wait3A_277 = arith.constant 0 : i32
    %dma_wait3A_278 = tpu.memref_slice %arg2[%dma_wait3A_276, %dma_wait3A_277] : memref<100000x128xf32, #tpu.memory_space<hbm>> -> memref<100000x128xf32, #tpu.memory_space<hbm>>
    tpu.wait_indirect_dma semaphore(%arg17 : memref<!tpu.dma_semaphore, #tpu.memory_space<semaphore_mem>>) src(%dma_wait3A_278 : memref<100000x128xf32, #tpu.memory_space<hbm>>) dst(%dma_wait3A_273 : memref<128x128xf32, #tpu.memory_space<vmem>>)
    %add3A_279 = arith.constant 128 : i32
    %add3A_280 = arith.addi %min3A_3, %add3A_279 : i32
    %dma_start3A_281 = arith.constant 1 : i32
    %dma_start3A_282 = arith.constant 0 : i32
    %dma_start3A_283 = arith.constant 0 : i32
    %dma_start3A_284 = tpu.memref_slice %arg14[%dma_start3A_281, %dma_start3A_282, %dma_start3A_283] : memref<4x128x128xf32, #tpu.memory_space<vmem>> -> memref<1x128x128xf32, #tpu.memory_space<vmem>>
    %dma_start3A_285 = tpu.memref_squeeze %dma_start3A_284 : memref<1x128x128xf32, #tpu.memory_space<vmem>> -> memref<128x128xf32, #tpu.memory_space<vmem>>
    %dma_start3A_286 = arith.constant 0 : i32
    %dma_start3A_287 = arith.constant 0 : i32
    %dma_start3A_288 = tpu.memref_slice %dma_start3A_285[%dma_start3A_286, %dma_start3A_287] : memref<128x128xf32, #tpu.memory_space<vmem>> -> memref<128x128xf32, #tpu.memory_space<vmem>>
    %dma_start3A_289 = arith.constant 0 : i32
    %dma_start3A_290 = tpu.memref_slice %arg8[%add3A_280, %dma_start3A_289] : memref<10000x128xf32, #tpu.memory_space<hbm>> -> memref<128x128xf32, #tpu.memory_space<hbm>>
    %dma_start3A_291 = arith.constant 0 : i32
    %dma_start3A_292 = tpu.memref_slice %arg8[%add3A_280, %dma_start3A_291] : memref<10000x128xf32, #tpu.memory_space<hbm>> -> memref<128x128xf32, #tpu.memory_space<hbm>>
    %dma_start3A_293 = arith.constant 0 : i32
    %dma_start3A_294 = arith.constant 0 : i32
    %dma_start3A_295 = tpu.memref_slice %arg14[%dma_start3A_281, %dma_start3A_293, %dma_start3A_294] : memref<4x128x128xf32, #tpu.memory_space<vmem>> -> memref<1x128x128xf32, #tpu.memory_space<vmem>>
    %dma_start3A_296 = tpu.memref_squeeze %dma_start3A_295 : memref<1x128x128xf32, #tpu.memory_space<vmem>> -> memref<128x128xf32, #tpu.memory_space<vmem>>
    %dma_start3A_297 = arith.constant 0 : i32
    %dma_start3A_298 = arith.constant 0 : i32
    %dma_start3A_299 = tpu.memref_slice %dma_start3A_296[%dma_start3A_297, %dma_start3A_298] : memref<128x128xf32, #tpu.memory_space<vmem>> -> memref<128x128xf32, #tpu.memory_space<vmem>>
    tpu.enqueue_dma source(%dma_start3A_299 : memref<128x128xf32, #tpu.memory_space<vmem>>) target(%dma_start3A_292 : memref<128x128xf32, #tpu.memory_space<hbm>>) target_semaphore(%arg24 : memref<!tpu.dma_semaphore, #tpu.memory_space<semaphore_mem>>)
    %dma_start3A_300 = arith.constant 2 : i32
    %dma_start3A_301 = arith.constant 0 : i32
    %dma_start3A_302 = arith.constant 0 : i32
    %dma_start3A_303 = tpu.memref_slice %arg14[%dma_start3A_300, %dma_start3A_301, %dma_start3A_302] : memref<4x128x128xf32, #tpu.memory_space<vmem>> -> memref<1x128x128xf32, #tpu.memory_space<vmem>>
    %dma_start3A_304 = tpu.memref_squeeze %dma_start3A_303 : memref<1x128x128xf32, #tpu.memory_space<vmem>> -> memref<128x128xf32, #tpu.memory_space<vmem>>
    %dma_start3A_305 = arith.constant 0 : i32
    %dma_start3A_306 = arith.constant 0 : i32
    %dma_start3A_307 = tpu.memref_slice %dma_start3A_304[%dma_start3A_305, %dma_start3A_306] : memref<128x128xf32, #tpu.memory_space<vmem>> -> memref<64x128xf32, #tpu.memory_space<vmem>>
    %dma_start3A_308 = arith.constant 256 : i32
    %dma_start3A_309 = tpu.memref_slice %arg13[%dma_start3A_308] : memref<320xi32, #tpu.memory_space<vmem>> -> memref<64xi32, #tpu.memory_space<vmem>>
    %dma_start3A_310 = arith.constant 0 : i32
    %dma_start3A_311 = arith.constant 0 : i32
    %dma_start3A_312 = tpu.memref_slice %arg2[%dma_start3A_310, %dma_start3A_311] : memref<100000x128xf32, #tpu.memory_space<hbm>> -> memref<100000x128xf32, #tpu.memory_space<hbm>>
    tpu.enqueue_indirect_dma source(%dma_start3A_312 : memref<100000x128xf32, #tpu.memory_space<hbm>>) target(%dma_start3A_307 : memref<64x128xf32, #tpu.memory_space<vmem>>) offsets(%dma_start3A_309 : memref<64xi32, #tpu.memory_space<vmem>>) semaphore(%arg18 : memref<!tpu.dma_semaphore, #tpu.memory_space<semaphore_mem>>)
    %dma_wait3A_313 = arith.constant 2 : i32
    %dma_wait3A_314 = arith.constant 0 : i32
    %dma_wait3A_315 = arith.constant 0 : i32
    %dma_wait3A_316 = tpu.memref_slice %arg14[%dma_wait3A_313, %dma_wait3A_314, %dma_wait3A_315] : memref<4x128x128xf32, #tpu.memory_space<vmem>> -> memref<1x128x128xf32, #tpu.memory_space<vmem>>
    %dma_wait3A_317 = tpu.memref_squeeze %dma_wait3A_316 : memref<1x128x128xf32, #tpu.memory_space<vmem>> -> memref<128x128xf32, #tpu.memory_space<vmem>>
    %dma_wait3A_318 = arith.constant 0 : i32
    %dma_wait3A_319 = arith.constant 0 : i32
    %dma_wait3A_320 = tpu.memref_slice %dma_wait3A_317[%dma_wait3A_318, %dma_wait3A_319] : memref<128x128xf32, #tpu.memory_space<vmem>> -> memref<64x128xf32, #tpu.memory_space<vmem>>
    %dma_wait3A_321 = arith.constant 256 : i32
    %dma_wait3A_322 = tpu.memref_slice %arg13[%dma_wait3A_321] : memref<320xi32, #tpu.memory_space<vmem>> -> memref<64xi32, #tpu.memory_space<vmem>>
    %dma_wait3A_323 = arith.constant 0 : i32
    %dma_wait3A_324 = arith.constant 0 : i32
    %dma_wait3A_325 = tpu.memref_slice %arg2[%dma_wait3A_323, %dma_wait3A_324] : memref<100000x128xf32, #tpu.memory_space<hbm>> -> memref<100000x128xf32, #tpu.memory_space<hbm>>
    tpu.wait_indirect_dma semaphore(%arg18 : memref<!tpu.dma_semaphore, #tpu.memory_space<semaphore_mem>>) src(%dma_wait3A_325 : memref<100000x128xf32, #tpu.memory_space<hbm>>) dst(%dma_wait3A_320 : memref<64x128xf32, #tpu.memory_space<vmem>>)
    %add3A_326 = arith.constant 256 : i32
    %add3A_327 = arith.addi %min3A_3, %add3A_326 : i32
    %dma_start3A_328 = arith.constant 2 : i32
    %dma_start3A_329 = arith.constant 0 : i32
    %dma_start3A_330 = arith.constant 0 : i32
    %dma_start3A_331 = tpu.memref_slice %arg14[%dma_start3A_328, %dma_start3A_329, %dma_start3A_330] : memref<4x128x128xf32, #tpu.memory_space<vmem>> -> memref<1x128x128xf32, #tpu.memory_space<vmem>>
    %dma_start3A_332 = tpu.memref_squeeze %dma_start3A_331 : memref<1x128x128xf32, #tpu.memory_space<vmem>> -> memref<128x128xf32, #tpu.memory_space<vmem>>
    %dma_start3A_333 = arith.constant 0 : i32
    %dma_start3A_334 = arith.constant 0 : i32
    %dma_start3A_335 = tpu.memref_slice %dma_start3A_332[%dma_start3A_333, %dma_start3A_334] : memref<128x128xf32, #tpu.memory_space<vmem>> -> memref<64x128xf32, #tpu.memory_space<vmem>>
    %dma_start3A_336 = arith.constant 0 : i32
    %dma_start3A_337 = tpu.memref_slice %arg8[%add3A_327, %dma_start3A_336] : memref<10000x128xf32, #tpu.memory_space<hbm>> -> memref<64x128xf32, #tpu.memory_space<hbm>>
    %dma_start3A_338 = arith.constant 0 : i32
    %dma_start3A_339 = tpu.memref_slice %arg8[%add3A_327, %dma_start3A_338] : memref<10000x128xf32, #tpu.memory_space<hbm>> -> memref<64x128xf32, #tpu.memory_space<hbm>>
    %dma_start3A_340 = arith.constant 0 : i32
    %dma_start3A_341 = arith.constant 0 : i32
    %dma_start3A_342 = tpu.memref_slice %arg14[%dma_start3A_328, %dma_start3A_340, %dma_start3A_341] : memref<4x128x128xf32, #tpu.memory_space<vmem>> -> memref<1x128x128xf32, #tpu.memory_space<vmem>>
    %dma_start3A_343 = tpu.memref_squeeze %dma_start3A_342 : memref<1x128x128xf32, #tpu.memory_space<vmem>> -> memref<128x128xf32, #tpu.memory_space<vmem>>
    %dma_start3A_344 = arith.constant 0 : i32
    %dma_start3A_345 = arith.constant 0 : i32
    %dma_start3A_346 = tpu.memref_slice %dma_start3A_343[%dma_start3A_344, %dma_start3A_345] : memref<128x128xf32, #tpu.memory_space<vmem>> -> memref<64x128xf32, #tpu.memory_space<vmem>>
    tpu.enqueue_dma source(%dma_start3A_346 : memref<64x128xf32, #tpu.memory_space<vmem>>) target(%dma_start3A_339 : memref<64x128xf32, #tpu.memory_space<hbm>>) target_semaphore(%arg24 : memref<!tpu.dma_semaphore, #tpu.memory_space<semaphore_mem>>)
    %add3A_347 = arith.constant 0 : i32
    %add3A_348 = arith.addi %mul3A_5, %add3A_347 : i32
    %add3A_349 = arith.constant 0 : i32
    %add3A_350 = arith.addi %min3A_3, %add3A_349 : i32
    %dma_start3A_351 = arith.constant 0 : i32
    %dma_start3A_352 = tpu.memref_slice %arg7[%add3A_350, %dma_start3A_351] : memref<10000x128xf32, #tpu.memory_space<hbm>> -> memref<64x128xf32, #tpu.memory_space<hbm>>
    %dma_start3A_353 = arith.constant 0 : i32
    %dma_start3A_354 = tpu.memref_slice %arg15[%add3A_348, %dma_start3A_353] : memref<5376x128xf32, #tpu.memory_space<vmem_shared>> -> memref<64x128xf32, #tpu.memory_space<vmem_shared>>
    tpu.enqueue_dma source(%dma_start3A_354 : memref<64x128xf32, #tpu.memory_space<vmem_shared>>) target(%dma_start3A_352 : memref<64x128xf32, #tpu.memory_space<hbm>>) target_semaphore(%arg24 : memref<!tpu.dma_semaphore, #tpu.memory_space<semaphore_mem>>)
    %add3A_355 = arith.constant 64 : i32
    %add3A_356 = arith.addi %mul3A_5, %add3A_355 : i32
    %add3A_357 = arith.constant 64 : i32
    %add3A_358 = arith.addi %min3A_3, %add3A_357 : i32
    %dma_start3A_359 = arith.constant 0 : i32
    %dma_start3A_360 = tpu.memref_slice %arg7[%add3A_358, %dma_start3A_359] : memref<10000x128xf32, #tpu.memory_space<hbm>> -> memref<64x128xf32, #tpu.memory_space<hbm>>
    %dma_start3A_361 = arith.constant 0 : i32
    %dma_start3A_362 = tpu.memref_slice %arg15[%add3A_356, %dma_start3A_361] : memref<5376x128xf32, #tpu.memory_space<vmem_shared>> -> memref<64x128xf32, #tpu.memory_space<vmem_shared>>
    tpu.enqueue_dma source(%dma_start3A_362 : memref<64x128xf32, #tpu.memory_space<vmem_shared>>) target(%dma_start3A_360 : memref<64x128xf32, #tpu.memory_space<hbm>>) target_semaphore(%arg24 : memref<!tpu.dma_semaphore, #tpu.memory_space<semaphore_mem>>)
    %add3A_363 = arith.constant 128 : i32
    %add3A_364 = arith.addi %mul3A_5, %add3A_363 : i32
    %add3A_365 = arith.constant 128 : i32
    %add3A_366 = arith.addi %min3A_3, %add3A_365 : i32
    %dma_start3A_367 = arith.constant 0 : i32
    %dma_start3A_368 = tpu.memref_slice %arg7[%add3A_366, %dma_start3A_367] : memref<10000x128xf32, #tpu.memory_space<hbm>> -> memref<64x128xf32, #tpu.memory_space<hbm>>
    %dma_start3A_369 = arith.constant 0 : i32
    %dma_start3A_370 = tpu.memref_slice %arg15[%add3A_364, %dma_start3A_369] : memref<5376x128xf32, #tpu.memory_space<vmem_shared>> -> memref<64x128xf32, #tpu.memory_space<vmem_shared>>
    tpu.enqueue_dma source(%dma_start3A_370 : memref<64x128xf32, #tpu.memory_space<vmem_shared>>) target(%dma_start3A_368 : memref<64x128xf32, #tpu.memory_space<hbm>>) target_semaphore(%arg24 : memref<!tpu.dma_semaphore, #tpu.memory_space<semaphore_mem>>)
    %add3A_371 = arith.constant 192 : i32
    %add3A_372 = arith.addi %mul3A_5, %add3A_371 : i32
    %add3A_373 = arith.constant 192 : i32
    %add3A_374 = arith.addi %min3A_3, %add3A_373 : i32
    %dma_start3A_375 = arith.constant 0 : i32
    %dma_start3A_376 = tpu.memref_slice %arg7[%add3A_374, %dma_start3A_375] : memref<10000x128xf32, #tpu.memory_space<hbm>> -> memref<64x128xf32, #tpu.memory_space<hbm>>
    %dma_start3A_377 = arith.constant 0 : i32
    %dma_start3A_378 = tpu.memref_slice %arg15[%add3A_372, %dma_start3A_377] : memref<5376x128xf32, #tpu.memory_space<vmem_shared>> -> memref<64x128xf32, #tpu.memory_space<vmem_shared>>
    tpu.enqueue_dma source(%dma_start3A_378 : memref<64x128xf32, #tpu.memory_space<vmem_shared>>) target(%dma_start3A_376 : memref<64x128xf32, #tpu.memory_space<hbm>>) target_semaphore(%arg24 : memref<!tpu.dma_semaphore, #tpu.memory_space<semaphore_mem>>)
    %add3A_379 = arith.constant 256 : i32
    %add3A_380 = arith.addi %mul3A_5, %add3A_379 : i32
    %add3A_381 = arith.constant 256 : i32
    %add3A_382 = arith.addi %min3A_3, %add3A_381 : i32
    %dma_start3A_383 = arith.constant 0 : i32
    %dma_start3A_384 = tpu.memref_slice %arg7[%add3A_382, %dma_start3A_383] : memref<10000x128xf32, #tpu.memory_space<hbm>> -> memref<64x128xf32, #tpu.memory_space<hbm>>
    %dma_start3A_385 = arith.constant 0 : i32
    %dma_start3A_386 = tpu.memref_slice %arg15[%add3A_380, %dma_start3A_385] : memref<5376x128xf32, #tpu.memory_space<vmem_shared>> -> memref<64x128xf32, #tpu.memory_space<vmem_shared>>
    tpu.enqueue_dma source(%dma_start3A_386 : memref<64x128xf32, #tpu.memory_space<vmem_shared>>) target(%dma_start3A_384 : memref<64x128xf32, #tpu.memory_space<hbm>>) target_semaphore(%arg24 : memref<!tpu.dma_semaphore, #tpu.memory_space<semaphore_mem>>)
    %dma_wait3A_387 = arith.constant 0 : i32
    %dma_wait3A_388 = tpu.memref_slice %arg7[%min3A_3, %dma_wait3A_387] : memref<10000x128xf32, #tpu.memory_space<hbm>> -> memref<128x128xf32, #tpu.memory_space<hbm>>
    %dma_wait3A_389 = arith.constant 0 : i32
    %dma_wait3A_390 = arith.constant 0 : i32
    %dma_wait3A_391 = tpu.memref_slice %arg6[%dma_wait3A_389, %dma_wait3A_390] : memref<336x128xf32, #tpu.memory_space<hbm>> -> memref<128x128xf32, #tpu.memory_space<hbm>>
    tpu.wait_dma2 semaphore(%arg24 : memref<!tpu.dma_semaphore, #tpu.memory_space<semaphore_mem>>) src(%dma_wait3A_391 : memref<128x128xf32, #tpu.memory_space<hbm>>) dst(%dma_wait3A_388 : memref<128x128xf32, #tpu.memory_space<hbm>>)
    %dma_wait3A_392 = arith.constant 0 : i32
    %dma_wait3A_393 = tpu.memref_slice %arg7[%min3A_3, %dma_wait3A_392] : memref<10000x128xf32, #tpu.memory_space<hbm>> -> memref<128x128xf32, #tpu.memory_space<hbm>>
    %dma_wait3A_394 = arith.constant 0 : i32
    %dma_wait3A_395 = arith.constant 0 : i32
    %dma_wait3A_396 = tpu.memref_slice %arg6[%dma_wait3A_394, %dma_wait3A_395] : memref<336x128xf32, #tpu.memory_space<hbm>> -> memref<128x128xf32, #tpu.memory_space<hbm>>
    tpu.wait_dma2 semaphore(%arg24 : memref<!tpu.dma_semaphore, #tpu.memory_space<semaphore_mem>>) src(%dma_wait3A_396 : memref<128x128xf32, #tpu.memory_space<hbm>>) dst(%dma_wait3A_393 : memref<128x128xf32, #tpu.memory_space<hbm>>)
    %dma_wait3A_397 = arith.constant 0 : i32
    %dma_wait3A_398 = tpu.memref_slice %arg7[%min3A_3, %dma_wait3A_397] : memref<10000x128xf32, #tpu.memory_space<hbm>> -> memref<64x128xf32, #tpu.memory_space<hbm>>
    %dma_wait3A_399 = arith.constant 0 : i32
    %dma_wait3A_400 = arith.constant 0 : i32
    %dma_wait3A_401 = tpu.memref_slice %arg6[%dma_wait3A_399, %dma_wait3A_400] : memref<336x128xf32, #tpu.memory_space<hbm>> -> memref<64x128xf32, #tpu.memory_space<hbm>>
    tpu.wait_dma2 semaphore(%arg24 : memref<!tpu.dma_semaphore, #tpu.memory_space<semaphore_mem>>) src(%dma_wait3A_401 : memref<64x128xf32, #tpu.memory_space<hbm>>) dst(%dma_wait3A_398 : memref<64x128xf32, #tpu.memory_space<hbm>>)
    %dma_wait3A_402 = arith.constant 0 : i32
    %dma_wait3A_403 = tpu.memref_slice %arg7[%min3A_3, %dma_wait3A_402] : memref<10000x128xf32, #tpu.memory_space<hbm>> -> memref<64x128xf32, #tpu.memory_space<hbm>>
    %dma_wait3A_404 = arith.constant 0 : i32
    %dma_wait3A_405 = arith.constant 0 : i32
    %dma_wait3A_406 = tpu.memref_slice %arg6[%dma_wait3A_404, %dma_wait3A_405] : memref<336x128xf32, #tpu.memory_space<hbm>> -> memref<64x128xf32, #tpu.memory_space<hbm>>
    tpu.wait_dma2 semaphore(%arg24 : memref<!tpu.dma_semaphore, #tpu.memory_space<semaphore_mem>>) src(%dma_wait3A_406 : memref<64x128xf32, #tpu.memory_space<hbm>>) dst(%dma_wait3A_403 : memref<64x128xf32, #tpu.memory_space<hbm>>)
    %dma_wait3A_407 = arith.constant 0 : i32
    %dma_wait3A_408 = tpu.memref_slice %arg7[%min3A_3, %dma_wait3A_407] : memref<10000x128xf32, #tpu.memory_space<hbm>> -> memref<64x128xf32, #tpu.memory_space<hbm>>
    %dma_wait3A_409 = arith.constant 0 : i32
    %dma_wait3A_410 = arith.constant 0 : i32
    %dma_wait3A_411 = tpu.memref_slice %arg6[%dma_wait3A_409, %dma_wait3A_410] : memref<336x128xf32, #tpu.memory_space<hbm>> -> memref<64x128xf32, #tpu.memory_space<hbm>>
    tpu.wait_dma2 semaphore(%arg24 : memref<!tpu.dma_semaphore, #tpu.memory_space<semaphore_mem>>) src(%dma_wait3A_411 : memref<64x128xf32, #tpu.memory_space<hbm>>) dst(%dma_wait3A_408 : memref<64x128xf32, #tpu.memory_space<hbm>>)
    %dma_wait3A_412 = arith.constant 0 : i32
    %dma_wait3A_413 = tpu.memref_slice %arg7[%min3A_3, %dma_wait3A_412] : memref<10000x128xf32, #tpu.memory_space<hbm>> -> memref<64x128xf32, #tpu.memory_space<hbm>>
    %dma_wait3A_414 = arith.constant 0 : i32
    %dma_wait3A_415 = arith.constant 0 : i32
    %dma_wait3A_416 = tpu.memref_slice %arg6[%dma_wait3A_414, %dma_wait3A_415] : memref<336x128xf32, #tpu.memory_space<hbm>> -> memref<64x128xf32, #tpu.memory_space<hbm>>
    tpu.wait_dma2 semaphore(%arg24 : memref<!tpu.dma_semaphore, #tpu.memory_space<semaphore_mem>>) src(%dma_wait3A_416 : memref<64x128xf32, #tpu.memory_space<hbm>>) dst(%dma_wait3A_413 : memref<64x128xf32, #tpu.memory_space<hbm>>)
    %dma_wait3A_417 = arith.constant 0 : i32
    %dma_wait3A_418 = tpu.memref_slice %arg7[%min3A_3, %dma_wait3A_417] : memref<10000x128xf32, #tpu.memory_space<hbm>> -> memref<64x128xf32, #tpu.memory_space<hbm>>
    %dma_wait3A_419 = arith.constant 0 : i32
    %dma_wait3A_420 = arith.constant 0 : i32
    %dma_wait3A_421 = tpu.memref_slice %arg6[%dma_wait3A_419, %dma_wait3A_420] : memref<336x128xf32, #tpu.memory_space<hbm>> -> memref<64x128xf32, #tpu.memory_space<hbm>>
    tpu.wait_dma2 semaphore(%arg24 : memref<!tpu.dma_semaphore, #tpu.memory_space<semaphore_mem>>) src(%dma_wait3A_421 : memref<64x128xf32, #tpu.memory_space<hbm>>) dst(%dma_wait3A_418 : memref<64x128xf32, #tpu.memory_space<hbm>>)
    %dma_wait3A_422 = arith.constant 0 : i32
    %dma_wait3A_423 = tpu.memref_slice %arg7[%min3A_3, %dma_wait3A_422] : memref<10000x128xf32, #tpu.memory_space<hbm>> -> memref<64x128xf32, #tpu.memory_space<hbm>>
    %dma_wait3A_424 = arith.constant 0 : i32
    %dma_wait3A_425 = arith.constant 0 : i32
    %dma_wait3A_426 = tpu.memref_slice %arg6[%dma_wait3A_424, %dma_wait3A_425] : memref<336x128xf32, #tpu.memory_space<hbm>> -> memref<64x128xf32, #tpu.memory_space<hbm>>
    tpu.wait_dma2 semaphore(%arg24 : memref<!tpu.dma_semaphore, #tpu.memory_space<semaphore_mem>>) src(%dma_wait3A_426 : memref<64x128xf32, #tpu.memory_space<hbm>>) dst(%dma_wait3A_423 : memref<64x128xf32, #tpu.memory_space<hbm>>)
    return
  }
}

module attributes {stable_mosaic.version = 14 : i64} {
  func.func @body(%arg0: i32, %arg1: memref<400x128xf32, #tpu.memory_space<vmem>>, %arg2: memref<400x128xf32, #tpu.memory_space<vmem>>, %arg3: memref<400x1xf32, #tpu.memory_space<vmem>>, %arg4: memref<128x128xf32, #tpu.memory_space<vmem>>, %arg5: memref<128x128xf32, #tpu.memory_space<vmem>>, %arg6: memref<400x128xf32, #tpu.memory_space<vmem>>) attributes {dimension_semantics = [#tpu.dimension_semantics<arbitrary>], iteration_bounds = array<i64: 25>, scalar_prefetch = 0 : i64, scratch_operands = 0 : i64, tpu.core_type = #tpu.core_type<tc>, window_params = [{transform_indices = @transform_0, window_bounds = array<i64: 400, 128>}, {transform_indices = @transform_1, window_bounds = array<i64: 400, 128>}, {transform_indices = @transform_2, window_bounds = array<i64: 400, 1>}, {pipeline_mode = #tpu.pipeline_mode<synchronous>, transform_indices = @transform_3, window_bounds = array<i64: 128, 128>}, {pipeline_mode = #tpu.pipeline_mode<synchronous>, transform_indices = @transform_4, window_bounds = array<i64: 128, 128>}, {transform_indices = @transform_5, window_bounds = array<i64: 400, 128>}]} {
    %get3A = arith.constant 0 : index
    %get3A_0 = arith.constant 0 : index
    %get3A_1 = vector.load %arg3[%get3A, %get3A_0] : memref<400x1xf32, #tpu.memory_space<vmem>>, vector<400x1xf32>
    %max3A = arith.constant 1.000000e+00 : f32
    %max3A_2 = vector.broadcast %max3A : f32 to vector<400x1xf32>
    %max3A_3 = arith.maximumf %get3A_1, %max3A_2 : vector<400x1xf32>
    %div3A = arith.constant 1.000000e+00 : f32
    %div3A_4 = vector.broadcast %div3A : f32 to vector<400x1xf32>
    %div3A_5 = arith.divf %div3A_4, %max3A_3 : vector<400x1xf32>
    %get3A_6 = arith.constant 0 : index
    %get3A_7 = arith.constant 0 : index
    %get3A_8 = vector.load %arg1[%get3A_6, %get3A_7] : memref<400x128xf32, #tpu.memory_space<vmem>>, vector<400x128xf32>
    %get3A_9 = arith.constant 0 : index
    %get3A_10 = arith.constant 0 : index
    %get3A_11 = vector.load %arg4[%get3A_9, %get3A_10] : memref<128x128xf32, #tpu.memory_space<vmem>>, vector<128x128xf32>
    %dot_general3A = arith.constant dense<0.000000e+00> : vector<400x128xf32>
    %dot_general3A_12 = tpu.matmul %get3A_8, %get3A_11, %dot_general3A {dimension_numbers = #tpu.dot_dimension_numbers<[1], [1], [0], [0], [0, 0, 1, 0], [], []>, transpose_lhs_hint = false} : vector<400x128xf32>, vector<128x128xf32>, vector<400x128xf32> -> vector<400x128xf32>
    %get3A_13 = arith.constant 0 : index
    %get3A_14 = arith.constant 0 : index
    %get3A_15 = vector.load %arg2[%get3A_13, %get3A_14] : memref<400x128xf32, #tpu.memory_space<vmem>>, vector<400x128xf32>
    %get3A_16 = arith.constant 0 : index
    %get3A_17 = arith.constant 0 : index
    %get3A_18 = vector.load %arg5[%get3A_16, %get3A_17] : memref<128x128xf32, #tpu.memory_space<vmem>>, vector<128x128xf32>
    %dot_general3A_19 = arith.constant dense<0.000000e+00> : vector<400x128xf32>
    %dot_general3A_20 = tpu.matmul %get3A_15, %get3A_18, %dot_general3A_19 {dimension_numbers = #tpu.dot_dimension_numbers<[1], [1], [0], [0], [0, 0, 1, 0], [], []>, transpose_lhs_hint = false} : vector<400x128xf32>, vector<128x128xf32>, vector<400x128xf32> -> vector<400x128xf32>
    %mul3A = vector.broadcast %div3A_5 : vector<400x1xf32> to vector<400x128xf32>
    %mul3A_21 = arith.mulf %mul3A, %dot_general3A_20 : vector<400x128xf32>
    %add3A = arith.addf %dot_general3A_12, %mul3A_21 : vector<400x128xf32>
    %max3A_22 = arith.constant 0.000000e+00 : f32
    %max3A_23 = vector.broadcast %max3A_22 : f32 to vector<400x128xf32>
    %max3A_24 = arith.maximumf %add3A, %max3A_23 : vector<400x128xf32>
    %swap3A = arith.constant 0 : index
    %swap3A_25 = arith.constant 0 : index
    %swap3A_26 = vector.load %arg6[%swap3A, %swap3A_25] : memref<400x128xf32, #tpu.memory_space<vmem>>, vector<400x128xf32>
    tpu.vector_store %arg6[%swap3A, %swap3A_25], %max3A_24 {strides = array<i32>} : memref<400x128xf32, #tpu.memory_space<vmem>>, vector<400x128xf32>,
    return
  }
  func.func @transform_0(%arg0: i32) -> (i32, i32) {
    %c0_i32 = arith.constant 0 : i32
    %c0_i32_0 = arith.constant 0 : i32
    return %arg0, %c0_i32 : i32, i32
  }
  func.func @transform_1(%arg0: i32) -> (i32, i32) {
    %c0_i32 = arith.constant 0 : i32
    %c0_i32_0 = arith.constant 0 : i32
    return %arg0, %c0_i32 : i32, i32
  }
  func.func @transform_2(%arg0: i32) -> (i32, i32) {
    %c0_i32 = arith.constant 0 : i32
    %c0_i32_0 = arith.constant 0 : i32
    return %arg0, %c0_i32 : i32, i32
  }
  func.func @transform_3(%arg0: i32) -> (i32, i32) {
    %c0_i32 = arith.constant 0 : i32
    %c0_i32_0 = arith.constant 0 : i32
    %c0_i32_1 = arith.constant 0 : i32
    return %c0_i32, %c0_i32_0 : i32, i32
  }
  func.func @transform_4(%arg0: i32) -> (i32, i32) {
    %c0_i32 = arith.constant 0 : i32
    %c0_i32_0 = arith.constant 0 : i32
    %c0_i32_1 = arith.constant 0 : i32
    return %c0_i32, %c0_i32_0 : i32, i32
  }
  func.func @transform_5(%arg0: i32) -> (i32, i32) {
    %c0_i32 = arith.constant 0 : i32
    %c0_i32_0 = arith.constant 0 : i32
    return %arg0, %c0_i32 : i32, i32
  }
}

</mosaic_0001>

<sc_bundles>
// kernel: kernel.4.cloned.1.call-start
scs
__scs_entry_jumppad:
0x0: {  	(pc) =	sbr.rel $0x88, $3  }
0x1: {  	(tag) =	ssettag $0x0;
	lr =	simm.s32 $0x1  }
0x2: {  	[smem:$0x3F9C] =	sst lr;
	_ =	strace $0xD0000000  }
0x3: {  	_ = 	snop  }
0x4: {  	_ = 	snop  }
0x5: {  	_ = 	snop  }
0x6: {  	_ = 	snop  }
0x7: {  	_ = 	snop  }
__scs_overlays_trampoline_lowered:
0x8: {  	[smem:$0x3FAB] =	sst s0  }
0x9: {  	[smem:$0x3FAC] =	sst s1  }
0xa: {  	[smem:$0x3FAD] =	sst s2  }
0xb: {  	[smem:$0x3FAE] =	sst s3  }
0xc: {  	[smem:$0x3FAF] =	sst s4  }
0xd: {  	[smem:$0x3FB0] =	sst s5  }
0xe: {  	[smem:$0x3FB1] =	sst s6  }
0xf: {  	[smem:$0x3FB2] =	sst s7  }
0x10: {  	[smem:$0x3FB3] =	sst s8  }
0x11: {  	[smem:$0x3FB4] =	sst s9;
	s0 =	simm.s32 @!p0 $0x0  }
0x12: {  	s1 =	sld [smem:$0x3F9A];
	s0 =	simm.s32 @p0 $0x1  }
0x13: {  	[smem:$0x3FB5] =	sst s0;
	s0 =	simm.s32 @!p1 $0x0  }
0x14: {  	s2 =	sld [smem:$0x3F99];
	s0 =	simm.s32 @p1 $0x1  }
0x15: {  	[smem:$0x3FB6] =	sst s0;
	s0 =	simm.s32 @!p2 $0x0  }
0x16: {  	s3 =	sld [smem:$0x3FDB];
	s0 =	simm.s32 @p2 $0x1  }
0x17: {  	s4 =	simm.s32 $0x1BF5;
	[smem:$0x3FB8] =	sst s0  }
0x18: {  	s0 =	sld [smem:$0x3F9B];
	_ =	swait.ge [sflag:s4], $0x0  }
0x19: {  	s7 =	sld [smem:$0x3F9C]  }
0x1a: {  	s8 =	sadd.s32 $0xFFFFE003, lr  }
0x1b: {  	s9 =	sadd.s32 $0xFFFFFEF7, lr;
	s5 =	simm.s32 $0xFFFFFFFF;
	p2 =	slt.u32 s8, $0xFFFFF086  }
0x1c: {  	p1 =	slt.u32 s9, $0xF7A;
	s5 =	simm.s32 @!p2 $0x0  }
0x1d: {  	s5 =	simm.s32 @p1 $0x1;
	p0 =	seq.s32 s7, s2  }
0x1e: {  	s7 =	smul.u32 @!p0 $0xF7A, s2;
	p2 =	seq.s32 @!p0 s5, $0x0  }
0x1f: {  	s9 =	smul.u32 $0xF7A, s1;
	s8 =	simm.s32 @!p0 $0x1BF5;
	p2 =	por !p2, p0  }
0x20: {  	[sflag:s8] =	ssyncset.s32 @!p0 $0xFFFFF086;
	s6 =	sadd.s32 @!p0 s3, s7;
	s7 =	simm.s32 @!p0 $0x108  }
0x21: {  	s3 =	sadd.s32 s3, s9;
	s6 =	sadd.s32 @!p0 $0x88, s6;
	s7 =	simm.s32 @p2 $0x1082  }
0x22: {  	[simem:s7], [sflag:s8] =	dma.local @!p0 [hbm:s6], $0xF7A  }
0x23: {  	s9 =	sor.u32 $0xD0000000, s2;
	s6 =	simm.s32 $0x108;
	_ =	swait.ge @!p0 [sflag:s8], $0x0  }
0x24: {  	s3 =	sadd.s32 $0x88, s3;
	s6 =	simm.s32 @!p1 $0x1082;
	[sflag:s4] =	ssyncset.s32 $0xFFFFF086  }
0x25: {  	[simem:s6], [sflag:s4] =	dma.local [hbm:s3], $0xF7A  }
0x26: {  	[smem:$0x3F9C] =	sst s1;
	(tag) =	ssettag s2;
	_ =	strace s9  }
0x27: {  	s1 =	sld [smem:$0x3FAC]  }
0x28: {  	s2 =	sld [smem:$0x3FAD]  }
0x29: {  	s4 =	sld [smem:$0x3FAF]  }
0x2a: {  	p0 =	seq.s32 s5, $0x0;
	s5 =	sld [smem:$0x3FB0]  }
0x2b: {  	s6 =	sld [smem:$0x3FB1]  }
0x2c: {  	s7 =	sld [smem:$0x3FB2]  }
0x2d: {  	s3 =	simm.s32 $0x108;
	s8 =	sld [smem:$0x3FB3]  }
0x2e: {  	s3 =	simm.s32 @!p0 $0x1082;
	s9 =	sld [smem:$0x3FB4]  }
0x2f: {  	lr =	sadd.s32 s0, s3;
	s0 =	sld [smem:$0x3FAB]  }
0x30: {  	s3 =	sld [smem:$0x3FAE]  }
0x31: {  	[smem:$0x3FB7] =	sst s10  }
0x32: {  	s10 =	sld [smem:$0x3FB5];
	_ =	sdelay $0x3  }
0x33: {  	p0 =	seq.s32 s10, $0x1;
	s10 =	sld [smem:$0x3FB7];
	_ =	sdelay $0x3  }
0x34: {  	[smem:$0x3FB7] =	sst s10  }
0x35: {  	s10 =	sld [smem:$0x3FB6];
	_ =	sdelay $0x3  }
0x36: {  	p1 =	seq.s32 s10, $0x1;
	s10 =	sld [smem:$0x3FB7];
	_ =	sdelay $0x3  }
0x37: {  	[smem:$0x3FB7] =	sst s10  }
0x38: {  	s10 =	sld [smem:$0x3FB8]  }
0x39: {  	_ = 	snop;
	(pc) =	sbr.ind lr, $3  }
0x3a: {  	_ = 	snop  }
0x3b: {  	_ = 	snop  }
0x3c: {  	p2 =	seq.s32 s10, $0x1;
	s10 =	sld [smem:$0x3FB7]  }
0x3d: {  	_ =	shalt  }
0x3e: {  	_ =	shalt  }
0x3f: {  	_ =	shalt  }
0x40: {  	_ =	shalt  }
0x41: {  	_ =	shalt  }
0x42: {  	_ =	shalt  }
0x43: {  	_ =	shalt  }
0x44: {  	_ =	shalt  }
0x45: {  	_ =	shalt  }
0x46: {  	_ =	shalt  }
0x47: {  	_ =	shalt  }
0x48: {  	_ =	shalt  }
0x49: {  	_ =	shalt  }
0x4a: {  	_ =	shalt  }
0x4b: {  	_ =	shalt  }
0x4c: {  	_ =	shalt  }
0x4d: {  	_ =	shalt  }
0x4e: {  	_ =	shalt  }
0x4f: {  	_ =	shalt  }
0x50: {  	_ =	shalt  }
0x51: {  	_ =	shalt  }
0x52: {  	_ =	shalt  }
0x53: {  	_ =	shalt  }
0x54: {  	_ =	shalt  }
0x55: {  	_ =	shalt  }
0x56: {  	_ =	shalt  }
0x57: {  	_ =	shalt  }
0x58: {  	_ =	shalt  }
0x59: {  	_ =	shalt  }
0x5a: {  	_ =	shalt  }
0x5b: {  	_ =	shalt  }
0x5c: {  	_ =	shalt  }
0x5d: {  	_ =	shalt  }
0x5e: {  	_ =	shalt  }
0x5f: {  	_ =	shalt  }
0x60: {  	_ =	shalt  }
0x61: {  	_ =	shalt  }
0x62: {  	_ =	shalt  }
0x63: {  	_ =	shalt  }
0x64: {  	_ =	shalt  }
0x65: {  	_ =	shalt  }
0x66: {  	_ =	shalt  }
0x67: {  	_ =	shalt  }
0x68: {  	_ =	shalt  }
0x69: {  	_ =	shalt  }
0x6a: {  	_ =	shalt  }
0x6b: {  	_ =	shalt  }
0x6c: {  	_ =	shalt  }
0x6d: {  	_ =	shalt  }
0x6e: {  	_ =	shalt  }
0x6f: {  	_ =	shalt  }
0x70: {  	_ =	shalt  }
0x71: {  	_ =	shalt  }
0x72: {  	_ =	shalt  }
0x73: {  	_ =	shalt  }
0x74: {  	_ =	shalt  }
0x75: {  	_ =	shalt  }
0x76: {  	_ =	shalt  }
0x77: {  	_ =	shalt  }
0x78: {  	_ =	shalt  }
0x79: {  	_ =	shalt  }
0x7a: {  	_ =	shalt  }
0x7b: {  	_ =	shalt  }
0x7c: {  	_ =	shalt  }
0x7d: {  	_ =	shalt  }
0x7e: {  	_ =	shalt  }
0x7f: {  	_ =	shalt  }
0x80: {  	_ =	shalt  }
0x81: {  	_ =	shalt  }
0x82: {  	_ =	shalt  }
0x83: {  	_ =	shalt  }
0x84: {  	_ =	shalt  }
0x85: {  	_ =	shalt  }
0x86: {  	_ =	shalt  }
0x87: {  	_ =	shalt  }
.Lfunc_end0:
.L_simem_size_0:
called_computation_lowered:
.L_overlay_start_0:
0x88: {  	s2 =	sld [smem:$0x3FD9]  }
0x89: {  	s3 =	sld [smem:$0x3FFE];
	_ =	sdelay $0x1  }
0x8a: {  	s1 =	srdreg.scid  }
0x8b: {  	s0 =	sand.u32 $0x1, s1  }
0x8c: {  	s17 =	sshll.u32 s0, $0xA;
	s2 =	sadd.s32 s3, s2  }
0x8d: {  	s2 =	sadd.s32 s2, s17  }
0x8e: {  	[smem:$0x3FC3] =	sst s2  }
0x8f: {  	_ = 	snop  }
0x90: {  	s2 =	sld [smem:$0x3FC9]  }
0x91: {  	s18 =	sld [smem:$0x3FC6]  }
0x92: {  	s4 =	sld [smem:$0x3FD0];
	(tm) =	ssettm $0x1  }
0x93: {  	s5 =	sld [smem:$0x3FFB];
	_ =	sdelay $0x3  }
0x94: {  	_ =	strace s5  }
0x95: {  	s5 =	sld [smem:$0x3FFC];
	_ =	sdelay $0x3  }
0x96: {  	_ =	strace s5  }
0x97: {  	s5 =	sld [smem:$0x3FFD];
	_ =	sdelay $0x3  }
0x98: {  	_ =	strace s5  }
0x99: {  	_ =	strace $0x8FFFFFFF  }
0x9a: {  	s19 =	sld [smem:$0x3FDB];
	_ =	sdelay $0x1  }
0x9b: {  	s6 =	simm.s32 $_scs_section_size  }
0x9c: {  	s7 =	simm.s32 $_size__tile_overlayer_lowered;
	s8 =	simm.s32 $_tile_overlayer_lowered  }
0x9d: {  	s22 =	simm.s32 $0x1BFF;
	s21 =	sshll.u32 s8, $0x1;
	s5 =	sadd.s32 s6, s19  }
0x9e: {  	s9 =	simm.s32 $0x0;
	s20 =	sshll.u32 s7, $0x1;
	s7 =	sadd.s32 s21, s5  }
0x9f: {  	[timem:s9], [sflag:s22] =	dma.local [hbm:s7], s20  }
0xa0: {  	_ =	swait.ge [sflag:s22], s20  }
0xa1: {  	s6 =	ssub.s32 $0x0, s20;
	[sflag:s22] =	ssyncset.done $0x0  }
0xa2: {  	[sflag:s22] =	ssyncadd.s32 s6;
	_ =	sdelay $0x1  }
0xa3: {  	s23 =	simm.s32 $0x1B8B  }
0xa4: {  	_ =	swait.ge [sflag:s23], $0x1  }
0xa5: {  	[sflag:s23] =	ssyncset.done $0x0  }
0xa6: {  	s25 =	simm.s32 $0x1B8E;
	s24 =	sld [smem:$0x3FFE];
	[sflag:s23] =	ssyncadd.s32 $0xFFFFFFFF  }
0xa7: {  	s26 =	simm.s32 $execute0_lowered;
	[smem:$0x3FD2] =	sst s25  }
0xa8: {  	s7 =	sshll.u32 s26, $0x1;
	_ =	strace $0x80000046;
	[dreg:$0x1] =	wrdreg $0xFFFFFFFF  }
0xa9: {  	s28 =	simm.s32 $_size_execute0_lowered;
	s5 =	sadd.s32 s5, s7;
	[dreg:$0x0] =	wrdreg $0x0  }
0xaa: {  	s7 =	sshll.u32 s28, $0x1;
	[dreg:$0x2] =	wrdreg s5  }
0xab: {  	[dreg:$0x3] =	wrdreg s7  }
0xac: {  	[dreg:$0x4] =	wrdreg $0xC0  }
0xad: {  	_ =	task [dreg:s9], $0x5FFFF  }
0xae: {  	[dreg:$0x1] =	wrdreg $0xFFFFFFFF  }
0xaf: {  	[dreg:$0x0] =	wrdreg $0x60  }
0xb0: {  	[dreg:$0x2] =	wrdreg s18  }
0xb1: {  	[dreg:$0x3] =	wrdreg s24  }
0xb2: {  	[dreg:$0x4] =	wrdreg s2  }
0xb3: {  	[dreg:$0x5] =	wrdreg s4  }
0xb4: {  	[dreg:$0x6] =	wrdreg $0x157800  }
0xb5: {  	[dreg:$0x7] =	wrdreg $0x9  }
0xb6: {  	_ =	task.clear_ibuf [dreg:s9], $0x8FFFF;
	_ =	strace $0x90000046  }
0xb7: {  	s29 =	simm.s32 $0x9;
	_ =	strace $0x80000048  }
0xb8: {  	_ =	swait.ge [sflag:s29], $0x1  }
0xb9: {  	[sflag:s29] =	ssyncadd.s32 $0xFFFFFFFF  }
0xba: {  	_ =	strace $0x90000048  }
0xbb: {  	_ =	sfence  }
0xbc: {  	s30 =	sld [smem:$0x0];
	_ =	sdelay $0x2  }
0xbd: {  	s31 =	sshll.u32 s1, $0xD;
	s1 =	sshrl.u32 s1, $0x2  }
0xbe: {  	s3 =	sand.u32 $0x4000, s31;
	s1 =	sadd.s32 s1, s30  }
0xbf: {  	s0 =	sor.u32 s3, s0;
	s1 =	sshll.u32 s1, $0x11  }
0xc0: {  	s0 =	sor.u32 s1, s0  }
0xc1: {  	s0 =	sadd.s32 $0x8F2B, s0  }
0xc2: {  	[sflag:s0] =	ssyncadd.remote.s32 $0x1  }
0xc3: {  	_ =	sfence.sel $0xFFFF  }
0xc4: {  	[dreg:$0x0] =	wrdreg $0xFFFFFFFF;
	(pc) =	sbr.abs _section_cstart, $3  }
0xc5: {  	[dreg:$0x1] =	wrdreg $0xFFFFFFFF  }
0xc6: {  	_ =	task.clear_ibuf [dreg:s9], $0x2FFFF;
	_ =	strace $0x9FFFFFFF  }
0xc7: {  	(tm) =	ssettm $0x7FFFFFFF  }
tec
execute0_lowered:
.L_overlay_start_1:
0x0: {  	(tag) =	ssettag $0x1  }
0x1: {  	s1 =	rddreg [dreg:$0x0]  }
0x2: {  	s0 =	rddreg [dreg:$0x1]  }
0x3: {  	s2 =	srdreg.scid;
	s5 =	rddreg [dreg:$0x2]  }
0x4: {  	s12 =	stileid.u32;
	s8 =	rddreg [dreg:$0x3]  }
0x5: {  	s17 =	simm.s32 $0x5400;
	s28 =	simm.s32 $0x3;
	s29 =	simm.s32 $0x80  }
0x6: {  	s31 =	simm.s32 $0x5780;
	s30 =	simm.s32 $0x9;
	s2 =	sand.u32 $0x1, s2  }
0x7: {  	s3 =	sshll.u32 s12, $0x1;
	s7 =	smul.u32 $0x2A000, s12;
	s11 =	sadd.s32 $0x14E00, s0  }
0x8: {  	s21 =	sshll.u32 s12, $0x6;
	s4 =	sor.u32 s2, s3;
	s3 =	rddreg [dreg:$0x4]  }
0x9: {  	s2 =	ssub.s32 $0x2, s2;
	s6 =	smul.u32 $0x140, s4;
	s4 =	simm.s32 $0x0  }
0xa: {  	s19 =	sshrl.u32 s2, $0x1;
	s20 =	sshrl.u32 s7, $0x2;
	s7 =	sor.u32 $0x1C09, s21  }
0xb: {  	[smem:$0x7FF] =	sst s4;
	s2 =	ssub.s32 s2, s19;
	s9 =	smin.u32 s6, $0x25D0  }
0xc: {  	_ =	strace $0x80000047;
	[dreg:$0xb] =	wrdreg s11;
	s11 =	smul.u32 $0x150, s12  }
0xd: {  	[dreg:$0x6] =	wrdreg s17;
	s19 =	smax.u32 s2, $0x1;
	s2 =	simm.s32 $0xD780  }
0xe: {  	s6 =	sshll.u32 s9, $0x2;
	s23 =	sshrl.u32 s9, $0x3;
	s9 =	sshll.u32 s9, $0x4  }
0xf: {  	s10 =	sadd.s32 s6, s0;
	s0 =	sadd.s32 $0x16400, s0;
	s5 =	sadd.s32 s5, s23  }
0x10: {  	s6 =	sadd.s32 s20, s3;
	s23 =	simm.s32 $0x5500;
	[dreg:$0xe] =	wrdreg s5  }
0x11: {  	s25 =	sadd.s32 $0x800, s9;
	s22 =	sadd.s32 $0x1200, s10;
	[dreg:$0x8] =	wrdreg s23  }
0x12: {  	s12 =	sadd.s32 $0x1000, s9;
	s10 =	sadd.s32 $0xB000, s10;
	[dreg:$0xc] =	wrdreg s22  }
0x13: {  	s13 =	sadd.s32 s8, s9;
	s24 =	sadd.s32 s0, s9;
	[dreg:$0xd] =	wrdreg s10  }
0x14: {  	s20 =	simm.s32 $0x5600;
	s26 =	sadd.s32 s0, s25;
	[dreg:$0xf] =	wrdreg s24  }
0x15: {  	s0 =	sadd.s32 s0, s12;
	s15 =	sadd.s32 $0x2000, s6;
	[dreg:$0x10] =	wrdreg s26  }
0x16: {  	s9 =	sadd.s32 $0x400, s13;
	s16 =	sadd.s32 $0x4000, s6;
	[dreg:$0x11] =	wrdreg s0  }
0x17: {  	s5 =	sadd.s32 s8, s25;
	s18 =	sadd.s32 $0x6000, s6;
	[dreg:$0x12] =	wrdreg s9  }
0x18: {  	s14 =	sadd.s32 $0xC00, s13;
	s8 =	sadd.s32 s8, s12;
	[dreg:$0x13] =	wrdreg s5  }
0x19: {  	s25 =	sadd.s32 $0x8000, s6;
	s22 =	simm.s32 $0x5480;
	[dreg:$0x14] =	wrdreg s14  }
0x1a: {  	[dreg:$0x15] =	wrdreg s8;
	s24 =	simm.s32 $0x5580;
	s26 =	simm.s32 $0x11780  }
.Ltmp0:
0x1b: {  	s21 =	sshrl.u32 s15, $0x3;
	s23 =	sshrl.u32 s18, $0x3;
	(pc) =	sbr.rel .LBB2_1-.Ltmp0, $4  }
0x1c: {  	s0 =	simm.s32 $0x9780;
	s5 =	simm.s32 $0x5;
	[dreg:$0x7] =	wrdreg s22  }
0x1d: {  	s8 =	simm.s32 $0x4;
	s9 =	simm.s32 $0x6;
	[dreg:$0x9] =	wrdreg s24  }
0x1e: {  	s10 =	simm.s32 $0x0;
	[dreg:$0xa] =	wrdreg s26;
	s22 =	sshrl.u32 s16, $0x3  }
0x1f: {  	v1 =	vlaneseq.u32;
	v2 =	vimm.s32 $0x2800000;
	v0 =	vmov s11;
	s24 =	sshrl.u32 s25, $0x3;
	s25 =	simm.s32 $0x1;
	s26 =	simm.s32 $0x2  }
.LBB2_12:
0x20: {  	[tilespmem:$0x52F0] =	vst @!p1 v3;
	v3 =	vadd.s32 @!p1 v0, v4  }
0x21: {  	s20 =	simm.s32 $0x5600;
	[tilespmem:$0x54F0] =	vst @!p1 v3  }
0x22: {  	[tilespmem:s18], [sflag:$0x2] =	stream.indirect.gather @!p1 [hbm4b:s1+s16], $0x80, s17, s16, $0xb8;
	[tilespmem:$0x1FF80] =	vst v63  }
.LBB2_13:
0x23: {  	p0 =	seq.s32 s12, $0x0  }
0x24: {  	s12 =	simm.s32 @!p0 $0x7  }
0x25: {  	_ =	swait.ge @!p0 [sflag:s12], $0x4000  }
0x26: {  	[sflag:s12] =	ssyncset.done @!p0 $0x0  }
0x27: {  	[sflag:s12] =	ssyncadd.s32 @!p0 $0xFFFFC000;
	s12 =	simm.s32 @!p0 $0x8  }
0x28: {  	_ =	swait.ge @!p0 [sflag:s12], $0x4000  }
0x29: {  	[sflag:s12] =	ssyncset.done @!p0 $0x0  }
0x2a: {  	[sflag:s12] =	ssyncadd.s32 @!p0 $0xFFFFC000  }
0x2b: {  	[tilespmem:s31], [sflag:$0x1] =	stream.indirect.gather [hbm4b:s1+s29], $0x80, s20, s29, $0xb8;
	[tilespmem:$0x1FF80] =	vst v63  }
0x2c: {  	_ =	swait.ge [sflag:s25], $0x4000  }
0x2d: {  	[sflag:s25] =	ssyncset.done $0x0  }
0x2e: {  	s14 =	rddreg [dreg:$0xf];
	[sflag:s25] =	ssyncadd.s32 $0xFFFFC000  }
0x2f: {  	[hbm4b:s14+s4] =	stream.linear.scatter [tilespmem:s31], [sflag:$0x9], $0x4000, $0x38;
	[tilespmem:$0x1FF80] =	vst v63  }
0x30: {  	s15 =	simm.s32 $0x5680  }
0x31: {  	[tilespmem:s0], [sflag:$0x2] =	stream.indirect.gather [hbm4b:s1+s29], $0x80, s15, s29, $0xb8;
	[tilespmem:$0x1FF80] =	vst v63  }
0x32: {  	_ =	swait.ge [sflag:s26], $0x4000  }
0x33: {  	[sflag:s26] =	ssyncset.done $0x0  }
0x34: {  	s16 =	rddreg [dreg:$0x10];
	[sflag:s26] =	ssyncadd.s32 $0xFFFFC000  }
0x35: {  	[hbm4b:s16+s4] =	stream.linear.scatter [tilespmem:s0], [sflag:$0x9], $0x4000, $0x38;
	[tilespmem:$0x1FF80] =	vst v63  }
0x36: {  	s17 =	simm.s32 $0x40;
	s14 =	simm.s32 $0x5700  }
0x37: {  	[tilespmem:s2], [sflag:$0x3] =	stream.indirect.gather [hbm4b:s1+s17], $0x80, s14, s17, $0xb8;
	[tilespmem:$0x1FF80] =	vst v63  }
0x38: {  	_ =	swait.ge [sflag:s28], $0x2000  }
0x39: {  	[sflag:s28] =	ssyncset.done $0x0  }
0x3a: {  	s18 =	rddreg [dreg:$0x11];
	[sflag:s28] =	ssyncadd.s32 $0xFFFFE000  }
0x3b: {  	[hbm4b:s18+s4] =	stream.linear.scatter [tilespmem:s2], [sflag:$0x9], $0x2000, $0x38;
	[tilespmem:$0x1FF80] =	vst v63  }
0x3c: {  	[hbm:s13], [sflag:s7] =	dma.local [spmem:s11], $0x400  }
0x3d: {  	s11 =	rddreg [dreg:$0x12]  }
0x3e: {  	[hbm:s11], [sflag:s7] =	dma.local [spmem:s21], $0x400  }
0x3f: {  	s11 =	rddreg [dreg:$0x13]  }
0x40: {  	[hbm:s11], [sflag:s7] =	dma.local [spmem:s22], $0x400  }
0x41: {  	s11 =	rddreg [dreg:$0x14]  }
0x42: {  	[hbm:s11], [sflag:s7] =	dma.local [spmem:s23], $0x400  }
0x43: {  	s11 =	rddreg [dreg:$0x15]  }
0x44: {  	[hbm:s11], [sflag:s7] =	dma.local [spmem:s24], $0x400  }
0x45: {  	_ =	swait.ge [sflag:s30], $0x800  }
0x46: {  	[sflag:s30] =	ssyncset.done $0x0  }
0x47: {  	[sflag:s30] =	ssyncadd.s32 $0xFFFFF800  }
0x48: {  	_ =	swait.ge [sflag:s30], $0x800  }
0x49: {  	[sflag:s30] =	ssyncset.done $0x0  }
0x4a: {  	[sflag:s30] =	ssyncadd.s32 $0xFFFFF800  }
0x4b: {  	_ =	swait.ge [sflag:s30], $0x400  }
0x4c: {  	[sflag:s30] =	ssyncset.done $0x0  }
0x4d: {  	[sflag:s30] =	ssyncadd.s32 $0xFFFFFC00  }
0x4e: {  	_ =	swait.ge [sflag:s30], $0x400  }
0x4f: {  	[sflag:s30] =	ssyncset.done $0x0  }
0x50: {  	[sflag:s30] =	ssyncadd.s32 $0xFFFFFC00  }
0x51: {  	_ =	swait.ge [sflag:s30], $0x400  }
0x52: {  	[sflag:s30] =	ssyncset.done $0x0  }
0x53: {  	[sflag:s30] =	ssyncadd.s32 $0xFFFFFC00  }
0x54: {  	_ =	swait.ge [sflag:s30], $0x400  }
0x55: {  	[sflag:s30] =	ssyncset.done $0x0  }
0x56: {  	s10 =	sadd.s32 $0x1, s10;
	[sflag:s30] =	ssyncadd.s32 $0xFFFFFC00  }
0x57: {  	p0 =	sne.s32 s10, s19;
	_ =	swait.ge [sflag:s30], $0x400  }
.Ltmp1:
0x58: {  	[sflag:s30] =	ssyncset.done $0x0;
	(pc) =	sbr.rel @!p0 .LBB2_14-.Ltmp1, $4  }
0x59: {  	[sflag:s30] =	ssyncadd.s32 $0xFFFFFC00  }
0x5a: {  	_ =	swait.ge [sflag:s30], $0x400  }
0x5b: {  	[sflag:s30] =	ssyncset.done $0x0  }
0x5c: {  	[sflag:s30] =	ssyncadd.s32 $0xFFFFFC00  }
.LBB2_1:
0x5d: {  	s11 =	sshrl.u32 s6, $0x3;
	s12 =	rddreg [dreg:$0xb]  }
0x5e: {  	[spmem:s11], [sflag:s7] =	dma.local [hbm:s12], $0x1500  }
0x5f: {  	s12 =	rddreg [dreg:$0xc]  }
0x60: {  	[tilespmem:s4], [sflag:$0x1] =	stream.linear.gather [hbm4b:s12+s4], $0x2800, $0x38;
	[tilespmem:$0x1FF80] =	vst v63  }
0x61: {  	s17 =	simm.s32 $0x2A00;
	s14 =	rddreg [dreg:$0xd]  }
0x62: {  	[tilespmem:s17], [sflag:$0x2] =	stream.linear.gather [hbm4b:s14+s4], $0x2800, $0x38;
	[tilespmem:$0x1FF80] =	vst v63  }
0x63: {  	s18 =	rddreg [dreg:$0xe]  }
0x64: {  	[tilespmem:s20], [sflag:$0x3] =	stream.linear.gather [hbm4b:s18+s4], $0x140, $0x38;
	[tilespmem:$0x1FF80] =	vst v63  }
0x65: {  	_ =	swait.ge [sflag:s25], $0x2800  }
0x66: {  	[sflag:s25] =	ssyncset.done $0x0  }
0x67: {  	[sflag:s25] =	ssyncadd.s32 $0xFFFFD800  }
0x68: {  	_ =	swait.ge [sflag:s26], $0x2800  }
0x69: {  	[sflag:s26] =	ssyncset.done $0x0  }
0x6a: {  	[sflag:s26] =	ssyncadd.s32 $0xFFFFD800  }
0x6b: {  	_ =	swait.ge [sflag:s28], $0x140  }
0x6c: {  	[sflag:s28] =	ssyncset.done $0x0  }
0x6d: {  	[sflag:s28] =	ssyncadd.s32 $0xFFFFFEC0  }
0x6e: {  	v3 =	vld [tilespmem:s17+$0x0];
	_ =	sdelay $0x2  }
0x6f: {  	v4 =	vor.u32 s4, v1  }
0x70: {  	v4 =	vand.u32 $0x1F, v4  }
0x71: {  	vm0 =	vlt.s32 v4, v3  }
0x72: {  	v3 =	vmpcnt.ones.xlane vm0;
	_ =	sdelay $0x1  }
0x73: {  	v3 =	vxor.u32 $0x80000000, v3  }
0x74: {  	(xrf0) =	vmax.scan.msk.u32 $0xffff, v3  }
0x75: {  	v4 =	vmov s4;
	v3 =	vld [tilespmem:s4+$0x0]  }
0x76: {  	v4 =	vshll.u32 v4, $0xC  }
0x77: {  	v4 =	vand.u32 $0x3E0000, v4;
	_ =	sdelay $0x2  }
0x78: {  	v3 =	vor.u32 v4, v3;
	v4, _, _ =	vpop (xrf0)  }
0x79: {  	(v2sf) =	vpush v4, $0xF  }
0x7a: {  	s16 =	simm.s32 $0x2A10;
	s15 =	simm.s32 $0x0;
	[tilespmem:s4+$0x0] =	vst.msk vm0, v3  }
0x7b: {  	s12 =	simm.s32 $0x10;
	s14 =	simm.s32 $0x0;
	s17 =	simm.s32 $0x20;
	v3 =	vld [tilespmem:s16+$0x0]  }
.LBB2_2:
0x7c: {  	p0 =	sne.s32 s17, $0x3F0;
	_ =	sdelay $0x1  }
0x7d: {  	v4 =	vor.u32 s12, v1  }
0x7e: {  	v4 =	vand.u32 $0x1F, v4  }
0x7f: {  	vm0 =	vlt.s32 v4, v3  }
0x80: {  	v3 =	vmpcnt.ones.xlane vm0;
	_ =	sdelay $0x1  }
0x81: {  	v3 =	vxor.u32 $0x80000000, v3  }
0x82: {  	s14 =	sadd.s32 $0x10, s14;
	(xrf0) =	vmax.scan.msk.u32 $0xffff, v3  }
0x83: {  	v3 =	vld [tilespmem:s14+$0x0];
	_ =	sdelay $0x1  }
0x84: {  	v4 =	vmov s12;
	s12 =	smov.u32 s17  }
0x85: {  	v6 =	vshll.u32 v4, $0xC;
	s18 =	spop (v2sf)  }
.Ltmp2:
0x86: {  	v5 =	vand.u32 $0x3E0000, v6;
	s15 =	sadd.s32 s18, s15;
	(pc) =	sbr.rel @p0 .LBB2_2-.Ltmp2, $4  }
0x87: {  	v3 =	vor.u32 v5, v3;
	v4, _, _ =	vpop (xrf0);
	s15 =	sadd.s32 $0x80000000, s15  }
0x88: {  	[tilespmem:s15+$0x0] =	vst.msk vm0, v3;
	(v2sf) =	vpush v4, $0xF  }
0x89: {  	s16 =	sadd.s32 $0x10, s16  }
0x8a: {  	s17 =	sadd.s32 $0x10, s17;
	v3 =	vld [tilespmem:s16+$0x0]  }
0x8b: {  	_ =	sdelay $0x1  }
0x8c: {  	v4 =	vor.u32 s12, v1  }
0x8d: {  	v4 =	vand.u32 $0x1F, v4  }
0x8e: {  	vm0 =	vlt.s32 v4, v3  }
0x8f: {  	v3 =	vmpcnt.ones.xlane vm0;
	_ =	sdelay $0x1  }
0x90: {  	v3 =	vxor.u32 $0x80000000, v3  }
0x91: {  	(xrf0) =	vmax.scan.msk.u32 $0xffff, v3;
	_ =	sdelay $0x5  }
0x92: {  	v3, _, _ =	vpop (xrf0)  }
0x93: {  	(v2sf) =	vpush v3, $0xF;
	_ =	sdelay $0xc  }
0x94: {  	s14 =	sadd.s32 $0x10, s14;
	s16 =	spop (v2sf)  }
0x95: {  	v3 =	vld [tilespmem:s14+$0x0];
	s14 =	sadd.s32 s16, s15  }
0x96: {  	s17 =	sadd.s32 $0x80000000, s14;
	s18 =	spop (v2sf)  }
0x97: {  	s14 =	sadd.s32 s18, s17  }
0x98: {  	s14 =	sadd.s32 $0x80000000, s14  }
0x99: {  	p0 =	slt.s32 s14, $0x100  }
.Ltmp3:
0x9a: {  	v63 =	vmov s12;
	(pc) =	sbr.rel @p0 .LBB2_5-.Ltmp3, $4  }
0x9b: {  	v4 =	vshll.u32 v63, $0xC  }
0x9c: {  	v4 =	vand.u32 $0x3E0000, v4  }
0x9d: {  	v3 =	vor.u32 v4, v3  }
0x9e: {  	[tilespmem:s17+$0x0] =	vst.msk vm0, v3  }
0x9f: {  	v3 =	vld [tilespmem:$0x0];
	_ =	sdelay $0x1  }
0xa0: {  	v4 =	vld [tilespmem:$0x10];
	_ =	sdelay $0x1  }
0xa1: {  	v5 =	vld [tilespmem:$0x20]  }
0xa2: {  	v6 =	vand.u32 $0x1FFFF, v3;
	v3 =	vshrl.u32 v3, $0x11  }
0xa3: {  	v49 =	vld [tilespmem:$0x30];
	[tilespmem:$0x5200] =	vst v6;
	v3 =	vadd.s32 v0, v3  }
0xa4: {  	[tilespmem:$0x5400] =	vst v3;
	v3 =	vand.u32 $0x1FFFF, v4;
	v4 =	vshrl.u32 v4, $0x11  }
0xa5: {  	v50 =	vld [tilespmem:$0x40];
	[tilespmem:$0x5210] =	vst v3;
	v3 =	vadd.s32 v0, v4  }
0xa6: {  	[tilespmem:$0x5410] =	vst v3;
	v3 =	vand.u32 $0x1FFFF, v5;
	v5 =	vshrl.u32 v5, $0x11  }
0xa7: {  	v51 =	vld [tilespmem:$0x50];
	[tilespmem:$0x5220] =	vst v3;
	v3 =	vadd.s32 v0, v5  }
0xa8: {  	v6 =	vshrl.u32 v49, $0x11;
	[tilespmem:$0x5420] =	vst v3;
	v3 =	vand.u32 $0x1FFFF, v49  }
0xa9: {  	v52 =	vld [tilespmem:$0x60];
	[tilespmem:$0x5230] =	vst v3;
	v3 =	vadd.s32 v0, v6  }
0xaa: {  	v4 =	vshrl.u32 v50, $0x11;
	[tilespmem:$0x5430] =	vst v3;
	v3 =	vand.u32 $0x1FFFF, v50  }
0xab: {  	v53 =	vld [tilespmem:$0x70];
	[tilespmem:$0x5240] =	vst v3;
	v3 =	vadd.s32 v0, v4  }
0xac: {  	v5 =	vshrl.u32 v51, $0x11;
	[tilespmem:$0x5440] =	vst v3;
	v3 =	vand.u32 $0x1FFFF, v51  }
0xad: {  	[tilespmem:$0x5250] =	vst v3;
	v3 =	vadd.s32 v0, v5  }
0xae: {  	v54 =	vshrl.u32 v52, $0x11;
	[tilespmem:$0x5450] =	vst v3;
	v3 =	vand.u32 $0x1FFFF, v52  }
0xaf: {  	[tilespmem:$0x5260] =	vst v3;
	v3 =	vadd.s32 v0, v54  }
0xb0: {  	v4 =	vshrl.u32 v53, $0x11;
	[tilespmem:$0x5460] =	vst v3;
	v3 =	vand.u32 $0x1FFFF, v53  }
0xb1: {  	[tilespmem:$0x5270] =	vst v3;
	v3 =	vadd.s32 v0, v4  }
0xb2: {  	s12 =	simm.s32 $0x5200;
	[tilespmem:$0x5470] =	vst v3  }
0xb3: {  	[tilespmem:s31], [sflag:$0x1] =	stream.indirect.gather [hbm4b:s1+s29], $0x80, s12, s29, $0xb8;
	[tilespmem:$0x1FF80] =	vst v63  }
0xb4: {  	v3 =	vld [tilespmem:$0x80];
	_ =	sdelay $0x1  }
0xb5: {  	v55 =	vld [tilespmem:$0x90];
	_ =	sdelay $0x1  }
0xb6: {  	v56 =	vld [tilespmem:$0xA0]  }
0xb7: {  	v57 =	vand.u32 $0x1FFFF, v3;
	v3 =	vshrl.u32 v3, $0x11  }
0xb8: {  	v58 =	vld [tilespmem:$0xB0];
	[tilespmem:$0x5280] =	vst v57;
	v3 =	vadd.s32 v0, v3  }
0xb9: {  	v4 =	vshrl.u32 v55, $0x11;
	[tilespmem:$0x5480] =	vst v3;
	v3 =	vand.u32 $0x1FFFF, v55  }
0xba: {  	v59 =	vld [tilespmem:$0xC0];
	[tilespmem:$0x5290] =	vst v3;
	v3 =	vadd.s32 v0, v4  }
0xbb: {  	v5 =	vshrl.u32 v56, $0x11;
	[tilespmem:$0x5490] =	vst v3;
	v3 =	vand.u32 $0x1FFFF, v56  }
0xbc: {  	v60 =	vld [tilespmem:$0xD0];
	[tilespmem:$0x52A0] =	vst v3;
	v3 =	vadd.s32 v0, v5  }
0xbd: {  	v6 =	vshrl.u32 v58, $0x11;
	[tilespmem:$0x54A0] =	vst v3;
	v3 =	vand.u32 $0x1FFFF, v58  }
0xbe: {  	v61 =	vld [tilespmem:$0xE0];
	[tilespmem:$0x52B0] =	vst v3;
	v3 =	vadd.s32 v0, v6  }
0xbf: {  	v4 =	vshrl.u32 v59, $0x11;
	[tilespmem:$0x54B0] =	vst v3;
	v3 =	vand.u32 $0x1FFFF, v59  }
0xc0: {  	v62 =	vld [tilespmem:$0xF0];
	[tilespmem:$0x52C0] =	vst v3;
	v3 =	vadd.s32 v0, v4  }
0xc1: {  	v5 =	vshrl.u32 v60, $0x11;
	[tilespmem:$0x54C0] =	vst v3;
	v3 =	vand.u32 $0x1FFFF, v60  }
0xc2: {  	[tilespmem:$0x52D0] =	vst v3;
	v3 =	vadd.s32 v0, v5  }
0xc3: {  	v63 =	vshrl.u32 v61, $0x11;
	[tilespmem:$0x54D0] =	vst v3;
	v3 =	vand.u32 $0x1FFFF, v61  }
0xc4: {  	[tilespmem:$0x52E0] =	vst v3;
	v3 =	vadd.s32 v0, v63  }
0xc5: {  	v4 =	vshrl.u32 v62, $0x11;
	[tilespmem:$0x54E0] =	vst v3;
	v3 =	vand.u32 $0x1FFFF, v62  }
0xc6: {  	[tilespmem:$0x52F0] =	vst v3;
	v3 =	vadd.s32 v0, v4  }
0xc7: {  	s18 =	simm.s32 $0x5280;
	[tilespmem:$0x54F0] =	vst v3  }
0xc8: {  	[tilespmem:s0], [sflag:$0x2] =	stream.indirect.gather [hbm4b:s1+s29], $0x80, s18, s29, $0xb8;
	[tilespmem:$0x1FF80] =	vst v63  }
.LBB2_5:
0xc9: {  	s12 =	simm.s32 $0x400;
	s15 =	simm.s32 $0x0  }
0xca: {  	s16 =	sand.u32 $0x7F80, s12;
	s15 =	sand.u32 $0x70, s15  }
0xcb: {  	s15 =	sor.u32 s15, s16  }
0xcc: {  	v3 =	vld [tilespmem:s15+$0x2A00];
	_ =	sdelay $0x2  }
0xcd: {  	v4 =	vor.u32 s12, v1  }
0xce: {  	v4 =	vand.u32 $0x1F, v4  }
0xcf: {  	vm0 =	vlt.s32 v4, v3  }
0xd0: {  	v3 =	vmpcnt.ones.xlane vm0;
	_ =	sdelay $0x1  }
0xd1: {  	v3 =	vxor.u32 $0x80000000, v3  }
0xd2: {  	(xrf0) =	vmax.scan.msk.u32 $0xffff, v3  }
0xd3: {  	v3 =	vld [tilespmem:s15+$0x0];
	_ =	sdelay $0x1  }
0xd4: {  	v4 =	vmov s12  }
0xd5: {  	v4 =	vshll.u32 v4, $0xC  }
0xd6: {  	s17 =	simm.s32 $0x10;
	v4 =	vand.u32 $0x7FE0000, v4  }
0xd7: {  	s16 =	simm.s32 $0x420;
	s12 =	simm.s32 $0x410;
	s15 =	smov.u32 s14;
	v4 =	vor.u32 v4, v3;
	v3, _, _ =	vpop (xrf0)  }
.LBB2_6:
0xd8: {  	p0 =	sne.s32 s16, $0x27F0;
	s18 =	sand.u32 $0x7F80, s12;
	s17 =	sand.u32 $0x70, s17;
	[tilespmem:s15+$0x0] =	vst.msk vm0, v4;
	(v2sf) =	vpush v3, $0xF  }
0xd9: {  	s17 =	sor.u32 s17, s18  }
0xda: {  	v3 =	vld [tilespmem:s17+$0x2A00];
	_ =	sdelay $0x2  }
0xdb: {  	v4 =	vor.u32 s12, v1  }
0xdc: {  	v4 =	vand.u32 $0x1F, v4  }
0xdd: {  	vm0 =	vlt.s32 v4, v3  }
0xde: {  	v3 =	vmpcnt.ones.xlane vm0;
	_ =	sdelay $0x1  }
0xdf: {  	v3 =	vxor.u32 $0x80000000, v3  }
0xe0: {  	(xrf0) =	vmax.scan.msk.u32 $0xffff, v3  }
0xe1: {  	v3 =	vld [tilespmem:s17+$0x0]  }
.Ltmp4:
0xe2: {  	(pc) =	sbr.rel @p0 .LBB2_6-.Ltmp4, $4  }
0xe3: {  	v4 =	vmov s12;
	s12 =	smov.u32 s16  }
0xe4: {  	v4 =	vshll.u32 v4, $0xC;
	s17 =	spop (v2sf)  }
0xe5: {  	v4 =	vand.u32 $0x7FE0000, v4;
	s15 =	sadd.s32 s17, s15  }
0xe6: {  	s16 =	sadd.s32 $0x10, s16;
	s17 =	sadd.s32 $0xFFFFFC00, s12;
	v4 =	vor.u32 v4, v3;
	v3, _, _ =	vpop (xrf0);
	s15 =	sadd.s32 $0x80000000, s15  }
0xe7: {  	s16 =	sand.u32 $0x7F80, s12;
	s17 =	sand.u32 $0x70, s17  }
0xe8: {  	[tilespmem:s15+$0x0] =	vst.msk vm0, v4;
	s16 =	sor.u32 s17, s16  }
0xe9: {  	v4 =	vld [tilespmem:s16+$0x2A00];
	_ =	sdelay $0x2  }
0xea: {  	v5 =	vor.u32 s12, v1  }
0xeb: {  	v5 =	vand.u32 $0x1F, v5  }
0xec: {  	vm15 =	vlt.s32 v5, v4  }
0xed: {  	v4 =	vmpcnt.ones.xlane vm15;
	_ =	sdelay $0x1  }
0xee: {  	v4 =	vxor.u32 $0x80000000, v4  }
0xef: {  	(xrf0) =	vmax.scan.msk.u32 $0xffff, v4;
	_ =	sdelay $0x4  }
0xf0: {  	(v2sf) =	vpush v3, $0xF  }
0xf1: {  	v3, _, _ =	vpop (xrf0)  }
0xf2: {  	(v2sf) =	vpush v3, $0xF;
	_ =	sdelay $0xa  }
0xf3: {  	v3 =	vld [tilespmem:s16+$0x0];
	_ =	sdelay $0x1  }
0xf4: {  	v63 =	vmov s12;
	s18 =	spop (v2sf)  }
0xf5: {  	v4 =	vshll.u32 v63, $0xC;
	s15 =	sadd.s32 s18, s15  }
0xf6: {  	v4 =	vand.u32 $0x7FE0000, v4;
	s12 =	sadd.s32 $0x80000000, s15;
	s16 =	spop (v2sf)  }
0xf7: {  	v3 =	vor.u32 v4, v3;
	s15 =	sadd.s32 s16, s12  }
0xf8: {  	[tilespmem:s12+$0x0] =	vst.msk vm15, v3;
	s17 =	sadd.s32 $0x80000000, s15  }
0xf9: {  	[tilespmem:s17+$0x0] =	vst v2  }
0xfa: {  	[tilespmem:s17+$0x10] =	vst v2  }
0xfb: {  	[tilespmem:s17+$0x20] =	vst v2  }
0xfc: {  	[tilespmem:s17+$0x30] =	vst v2  }
0xfd: {  	[tilespmem:s17+$0x40] =	vst v2  }
0xfe: {  	[tilespmem:s17+$0x50] =	vst v2  }
0xff: {  	[tilespmem:s17+$0x60] =	vst v2  }
0x100: {  	[tilespmem:s17+$0x70] =	vst v2  }
0x101: {  	[tilespmem:s17+$0x80] =	vst v2  }
0x102: {  	[tilespmem:s17+$0x90] =	vst v2  }
0x103: {  	[tilespmem:s17+$0xA0] =	vst v2  }
0x104: {  	[tilespmem:s17+$0xB0] =	vst v2  }
0x105: {  	[tilespmem:s17+$0xC0] =	vst v2  }
0x106: {  	[tilespmem:s17+$0xD0] =	vst v2  }
0x107: {  	[tilespmem:s17+$0xE0] =	vst v2  }
0x108: {  	[tilespmem:s17+$0xF0] =	vst v2  }
0x109: {  	[tilespmem:s17+$0x100] =	vst v2  }
0x10a: {  	[tilespmem:s17+$0x110] =	vst v2  }
0x10b: {  	[tilespmem:s17+$0x120] =	vst v2  }
0x10c: {  	[tilespmem:s17+$0x130] =	vst v2  }
0x10d: {  	[tilespmem:s17+$0x140] =	vst v2  }
0x10e: {  	[tilespmem:s17+$0x150] =	vst v2  }
0x10f: {  	[tilespmem:s17+$0x160] =	vst v2  }
0x110: {  	[tilespmem:s17+$0x170] =	vst v2  }
0x111: {  	[tilespmem:s17+$0x180] =	vst v2  }
0x112: {  	[tilespmem:s17+$0x190] =	vst v2;
	s15 =	sadd.s32 $0x1FF, s17  }
0x113: {  	[tilespmem:s17+$0x1A0] =	vst v2;
	s18 =	sshrl.u32 s15, $0x7  }
0x114: {  	p0 =	sgt.s32 s14, $0xFF;
	[tilespmem:s17+$0x1B0] =	vst v2;
	s12 =	sand.u32 $0x1FFFFFC, s18  }
0x115: {  	[tilespmem:s17+$0x1C0] =	vst v2;
	p1 =	seq.s32 @!p0 s12, $0x0  }
0x116: {  	[tilespmem:s17+$0x1D0] =	vst v2;
	p0 =	por p0, p1  }
.Ltmp5:
0x117: {  	[tilespmem:s17+$0x1E0] =	vst v2;
	(pc) =	sbr.rel @p0 .LBB2_9-.Ltmp5, $4  }
0x118: {  	[tilespmem:s17+$0x1F0] =	vst v2  }
0x119: {  	_ =	swait.ge [sflag:s30], $0x1500  }
0x11a: {  	[sflag:s30] =	ssyncset.done $0x0  }
0x11b: {  	[sflag:s30] =	ssyncadd.s32 $0xFFFFEB00  }
0x11c: {  	v3 =	vld [tilespmem:$0x0];
	_ =	sdelay $0x1  }
0x11d: {  	v4 =	vld [tilespmem:$0x10];
	_ =	sdelay $0x1  }
0x11e: {  	v5 =	vld [tilespmem:$0x20]  }
0x11f: {  	v6 =	vand.u32 $0x1FFFF, v3;
	v3 =	vshrl.u32 v3, $0x11  }
0x120: {  	v49 =	vld [tilespmem:$0x30];
	[tilespmem:$0x5200] =	vst v6;
	v3 =	vadd.s32 v0, v3  }
0x121: {  	[tilespmem:$0x5400] =	vst v3;
	v3 =	vand.u32 $0x1FFFF, v4;
	v4 =	vshrl.u32 v4, $0x11  }
0x122: {  	v50 =	vld [tilespmem:$0x40];
	[tilespmem:$0x5210] =	vst v3;
	v3 =	vadd.s32 v0, v4  }
0x123: {  	[tilespmem:$0x5410] =	vst v3;
	v3 =	vand.u32 $0x1FFFF, v5;
	v5 =	vshrl.u32 v5, $0x11  }
0x124: {  	v51 =	vld [tilespmem:$0x50];
	[tilespmem:$0x5220] =	vst v3;
	v3 =	vadd.s32 v0, v5  }
0x125: {  	v6 =	vshrl.u32 v49, $0x11;
	[tilespmem:$0x5420] =	vst v3;
	v3 =	vand.u32 $0x1FFFF, v49  }
0x126: {  	v52 =	vld [tilespmem:$0x60];
	[tilespmem:$0x5230] =	vst v3;
	v3 =	vadd.s32 v0, v6  }
0x127: {  	v4 =	vshrl.u32 v50, $0x11;
	[tilespmem:$0x5430] =	vst v3;
	v3 =	vand.u32 $0x1FFFF, v50  }
0x128: {  	v53 =	vld [tilespmem:$0x70];
	[tilespmem:$0x5240] =	vst v3;
	v3 =	vadd.s32 v0, v4  }
0x129: {  	v5 =	vshrl.u32 v51, $0x11;
	[tilespmem:$0x5440] =	vst v3;
	v3 =	vand.u32 $0x1FFFF, v51  }
0x12a: {  	[tilespmem:$0x5250] =	vst v3;
	v3 =	vadd.s32 v0, v5  }
0x12b: {  	v54 =	vshrl.u32 v52, $0x11;
	[tilespmem:$0x5450] =	vst v3;
	v3 =	vand.u32 $0x1FFFF, v52  }
0x12c: {  	[tilespmem:$0x5260] =	vst v3;
	v3 =	vadd.s32 v0, v54  }
0x12d: {  	v4 =	vshrl.u32 v53, $0x11;
	[tilespmem:$0x5460] =	vst v3;
	v3 =	vand.u32 $0x1FFFF, v53  }
0x12e: {  	[tilespmem:$0x5270] =	vst v3;
	v3 =	vadd.s32 v0, v4  }
0x12f: {  	s14 =	simm.s32 $0x5200;
	[tilespmem:$0x5470] =	vst v3  }
0x130: {  	[tilespmem:s31], [sflag:$0x1] =	stream.indirect.gather [hbm4b:s1+s29], $0x80, s14, s29, $0xb8;
	[tilespmem:$0x1FF80] =	vst v63  }
0x131: {  	v3 =	vld [tilespmem:$0x80];
	_ =	sdelay $0x1  }
0x132: {  	v55 =	vld [tilespmem:$0x90];
	_ =	sdelay $0x1  }
0x133: {  	v56 =	vld [tilespmem:$0xA0]  }
0x134: {  	v57 =	vand.u32 $0x1FFFF, v3;
	v3 =	vshrl.u32 v3, $0x11  }
0x135: {  	v58 =	vld [tilespmem:$0xB0];
	[tilespmem:$0x5280] =	vst v57;
	v3 =	vadd.s32 v0, v3  }
0x136: {  	v4 =	vshrl.u32 v55, $0x11;
	[tilespmem:$0x5480] =	vst v3;
	v3 =	vand.u32 $0x1FFFF, v55  }
0x137: {  	v59 =	vld [tilespmem:$0xC0];
	[tilespmem:$0x5290] =	vst v3;
	v3 =	vadd.s32 v0, v4  }
0x138: {  	v5 =	vshrl.u32 v56, $0x11;
	[tilespmem:$0x5490] =	vst v3;
	v3 =	vand.u32 $0x1FFFF, v56  }
0x139: {  	v60 =	vld [tilespmem:$0xD0];
	[tilespmem:$0x52A0] =	vst v3;
	v3 =	vadd.s32 v0, v5  }
0x13a: {  	v6 =	vshrl.u32 v58, $0x11;
	[tilespmem:$0x54A0] =	vst v3;
	v3 =	vand.u32 $0x1FFFF, v58  }
0x13b: {  	v61 =	vld [tilespmem:$0xE0];
	[tilespmem:$0x52B0] =	vst v3;
	v3 =	vadd.s32 v0, v6  }
0x13c: {  	v4 =	vshrl.u32 v59, $0x11;
	[tilespmem:$0x54B0] =	vst v3;
	v3 =	vand.u32 $0x1FFFF, v59  }
0x13d: {  	v62 =	vld [tilespmem:$0xF0];
	[tilespmem:$0x52C0] =	vst v3;
	v3 =	vadd.s32 v0, v4  }
0x13e: {  	v5 =	vshrl.u32 v60, $0x11;
	[tilespmem:$0x54C0] =	vst v3;
	v3 =	vand.u32 $0x1FFFF, v60  }
0x13f: {  	[tilespmem:$0x52D0] =	vst v3;
	v3 =	vadd.s32 v0, v5  }
0x140: {  	v63 =	vshrl.u32 v61, $0x11;
	[tilespmem:$0x54D0] =	vst v3;
	v3 =	vand.u32 $0x1FFFF, v61  }
0x141: {  	[tilespmem:$0x52E0] =	vst v3;
	v3 =	vadd.s32 v0, v63  }
0x142: {  	v4 =	vshrl.u32 v62, $0x11;
	[tilespmem:$0x54E0] =	vst v3;
	v3 =	vand.u32 $0x1FFFF, v62  }
0x143: {  	[tilespmem:$0x52F0] =	vst v3;
	v3 =	vadd.s32 v0, v4  }
0x144: {  	s18 =	simm.s32 $0x5280;
	[tilespmem:$0x54F0] =	vst v3  }
0x145: {  	[tilespmem:s0], [sflag:$0x2] =	stream.indirect.gather [hbm4b:s1+s29], $0x80, s18, s29, $0xb8;
	[tilespmem:$0x1FF80] =	vst v63  }
.LBB2_9:
0x146: {  	s14 =	sshrl.u32 s15, $0x9  }
0x147: {  	p0 =	seq.s32 s14, $0x0  }
.Ltmp6:
0x148: {  	_ = 	snop;
	(pc) =	sbr.rel @p0 .LBB2_13-.Ltmp6, $1  }
0x149: {  	_ =	sdelay $0x3  }
0x14a: {  	_ =	swait.ge [sflag:s25], $0x4000  }
0x14b: {  	p0 =	por $0x1, $0x1;
	[sflag:s25] =	ssyncset.done $0x0  }
0x14c: {  	s14 =	rddreg [dreg:$0x6];
	s15 =	simm.s32 @!p0 $0x7;
	[sflag:s25] =	ssyncadd.s32 $0xFFFFC000  }
0x14d: {  	[spmem:s3] =	stream.indirect.scatter.add.f32 [tilespmem:s31], [sflag:$0x5], $0x80, s14, s29, $0xb8;
	[tilespmem:$0x1FF80] =	vst v63  }
0x14e: {  	_ =	swait.ge @!p0 [sflag:s15], $0x4000  }
0x14f: {  	[sflag:s15] =	ssyncset.done @!p0 $0x0  }
0x150: {  	s20 =	simm.s32 $0x180;
	p1 =	sle.u32 s12, $0x2;
	[sflag:s15] =	ssyncadd.s32 @!p0 $0xFFFFC000  }
0x151: {  	v3 =	vld @!p1 [tilespmem:s20+$0xFFFFFF80];
	_ =	sdelay $0x4  }
0x152: {  	v4 =	vand.u32 @!p1 $0x1FFFF, v3;
	v3 =	vshrl.u32 @!p1 v3, $0x11  }
0x153: {  	[tilespmem:$0x5300] =	vst @!p1 v4;
	v3 =	vadd.s32 @!p1 v0, v3  }
0x154: {  	[tilespmem:$0x5500] =	vst @!p1 v3  }
0x155: {  	v3 =	vld @!p1 [tilespmem:s20+$0xFFFFFF90];
	_ =	sdelay $0x4  }
0x156: {  	v4 =	vand.u32 @!p1 $0x1FFFF, v3;
	v3 =	vshrl.u32 @!p1 v3, $0x11  }
0x157: {  	[tilespmem:$0x5310] =	vst @!p1 v4;
	v3 =	vadd.s32 @!p1 v0, v3  }
0x158: {  	[tilespmem:$0x5510] =	vst @!p1 v3  }
0x159: {  	v3 =	vld @!p1 [tilespmem:s20+$0xFFFFFFA0];
	_ =	sdelay $0x4  }
0x15a: {  	v4 =	vand.u32 @!p1 $0x1FFFF, v3;
	v3 =	vshrl.u32 @!p1 v3, $0x11  }
0x15b: {  	[tilespmem:$0x5320] =	vst @!p1 v4;
	v3 =	vadd.s32 @!p1 v0, v3  }
0x15c: {  	[tilespmem:$0x5520] =	vst @!p1 v3  }
0x15d: {  	v3 =	vld @!p1 [tilespmem:s20+$0xFFFFFFB0];
	_ =	sdelay $0x4  }
0x15e: {  	v4 =	vand.u32 @!p1 $0x1FFFF, v3;
	v3 =	vshrl.u32 @!p1 v3, $0x11  }
0x15f: {  	[tilespmem:$0x5330] =	vst @!p1 v4;
	v3 =	vadd.s32 @!p1 v0, v3  }
0x160: {  	[tilespmem:$0x5530] =	vst @!p1 v3  }
0x161: {  	v3 =	vld @!p1 [tilespmem:s20+$0xFFFFFFC0];
	_ =	sdelay $0x4  }
0x162: {  	v4 =	vand.u32 @!p1 $0x1FFFF, v3;
	v3 =	vshrl.u32 @!p1 v3, $0x11  }
0x163: {  	[tilespmem:$0x5340] =	vst @!p1 v4;
	v3 =	vadd.s32 @!p1 v0, v3  }
0x164: {  	[tilespmem:$0x5540] =	vst @!p1 v3  }
0x165: {  	v3 =	vld @!p1 [tilespmem:s20+$0xFFFFFFD0];
	_ =	sdelay $0x4  }
0x166: {  	v4 =	vand.u32 @!p1 $0x1FFFF, v3;
	v3 =	vshrl.u32 @!p1 v3, $0x11  }
0x167: {  	[tilespmem:$0x5350] =	vst @!p1 v4;
	v3 =	vadd.s32 @!p1 v0, v3  }
0x168: {  	[tilespmem:$0x5550] =	vst @!p1 v3  }
0x169: {  	v3 =	vld @!p1 [tilespmem:s20+$0xFFFFFFE0];
	_ =	sdelay $0x4  }
0x16a: {  	v4 =	vand.u32 @!p1 $0x1FFFF, v3;
	v3 =	vshrl.u32 @!p1 v3, $0x11  }
0x16b: {  	[tilespmem:$0x5360] =	vst @!p1 v4;
	v3 =	vadd.s32 @!p1 v0, v3  }
0x16c: {  	[tilespmem:$0x5560] =	vst @!p1 v3  }
0x16d: {  	v3 =	vld @!p1 [tilespmem:s20+$0xFFFFFFF0];
	_ =	sdelay $0x4  }
0x16e: {  	v4 =	vand.u32 @!p1 $0x1FFFF, v3;
	v3 =	vshrl.u32 @!p1 v3, $0x11  }
0x16f: {  	[tilespmem:$0x5370] =	vst @!p1 v4;
	v3 =	vadd.s32 @!p1 v0, v3  }
0x170: {  	s16 =	simm.s32 @!p1 $0xD780;
	s14 =	simm.s32 @!p1 $0x80;
	s15 =	simm.s32 @!p1 $0x5300;
	[tilespmem:$0x5570] =	vst @!p1 v3  }
0x171: {  	[tilespmem:s16], [sflag:$0x3] =	stream.indirect.gather @!p1 [hbm4b:s1+s14], $0x80, s15, s14, $0xb8;
	[tilespmem:$0x1FF80] =	vst v63  }
0x172: {  	_ =	swait.ge [sflag:s26], $0x4000  }
0x173: {  	[sflag:s26] =	ssyncset.done $0x0  }
0x174: {  	s15 =	simm.s32 @!p0 $0x8;
	s18 =	rddreg [dreg:$0x7];
	[sflag:s26] =	ssyncadd.s32 $0xFFFFC000  }
0x175: {  	[spmem:s3] =	stream.indirect.scatter.add.f32 [tilespmem:s0], [sflag:$0x6], $0x80, s18, s29, $0xb8;
	[tilespmem:$0x1FF80] =	vst v63  }
0x176: {  	_ =	swait.ge @!p0 [sflag:s15], $0x4000  }
0x177: {  	[sflag:s15] =	ssyncset.done @!p0 $0x0  }
0x178: {  	[sflag:s15] =	ssyncadd.s32 @!p0 $0xFFFFC000;
	p0 =	sle.u32 s12, $0x3  }
0x179: {  	v3 =	vld @!p0 [tilespmem:s20+$0x0];
	_ =	sdelay $0x4  }
0x17a: {  	v4 =	vand.u32 @!p0 $0x1FFFF, v3;
	v3 =	vshrl.u32 @!p0 v3, $0x11  }
0x17b: {  	[tilespmem:$0x5380] =	vst @!p0 v4;
	v3 =	vadd.s32 @!p0 v0, v3  }
0x17c: {  	[tilespmem:$0x5580] =	vst @!p0 v3  }
0x17d: {  	v3 =	vld @!p0 [tilespmem:s20+$0x10];
	_ =	sdelay $0x4  }
0x17e: {  	v4 =	vand.u32 @!p0 $0x1FFFF, v3;
	v3 =	vshrl.u32 @!p0 v3, $0x11  }
0x17f: {  	[tilespmem:$0x5390] =	vst @!p0 v4;
	v3 =	vadd.s32 @!p0 v0, v3  }
0x180: {  	[tilespmem:$0x5590] =	vst @!p0 v3  }
0x181: {  	v3 =	vld @!p0 [tilespmem:s20+$0x20];
	_ =	sdelay $0x4  }
0x182: {  	v4 =	vand.u32 @!p0 $0x1FFFF, v3;
	v3 =	vshrl.u32 @!p0 v3, $0x11  }
0x183: {  	[tilespmem:$0x53A0] =	vst @!p0 v4;
	v3 =	vadd.s32 @!p0 v0, v3  }
0x184: {  	[tilespmem:$0x55A0] =	vst @!p0 v3  }
0x185: {  	v3 =	vld @!p0 [tilespmem:s20+$0x30];
	_ =	sdelay $0x4  }
0x186: {  	v4 =	vand.u32 @!p0 $0x1FFFF, v3;
	v3 =	vshrl.u32 @!p0 v3, $0x11  }
0x187: {  	[tilespmem:$0x53B0] =	vst @!p0 v4;
	v3 =	vadd.s32 @!p0 v0, v3  }
0x188: {  	[tilespmem:$0x55B0] =	vst @!p0 v3  }
0x189: {  	v3 =	vld @!p0 [tilespmem:s20+$0x40];
	_ =	sdelay $0x4  }
0x18a: {  	v4 =	vand.u32 @!p0 $0x1FFFF, v3;
	v3 =	vshrl.u32 @!p0 v3, $0x11  }
0x18b: {  	[tilespmem:$0x53C0] =	vst @!p0 v4;
	v3 =	vadd.s32 @!p0 v0, v3  }
0x18c: {  	[tilespmem:$0x55C0] =	vst @!p0 v3  }
0x18d: {  	v3 =	vld @!p0 [tilespmem:s20+$0x50];
	_ =	sdelay $0x4  }
0x18e: {  	v4 =	vand.u32 @!p0 $0x1FFFF, v3;
	v3 =	vshrl.u32 @!p0 v3, $0x11  }
0x18f: {  	[tilespmem:$0x53D0] =	vst @!p0 v4;
	v3 =	vadd.s32 @!p0 v0, v3  }
0x190: {  	[tilespmem:$0x55D0] =	vst @!p0 v3  }
0x191: {  	v3 =	vld @!p0 [tilespmem:s20+$0x60];
	_ =	sdelay $0x4  }
0x192: {  	v4 =	vand.u32 @!p0 $0x1FFFF, v3;
	v3 =	vshrl.u32 @!p0 v3, $0x11  }
0x193: {  	[tilespmem:$0x53E0] =	vst @!p0 v4;
	v3 =	vadd.s32 @!p0 v0, v3  }
0x194: {  	[tilespmem:$0x55E0] =	vst @!p0 v3  }
0x195: {  	v3 =	vld @!p0 [tilespmem:s20+$0x70];
	_ =	sdelay $0x4  }
0x196: {  	v4 =	vand.u32 @!p0 $0x1FFFF, v3;
	v3 =	vshrl.u32 @!p0 v3, $0x11  }
0x197: {  	[tilespmem:$0x53F0] =	vst @!p0 v4;
	v3 =	vadd.s32 @!p0 v0, v3  }
0x198: {  	s14 =	simm.s32 @!p0 $0x80;
	s15 =	simm.s32 @!p0 $0x5380;
	s16 =	simm.s32 @!p0 $0x11780;
	[tilespmem:$0x55F0] =	vst @!p0 v3  }
0x199: {  	[tilespmem:s16], [sflag:$0x4] =	stream.indirect.gather @!p0 [hbm4b:s1+s14], $0x80, s15, s14, $0xb8;
	[tilespmem:$0x1FF80] =	vst v63  }
0x19a: {  	_ =	swait.ge [sflag:s28], $0x4000  }
0x19b: {  	[sflag:s28] =	ssyncset.done $0x0  }
0x19c: {  	s16 =	rddreg [dreg:$0x8];
	[sflag:s28] =	ssyncadd.s32 $0xFFFFC000  }
0x19d: {  	[spmem:s3] =	stream.indirect.scatter.add.f32 [tilespmem:s2], [sflag:$0x7], $0x80, s16, s29, $0xb8;
	[tilespmem:$0x1FF80] =	vst v63  }
0x19e: {  	_ =	swait.ge [sflag:s5], $0x4000  }
0x19f: {  	[sflag:s5] =	ssyncset.done $0x0  }
0x1a0: {  	p0 =	sle.u32 s12, $0x4;
	[sflag:s5] =	ssyncadd.s32 $0xFFFFC000  }
0x1a1: {  	v3 =	vld @!p0 [tilespmem:s20+$0x80];
	_ =	sdelay $0x4  }
0x1a2: {  	v4 =	vand.u32 @!p0 $0x1FFFF, v3;
	v3 =	vshrl.u32 @!p0 v3, $0x11  }
0x1a3: {  	[tilespmem:$0x5200] =	vst @!p0 v4;
	v3 =	vadd.s32 @!p0 v0, v3  }
0x1a4: {  	[tilespmem:$0x5400] =	vst @!p0 v3  }
0x1a5: {  	v3 =	vld @!p0 [tilespmem:s20+$0x90];
	_ =	sdelay $0x4  }
0x1a6: {  	v4 =	vand.u32 @!p0 $0x1FFFF, v3;
	v3 =	vshrl.u32 @!p0 v3, $0x11  }
0x1a7: {  	[tilespmem:$0x5210] =	vst @!p0 v4;
	v3 =	vadd.s32 @!p0 v0, v3  }
0x1a8: {  	[tilespmem:$0x5410] =	vst @!p0 v3  }
0x1a9: {  	v3 =	vld @!p0 [tilespmem:s20+$0xA0];
	_ =	sdelay $0x4  }
0x1aa: {  	v4 =	vand.u32 @!p0 $0x1FFFF, v3;
	v3 =	vshrl.u32 @!p0 v3, $0x11  }
0x1ab: {  	[tilespmem:$0x5220] =	vst @!p0 v4;
	v3 =	vadd.s32 @!p0 v0, v3  }
0x1ac: {  	[tilespmem:$0x5420] =	vst @!p0 v3  }
0x1ad: {  	v3 =	vld @!p0 [tilespmem:s20+$0xB0];
	_ =	sdelay $0x4  }
0x1ae: {  	v4 =	vand.u32 @!p0 $0x1FFFF, v3;
	v3 =	vshrl.u32 @!p0 v3, $0x11  }
0x1af: {  	[tilespmem:$0x5230] =	vst @!p0 v4;
	v3 =	vadd.s32 @!p0 v0, v3  }
0x1b0: {  	[tilespmem:$0x5430] =	vst @!p0 v3  }
0x1b1: {  	v3 =	vld @!p0 [tilespmem:s20+$0xC0];
	_ =	sdelay $0x4  }
0x1b2: {  	v4 =	vand.u32 @!p0 $0x1FFFF, v3;
	v3 =	vshrl.u32 @!p0 v3, $0x11  }
0x1b3: {  	[tilespmem:$0x5240] =	vst @!p0 v4;
	v3 =	vadd.s32 @!p0 v0, v3  }
0x1b4: {  	[tilespmem:$0x5440] =	vst @!p0 v3  }
0x1b5: {  	v3 =	vld @!p0 [tilespmem:s20+$0xD0];
	_ =	sdelay $0x4  }
0x1b6: {  	v4 =	vand.u32 @!p0 $0x1FFFF, v3;
	v3 =	vshrl.u32 @!p0 v3, $0x11  }
0x1b7: {  	[tilespmem:$0x5250] =	vst @!p0 v4;
	v3 =	vadd.s32 @!p0 v0, v3  }
0x1b8: {  	[tilespmem:$0x5450] =	vst @!p0 v3  }
0x1b9: {  	v3 =	vld @!p0 [tilespmem:s20+$0xE0];
	_ =	sdelay $0x4  }
0x1ba: {  	v4 =	vand.u32 @!p0 $0x1FFFF, v3;
	v3 =	vshrl.u32 @!p0 v3, $0x11  }
0x1bb: {  	[tilespmem:$0x5260] =	vst @!p0 v4;
	v3 =	vadd.s32 @!p0 v0, v3  }
0x1bc: {  	[tilespmem:$0x5460] =	vst @!p0 v3  }
0x1bd: {  	v3 =	vld @!p0 [tilespmem:s20+$0xF0];
	_ =	sdelay $0x4  }
0x1be: {  	v4 =	vand.u32 @!p0 $0x1FFFF, v3;
	v3 =	vshrl.u32 @!p0 v3, $0x11  }
0x1bf: {  	[tilespmem:$0x5270] =	vst @!p0 v4;
	v3 =	vadd.s32 @!p0 v0, v3  }
0x1c0: {  	s14 =	simm.s32 @!p0 $0x80;
	s15 =	simm.s32 @!p0 $0x5200;
	s16 =	simm.s32 @!p0 $0x5780;
	[tilespmem:$0x5470] =	vst @!p0 v3  }
0x1c1: {  	[tilespmem:s16], [sflag:$0x1] =	stream.indirect.gather @!p0 [hbm4b:s1+s14], $0x80, s15, s14, $0xb8;
	[tilespmem:$0x1FF80] =	vst v63  }
0x1c2: {  	_ =	swait.ge [sflag:s8], $0x4000  }
0x1c3: {  	s17 =	rddreg [dreg:$0x9];
	[sflag:s8] =	ssyncset.done $0x0  }
0x1c4: {  	s18 =	rddreg [dreg:$0xa];
	[sflag:s8] =	ssyncadd.s32 $0xFFFFC000  }
0x1c5: {  	[spmem:s3] =	stream.indirect.scatter.add.f32 [tilespmem:s18], [sflag:$0x8], $0x80, s17, s29, $0xb8;
	[tilespmem:$0x1FF80] =	vst v63  }
0x1c6: {  	_ =	swait.ge [sflag:s9], $0x4000  }
0x1c7: {  	[sflag:s9] =	ssyncset.done $0x0  }
0x1c8: {  	p1 =	sle.u32 s12, $0x5;
	[sflag:s9] =	ssyncadd.s32 $0xFFFFC000  }
0x1c9: {  	v3 =	vld @!p1 [tilespmem:s20+$0x100];
	_ =	sdelay $0x4  }
0x1ca: {  	v4 =	vand.u32 @!p1 $0x1FFFF, v3;
	v3 =	vshrl.u32 @!p1 v3, $0x11  }
0x1cb: {  	[tilespmem:$0x5280] =	vst @!p1 v4;
	v3 =	vadd.s32 @!p1 v0, v3  }
0x1cc: {  	[tilespmem:$0x5480] =	vst @!p1 v3  }
0x1cd: {  	v3 =	vld @!p1 [tilespmem:s20+$0x110];
	_ =	sdelay $0x4  }
0x1ce: {  	v4 =	vand.u32 @!p1 $0x1FFFF, v3;
	v3 =	vshrl.u32 @!p1 v3, $0x11  }
0x1cf: {  	[tilespmem:$0x5290] =	vst @!p1 v4;
	v3 =	vadd.s32 @!p1 v0, v3  }
0x1d0: {  	[tilespmem:$0x5490] =	vst @!p1 v3  }
0x1d1: {  	v3 =	vld @!p1 [tilespmem:s20+$0x120];
	_ =	sdelay $0x4  }
0x1d2: {  	v4 =	vand.u32 @!p1 $0x1FFFF, v3;
	v3 =	vshrl.u32 @!p1 v3, $0x11  }
0x1d3: {  	[tilespmem:$0x52A0] =	vst @!p1 v4;
	v3 =	vadd.s32 @!p1 v0, v3  }
0x1d4: {  	[tilespmem:$0x54A0] =	vst @!p1 v3  }
0x1d5: {  	v3 =	vld @!p1 [tilespmem:s20+$0x130];
	_ =	sdelay $0x4  }
0x1d6: {  	v4 =	vand.u32 @!p1 $0x1FFFF, v3;
	v3 =	vshrl.u32 @!p1 v3, $0x11  }
0x1d7: {  	[tilespmem:$0x52B0] =	vst @!p1 v4;
	v3 =	vadd.s32 @!p1 v0, v3  }
0x1d8: {  	[tilespmem:$0x54B0] =	vst @!p1 v3  }
0x1d9: {  	v3 =	vld @!p1 [tilespmem:s20+$0x140];
	_ =	sdelay $0x4  }
0x1da: {  	v4 =	vand.u32 @!p1 $0x1FFFF, v3;
	v3 =	vshrl.u32 @!p1 v3, $0x11  }
0x1db: {  	[tilespmem:$0x52C0] =	vst @!p1 v4;
	v3 =	vadd.s32 @!p1 v0, v3  }
0x1dc: {  	[tilespmem:$0x54C0] =	vst @!p1 v3  }
0x1dd: {  	v3 =	vld @!p1 [tilespmem:s20+$0x150];
	_ =	sdelay $0x4  }
0x1de: {  	v4 =	vand.u32 @!p1 $0x1FFFF, v3;
	v3 =	vshrl.u32 @!p1 v3, $0x11  }
0x1df: {  	[tilespmem:$0x52D0] =	vst @!p1 v4;
	v3 =	vadd.s32 @!p1 v0, v3  }
0x1e0: {  	[tilespmem:$0x54D0] =	vst @!p1 v3  }
0x1e1: {  	v3 =	vld @!p1 [tilespmem:s20+$0x160];
	_ =	sdelay $0x4  }
0x1e2: {  	v4 =	vand.u32 @!p1 $0x1FFFF, v3;
	v3 =	vshrl.u32 @!p1 v3, $0x11  }
0x1e3: {  	[tilespmem:$0x52E0] =	vst @!p1 v4;
	v3 =	vadd.s32 @!p1 v0, v3  }
0x1e4: {  	[tilespmem:$0x54E0] =	vst @!p1 v3  }
0x1e5: {  	p0 =	sne.s32 s12, $0x4;
	v4 =	vld @!p1 [tilespmem:s20+$0x170]  }
.Ltmp7:
0x1e6: {  	_ = 	snop;
	(pc) =	sbr.rel @!p0 .LBB2_12-.Ltmp7, $3  }
0x1e7: {  	_ =	sdelay $0x1  }
0x1e8: {  	s14 =	simm.s32 $0x4  }
0x1e9: {  	s16 =	simm.s32 @!p1 $0x80;
	s17 =	simm.s32 @!p1 $0x5280;
	s18 =	simm.s32 @!p1 $0x9780;
	v3 =	vand.u32 @!p1 $0x1FFFF, v4;
	v4 =	vshrl.u32 @!p1 v4, $0x11  }
.LBB2_11:
0x1ea: {  	[tilespmem:$0x52F0] =	vst @!p1 v3;
	v3 =	vadd.s32 @!p1 v0, v4  }
0x1eb: {  	[tilespmem:$0x54F0] =	vst @!p1 v3  }
0x1ec: {  	[tilespmem:s18], [sflag:$0x2] =	stream.indirect.gather @!p1 [hbm4b:s1+s16], $0x80, s17, s16, $0xb8;
	[tilespmem:$0x1FF80] =	vst v63  }
0x1ed: {  	s15 =	smov.u32 s14;
	_ =	swait.ge [sflag:s25], $0x4000  }
0x1ee: {  	p1 =	seq.s32 s15, $0x0;
	[sflag:s25] =	ssyncset.done $0x0  }
0x1ef: {  	s17 =	simm.s32 @!p1 $0x7;
	s18 =	rddreg [dreg:$0x6];
	[sflag:s25] =	ssyncadd.s32 $0xFFFFC000  }
0x1f0: {  	[spmem:s3] =	stream.indirect.scatter.add.f32 [tilespmem:s31], [sflag:$0x5], $0x80, s18, s29, $0xb8;
	[tilespmem:$0x1FF80] =	vst v63  }
0x1f1: {  	_ =	swait.ge @!p1 [sflag:s17], $0x4000  }
0x1f2: {  	s18 =	sadd.s32 $0x2, s15;
	[sflag:s17] =	ssyncset.done @!p1 $0x0  }
0x1f3: {  	s20 =	sadd.s32 $0x200, s20;
	p2 =	sge.u32 s18, s12;
	[sflag:s17] =	ssyncadd.s32 @!p1 $0xFFFFC000  }
0x1f4: {  	v3 =	vld @!p2 [tilespmem:s20+$0xFFFFFF80];
	_ =	sdelay $0x4  }
0x1f5: {  	v4 =	vand.u32 @!p2 $0x1FFFF, v3;
	v3 =	vshrl.u32 @!p2 v3, $0x11  }
0x1f6: {  	[tilespmem:$0x5300] =	vst @!p2 v4;
	v3 =	vadd.s32 @!p2 v0, v3  }
0x1f7: {  	[tilespmem:$0x5500] =	vst @!p2 v3  }
0x1f8: {  	v3 =	vld @!p2 [tilespmem:s20+$0xFFFFFF90];
	_ =	sdelay $0x4  }
0x1f9: {  	v4 =	vand.u32 @!p2 $0x1FFFF, v3;
	v3 =	vshrl.u32 @!p2 v3, $0x11  }
0x1fa: {  	[tilespmem:$0x5310] =	vst @!p2 v4;
	v3 =	vadd.s32 @!p2 v0, v3  }
0x1fb: {  	[tilespmem:$0x5510] =	vst @!p2 v3  }
0x1fc: {  	v3 =	vld @!p2 [tilespmem:s20+$0xFFFFFFA0];
	_ =	sdelay $0x4  }
0x1fd: {  	v4 =	vand.u32 @!p2 $0x1FFFF, v3;
	v3 =	vshrl.u32 @!p2 v3, $0x11  }
0x1fe: {  	[tilespmem:$0x5320] =	vst @!p2 v4;
	v3 =	vadd.s32 @!p2 v0, v3  }
0x1ff: {  	[tilespmem:$0x5520] =	vst @!p2 v3  }
0x200: {  	v3 =	vld @!p2 [tilespmem:s20+$0xFFFFFFB0];
	_ =	sdelay $0x4  }
0x201: {  	v4 =	vand.u32 @!p2 $0x1FFFF, v3;
	v3 =	vshrl.u32 @!p2 v3, $0x11  }
0x202: {  	[tilespmem:$0x5330] =	vst @!p2 v4;
	v3 =	vadd.s32 @!p2 v0, v3  }
0x203: {  	[tilespmem:$0x5530] =	vst @!p2 v3  }
0x204: {  	v3 =	vld @!p2 [tilespmem:s20+$0xFFFFFFC0];
	_ =	sdelay $0x4  }
0x205: {  	v4 =	vand.u32 @!p2 $0x1FFFF, v3;
	v3 =	vshrl.u32 @!p2 v3, $0x11  }
0x206: {  	[tilespmem:$0x5340] =	vst @!p2 v4;
	v3 =	vadd.s32 @!p2 v0, v3  }
0x207: {  	[tilespmem:$0x5540] =	vst @!p2 v3  }
0x208: {  	v3 =	vld @!p2 [tilespmem:s20+$0xFFFFFFD0];
	_ =	sdelay $0x4  }
0x209: {  	v4 =	vand.u32 @!p2 $0x1FFFF, v3;
	v3 =	vshrl.u32 @!p2 v3, $0x11  }
0x20a: {  	[tilespmem:$0x5350] =	vst @!p2 v4;
	v3 =	vadd.s32 @!p2 v0, v3  }
0x20b: {  	[tilespmem:$0x5550] =	vst @!p2 v3  }
0x20c: {  	v3 =	vld @!p2 [tilespmem:s20+$0xFFFFFFE0];
	_ =	sdelay $0x4  }
0x20d: {  	v4 =	vand.u32 @!p2 $0x1FFFF, v3;
	v3 =	vshrl.u32 @!p2 v3, $0x11  }
0x20e: {  	[tilespmem:$0x5360] =	vst @!p2 v4;
	v3 =	vadd.s32 @!p2 v0, v3  }
0x20f: {  	[tilespmem:$0x5560] =	vst @!p2 v3  }
0x210: {  	v3 =	vld @!p2 [tilespmem:s20+$0xFFFFFFF0];
	_ =	sdelay $0x4  }
0x211: {  	v4 =	vand.u32 @!p2 $0x1FFFF, v3;
	v3 =	vshrl.u32 @!p2 v3, $0x11  }
0x212: {  	[tilespmem:$0x5370] =	vst @!p2 v4;
	v3 =	vadd.s32 @!p2 v0, v3  }
0x213: {  	s16 =	simm.s32 @!p2 $0x80;
	s18 =	simm.s32 @!p2 $0xD780;
	s17 =	simm.s32 @!p2 $0x5300;
	[tilespmem:$0x5570] =	vst @!p2 v3  }
0x214: {  	[tilespmem:s18], [sflag:$0x3] =	stream.indirect.gather @!p2 [hbm4b:s1+s16], $0x80, s17, s16, $0xb8;
	[tilespmem:$0x1FF80] =	vst v63  }
0x215: {  	_ =	swait.ge [sflag:s26], $0x4000  }
0x216: {  	[sflag:s26] =	ssyncset.done $0x0  }
0x217: {  	s17 =	simm.s32 @!p1 $0x8;
	s18 =	rddreg [dreg:$0x7];
	[sflag:s26] =	ssyncadd.s32 $0xFFFFC000  }
0x218: {  	[spmem:s3] =	stream.indirect.scatter.add.f32 [tilespmem:s0], [sflag:$0x6], $0x80, s18, s29, $0xb8;
	[tilespmem:$0x1FF80] =	vst v63  }
0x219: {  	_ =	swait.ge @!p1 [sflag:s17], $0x4000  }
0x21a: {  	s18 =	sadd.s32 $0x3, s15;
	[sflag:s17] =	ssyncset.done @!p1 $0x0  }
0x21b: {  	[sflag:s17] =	ssyncadd.s32 @!p1 $0xFFFFC000;
	p1 =	sge.u32 s18, s12  }
0x21c: {  	v3 =	vld @!p1 [tilespmem:s20+$0x0];
	_ =	sdelay $0x4  }
0x21d: {  	v4 =	vand.u32 @!p1 $0x1FFFF, v3;
	v3 =	vshrl.u32 @!p1 v3, $0x11  }
0x21e: {  	[tilespmem:$0x5380] =	vst @!p1 v4;
	v3 =	vadd.s32 @!p1 v0, v3  }
0x21f: {  	[tilespmem:$0x5580] =	vst @!p1 v3  }
0x220: {  	v3 =	vld @!p1 [tilespmem:s20+$0x10];
	_ =	sdelay $0x4  }
0x221: {  	v4 =	vand.u32 @!p1 $0x1FFFF, v3;
	v3 =	vshrl.u32 @!p1 v3, $0x11  }
0x222: {  	[tilespmem:$0x5390] =	vst @!p1 v4;
	v3 =	vadd.s32 @!p1 v0, v3  }
0x223: {  	[tilespmem:$0x5590] =	vst @!p1 v3  }
0x224: {  	v3 =	vld @!p1 [tilespmem:s20+$0x20];
	_ =	sdelay $0x4  }
0x225: {  	v4 =	vand.u32 @!p1 $0x1FFFF, v3;
	v3 =	vshrl.u32 @!p1 v3, $0x11  }
0x226: {  	[tilespmem:$0x53A0] =	vst @!p1 v4;
	v3 =	vadd.s32 @!p1 v0, v3  }
0x227: {  	[tilespmem:$0x55A0] =	vst @!p1 v3  }
0x228: {  	v3 =	vld @!p1 [tilespmem:s20+$0x30];
	_ =	sdelay $0x4  }
0x229: {  	v4 =	vand.u32 @!p1 $0x1FFFF, v3;
	v3 =	vshrl.u32 @!p1 v3, $0x11  }
0x22a: {  	[tilespmem:$0x53B0] =	vst @!p1 v4;
	v3 =	vadd.s32 @!p1 v0, v3  }
0x22b: {  	[tilespmem:$0x55B0] =	vst @!p1 v3  }
0x22c: {  	v3 =	vld @!p1 [tilespmem:s20+$0x40];
	_ =	sdelay $0x4  }
0x22d: {  	v4 =	vand.u32 @!p1 $0x1FFFF, v3;
	v3 =	vshrl.u32 @!p1 v3, $0x11  }
0x22e: {  	[tilespmem:$0x53C0] =	vst @!p1 v4;
	v3 =	vadd.s32 @!p1 v0, v3  }
0x22f: {  	[tilespmem:$0x55C0] =	vst @!p1 v3  }
0x230: {  	v3 =	vld @!p1 [tilespmem:s20+$0x50];
	_ =	sdelay $0x4  }
0x231: {  	v4 =	vand.u32 @!p1 $0x1FFFF, v3;
	v3 =	vshrl.u32 @!p1 v3, $0x11  }
0x232: {  	[tilespmem:$0x53D0] =	vst @!p1 v4;
	v3 =	vadd.s32 @!p1 v0, v3  }
0x233: {  	[tilespmem:$0x55D0] =	vst @!p1 v3  }
0x234: {  	v3 =	vld @!p1 [tilespmem:s20+$0x60];
	_ =	sdelay $0x4  }
0x235: {  	v4 =	vand.u32 @!p1 $0x1FFFF, v3;
	v3 =	vshrl.u32 @!p1 v3, $0x11  }
0x236: {  	[tilespmem:$0x53E0] =	vst @!p1 v4;
	v3 =	vadd.s32 @!p1 v0, v3  }
0x237: {  	[tilespmem:$0x55E0] =	vst @!p1 v3  }
0x238: {  	v3 =	vld @!p1 [tilespmem:s20+$0x70];
	_ =	sdelay $0x4  }
0x239: {  	v4 =	vand.u32 @!p1 $0x1FFFF, v3;
	v3 =	vshrl.u32 @!p1 v3, $0x11  }
0x23a: {  	[tilespmem:$0x53F0] =	vst @!p1 v4;
	v3 =	vadd.s32 @!p1 v0, v3  }
0x23b: {  	s16 =	simm.s32 @!p1 $0x80;
	s17 =	simm.s32 @!p1 $0x5380;
	s18 =	simm.s32 @!p1 $0x11780;
	[tilespmem:$0x55F0] =	vst @!p1 v3  }
0x23c: {  	[tilespmem:s18], [sflag:$0x4] =	stream.indirect.gather @!p1 [hbm4b:s1+s16], $0x80, s17, s16, $0xb8;
	[tilespmem:$0x1FF80] =	vst v63  }
0x23d: {  	_ =	swait.ge [sflag:s28], $0x4000  }
0x23e: {  	[sflag:s28] =	ssyncset.done $0x0  }
0x23f: {  	s18 =	rddreg [dreg:$0x8];
	[sflag:s28] =	ssyncadd.s32 $0xFFFFC000  }
0x240: {  	[spmem:s3] =	stream.indirect.scatter.add.f32 [tilespmem:s2], [sflag:$0x7], $0x80, s18, s29, $0xb8;
	[tilespmem:$0x1FF80] =	vst v63  }
0x241: {  	_ =	swait.ge [sflag:s5], $0x4000  }
0x242: {  	s14 =	sadd.s32 $0x4, s14;
	[sflag:s5] =	ssyncset.done $0x0  }
0x243: {  	p1 =	sge.u32 s14, s12;
	[sflag:s5] =	ssyncadd.s32 $0xFFFFC000  }
0x244: {  	v3 =	vld @!p1 [tilespmem:s20+$0x80];
	_ =	sdelay $0x4  }
0x245: {  	v4 =	vand.u32 @!p1 $0x1FFFF, v3;
	v3 =	vshrl.u32 @!p1 v3, $0x11  }
0x246: {  	[tilespmem:$0x5200] =	vst @!p1 v4;
	v3 =	vadd.s32 @!p1 v0, v3  }
0x247: {  	[tilespmem:$0x5400] =	vst @!p1 v3  }
0x248: {  	v3 =	vld @!p1 [tilespmem:s20+$0x90];
	_ =	sdelay $0x4  }
0x249: {  	v4 =	vand.u32 @!p1 $0x1FFFF, v3;
	v3 =	vshrl.u32 @!p1 v3, $0x11  }
0x24a: {  	[tilespmem:$0x5210] =	vst @!p1 v4;
	v3 =	vadd.s32 @!p1 v0, v3  }
0x24b: {  	[tilespmem:$0x5410] =	vst @!p1 v3  }
0x24c: {  	v3 =	vld @!p1 [tilespmem:s20+$0xA0];
	_ =	sdelay $0x4  }
0x24d: {  	v4 =	vand.u32 @!p1 $0x1FFFF, v3;
	v3 =	vshrl.u32 @!p1 v3, $0x11  }
0x24e: {  	[tilespmem:$0x5220] =	vst @!p1 v4;
	v3 =	vadd.s32 @!p1 v0, v3  }
0x24f: {  	[tilespmem:$0x5420] =	vst @!p1 v3  }
0x250: {  	v3 =	vld @!p1 [tilespmem:s20+$0xB0];
	_ =	sdelay $0x4  }
0x251: {  	v4 =	vand.u32 @!p1 $0x1FFFF, v3;
	v3 =	vshrl.u32 @!p1 v3, $0x11  }
0x252: {  	[tilespmem:$0x5230] =	vst @!p1 v4;
	v3 =	vadd.s32 @!p1 v0, v3  }
0x253: {  	[tilespmem:$0x5430] =	vst @!p1 v3  }
0x254: {  	v3 =	vld @!p1 [tilespmem:s20+$0xC0];
	_ =	sdelay $0x4  }
0x255: {  	v4 =	vand.u32 @!p1 $0x1FFFF, v3;
	v3 =	vshrl.u32 @!p1 v3, $0x11  }
0x256: {  	[tilespmem:$0x5240] =	vst @!p1 v4;
	v3 =	vadd.s32 @!p1 v0, v3  }
0x257: {  	[tilespmem:$0x5440] =	vst @!p1 v3  }
0x258: {  	v3 =	vld @!p1 [tilespmem:s20+$0xD0];
	_ =	sdelay $0x4  }
0x259: {  	v4 =	vand.u32 @!p1 $0x1FFFF, v3;
	v3 =	vshrl.u32 @!p1 v3, $0x11  }
0x25a: {  	[tilespmem:$0x5250] =	vst @!p1 v4;
	v3 =	vadd.s32 @!p1 v0, v3  }
0x25b: {  	[tilespmem:$0x5450] =	vst @!p1 v3  }
0x25c: {  	v3 =	vld @!p1 [tilespmem:s20+$0xE0];
	_ =	sdelay $0x4  }
0x25d: {  	v4 =	vand.u32 @!p1 $0x1FFFF, v3;
	v3 =	vshrl.u32 @!p1 v3, $0x11  }
0x25e: {  	[tilespmem:$0x5260] =	vst @!p1 v4;
	v3 =	vadd.s32 @!p1 v0, v3  }
0x25f: {  	[tilespmem:$0x5460] =	vst @!p1 v3  }
0x260: {  	v3 =	vld @!p1 [tilespmem:s20+$0xF0];
	_ =	sdelay $0x4  }
0x261: {  	v4 =	vand.u32 @!p1 $0x1FFFF, v3;
	v3 =	vshrl.u32 @!p1 v3, $0x11  }
0x262: {  	[tilespmem:$0x5270] =	vst @!p1 v4;
	v3 =	vadd.s32 @!p1 v0, v3  }
0x263: {  	s16 =	simm.s32 @!p1 $0x80;
	s17 =	simm.s32 @!p1 $0x5200;
	s18 =	simm.s32 @!p1 $0x5780;
	[tilespmem:$0x5470] =	vst @!p1 v3  }
0x264: {  	[tilespmem:s18], [sflag:$0x1] =	stream.indirect.gather @!p1 [hbm4b:s1+s16], $0x80, s17, s16, $0xb8;
	[tilespmem:$0x1FF80] =	vst v63  }
0x265: {  	_ =	swait.ge [sflag:s8], $0x4000  }
0x266: {  	s17 =	rddreg [dreg:$0x9];
	[sflag:s8] =	ssyncset.done $0x0  }
0x267: {  	s18 =	rddreg [dreg:$0xa];
	[sflag:s8] =	ssyncadd.s32 $0xFFFFC000  }
0x268: {  	[spmem:s3] =	stream.indirect.scatter.add.f32 [tilespmem:s18], [sflag:$0x8], $0x80, s17, s29, $0xb8;
	[tilespmem:$0x1FF80] =	vst v63  }
0x269: {  	_ =	swait.ge [sflag:s9], $0x4000  }
0x26a: {  	s15 =	sadd.s32 $0x5, s15;
	[sflag:s9] =	ssyncset.done $0x0  }
0x26b: {  	p1 =	sge.u32 s15, s12;
	[sflag:s9] =	ssyncadd.s32 $0xFFFFC000  }
0x26c: {  	v3 =	vld @!p1 [tilespmem:s20+$0x100];
	_ =	sdelay $0x4  }
0x26d: {  	v4 =	vand.u32 @!p1 $0x1FFFF, v3;
	v3 =	vshrl.u32 @!p1 v3, $0x11  }
0x26e: {  	[tilespmem:$0x5280] =	vst @!p1 v4;
	v3 =	vadd.s32 @!p1 v0, v3  }
0x26f: {  	[tilespmem:$0x5480] =	vst @!p1 v3  }
0x270: {  	v3 =	vld @!p1 [tilespmem:s20+$0x110];
	_ =	sdelay $0x4  }
0x271: {  	v4 =	vand.u32 @!p1 $0x1FFFF, v3;
	v3 =	vshrl.u32 @!p1 v3, $0x11  }
0x272: {  	[tilespmem:$0x5290] =	vst @!p1 v4;
	v3 =	vadd.s32 @!p1 v0, v3  }
0x273: {  	[tilespmem:$0x5490] =	vst @!p1 v3  }
0x274: {  	v3 =	vld @!p1 [tilespmem:s20+$0x120];
	_ =	sdelay $0x4  }
0x275: {  	v4 =	vand.u32 @!p1 $0x1FFFF, v3;
	v3 =	vshrl.u32 @!p1 v3, $0x11  }
0x276: {  	[tilespmem:$0x52A0] =	vst @!p1 v4;
	v3 =	vadd.s32 @!p1 v0, v3  }
0x277: {  	[tilespmem:$0x54A0] =	vst @!p1 v3  }
0x278: {  	v3 =	vld @!p1 [tilespmem:s20+$0x130];
	_ =	sdelay $0x4  }
0x279: {  	v4 =	vand.u32 @!p1 $0x1FFFF, v3;
	v3 =	vshrl.u32 @!p1 v3, $0x11  }
0x27a: {  	[tilespmem:$0x52B0] =	vst @!p1 v4;
	v3 =	vadd.s32 @!p1 v0, v3  }
0x27b: {  	[tilespmem:$0x54B0] =	vst @!p1 v3  }
0x27c: {  	v3 =	vld @!p1 [tilespmem:s20+$0x140];
	_ =	sdelay $0x4  }
0x27d: {  	v4 =	vand.u32 @!p1 $0x1FFFF, v3;
	v3 =	vshrl.u32 @!p1 v3, $0x11  }
0x27e: {  	[tilespmem:$0x52C0] =	vst @!p1 v4;
	v3 =	vadd.s32 @!p1 v0, v3  }
0x27f: {  	[tilespmem:$0x54C0] =	vst @!p1 v3  }
0x280: {  	v3 =	vld @!p1 [tilespmem:s20+$0x150];
	_ =	sdelay $0x4  }
0x281: {  	v4 =	vand.u32 @!p1 $0x1FFFF, v3;
	v3 =	vshrl.u32 @!p1 v3, $0x11  }
0x282: {  	[tilespmem:$0x52D0] =	vst @!p1 v4;
	v3 =	vadd.s32 @!p1 v0, v3  }
0x283: {  	[tilespmem:$0x54D0] =	vst @!p1 v3  }
0x284: {  	v3 =	vld @!p1 [tilespmem:s20+$0x160];
	_ =	sdelay $0x4  }
0x285: {  	v4 =	vand.u32 @!p1 $0x1FFFF, v3;
	v3 =	vshrl.u32 @!p1 v3, $0x11  }
0x286: {  	[tilespmem:$0x52E0] =	vst @!p1 v4;
	v3 =	vadd.s32 @!p1 v0, v3  }
0x287: {  	[tilespmem:$0x54E0] =	vst @!p1 v3  }
0x288: {  	p0 =	sne.s32 s12, s14;
	v4 =	vld @!p1 [tilespmem:s20+$0x170]  }
.Ltmp8:
0x289: {  	_ = 	snop;
	(pc) =	sbr.rel @p0 .LBB2_11-.Ltmp8, $2  }
0x28a: {  	_ =	sdelay $0x2  }
0x28b: {  	s16 =	simm.s32 @!p1 $0x80;
	s17 =	simm.s32 @!p1 $0x5280;
	s18 =	simm.s32 @!p1 $0x9780;
	v3 =	vand.u32 @!p1 $0x1FFFF, v4;
	v4 =	vshrl.u32 @!p1 v4, $0x11  }
.Ltmp9:
0x28c: {  	_ = 	snop;
	(pc) =	sbr.rel .LBB2_12-.Ltmp9, $1  }
0x28d: {  	_ =	sdelay $0x3  }
.LBB2_14:
0x28e: {  	_ =	sfence.sel $0x180000  }
0x28f: {  	[bflag:$0x0] =	sbarrier.arrive $0xFFFF  }
0x290: {  	_ =	strace $0x90000047  }
0x291: {  	s0 =	stileid.u32;
	[bflag:$0x2] =	sbarrier.arrive $0xFFFF  }
0x292: {  	p0 =	sne.s32 s0, $0x0;
	s0 =	rddreg [dreg:$0x5]  }
0x293: {  	s0 =	sadd.s32 @!p0 $0x100000, s0  }
0x294: {  	[sflag:s0] =	ssyncadd.tile.s32 @!p0 $0x1;
	_ =	shalt  }
.Lfunc_end2:
_tile_overlayer_lowered:
.L_overlay_start_2:
0x295: {  	(tag) =	ssettag $0x2  }
0x296: {  	s0 =	rddreg [dreg:$0x0];
	s2 =	stileid.u32  }
0x297: {  	s1 =	rddreg [dreg:$0x1];
	p0 =	sne.s32 s2, $0x0  }
0x298: {  	s3 =	rddreg [dreg:$0x2];
	[bflag:$0x3] =	sbarrier.arrive $0xFFFF;
	s2 =	simm.s32 @!p0 $0x1C0A  }
0x299: {  	[timem:s3], [sflag:s2] =	dma.local @!p0 [hbm:s0], s1  }
0x29a: {  	s0 =	simm.s32 @!p0 $0xA  }
0x29b: {  	_ =	swait.ge @!p0 [sflag:s0], s1  }
0x29c: {  	s1 =	ssub.s32 @!p0 $0x0, s1;
	[sflag:s0] =	ssyncset.done @!p0 $0x0  }
0x29d: {  	[sflag:s0] =	ssyncadd.s32 @!p0 s1  }
0x29e: {  	[bflag:$0x3] =	sbarrier.arrive $0xFFFF  }
0x29f: {  	_ =	shalt  }

</sc_bundles>
